<compile_context>
chip_gen: v7x
topology: tpu7x:2x2x1
jax: 0.10.2.dev20260603
libtpu: 0.0.44.dev20260713+nightly
codegen_flags: <defaults>
</compile_context>

<pallas_src>
import functools

import jax
import jax.numpy as jnp
from jax import lax
from jax.experimental import pallas as pl
from jax.experimental.pallas import tpu as pltpu
from jax.experimental.pallas import tpu_sc as plsc

N = 10000
E = 320000
D = 128
ED = 16

NC = 2
NS = 16
NW = NC * NS
SC_BLK = 128
E_PAD = 327680
PER_W = E_PAD // NW
NBLK = PER_W // SC_BLK
ROWS_PER_SUB = 632
ACC_ROWS = NS * ROWS_PER_SUB

EBLK = 1280
N_REAL_BLOCKS = E // EBLK
NPAD = 10240

def _mesh():
    return plsc.VectorSubcoreMesh(core_axis_name="c", subcore_axis_name="s",
                                  num_cores=NC)


def _dgT(x, w):
    return lax.dot_general(x, w, (((1,), (1,)), ((), ())),
                           preferred_element_type=jnp.float32)



NBG = 2


def _sc_gather(table, idx):
    T, W = table.shape
    rows_per_sub = T // NS
    assert T % (16 * NS) == 0
    e_len = idx.shape[0]
    per_w = e_len // NW
    nblk = per_w // SC_BLK
    assert e_len == per_w * NW and per_w % SC_BLK == 0

    dt = table.dtype

    @functools.partial(
        pl.kernel,
        out_type=jax.ShapeDtypeStruct((e_len, W), dt),
        mesh=_mesh(),
        scratch_types=[
            pltpu.VMEM((NBG, SC_BLK), jnp.int32),
            pltpu.VMEM((NBG, SC_BLK, W), dt),
            pltpu.VMEM_SHARED((T, W), dt),
        ] + [pltpu.SemaphoreType.DMA] * (3 * NBG),
    )
    def k(table_hbm, idx_hbm, out_hbm, idxs, bufs, tab_sh, *sems):
        isem = sems[:NBG]
        gsem = sems[NBG:2 * NBG]
        ssem = sems[2 * NBG:]
        cid = lax.axis_index("c")
        sid = lax.axis_index("s")
        wid = sid * NC + cid
        base = pl.multiple_of(wid * per_w, SC_BLK)

        r0 = pl.multiple_of(sid * rows_per_sub, 16)
        pltpu.sync_copy(table_hbm.at[pl.ds(r0, rows_per_sub)],
                        tab_sh.at[pl.ds(r0, rows_per_sub)])

        def start_idx(blk, b):
            off = pl.multiple_of(base + blk * SC_BLK, SC_BLK)
            pltpu.make_async_copy(idx_hbm.at[pl.ds(off, SC_BLK)],
                                  idxs.at[b], isem[b]).start()

        def store_op(blk, b):
            off = pl.multiple_of(base + blk * SC_BLK, SC_BLK)
            return pltpu.make_async_copy(
                bufs.at[b], out_hbm.at[pl.ds(off, SC_BLK)], ssem[b])

        for b in range(NBG):
            start_idx(b, b)
            store_op(b, b).start()

        plsc.subcore_barrier()

        @pl.loop(0, nblk, step=NBG)
        def _(i):
            for b in range(NBG):
                blk = i + b
                store_op(blk, b).wait()
                off = pl.multiple_of(base + blk * SC_BLK, SC_BLK)
                pltpu.make_async_copy(idx_hbm.at[pl.ds(off, SC_BLK)],
                                      idxs.at[b], isem[b]).wait()
                pltpu.make_async_copy(tab_sh.at[idxs.at[b]], bufs.at[b],
                                      gsem[b]).start()
            for b in range(NBG):
                blk = i + b
                pltpu.make_async_copy(tab_sh.at[idxs.at[b]], bufs.at[b],
                                      gsem[b]).wait()
                store_op(blk, b).start()
                nxt = blk + NBG
                nxt = jnp.where(nxt >= nblk, nxt - nblk, nxt)
                start_idx(nxt, b)

        for b in range(NBG):
            store_op(b, b).wait()
            pltpu.make_async_copy(idx_hbm.at[pl.ds(base, SC_BLK)],
                                  idxs.at[b], isem[b]).wait()

    return k(table, idx)


def _sc_gather_pq(P, Q, src, dst):
    T = P.shape[0]
    rows_per_sub = T // NS
    e_len = src.shape[0]
    per_w = e_len // NS
    nblk = per_w // SC_BLK
    assert e_len == per_w * NS and per_w % SC_BLK == 0

    @functools.partial(
        pl.kernel,
        out_type=[jax.ShapeDtypeStruct((e_len, D), jnp.float32)] * 2,
        mesh=_mesh(),
        scratch_types=[
            pltpu.VMEM((NBG, SC_BLK), jnp.int32),
            pltpu.VMEM((NBG, SC_BLK, D), jnp.float32),
            pltpu.VMEM_SHARED((T, D), jnp.float32),
        ] + [pltpu.SemaphoreType.DMA] * (3 * NBG),
    )
    def k(p_hbm, q_hbm, src_hbm, dst_hbm, gp_hbm, gq_hbm,
          idxs, bufs, tab_sh, *sems):
        isem = sems[:NBG]
        gsem = sems[NBG:2 * NBG]
        ssem = sems[2 * NBG:]
        cid = lax.axis_index("c")
        sid = lax.axis_index("s")
        base = pl.multiple_of(sid * per_w, SC_BLK)
        r0 = pl.multiple_of(sid * rows_per_sub, 16)

        def pipeline(tab_hbm, idx_hbm, out_hbm):
            pltpu.sync_copy(tab_hbm.at[pl.ds(r0, rows_per_sub)],
                            tab_sh.at[pl.ds(r0, rows_per_sub)])

            def start_idx(blk, b):
                off = pl.multiple_of(base + blk * SC_BLK, SC_BLK)
                pltpu.make_async_copy(idx_hbm.at[pl.ds(off, SC_BLK)],
                                      idxs.at[b], isem[b]).start()

            def store_op(blk, b):
                off = pl.multiple_of(base + blk * SC_BLK, SC_BLK)
                return pltpu.make_async_copy(
                    bufs.at[b], out_hbm.at[pl.ds(off, SC_BLK)], ssem[b])

            for b in range(NBG):
                start_idx(b, b)
                store_op(b, b).start()

            plsc.subcore_barrier()

            @pl.loop(0, nblk, step=NBG)
            def _(i):
                for b in range(NBG):
                    blk = i + b
                    store_op(blk, b).wait()
                    off = pl.multiple_of(base + blk * SC_BLK, SC_BLK)
                    pltpu.make_async_copy(idx_hbm.at[pl.ds(off, SC_BLK)],
                                          idxs.at[b], isem[b]).wait()
                    pltpu.make_async_copy(tab_sh.at[idxs.at[b]], bufs.at[b],
                                          gsem[b]).start()
                for b in range(NBG):
                    blk = i + b
                    pltpu.make_async_copy(tab_sh.at[idxs.at[b]], bufs.at[b],
                                          gsem[b]).wait()
                    store_op(blk, b).start()
                    nxt = blk + NBG
                    nxt = jnp.where(nxt >= nblk, nxt - nblk, nxt)
                    start_idx(nxt, b)

            for b in range(NBG):
                store_op(b, b).wait()
                pltpu.make_async_copy(idx_hbm.at[pl.ds(base, SC_BLK)],
                                      idxs.at[b], isem[b]).wait()

        @pl.when(cid == 0)
        def _():
            pipeline(p_hbm, src_hbm, gp_hbm)

        @pl.when(cid == 1)
        def _():
            pipeline(q_hbm, dst_hbm, gq_hbm)

    return k(P, Q, src, dst)


def _sc_scatter_add(msg, dst, zeros):

    e_len = msg.shape[0]
    per_w = e_len // NW
    nblk = per_w // SC_BLK
    assert e_len == per_w * NW and per_w % SC_BLK == 0

    NBS = 2

    @functools.partial(
        pl.kernel,
        out_type=jax.ShapeDtypeStruct((NC, ACC_ROWS, D), jnp.float32),
        mesh=_mesh(),
        scratch_types=[
            pltpu.VMEM((NBS, SC_BLK), jnp.int32),
            pltpu.VMEM((NBS, SC_BLK, D), jnp.float32),
            pltpu.VMEM_SHARED((ACC_ROWS, D), jnp.float32),
        ] + [pltpu.SemaphoreType.DMA] * (2 * NBS),
    )
    def k(msg_hbm, dst_hbm, zero_hbm, out_hbm, idxs, bufs, acc_sh, *sems):
        isem, msem = sems[:NBS], sems[NBS:]
        cid = lax.axis_index("c")
        sid = lax.axis_index("s")
        zoff = pl.multiple_of(sid * ROWS_PER_SUB, 8)
        pltpu.sync_copy(zero_hbm.at[pl.ds(zoff, ROWS_PER_SUB)],
                        acc_sh.at[pl.ds(zoff, ROWS_PER_SUB)])

        base = pl.multiple_of(cid * (e_len // NC) + sid * per_w, SC_BLK)

        def start_loads(blk, b):
            off = pl.multiple_of(base + blk * SC_BLK, SC_BLK)
            pltpu.make_async_copy(dst_hbm.at[pl.ds(off, SC_BLK)],
                                  idxs.at[b], isem[b]).start()
            pltpu.make_async_copy(msg_hbm.at[pl.ds(off, SC_BLK)],
                                  bufs.at[b], msem[b]).start()

        for b in range(NBS):
            start_loads(b, b)

        plsc.subcore_barrier()

        @pl.loop(0, nblk, step=NBS)
        def _(i):
            for b in range(NBS):
                blk = i + b
                off = pl.multiple_of(base + blk * SC_BLK, SC_BLK)
                pltpu.make_async_copy(dst_hbm.at[pl.ds(off, SC_BLK)],
                                      idxs.at[b], isem[b]).wait()
                pltpu.make_async_copy(msg_hbm.at[pl.ds(off, SC_BLK)],
                                      bufs.at[b], msem[b]).wait()
                pltpu.sync_copy(bufs.at[b], acc_sh.at[idxs.at[b]], add=True)
                nxt = blk + NBS
                nxt = jnp.where(nxt >= nblk, nxt - nblk, nxt)
                start_loads(nxt, b)

        for b in range(NBS):
            off = pl.multiple_of(base + b * SC_BLK, SC_BLK)
            pltpu.make_async_copy(dst_hbm.at[pl.ds(off, SC_BLK)],
                                  idxs.at[b], isem[b]).wait()
            pltpu.make_async_copy(msg_hbm.at[pl.ds(off, SC_BLK)],
                                  bufs.at[b], msem[b]).wait()

        plsc.subcore_barrier()
        pltpu.sync_copy(acc_sh.at[pl.ds(zoff, ROWS_PER_SUB)],
                        out_hbm.at[cid].at[pl.ds(zoff, ROWS_PER_SUB)])

    return k(msg, dst, zeros)



def _msg_kernel(g_ref, ef_ref, we_ref, be_ref, o_ref):
    g = g_ref[...].astype(jnp.float32)
    o_ref[...] = jnp.maximum(
        g + _dgT(ef_ref[...], we_ref[...]) + be_ref[...], 0.0)


def _tc_msg(G, efp, We, be2d):
    e_len = G.shape[0]
    return pl.pallas_call(
        _msg_kernel,
        grid=(e_len // EBLK,),
        in_specs=[
            pl.BlockSpec((EBLK, D), lambda i: (i, 0)),
            pl.BlockSpec((EBLK, ED), lambda i: (i, 0)),
            pl.BlockSpec((D, ED), lambda i: (0, 0)),
            pl.BlockSpec((1, D), lambda i: (0, 0)),
        ],
        out_specs=pl.BlockSpec((EBLK, D), lambda i: (i, 0)),
        out_shape=jax.ShapeDtypeStruct((e_len, D), jnp.float32),
    )(G, efp, We, be2d)


def _node_kernel(em_ref, pa_ref, pb_ref, w1_ref, b1_ref,
                 w2_ref, b2_ref, gx_ref, bx_ref, wa_ref, wb_ref,
                 xem_ref, p_ref, q_ref):
    h = (em_ref[...] + pa_ref[0, :N, :] + pa_ref[1, :N, :]
         + pb_ref[0, :N, :] + pb_ref[1, :N, :])
    h = jnp.maximum(_dgT(h, w1_ref[...]) + b1_ref[...], 0.0)
    h = _dgT(h, w2_ref[...]) + b2_ref[...]
    mu = jnp.mean(h, axis=0, keepdims=True)
    var = jnp.mean((h - mu) ** 2, axis=0, keepdims=True)
    xem = (h - mu) * lax.rsqrt(var + 1e-5) * gx_ref[...] + bx_ref[...]
    xem = jnp.maximum(xem, 0.0)
    xem_ref[...] = xem
    p_ref[:N, :] = _dgT(xem, wa_ref[...])
    q_ref[:N, :] = _dgT(xem, wb_ref[...])


def _tc_node(em, parts_a, parts_b, W1, b1r, W2, b2r, gxr, bxr, Wa, Wb):
    return pl.pallas_call(
        _node_kernel,
        out_shape=[
            jax.ShapeDtypeStruct((N, D), jnp.float32),
            jax.ShapeDtypeStruct((NPAD, D), jnp.float32),
            jax.ShapeDtypeStruct((NPAD, D), jnp.float32),
        ],
    )(em, parts_a, parts_b, W1, b1r, W2, b2r, gxr, bxr, Wa, Wb)


def _edge12_kernel(gp_ref, gq_ref, ef_ref, wc_ref, bl1_ref, wl2_ref, bl2_ref,
                   f2_ref, msum_ref, c_ref):
    pid = pl.program_id(0)

    @pl.when(pid == 0)
    def _():
        msum_ref[...] = jnp.zeros_like(msum_ref)
        c_ref[...] = jnp.zeros_like(c_ref)

    gpq = gp_ref[...].astype(jnp.float32) + gq_ref[...].astype(jnp.float32)
    f1 = jnp.maximum(
        gpq + _dgT(ef_ref[...], wc_ref[...]) + bl1_ref[...], 0.0)
    f2 = jnp.maximum(_dgT(f1, wl2_ref[...]) + bl2_ref[...], 0.0)
    f2_ref[...] = f2.astype(jnp.bfloat16)

    @pl.when(pid < N_REAL_BLOCKS)
    def _():
        msum_ref[...] += jnp.sum(f2, axis=0, keepdims=True)
        c_ref[...] += lax.dot_general(f2, f2, (((0,), (0,)), ((), ())),
                                      preferred_element_type=jnp.float32)


def _tc_edge12(GP, GQ, efp, Wc, bl1r, Wl2, bl2r):
    return pl.pallas_call(
        _edge12_kernel,
        grid=(E_PAD // EBLK,),
        in_specs=[
            pl.BlockSpec((EBLK, D), lambda i: (i, 0)),
            pl.BlockSpec((EBLK, D), lambda i: (i, 0)),
            pl.BlockSpec((EBLK, ED), lambda i: (i, 0)),
            pl.BlockSpec((D, ED), lambda i: (0, 0)),
            pl.BlockSpec((1, D), lambda i: (0, 0)),
            pl.BlockSpec((D, D), lambda i: (0, 0)),
            pl.BlockSpec((1, D), lambda i: (0, 0)),
        ],
        out_specs=[
            pl.BlockSpec((EBLK, D), lambda i: (i, 0)),
            pl.BlockSpec((1, D), lambda i: (0, 0)),
            pl.BlockSpec((D, D), lambda i: (0, 0)),
        ],
        out_shape=[
            jax.ShapeDtypeStruct((E_PAD, D), jnp.bfloat16),
            jax.ShapeDtypeStruct((1, D), jnp.float32),
            jax.ShapeDtypeStruct((D, D), jnp.float32),
        ],
    )(GP, GQ, efp, Wc, bl1r, Wl2, bl2r)


def _fold_kernel(msum_ref, c_ref, wl3_ref, bl3_ref, ge_ref, be2_ref,
                 w3s_ref, b3s_ref):
    wl3 = wl3_ref[...]
    m = msum_ref[...] / E
    bl3 = bl3_ref[...]
    wm = lax.dot_general(wl3, m, (((1,), (0,)), ((), ())),
                         preferred_element_type=jnp.float32)
    mu_e = wm + bl3
    t = lax.dot_general(wl3, c_ref[...] / E, (((1,), (0,)), ((), ())),
                        preferred_element_type=jnp.float32)
    ex2 = jnp.sum(t * wl3, axis=1, keepdims=True) + 2.0 * bl3 * wm + bl3 * bl3
    var = ex2 - mu_e * mu_e
    s = ge_ref[...] * lax.rsqrt(var + 1e-5)
    w3s_ref[...] = s * wl3
    b3s_ref[...] = s * (bl3 - mu_e) + be2_ref[...]


def _tc_fold(msum_col, C, Wl3, bl3c, gec, be2c):
    return pl.pallas_call(
        _fold_kernel,
        out_shape=[
            jax.ShapeDtypeStruct((D, D), jnp.float32),
            jax.ShapeDtypeStruct((D, 1), jnp.float32),
        ],
    )(msum_col, C, Wl3, bl3c, gec, be2c)


def _edge3_kernel(f2_ref, w3s_ref, b3s_ref, o_ref):
    o_ref[...] = jnp.maximum(
        _dgT(f2_ref[...].astype(jnp.float32), w3s_ref[...]) + b3s_ref[...],
        0.0)


def _tc_edge3(f2, W3s, b3sr):
    return pl.pallas_call(
        _edge3_kernel,
        grid=(E_PAD // EBLK,),
        in_specs=[
            pl.BlockSpec((EBLK, D), lambda i: (i, 0)),
            pl.BlockSpec((D, D), lambda i: (0, 0)),
            pl.BlockSpec((1, D), lambda i: (0, 0)),
        ],
        out_specs=pl.BlockSpec((EBLK, D), lambda i: (i, 0)),
        out_shape=jax.ShapeDtypeStruct((E_PAD, D), jnp.float32),
    )(f2, W3s, b3sr)



def kernel(em, edge_index, edge_features, W1, b1, W2, b2, We, be,
           Wl1, bl1, Wl2, bl2, Wl3, bl3, gx, bx, ge, be2):
    src = edge_index[0].astype(jnp.int32)
    dst = edge_index[1].astype(jnp.int32)
    pad = E_PAD - E
    zpad = jnp.zeros((pad,), jnp.int32)
    src_g = jnp.concatenate([src, zpad])
    dst_g = jnp.concatenate([dst, zpad])
    dst_s = jnp.concatenate([dst, jnp.full((pad,), N, jnp.int32)])
    efp = jnp.concatenate(
        [edge_features, jnp.zeros((pad, ED), jnp.float32)], axis=0)
    zeros_acc = jnp.zeros((ACC_ROWS, D), jnp.float32)

    Wa = Wl1[:, :D]
    Wb = Wl1[:, D:2 * D]
    Wc = Wl1[:, 2 * D:]

    em_p = jnp.concatenate([em, jnp.zeros((NPAD - N, D), jnp.float32)],
                           axis=0)
    H1 = E_PAD // 2
    be2d = be.reshape(1, D)
    G1 = _sc_gather(em_p, src_g[:H1])
    msg1 = _tc_msg(G1, efp[:H1], We, be2d)
    G2 = _sc_gather(em_p, src_g[H1:])
    parts1 = _sc_scatter_add(msg1, dst_s[:H1], zeros_acc)
    msg2 = _tc_msg(G2, efp[H1:], We, be2d)
    parts2 = _sc_scatter_add(msg2, dst_s[H1:], zeros_acc)

    x_em, P, Q = _tc_node(em, parts1, parts2, W1, b1.reshape(1, D), W2,
                          b2.reshape(1, D), gx.reshape(1, D),
                          bx.reshape(1, D), Wa, Wb)

    GP, GQ = _sc_gather_pq(P, Q, src_g, dst_g)

    f2, msum, C = _tc_edge12(GP, GQ, efp, Wc, bl1.reshape(1, D), Wl2,
                             bl2.reshape(1, D))

    W3s, b3s = _tc_fold(msum.reshape(D, 1), C, Wl3, bl3.reshape(D, 1),
                        ge.reshape(D, 1), be2.reshape(D, 1))
    edge_out = _tc_edge3(f2, W3s, b3s.reshape(1, D))

    return (x_em, edge_out[:E])

# --- scband reference (transcript-rebuilt; emitter-appended) ---
"""Pipeline reference for scband-gin-layer-17583596109847 (READ-ONLY COPY).

The authoritative reference and input builder live on the scoring server;
editing this copy changes nothing except your own understanding.
"""

import jax, jax.numpy as jnp
import numpy as np


def _bn(x, gamma, beta, eps=1e-5):
    mu = jnp.mean(x, axis=0)
    var = jnp.mean((x - mu) ** 2, axis=0)
    return (x - mu) / jnp.sqrt(var + eps) * gamma + beta


def setup_inputs(seed: int = 0):
    key = jax.random.key(seed)
    ks = jax.random.split(key, 16)
    N, E, D, ED = 10000, 320000, 128, 16

    def lin(k, out_f, in_f):
        k1, k2 = jax.random.split(k)
        bound = 1.0 / np.sqrt(in_f)
        W = jax.random.uniform(k1, (out_f, in_f), minval=-bound, maxval=bound, dtype=jnp.float32)
        b = jax.random.uniform(k2, (out_f,), minval=-bound, maxval=bound, dtype=jnp.float32)
        return W, b

    W1, b1 = lin(ks[2], D, D)
    W2, b2 = lin(ks[3], D, D)
    We, be = lin(ks[4], D, ED)
    Wl1, bl1 = lin(ks[5], D, ED + 2 * D)
    Wl2, bl2 = lin(ks[6], D, D)
    Wl3, bl3 = lin(ks[7], D, D)
    return {
        "em": jax.random.normal(ks[0], (N, D), dtype=jnp.float32),
        "edge_index": jax.random.randint(ks[1], (2, E), 0, N),
        "edge_features": jax.random.normal(ks[8], (E, ED), dtype=jnp.float32),
        "W1": W1, "b1": b1, "W2": W2, "b2": b2,
        "We": We, "be": be,
        "Wl1": Wl1, "bl1": bl1, "Wl2": Wl2, "bl2": bl2, "Wl3": Wl3, "bl3": bl3,
        "gx": jnp.ones((D,), dtype=jnp.float32), "bx": jnp.zeros((D,), dtype=jnp.float32),
        "ge": jnp.ones((D,), dtype=jnp.float32), "be2": jnp.zeros((D,), dtype=jnp.float32),
    }


def reference(em, edge_index, edge_features, W1, b1, W2, b2, We, be,
              Wl1, bl1, Wl2, bl2, Wl3, bl3, gx, bx, ge, be2):
    N, D = em.shape
    src = edge_index[0]
    dst = edge_index[1]
    # GINEConv: msg = relu(x_j + lin(edge_attr)); aggr = sum over incoming edges at dst
    edge_emb = edge_features @ We.T + be
    msg = jax.nn.relu(em[src] + edge_emb)
    aggr = jax.ops.segment_sum(msg, dst, num_segments=N)
    h = em + aggr  # eps = 0 (default, non-trainable)
    h = jax.nn.relu(h @ W1.T + b1)
    h = h @ W2.T + b2
    x_em = jax.nn.relu(_bn(h, gx, bx))
    # vij = x_em[edge_index].transpose(0,1).reshape(-1, 2*D) == concat(x_em[src], x_em[dst])
    vij = jnp.concatenate([x_em[src], x_em[dst]], axis=1)
    edge_mess = jnp.concatenate([vij, edge_features], axis=1)
    e = jax.nn.relu(edge_mess @ Wl1.T + bl1)
    e = jax.nn.relu(e @ Wl2.T + bl2)
    e = e @ Wl3.T + bl3
    edge_out = jax.nn.relu(_bn(e, ge, be2))
    return (x_em, edge_out)

if __name__ == "__main__":
    import jax
    _d = setup_inputs()
    print(jax.jit(kernel)(*tuple(_d.values())))

</pallas_src>

<mosaic_0001>
#map = affine_map<(d0, d1) -> (0, 0)>
#map1 = affine_map<(d0, d1) -> (0)>
module attributes {stable_mosaic.version = 14 : i64} {
  func.func @k(%arg0: i32, %arg1: i32, %arg2: memref<10240x128xf32, #tpu.memory_space<hbm>>, %arg3: memref<163840xi32, #tpu.memory_space<hbm>>, %arg4: memref<163840x128xf32, #tpu.memory_space<hbm>>, %arg5: memref<2x128xi32, #tpu.memory_space<vmem>>, %arg6: memref<2x128x128xf32, #tpu.memory_space<vmem>>, %arg7: memref<10240x128xf32, #tpu.memory_space<vmem_shared>>, %arg8: memref<!tpu.dma_semaphore, #tpu.memory_space<semaphore_mem>>, %arg9: memref<!tpu.dma_semaphore, #tpu.memory_space<semaphore_mem>>, %arg10: memref<!tpu.dma_semaphore, #tpu.memory_space<semaphore_mem>>, %arg11: memref<!tpu.dma_semaphore, #tpu.memory_space<semaphore_mem>>, %arg12: memref<!tpu.dma_semaphore, #tpu.memory_space<semaphore_mem>>, %arg13: memref<!tpu.dma_semaphore, #tpu.memory_space<semaphore_mem>>) attributes {dimension_semantics = [#tpu.dimension_semantics<core_parallel>, #tpu.dimension_semantics<subcore_parallel>], iteration_bounds = array<i64: 2, 16>, scalar_prefetch = 0 : i64, scratch_operands = 9 : i64, tpu.core_type = #tpu.core_type<sc_vector_subcore>, window_params = [{transform_indices = #map}, {transform_indices = #map1}, {transform_indices = #map}]} {
    %mul3A = arith.constant 2 : i32
    %mul3A_0 = arith.muli %arg1, %mul3A : i32
    %add3A = arith.addi %mul3A_0, %arg0 : i32
    %mul3A_1 = arith.constant 5120 : i32
    %mul3A_2 = arith.muli %add3A, %mul3A_1 : i32
    %multiple_of3A = tpu.assume_multiple %mul3A_2, 128 : i32
    %mul3A_3 = arith.constant 640 : i32
    %mul3A_4 = arith.muli %arg1, %mul3A_3 : i32
    %multiple_of3A_5 = tpu.assume_multiple %mul3A_4, 16 : i32
    "tpu.region"() ({
      %run_scoped3A = tpu.sem_alloc : memref<!tpu.dma_semaphore, #tpu.memory_space<semaphore_mem>>
      %dma_start3A_114 = arith.constant 0 : i32
      %dma_start3A_115 = tpu.memref_slice %arg7[%multiple_of3A_5, %dma_start3A_114] : memref<10240x128xf32, #tpu.memory_space<vmem_shared>> -> memref<640x128xf32, #tpu.memory_space<vmem_shared>>
      %dma_start3A_116 = arith.constant 0 : i32
      %dma_start3A_117 = tpu.memref_slice %arg2[%multiple_of3A_5, %dma_start3A_116] : memref<10240x128xf32, #tpu.memory_space<hbm>> -> memref<640x128xf32, #tpu.memory_space<hbm>>
      tpu.enqueue_dma source(%dma_start3A_117 : memref<640x128xf32, #tpu.memory_space<hbm>>) target(%dma_start3A_115 : memref<640x128xf32, #tpu.memory_space<vmem_shared>>) target_semaphore(%run_scoped3A : memref<!tpu.dma_semaphore, #tpu.memory_space<semaphore_mem>>)
      %dma_wait3A_118 = arith.constant 0 : i32
      %dma_wait3A_119 = tpu.memref_slice %arg7[%multiple_of3A_5, %dma_wait3A_118] : memref<10240x128xf32, #tpu.memory_space<vmem_shared>> -> memref<640x128xf32, #tpu.memory_space<vmem_shared>>
      %dma_wait3A_120 = arith.constant 0 : i32
      %dma_wait3A_121 = tpu.memref_slice %arg2[%multiple_of3A_5, %dma_wait3A_120] : memref<10240x128xf32, #tpu.memory_space<hbm>> -> memref<640x128xf32, #tpu.memory_space<hbm>>
      tpu.wait_dma2 semaphore(%run_scoped3A : memref<!tpu.dma_semaphore, #tpu.memory_space<semaphore_mem>>) src(%dma_wait3A_121 : memref<640x128xf32, #tpu.memory_space<hbm>>) dst(%dma_wait3A_119 : memref<640x128xf32, #tpu.memory_space<vmem_shared>>)
      tpu.yield
    }) : () -> ()
    %add3A_6 = arith.constant 0 : i32
    %add3A_7 = arith.addi %multiple_of3A, %add3A_6 : i32
    %multiple_of3A_8 = tpu.assume_multiple %add3A_7, 128 : i32
    %dma_start3A = arith.constant 0 : i32
    %dma_start3A_9 = arith.constant 0 : i32
    %dma_start3A_10 = tpu.memref_slice %arg5[%dma_start3A, %dma_start3A_9] : memref<2x128xi32, #tpu.memory_space<vmem>> -> memref<1x128xi32, #tpu.memory_space<vmem>>
    %dma_start3A_11 = tpu.memref_squeeze %dma_start3A_10 : memref<1x128xi32, #tpu.memory_space<vmem>> -> memref<128xi32, #tpu.memory_space<vmem>>
    %dma_start3A_12 = tpu.memref_slice %arg3[%multiple_of3A_8] : memref<163840xi32, #tpu.memory_space<hbm>> -> memref<128xi32, #tpu.memory_space<hbm>>
    %dma_start3A_13 = arith.constant 0 : i32
    %dma_start3A_14 = tpu.memref_slice %arg5[%dma_start3A, %dma_start3A_13] : memref<2x128xi32, #tpu.memory_space<vmem>> -> memref<1x128xi32, #tpu.memory_space<vmem>>
    %dma_start3A_15 = tpu.memref_squeeze %dma_start3A_14 : memref<1x128xi32, #tpu.memory_space<vmem>> -> memref<128xi32, #tpu.memory_space<vmem>>
    %dma_start3A_16 = tpu.memref_slice %arg3[%multiple_of3A_8] : memref<163840xi32, #tpu.memory_space<hbm>> -> memref<128xi32, #tpu.memory_space<hbm>>
    tpu.enqueue_dma source(%dma_start3A_16 : memref<128xi32, #tpu.memory_space<hbm>>) target(%dma_start3A_15 : memref<128xi32, #tpu.memory_space<vmem>>) target_semaphore(%arg8 : memref<!tpu.dma_semaphore, #tpu.memory_space<semaphore_mem>>)
    %add3A_17 = arith.constant 0 : i32
    %add3A_18 = arith.addi %multiple_of3A, %add3A_17 : i32
    %multiple_of3A_19 = tpu.assume_multiple %add3A_18, 128 : i32
    %dma_start3A_20 = arith.constant 0 : i32
    %dma_start3A_21 = arith.constant 0 : i32
    %dma_start3A_22 = arith.constant 0 : i32
    %dma_start3A_23 = tpu.memref_slice %arg6[%dma_start3A_20, %dma_start3A_21, %dma_start3A_22] : memref<2x128x128xf32, #tpu.memory_space<vmem>> -> memref<1x128x128xf32, #tpu.memory_space<vmem>>
    %dma_start3A_24 = tpu.memref_squeeze %dma_start3A_23 : memref<1x128x128xf32, #tpu.memory_space<vmem>> -> memref<128x128xf32, #tpu.memory_space<vmem>>
    %dma_start3A_25 = arith.constant 0 : i32
    %dma_start3A_26 = tpu.memref_slice %arg4[%multiple_of3A_19, %dma_start3A_25] : memref<163840x128xf32, #tpu.memory_space<hbm>> -> memref<128x128xf32, #tpu.memory_space<hbm>>
    %dma_start3A_27 = arith.constant 0 : i32
    %dma_start3A_28 = tpu.memref_slice %arg4[%multiple_of3A_19, %dma_start3A_27] : memref<163840x128xf32, #tpu.memory_space<hbm>> -> memref<128x128xf32, #tpu.memory_space<hbm>>
    %dma_start3A_29 = arith.constant 0 : i32
    %dma_start3A_30 = arith.constant 0 : i32
    %dma_start3A_31 = tpu.memref_slice %arg6[%dma_start3A_20, %dma_start3A_29, %dma_start3A_30] : memref<2x128x128xf32, #tpu.memory_space<vmem>> -> memref<1x128x128xf32, #tpu.memory_space<vmem>>
    %dma_start3A_32 = tpu.memref_squeeze %dma_start3A_31 : memref<1x128x128xf32, #tpu.memory_space<vmem>> -> memref<128x128xf32, #tpu.memory_space<vmem>>
    tpu.enqueue_dma source(%dma_start3A_32 : memref<128x128xf32, #tpu.memory_space<vmem>>) target(%dma_start3A_28 : memref<128x128xf32, #tpu.memory_space<hbm>>) target_semaphore(%arg12 : memref<!tpu.dma_semaphore, #tpu.memory_space<semaphore_mem>>)
    %add3A_33 = arith.constant 128 : i32
    %add3A_34 = arith.addi %multiple_of3A, %add3A_33 : i32
    %multiple_of3A_35 = tpu.assume_multiple %add3A_34, 128 : i32
    %dma_start3A_36 = arith.constant 1 : i32
    %dma_start3A_37 = arith.constant 0 : i32
    %dma_start3A_38 = tpu.memref_slice %arg5[%dma_start3A_36, %dma_start3A_37] : memref<2x128xi32, #tpu.memory_space<vmem>> -> memref<1x128xi32, #tpu.memory_space<vmem>>
    %dma_start3A_39 = tpu.memref_squeeze %dma_start3A_38 : memref<1x128xi32, #tpu.memory_space<vmem>> -> memref<128xi32, #tpu.memory_space<vmem>>
    %dma_start3A_40 = tpu.memref_slice %arg3[%multiple_of3A_35] : memref<163840xi32, #tpu.memory_space<hbm>> -> memref<128xi32, #tpu.memory_space<hbm>>
    %dma_start3A_41 = arith.constant 0 : i32
    %dma_start3A_42 = tpu.memref_slice %arg5[%dma_start3A_36, %dma_start3A_41] : memref<2x128xi32, #tpu.memory_space<vmem>> -> memref<1x128xi32, #tpu.memory_space<vmem>>
    %dma_start3A_43 = tpu.memref_squeeze %dma_start3A_42 : memref<1x128xi32, #tpu.memory_space<vmem>> -> memref<128xi32, #tpu.memory_space<vmem>>
    %dma_start3A_44 = tpu.memref_slice %arg3[%multiple_of3A_35] : memref<163840xi32, #tpu.memory_space<hbm>> -> memref<128xi32, #tpu.memory_space<hbm>>
    tpu.enqueue_dma source(%dma_start3A_44 : memref<128xi32, #tpu.memory_space<hbm>>) target(%dma_start3A_43 : memref<128xi32, #tpu.memory_space<vmem>>) target_semaphore(%arg9 : memref<!tpu.dma_semaphore, #tpu.memory_space<semaphore_mem>>)
    %add3A_45 = arith.constant 128 : i32
    %add3A_46 = arith.addi %multiple_of3A, %add3A_45 : i32
    %multiple_of3A_47 = tpu.assume_multiple %add3A_46, 128 : i32
    %dma_start3A_48 = arith.constant 1 : i32
    %dma_start3A_49 = arith.constant 0 : i32
    %dma_start3A_50 = arith.constant 0 : i32
    %dma_start3A_51 = tpu.memref_slice %arg6[%dma_start3A_48, %dma_start3A_49, %dma_start3A_50] : memref<2x128x128xf32, #tpu.memory_space<vmem>> -> memref<1x128x128xf32, #tpu.memory_space<vmem>>
    %dma_start3A_52 = tpu.memref_squeeze %dma_start3A_51 : memref<1x128x128xf32, #tpu.memory_space<vmem>> -> memref<128x128xf32, #tpu.memory_space<vmem>>
    %dma_start3A_53 = arith.constant 0 : i32
    %dma_start3A_54 = tpu.memref_slice %arg4[%multiple_of3A_47, %dma_start3A_53] : memref<163840x128xf32, #tpu.memory_space<hbm>> -> memref<128x128xf32, #tpu.memory_space<hbm>>
    %dma_start3A_55 = arith.constant 0 : i32
    %dma_start3A_56 = tpu.memref_slice %arg4[%multiple_of3A_47, %dma_start3A_55] : memref<163840x128xf32, #tpu.memory_space<hbm>> -> memref<128x128xf32, #tpu.memory_space<hbm>>
    %dma_start3A_57 = arith.constant 0 : i32
    %dma_start3A_58 = arith.constant 0 : i32
    %dma_start3A_59 = tpu.memref_slice %arg6[%dma_start3A_48, %dma_start3A_57, %dma_start3A_58] : memref<2x128x128xf32, #tpu.memory_space<vmem>> -> memref<1x128x128xf32, #tpu.memory_space<vmem>>
    %dma_start3A_60 = tpu.memref_squeeze %dma_start3A_59 : memref<1x128x128xf32, #tpu.memory_space<vmem>> -> memref<128x128xf32, #tpu.memory_space<vmem>>
    tpu.enqueue_dma source(%dma_start3A_60 : memref<128x128xf32, #tpu.memory_space<vmem>>) target(%dma_start3A_56 : memref<128x128xf32, #tpu.memory_space<hbm>>) target_semaphore(%arg13 : memref<!tpu.dma_semaphore, #tpu.memory_space<semaphore_mem>>)
    %barrier3A = arith.constant 0 : index
    tpu.barrier barrier_id(%barrier3A)
    %scan3A = arith.constant 0 : i32
    %scan3A_61 = arith.constant 20 : i32
    %scan3A_62 = arith.addi %scan3A, %scan3A_61 : i32
    %scan3A_63 = arith.constant 1 : i32
    scf.for %scan3A_114 = %scan3A to %scan3A_62 step %scan3A_63  : i32 {
      %mul3A_115 = arith.constant 2 : i32
      %mul3A_116 = arith.muli %scan3A_114, %mul3A_115 : i32
      %add3A_117 = arith.constant 0 : i32
      %add3A_118 = arith.addi %add3A_117, %mul3A_116 : i32
      %add3A_119 = arith.constant 0 : i32
      %add3A_120 = arith.addi %add3A_118, %add3A_119 : i32
      %mul3A_121 = arith.constant 128 : i32
      %mul3A_122 = arith.muli %add3A_120, %mul3A_121 : i32
      %add3A_123 = arith.addi %multiple_of3A, %mul3A_122 : i32
      %multiple_of3A_124 = tpu.assume_multiple %add3A_123, 128 : i32
      %dma_wait3A_125 = arith.constant 0 : i32
      %dma_wait3A_126 = arith.constant 0 : i32
      %dma_wait3A_127 = arith.constant 0 : i32
      %dma_wait3A_128 = tpu.memref_slice %arg6[%dma_wait3A_125, %dma_wait3A_126, %dma_wait3A_127] : memref<2x128x128xf32, #tpu.memory_space<vmem>> -> memref<1x128x128xf32, #tpu.memory_space<vmem>>
      %dma_wait3A_129 = tpu.memref_squeeze %dma_wait3A_128 : memref<1x128x128xf32, #tpu.memory_space<vmem>> -> memref<128x128xf32, #tpu.memory_space<vmem>>
      %dma_wait3A_130 = arith.constant 0 : i32
      %dma_wait3A_131 = tpu.memref_slice %arg4[%multiple_of3A_124, %dma_wait3A_130] : memref<163840x128xf32, #tpu.memory_space<hbm>> -> memref<128x128xf32, #tpu.memory_space<hbm>>
      %dma_wait3A_132 = arith.constant 0 : i32
      %dma_wait3A_133 = tpu.memref_slice %arg4[%multiple_of3A_124, %dma_wait3A_132] : memref<163840x128xf32, #tpu.memory_space<hbm>> -> memref<128x128xf32, #tpu.memory_space<hbm>>
      %dma_wait3A_134 = arith.constant 0 : i32
      %dma_wait3A_135 = arith.constant 0 : i32
      %dma_wait3A_136 = tpu.memref_slice %arg6[%dma_wait3A_125, %dma_wait3A_134, %dma_wait3A_135] : memref<2x128x128xf32, #tpu.memory_space<vmem>> -> memref<1x128x128xf32, #tpu.memory_space<vmem>>
      %dma_wait3A_137 = tpu.memref_squeeze %dma_wait3A_136 : memref<1x128x128xf32, #tpu.memory_space<vmem>> -> memref<128x128xf32, #tpu.memory_space<vmem>>
      tpu.wait_dma2 semaphore(%arg12 : memref<!tpu.dma_semaphore, #tpu.memory_space<semaphore_mem>>) src(%dma_wait3A_137 : memref<128x128xf32, #tpu.memory_space<vmem>>) dst(%dma_wait3A_133 : memref<128x128xf32, #tpu.memory_space<hbm>>)
      %mul3A_138 = arith.constant 128 : i32
      %mul3A_139 = arith.muli %add3A_120, %mul3A_138 : i32
      %add3A_140 = arith.addi %multiple_of3A, %mul3A_139 : i32
      %multiple_of3A_141 = tpu.assume_multiple %add3A_140, 128 : i32
      %dma_wait3A_142 = arith.constant 0 : i32
      %dma_wait3A_143 = arith.constant 0 : i32
      %dma_wait3A_144 = tpu.memref_slice %arg5[%dma_wait3A_142, %dma_wait3A_143] : memref<2x128xi32, #tpu.memory_space<vmem>> -> memref<1x128xi32, #tpu.memory_space<vmem>>
      %dma_wait3A_145 = tpu.memref_squeeze %dma_wait3A_144 : memref<1x128xi32, #tpu.memory_space<vmem>> -> memref<128xi32, #tpu.memory_space<vmem>>
      %dma_wait3A_146 = tpu.memref_slice %arg3[%multiple_of3A_141] : memref<163840xi32, #tpu.memory_space<hbm>> -> memref<128xi32, #tpu.memory_space<hbm>>
      %dma_wait3A_147 = arith.constant 0 : i32
      %dma_wait3A_148 = tpu.memref_slice %arg5[%dma_wait3A_142, %dma_wait3A_147] : memref<2x128xi32, #tpu.memory_space<vmem>> -> memref<1x128xi32, #tpu.memory_space<vmem>>
      %dma_wait3A_149 = tpu.memref_squeeze %dma_wait3A_148 : memref<1x128xi32, #tpu.memory_space<vmem>> -> memref<128xi32, #tpu.memory_space<vmem>>
      %dma_wait3A_150 = tpu.memref_slice %arg3[%multiple_of3A_141] : memref<163840xi32, #tpu.memory_space<hbm>> -> memref<128xi32, #tpu.memory_space<hbm>>
      tpu.wait_dma2 semaphore(%arg8 : memref<!tpu.dma_semaphore, #tpu.memory_space<semaphore_mem>>) src(%dma_wait3A_150 : memref<128xi32, #tpu.memory_space<hbm>>) dst(%dma_wait3A_149 : memref<128xi32, #tpu.memory_space<vmem>>)
      %dma_start3A_151 = arith.constant 0 : i32
      %dma_start3A_152 = arith.constant 0 : i32
      %dma_start3A_153 = arith.constant 0 : i32
      %dma_start3A_154 = arith.constant 0 : i32
      %dma_start3A_155 = tpu.memref_slice %arg6[%dma_start3A_152, %dma_start3A_153, %dma_start3A_154] : memref<2x128x128xf32, #tpu.memory_space<vmem>> -> memref<1x128x128xf32, #tpu.memory_space<vmem>>
      %dma_start3A_156 = tpu.memref_squeeze %dma_start3A_155 : memref<1x128x128xf32, #tpu.memory_space<vmem>> -> memref<128x128xf32, #tpu.memory_space<vmem>>
      %dma_start3A_157 = arith.constant 0 : i32
      %dma_start3A_158 = tpu.memref_slice %arg5[%dma_start3A_151, %dma_start3A_157] : memref<2x128xi32, #tpu.memory_space<vmem>> -> memref<1x128xi32, #tpu.memory_space<vmem>>
      %dma_start3A_159 = tpu.memref_squeeze %dma_start3A_158 : memref<1x128xi32, #tpu.memory_space<vmem>> -> memref<128xi32, #tpu.memory_space<vmem>>
      %dma_start3A_160 = arith.constant 0 : i32
      %dma_start3A_161 = arith.constant 0 : i32
      %dma_start3A_162 = tpu.memref_slice %arg7[%dma_start3A_160, %dma_start3A_161] : memref<10240x128xf32, #tpu.memory_space<vmem_shared>> -> memref<10240x128xf32, #tpu.memory_space<vmem_shared>>
      tpu.enqueue_indirect_dma source(%dma_start3A_162 : memref<10240x128xf32, #tpu.memory_space<vmem_shared>>) target(%dma_start3A_156 : memref<128x128xf32, #tpu.memory_space<vmem>>) offsets(%dma_start3A_159 : memref<128xi32, #tpu.memory_space<vmem>>) semaphore(%arg10 : memref<!tpu.dma_semaphore, #tpu.memory_space<semaphore_mem>>)
      %add3A_163 = arith.constant 1 : i32
      %add3A_164 = arith.addi %add3A_118, %add3A_163 : i32
      %mul3A_165 = arith.constant 128 : i32
      %mul3A_166 = arith.muli %add3A_164, %mul3A_165 : i32
      %add3A_167 = arith.addi %multiple_of3A, %mul3A_166 : i32
      %multiple_of3A_168 = tpu.assume_multiple %add3A_167, 128 : i32
      %dma_wait3A_169 = arith.constant 1 : i32
      %dma_wait3A_170 = arith.constant 0 : i32
      %dma_wait3A_171 = arith.constant 0 : i32
      %dma_wait3A_172 = tpu.memref_slice %arg6[%dma_wait3A_169, %dma_wait3A_170, %dma_wait3A_171] : memref<2x128x128xf32, #tpu.memory_space<vmem>> -> memref<1x128x128xf32, #tpu.memory_space<vmem>>
      %dma_wait3A_173 = tpu.memref_squeeze %dma_wait3A_172 : memref<1x128x128xf32, #tpu.memory_space<vmem>> -> memref<128x128xf32, #tpu.memory_space<vmem>>
      %dma_wait3A_174 = arith.constant 0 : i32
      %dma_wait3A_175 = tpu.memref_slice %arg4[%multiple_of3A_168, %dma_wait3A_174] : memref<163840x128xf32, #tpu.memory_space<hbm>> -> memref<128x128xf32, #tpu.memory_space<hbm>>
      %dma_wait3A_176 = arith.constant 0 : i32
      %dma_wait3A_177 = tpu.memref_slice %arg4[%multiple_of3A_168, %dma_wait3A_176] : memref<163840x128xf32, #tpu.memory_space<hbm>> -> memref<128x128xf32, #tpu.memory_space<hbm>>
      %dma_wait3A_178 = arith.constant 0 : i32
      %dma_wait3A_179 = arith.constant 0 : i32
      %dma_wait3A_180 = tpu.memref_slice %arg6[%dma_wait3A_169, %dma_wait3A_178, %dma_wait3A_179] : memref<2x128x128xf32, #tpu.memory_space<vmem>> -> memref<1x128x128xf32, #tpu.memory_space<vmem>>
      %dma_wait3A_181 = tpu.memref_squeeze %dma_wait3A_180 : memref<1x128x128xf32, #tpu.memory_space<vmem>> -> memref<128x128xf32, #tpu.memory_space<vmem>>
      tpu.wait_dma2 semaphore(%arg13 : memref<!tpu.dma_semaphore, #tpu.memory_space<semaphore_mem>>) src(%dma_wait3A_181 : memref<128x128xf32, #tpu.memory_space<vmem>>) dst(%dma_wait3A_177 : memref<128x128xf32, #tpu.memory_space<hbm>>)
      %mul3A_182 = arith.constant 128 : i32
      %mul3A_183 = arith.muli %add3A_164, %mul3A_182 : i32
      %add3A_184 = arith.addi %multiple_of3A, %mul3A_183 : i32
      %multiple_of3A_185 = tpu.assume_multiple %add3A_184, 128 : i32
      %dma_wait3A_186 = arith.constant 1 : i32
      %dma_wait3A_187 = arith.constant 0 : i32
      %dma_wait3A_188 = tpu.memref_slice %arg5[%dma_wait3A_186, %dma_wait3A_187] : memref<2x128xi32, #tpu.memory_space<vmem>> -> memref<1x128xi32, #tpu.memory_space<vmem>>
      %dma_wait3A_189 = tpu.memref_squeeze %dma_wait3A_188 : memref<1x128xi32, #tpu.memory_space<vmem>> -> memref<128xi32, #tpu.memory_space<vmem>>
      %dma_wait3A_190 = tpu.memref_slice %arg3[%multiple_of3A_185] : memref<163840xi32, #tpu.memory_space<hbm>> -> memref<128xi32, #tpu.memory_space<hbm>>
      %dma_wait3A_191 = arith.constant 0 : i32
      %dma_wait3A_192 = tpu.memref_slice %arg5[%dma_wait3A_186, %dma_wait3A_191] : memref<2x128xi32, #tpu.memory_space<vmem>> -> memref<1x128xi32, #tpu.memory_space<vmem>>
      %dma_wait3A_193 = tpu.memref_squeeze %dma_wait3A_192 : memref<1x128xi32, #tpu.memory_space<vmem>> -> memref<128xi32, #tpu.memory_space<vmem>>
      %dma_wait3A_194 = tpu.memref_slice %arg3[%multiple_of3A_185] : memref<163840xi32, #tpu.memory_space<hbm>> -> memref<128xi32, #tpu.memory_space<hbm>>
      tpu.wait_dma2 semaphore(%arg9 : memref<!tpu.dma_semaphore, #tpu.memory_space<semaphore_mem>>) src(%dma_wait3A_194 : memref<128xi32, #tpu.memory_space<hbm>>) dst(%dma_wait3A_193 : memref<128xi32, #tpu.memory_space<vmem>>)
      %dma_start3A_195 = arith.constant 1 : i32
      %dma_start3A_196 = arith.constant 1 : i32
      %dma_start3A_197 = arith.constant 0 : i32
      %dma_start3A_198 = arith.constant 0 : i32
      %dma_start3A_199 = tpu.memref_slice %arg6[%dma_start3A_196, %dma_start3A_197, %dma_start3A_198] : memref<2x128x128xf32, #tpu.memory_space<vmem>> -> memref<1x128x128xf32, #tpu.memory_space<vmem>>
      %dma_start3A_200 = tpu.memref_squeeze %dma_start3A_199 : memref<1x128x128xf32, #tpu.memory_space<vmem>> -> memref<128x128xf32, #tpu.memory_space<vmem>>
      %dma_start3A_201 = arith.constant 0 : i32
      %dma_start3A_202 = tpu.memref_slice %arg5[%dma_start3A_195, %dma_start3A_201] : memref<2x128xi32, #tpu.memory_space<vmem>> -> memref<1x128xi32, #tpu.memory_space<vmem>>
      %dma_start3A_203 = tpu.memref_squeeze %dma_start3A_202 : memref<1x128xi32, #tpu.memory_space<vmem>> -> memref<128xi32, #tpu.memory_space<vmem>>
      %dma_start3A_204 = arith.constant 0 : i32
      %dma_start3A_205 = arith.constant 0 : i32
      %dma_start3A_206 = tpu.memref_slice %arg7[%dma_start3A_204, %dma_start3A_205] : memref<10240x128xf32, #tpu.memory_space<vmem_shared>> -> memref<10240x128xf32, #tpu.memory_space<vmem_shared>>
      tpu.enqueue_indirect_dma source(%dma_start3A_206 : memref<10240x128xf32, #tpu.memory_space<vmem_shared>>) target(%dma_start3A_200 : memref<128x128xf32, #tpu.memory_space<vmem>>) offsets(%dma_start3A_203 : memref<128xi32, #tpu.memory_space<vmem>>) semaphore(%arg11 : memref<!tpu.dma_semaphore, #tpu.memory_space<semaphore_mem>>)
      %add3A_207 = arith.constant 0 : i32
      %add3A_208 = arith.addi %add3A_118, %add3A_207 : i32
      %dma_wait3A_209 = arith.constant 0 : i32
      %dma_wait3A_210 = arith.constant 0 : i32
      %dma_wait3A_211 = arith.constant 0 : i32
      %dma_wait3A_212 = arith.constant 0 : i32
      %dma_wait3A_213 = tpu.memref_slice %arg6[%dma_wait3A_210, %dma_wait3A_211, %dma_wait3A_212] : memref<2x128x128xf32, #tpu.memory_space<vmem>> -> memref<1x128x128xf32, #tpu.memory_space<vmem>>
      %dma_wait3A_214 = tpu.memref_squeeze %dma_wait3A_213 : memref<1x128x128xf32, #tpu.memory_space<vmem>> -> memref<128x128xf32, #tpu.memory_space<vmem>>
      %dma_wait3A_215 = arith.constant 0 : i32
      %dma_wait3A_216 = tpu.memref_slice %arg5[%dma_wait3A_209, %dma_wait3A_215] : memref<2x128xi32, #tpu.memory_space<vmem>> -> memref<1x128xi32, #tpu.memory_space<vmem>>
      %dma_wait3A_217 = tpu.memref_squeeze %dma_wait3A_216 : memref<1x128xi32, #tpu.memory_space<vmem>> -> memref<128xi32, #tpu.memory_space<vmem>>
      %dma_wait3A_218 = arith.constant 0 : i32
      %dma_wait3A_219 = arith.constant 0 : i32
      %dma_wait3A_220 = tpu.memref_slice %arg7[%dma_wait3A_218, %dma_wait3A_219] : memref<10240x128xf32, #tpu.memory_space<vmem_shared>> -> memref<10240x128xf32, #tpu.memory_space<vmem_shared>>
      tpu.wait_indirect_dma semaphore(%arg10 : memref<!tpu.dma_semaphore, #tpu.memory_space<semaphore_mem>>) src(%dma_wait3A_220 : memref<10240x128xf32, #tpu.memory_space<vmem_shared>>) dst(%dma_wait3A_214 : memref<128x128xf32, #tpu.memory_space<vmem>>)
      %mul3A_221 = arith.constant 128 : i32
      %mul3A_222 = arith.muli %add3A_208, %mul3A_221 : i32
      %add3A_223 = arith.addi %multiple_of3A, %mul3A_222 : i32
      %multiple_of3A_224 = tpu.assume_multiple %add3A_223, 128 : i32
      %dma_start3A_225 = arith.constant 0 : i32
      %dma_start3A_226 = arith.constant 0 : i32
      %dma_start3A_227 = arith.constant 0 : i32
      %dma_start3A_228 = tpu.memref_slice %arg6[%dma_start3A_225, %dma_start3A_226, %dma_start3A_227] : memref<2x128x128xf32, #tpu.memory_space<vmem>> -> memref<1x128x128xf32, #tpu.memory_space<vmem>>
      %dma_start3A_229 = tpu.memref_squeeze %dma_start3A_228 : memref<1x128x128xf32, #tpu.memory_space<vmem>> -> memref<128x128xf32, #tpu.memory_space<vmem>>
      %dma_start3A_230 = arith.constant 0 : i32
      %dma_start3A_231 = tpu.memref_slice %arg4[%multiple_of3A_224, %dma_start3A_230] : memref<163840x128xf32, #tpu.memory_space<hbm>> -> memref<128x128xf32, #tpu.memory_space<hbm>>
      %dma_start3A_232 = arith.constant 0 : i32
      %dma_start3A_233 = tpu.memref_slice %arg4[%multiple_of3A_224, %dma_start3A_232] : memref<163840x128xf32, #tpu.memory_space<hbm>> -> memref<128x128xf32, #tpu.memory_space<hbm>>
      %dma_start3A_234 = arith.constant 0 : i32
      %dma_start3A_235 = arith.constant 0 : i32
      %dma_start3A_236 = tpu.memref_slice %arg6[%dma_start3A_225, %dma_start3A_234, %dma_start3A_235] : memref<2x128x128xf32, #tpu.memory_space<vmem>> -> memref<1x128x128xf32, #tpu.memory_space<vmem>>
      %dma_start3A_237 = tpu.memref_squeeze %dma_start3A_236 : memref<1x128x128xf32, #tpu.memory_space<vmem>> -> memref<128x128xf32, #tpu.memory_space<vmem>>
      tpu.enqueue_dma source(%dma_start3A_237 : memref<128x128xf32, #tpu.memory_space<vmem>>) target(%dma_start3A_233 : memref<128x128xf32, #tpu.memory_space<hbm>>) target_semaphore(%arg12 : memref<!tpu.dma_semaphore, #tpu.memory_space<semaphore_mem>>)
      %add3A_238 = arith.constant 2 : i32
      %add3A_239 = arith.addi %add3A_208, %add3A_238 : i32
      %ge3A = arith.constant 40 : i32
      %ge3A_240 = arith.cmpi sge, %add3A_239, %ge3A : i32
      %sub3A = arith.constant 40 : i32
      %sub3A_241 = arith.subi %add3A_239, %sub3A : i32
      %select_n3A = arith.select %ge3A_240, %sub3A_241, %add3A_239 : i32
      %mul3A_242 = arith.constant 128 : i32
      %mul3A_243 = arith.muli %select_n3A, %mul3A_242 : i32
      %add3A_244 = arith.addi %multiple_of3A, %mul3A_243 : i32
      %multiple_of3A_245 = tpu.assume_multiple %add3A_244, 128 : i32
      %dma_start3A_246 = arith.constant 0 : i32
      %dma_start3A_247 = arith.constant 0 : i32
      %dma_start3A_248 = tpu.memref_slice %arg5[%dma_start3A_246, %dma_start3A_247] : memref<2x128xi32, #tpu.memory_space<vmem>> -> memref<1x128xi32, #tpu.memory_space<vmem>>
      %dma_start3A_249 = tpu.memref_squeeze %dma_start3A_248 : memref<1x128xi32, #tpu.memory_space<vmem>> -> memref<128xi32, #tpu.memory_space<vmem>>
      %dma_start3A_250 = tpu.memref_slice %arg3[%multiple_of3A_245] : memref<163840xi32, #tpu.memory_space<hbm>> -> memref<128xi32, #tpu.memory_space<hbm>>
      %dma_start3A_251 = arith.constant 0 : i32
      %dma_start3A_252 = tpu.memref_slice %arg5[%dma_start3A_246, %dma_start3A_251] : memref<2x128xi32, #tpu.memory_space<vmem>> -> memref<1x128xi32, #tpu.memory_space<vmem>>
      %dma_start3A_253 = tpu.memref_squeeze %dma_start3A_252 : memref<1x128xi32, #tpu.memory_space<vmem>> -> memref<128xi32, #tpu.memory_space<vmem>>
      %dma_start3A_254 = tpu.memref_slice %arg3[%multiple_of3A_245] : memref<163840xi32, #tpu.memory_space<hbm>> -> memref<128xi32, #tpu.memory_space<hbm>>
      tpu.enqueue_dma source(%dma_start3A_254 : memref<128xi32, #tpu.memory_space<hbm>>) target(%dma_start3A_253 : memref<128xi32, #tpu.memory_space<vmem>>) target_semaphore(%arg8 : memref<!tpu.dma_semaphore, #tpu.memory_space<semaphore_mem>>)
      %add3A_255 = arith.constant 1 : i32
      %add3A_256 = arith.addi %add3A_118, %add3A_255 : i32
      %dma_wait3A_257 = arith.constant 1 : i32
      %dma_wait3A_258 = arith.constant 1 : i32
      %dma_wait3A_259 = arith.constant 0 : i32
      %dma_wait3A_260 = arith.constant 0 : i32
      %dma_wait3A_261 = tpu.memref_slice %arg6[%dma_wait3A_258, %dma_wait3A_259, %dma_wait3A_260] : memref<2x128x128xf32, #tpu.memory_space<vmem>> -> memref<1x128x128xf32, #tpu.memory_space<vmem>>
      %dma_wait3A_262 = tpu.memref_squeeze %dma_wait3A_261 : memref<1x128x128xf32, #tpu.memory_space<vmem>> -> memref<128x128xf32, #tpu.memory_space<vmem>>
      %dma_wait3A_263 = arith.constant 0 : i32
      %dma_wait3A_264 = tpu.memref_slice %arg5[%dma_wait3A_257, %dma_wait3A_263] : memref<2x128xi32, #tpu.memory_space<vmem>> -> memref<1x128xi32, #tpu.memory_space<vmem>>
      %dma_wait3A_265 = tpu.memref_squeeze %dma_wait3A_264 : memref<1x128xi32, #tpu.memory_space<vmem>> -> memref<128xi32, #tpu.memory_space<vmem>>
      %dma_wait3A_266 = arith.constant 0 : i32
      %dma_wait3A_267 = arith.constant 0 : i32
      %dma_wait3A_268 = tpu.memref_slice %arg7[%dma_wait3A_266, %dma_wait3A_267] : memref<10240x128xf32, #tpu.memory_space<vmem_shared>> -> memref<10240x128xf32, #tpu.memory_space<vmem_shared>>
      tpu.wait_indirect_dma semaphore(%arg11 : memref<!tpu.dma_semaphore, #tpu.memory_space<semaphore_mem>>) src(%dma_wait3A_268 : memref<10240x128xf32, #tpu.memory_space<vmem_shared>>) dst(%dma_wait3A_262 : memref<128x128xf32, #tpu.memory_space<vmem>>)
      %mul3A_269 = arith.constant 128 : i32
      %mul3A_270 = arith.muli %add3A_256, %mul3A_269 : i32
      %add3A_271 = arith.addi %multiple_of3A, %mul3A_270 : i32
      %multiple_of3A_272 = tpu.assume_multiple %add3A_271, 128 : i32
      %dma_start3A_273 = arith.constant 1 : i32
      %dma_start3A_274 = arith.constant 0 : i32
      %dma_start3A_275 = arith.constant 0 : i32
      %dma_start3A_276 = tpu.memref_slice %arg6[%dma_start3A_273, %dma_start3A_274, %dma_start3A_275] : memref<2x128x128xf32, #tpu.memory_space<vmem>> -> memref<1x128x128xf32, #tpu.memory_space<vmem>>
      %dma_start3A_277 = tpu.memref_squeeze %dma_start3A_276 : memref<1x128x128xf32, #tpu.memory_space<vmem>> -> memref<128x128xf32, #tpu.memory_space<vmem>>
      %dma_start3A_278 = arith.constant 0 : i32
      %dma_start3A_279 = tpu.memref_slice %arg4[%multiple_of3A_272, %dma_start3A_278] : memref<163840x128xf32, #tpu.memory_space<hbm>> -> memref<128x128xf32, #tpu.memory_space<hbm>>
      %dma_start3A_280 = arith.constant 0 : i32
      %dma_start3A_281 = tpu.memref_slice %arg4[%multiple_of3A_272, %dma_start3A_280] : memref<163840x128xf32, #tpu.memory_space<hbm>> -> memref<128x128xf32, #tpu.memory_space<hbm>>
      %dma_start3A_282 = arith.constant 0 : i32
      %dma_start3A_283 = arith.constant 0 : i32
      %dma_start3A_284 = tpu.memref_slice %arg6[%dma_start3A_273, %dma_start3A_282, %dma_start3A_283] : memref<2x128x128xf32, #tpu.memory_space<vmem>> -> memref<1x128x128xf32, #tpu.memory_space<vmem>>
      %dma_start3A_285 = tpu.memref_squeeze %dma_start3A_284 : memref<1x128x128xf32, #tpu.memory_space<vmem>> -> memref<128x128xf32, #tpu.memory_space<vmem>>
      tpu.enqueue_dma source(%dma_start3A_285 : memref<128x128xf32, #tpu.memory_space<vmem>>) target(%dma_start3A_281 : memref<128x128xf32, #tpu.memory_space<hbm>>) target_semaphore(%arg13 : memref<!tpu.dma_semaphore, #tpu.memory_space<semaphore_mem>>)
      %add3A_286 = arith.constant 2 : i32
      %add3A_287 = arith.addi %add3A_256, %add3A_286 : i32
      %ge3A_288 = arith.constant 40 : i32
      %ge3A_289 = arith.cmpi sge, %add3A_287, %ge3A_288 : i32
      %sub3A_290 = arith.constant 40 : i32
      %sub3A_291 = arith.subi %add3A_287, %sub3A_290 : i32
      %select_n3A_292 = arith.select %ge3A_289, %sub3A_291, %add3A_287 : i32
      %mul3A_293 = arith.constant 128 : i32
      %mul3A_294 = arith.muli %select_n3A_292, %mul3A_293 : i32
      %add3A_295 = arith.addi %multiple_of3A, %mul3A_294 : i32
      %multiple_of3A_296 = tpu.assume_multiple %add3A_295, 128 : i32
      %dma_start3A_297 = arith.constant 1 : i32
      %dma_start3A_298 = arith.constant 0 : i32
      %dma_start3A_299 = tpu.memref_slice %arg5[%dma_start3A_297, %dma_start3A_298] : memref<2x128xi32, #tpu.memory_space<vmem>> -> memref<1x128xi32, #tpu.memory_space<vmem>>
      %dma_start3A_300 = tpu.memref_squeeze %dma_start3A_299 : memref<1x128xi32, #tpu.memory_space<vmem>> -> memref<128xi32, #tpu.memory_space<vmem>>
      %dma_start3A_301 = tpu.memref_slice %arg3[%multiple_of3A_296] : memref<163840xi32, #tpu.memory_space<hbm>> -> memref<128xi32, #tpu.memory_space<hbm>>
      %dma_start3A_302 = arith.constant 0 : i32
      %dma_start3A_303 = tpu.memref_slice %arg5[%dma_start3A_297, %dma_start3A_302] : memref<2x128xi32, #tpu.memory_space<vmem>> -> memref<1x128xi32, #tpu.memory_space<vmem>>
      %dma_start3A_304 = tpu.memref_squeeze %dma_start3A_303 : memref<1x128xi32, #tpu.memory_space<vmem>> -> memref<128xi32, #tpu.memory_space<vmem>>
      %dma_start3A_305 = tpu.memref_slice %arg3[%multiple_of3A_296] : memref<163840xi32, #tpu.memory_space<hbm>> -> memref<128xi32, #tpu.memory_space<hbm>>
      tpu.enqueue_dma source(%dma_start3A_305 : memref<128xi32, #tpu.memory_space<hbm>>) target(%dma_start3A_304 : memref<128xi32, #tpu.memory_space<vmem>>) target_semaphore(%arg9 : memref<!tpu.dma_semaphore, #tpu.memory_space<semaphore_mem>>)
    }
    %scan3A_64 = arith.constant 20 : i32
    %add3A_65 = arith.constant 0 : i32
    %add3A_66 = arith.addi %multiple_of3A, %add3A_65 : i32
    %multiple_of3A_67 = tpu.assume_multiple %add3A_66, 128 : i32
    %dma_wait3A = arith.constant 0 : i32
    %dma_wait3A_68 = arith.constant 0 : i32
    %dma_wait3A_69 = arith.constant 0 : i32
    %dma_wait3A_70 = tpu.memref_slice %arg6[%dma_wait3A, %dma_wait3A_68, %dma_wait3A_69] : memref<2x128x128xf32, #tpu.memory_space<vmem>> -> memref<1x128x128xf32, #tpu.memory_space<vmem>>
    %dma_wait3A_71 = tpu.memref_squeeze %dma_wait3A_70 : memref<1x128x128xf32, #tpu.memory_space<vmem>> -> memref<128x128xf32, #tpu.memory_space<vmem>>
    %dma_wait3A_72 = arith.constant 0 : i32
    %dma_wait3A_73 = tpu.memref_slice %arg4[%multiple_of3A_67, %dma_wait3A_72] : memref<163840x128xf32, #tpu.memory_space<hbm>> -> memref<128x128xf32, #tpu.memory_space<hbm>>
    %dma_wait3A_74 = arith.constant 0 : i32
    %dma_wait3A_75 = tpu.memref_slice %arg4[%multiple_of3A_67, %dma_wait3A_74] : memref<163840x128xf32, #tpu.memory_space<hbm>> -> memref<128x128xf32, #tpu.memory_space<hbm>>
    %dma_wait3A_76 = arith.constant 0 : i32
    %dma_wait3A_77 = arith.constant 0 : i32
    %dma_wait3A_78 = tpu.memref_slice %arg6[%dma_wait3A, %dma_wait3A_76, %dma_wait3A_77] : memref<2x128x128xf32, #tpu.memory_space<vmem>> -> memref<1x128x128xf32, #tpu.memory_space<vmem>>
    %dma_wait3A_79 = tpu.memref_squeeze %dma_wait3A_78 : memref<1x128x128xf32, #tpu.memory_space<vmem>> -> memref<128x128xf32, #tpu.memory_space<vmem>>
    tpu.wait_dma2 semaphore(%arg12 : memref<!tpu.dma_semaphore, #tpu.memory_space<semaphore_mem>>) src(%dma_wait3A_79 : memref<128x128xf32, #tpu.memory_space<vmem>>) dst(%dma_wait3A_75 : memref<128x128xf32, #tpu.memory_space<hbm>>)
    %dma_wait3A_80 = arith.constant 0 : i32
    %dma_wait3A_81 = arith.constant 0 : i32
    %dma_wait3A_82 = tpu.memref_slice %arg5[%dma_wait3A_80, %dma_wait3A_81] : memref<2x128xi32, #tpu.memory_space<vmem>> -> memref<1x128xi32, #tpu.memory_space<vmem>>
    %dma_wait3A_83 = tpu.memref_squeeze %dma_wait3A_82 : memref<1x128xi32, #tpu.memory_space<vmem>> -> memref<128xi32, #tpu.memory_space<vmem>>
    %dma_wait3A_84 = tpu.memref_slice %arg3[%multiple_of3A] : memref<163840xi32, #tpu.memory_space<hbm>> -> memref<128xi32, #tpu.memory_space<hbm>>
    %dma_wait3A_85 = arith.constant 0 : i32
    %dma_wait3A_86 = tpu.memref_slice %arg5[%dma_wait3A_80, %dma_wait3A_85] : memref<2x128xi32, #tpu.memory_space<vmem>> -> memref<1x128xi32, #tpu.memory_space<vmem>>
    %dma_wait3A_87 = tpu.memref_squeeze %dma_wait3A_86 : memref<1x128xi32, #tpu.memory_space<vmem>> -> memref<128xi32, #tpu.memory_space<vmem>>
    %dma_wait3A_88 = tpu.memref_slice %arg3[%multiple_of3A] : memref<163840xi32, #tpu.memory_space<hbm>> -> memref<128xi32, #tpu.memory_space<hbm>>
    tpu.wait_dma2 semaphore(%arg8 : memref<!tpu.dma_semaphore, #tpu.memory_space<semaphore_mem>>) src(%dma_wait3A_88 : memref<128xi32, #tpu.memory_space<hbm>>) dst(%dma_wait3A_87 : memref<128xi32, #tpu.memory_space<vmem>>)
    %add3A_89 = arith.constant 128 : i32
    %add3A_90 = arith.addi %multiple_of3A, %add3A_89 : i32
    %multiple_of3A_91 = tpu.assume_multiple %add3A_90, 128 : i32
    %dma_wait3A_92 = arith.constant 1 : i32
    %dma_wait3A_93 = arith.constant 0 : i32
    %dma_wait3A_94 = arith.constant 0 : i32
    %dma_wait3A_95 = tpu.memref_slice %arg6[%dma_wait3A_92, %dma_wait3A_93, %dma_wait3A_94] : memref<2x128x128xf32, #tpu.memory_space<vmem>> -> memref<1x128x128xf32, #tpu.memory_space<vmem>>
    %dma_wait3A_96 = tpu.memref_squeeze %dma_wait3A_95 : memref<1x128x128xf32, #tpu.memory_space<vmem>> -> memref<128x128xf32, #tpu.memory_space<vmem>>
    %dma_wait3A_97 = arith.constant 0 : i32
    %dma_wait3A_98 = tpu.memref_slice %arg4[%multiple_of3A_91, %dma_wait3A_97] : memref<163840x128xf32, #tpu.memory_space<hbm>> -> memref<128x128xf32, #tpu.memory_space<hbm>>
    %dma_wait3A_99 = arith.constant 0 : i32
    %dma_wait3A_100 = tpu.memref_slice %arg4[%multiple_of3A_91, %dma_wait3A_99] : memref<163840x128xf32, #tpu.memory_space<hbm>> -> memref<128x128xf32, #tpu.memory_space<hbm>>
    %dma_wait3A_101 = arith.constant 0 : i32
    %dma_wait3A_102 = arith.constant 0 : i32
    %dma_wait3A_103 = tpu.memref_slice %arg6[%dma_wait3A_92, %dma_wait3A_101, %dma_wait3A_102] : memref<2x128x128xf32, #tpu.memory_space<vmem>> -> memref<1x128x128xf32, #tpu.memory_space<vmem>>
    %dma_wait3A_104 = tpu.memref_squeeze %dma_wait3A_103 : memref<1x128x128xf32, #tpu.memory_space<vmem>> -> memref<128x128xf32, #tpu.memory_space<vmem>>
    tpu.wait_dma2 semaphore(%arg13 : memref<!tpu.dma_semaphore, #tpu.memory_space<semaphore_mem>>) src(%dma_wait3A_104 : memref<128x128xf32, #tpu.memory_space<vmem>>) dst(%dma_wait3A_100 : memref<128x128xf32, #tpu.memory_space<hbm>>)
    %dma_wait3A_105 = arith.constant 1 : i32
    %dma_wait3A_106 = arith.constant 0 : i32
    %dma_wait3A_107 = tpu.memref_slice %arg5[%dma_wait3A_105, %dma_wait3A_106] : memref<2x128xi32, #tpu.memory_space<vmem>> -> memref<1x128xi32, #tpu.memory_space<vmem>>
    %dma_wait3A_108 = tpu.memref_squeeze %dma_wait3A_107 : memref<1x128xi32, #tpu.memory_space<vmem>> -> memref<128xi32, #tpu.memory_space<vmem>>
    %dma_wait3A_109 = tpu.memref_slice %arg3[%multiple_of3A] : memref<163840xi32, #tpu.memory_space<hbm>> -> memref<128xi32, #tpu.memory_space<hbm>>
    %dma_wait3A_110 = arith.constant 0 : i32
    %dma_wait3A_111 = tpu.memref_slice %arg5[%dma_wait3A_105, %dma_wait3A_110] : memref<2x128xi32, #tpu.memory_space<vmem>> -> memref<1x128xi32, #tpu.memory_space<vmem>>
    %dma_wait3A_112 = tpu.memref_squeeze %dma_wait3A_111 : memref<1x128xi32, #tpu.memory_space<vmem>> -> memref<128xi32, #tpu.memory_space<vmem>>
    %dma_wait3A_113 = tpu.memref_slice %arg3[%multiple_of3A] : memref<163840xi32, #tpu.memory_space<hbm>> -> memref<128xi32, #tpu.memory_space<hbm>>
    tpu.wait_dma2 semaphore(%arg9 : memref<!tpu.dma_semaphore, #tpu.memory_space<semaphore_mem>>) src(%dma_wait3A_113 : memref<128xi32, #tpu.memory_space<hbm>>) dst(%dma_wait3A_112 : memref<128xi32, #tpu.memory_space<vmem>>)
    return
  }
}

#map = affine_map<(d0, d1) -> (0, 0)>
#map1 = affine_map<(d0, d1) -> (0)>
#map2 = affine_map<(d0, d1) -> (0, 0, 0)>
module attributes {stable_mosaic.version = 14 : i64} {
  func.func @k(%arg0: i32, %arg1: i32, %arg2: memref<163840x128xf32, #tpu.memory_space<hbm>>, %arg3: memref<163840xi32, #tpu.memory_space<hbm>>, %arg4: memref<10112x128xf32, #tpu.memory_space<hbm>>, %arg5: memref<2x10112x128xf32, #tpu.memory_space<hbm>>, %arg6: memref<2x128xi32, #tpu.memory_space<vmem>>, %arg7: memref<2x128x128xf32, #tpu.memory_space<vmem>>, %arg8: memref<10112x128xf32, #tpu.memory_space<vmem_shared>>, %arg9: memref<!tpu.dma_semaphore, #tpu.memory_space<semaphore_mem>>, %arg10: memref<!tpu.dma_semaphore, #tpu.memory_space<semaphore_mem>>, %arg11: memref<!tpu.dma_semaphore, #tpu.memory_space<semaphore_mem>>, %arg12: memref<!tpu.dma_semaphore, #tpu.memory_space<semaphore_mem>>) attributes {dimension_semantics = [#tpu.dimension_semantics<core_parallel>, #tpu.dimension_semantics<subcore_parallel>], iteration_bounds = array<i64: 2, 16>, scalar_prefetch = 0 : i64, scratch_operands = 7 : i64, tpu.core_type = #tpu.core_type<sc_vector_subcore>, window_params = [{transform_indices = #map}, {transform_indices = #map1}, {transform_indices = #map}, {transform_indices = #map2}]} {
    %mul3A = arith.constant 632 : i32
    %mul3A_0 = arith.muli %arg1, %mul3A : i32
    %multiple_of3A = tpu.assume_multiple %mul3A_0, 8 : i32
    "tpu.region"() ({
      %run_scoped3A = tpu.sem_alloc : memref<!tpu.dma_semaphore, #tpu.memory_space<semaphore_mem>>
      %dma_start3A_109 = arith.constant 0 : i32
      %dma_start3A_110 = tpu.memref_slice %arg8[%multiple_of3A, %dma_start3A_109] : memref<10112x128xf32, #tpu.memory_space<vmem_shared>> -> memref<632x128xf32, #tpu.memory_space<vmem_shared>>
      %dma_start3A_111 = arith.constant 0 : i32
      %dma_start3A_112 = tpu.memref_slice %arg4[%multiple_of3A, %dma_start3A_111] : memref<10112x128xf32, #tpu.memory_space<hbm>> -> memref<632x128xf32, #tpu.memory_space<hbm>>
      tpu.enqueue_dma source(%dma_start3A_112 : memref<632x128xf32, #tpu.memory_space<hbm>>) target(%dma_start3A_110 : memref<632x128xf32, #tpu.memory_space<vmem_shared>>) target_semaphore(%run_scoped3A : memref<!tpu.dma_semaphore, #tpu.memory_space<semaphore_mem>>)
      %dma_wait3A_113 = arith.constant 0 : i32
      %dma_wait3A_114 = tpu.memref_slice %arg8[%multiple_of3A, %dma_wait3A_113] : memref<10112x128xf32, #tpu.memory_space<vmem_shared>> -> memref<632x128xf32, #tpu.memory_space<vmem_shared>>
      %dma_wait3A_115 = arith.constant 0 : i32
      %dma_wait3A_116 = tpu.memref_slice %arg4[%multiple_of3A, %dma_wait3A_115] : memref<10112x128xf32, #tpu.memory_space<hbm>> -> memref<632x128xf32, #tpu.memory_space<hbm>>
      tpu.wait_dma2 semaphore(%run_scoped3A : memref<!tpu.dma_semaphore, #tpu.memory_space<semaphore_mem>>) src(%dma_wait3A_116 : memref<632x128xf32, #tpu.memory_space<hbm>>) dst(%dma_wait3A_114 : memref<632x128xf32, #tpu.memory_space<vmem_shared>>)
      tpu.yield
    }) : () -> ()
    %mul3A_1 = arith.constant 81920 : i32
    %mul3A_2 = arith.muli %arg0, %mul3A_1 : i32
    %mul3A_3 = arith.constant 5120 : i32
    %mul3A_4 = arith.muli %arg1, %mul3A_3 : i32
    %add3A = arith.addi %mul3A_2, %mul3A_4 : i32
    %multiple_of3A_5 = tpu.assume_multiple %add3A, 128 : i32
    %add3A_6 = arith.constant 0 : i32
    %add3A_7 = arith.addi %multiple_of3A_5, %add3A_6 : i32
    %multiple_of3A_8 = tpu.assume_multiple %add3A_7, 128 : i32
    %dma_start3A = arith.constant 0 : i32
    %dma_start3A_9 = arith.constant 0 : i32
    %dma_start3A_10 = tpu.memref_slice %arg6[%dma_start3A, %dma_start3A_9] : memref<2x128xi32, #tpu.memory_space<vmem>> -> memref<1x128xi32, #tpu.memory_space<vmem>>
    %dma_start3A_11 = tpu.memref_squeeze %dma_start3A_10 : memref<1x128xi32, #tpu.memory_space<vmem>> -> memref<128xi32, #tpu.memory_space<vmem>>
    %dma_start3A_12 = tpu.memref_slice %arg3[%multiple_of3A_8] : memref<163840xi32, #tpu.memory_space<hbm>> -> memref<128xi32, #tpu.memory_space<hbm>>
    %dma_start3A_13 = arith.constant 0 : i32
    %dma_start3A_14 = tpu.memref_slice %arg6[%dma_start3A, %dma_start3A_13] : memref<2x128xi32, #tpu.memory_space<vmem>> -> memref<1x128xi32, #tpu.memory_space<vmem>>
    %dma_start3A_15 = tpu.memref_squeeze %dma_start3A_14 : memref<1x128xi32, #tpu.memory_space<vmem>> -> memref<128xi32, #tpu.memory_space<vmem>>
    %dma_start3A_16 = tpu.memref_slice %arg3[%multiple_of3A_8] : memref<163840xi32, #tpu.memory_space<hbm>> -> memref<128xi32, #tpu.memory_space<hbm>>
    tpu.enqueue_dma source(%dma_start3A_16 : memref<128xi32, #tpu.memory_space<hbm>>) target(%dma_start3A_15 : memref<128xi32, #tpu.memory_space<vmem>>) target_semaphore(%arg9 : memref<!tpu.dma_semaphore, #tpu.memory_space<semaphore_mem>>)
    %dma_start3A_17 = arith.constant 0 : i32
    %dma_start3A_18 = arith.constant 0 : i32
    %dma_start3A_19 = arith.constant 0 : i32
    %dma_start3A_20 = tpu.memref_slice %arg7[%dma_start3A_17, %dma_start3A_18, %dma_start3A_19] : memref<2x128x128xf32, #tpu.memory_space<vmem>> -> memref<1x128x128xf32, #tpu.memory_space<vmem>>
    %dma_start3A_21 = tpu.memref_squeeze %dma_start3A_20 : memref<1x128x128xf32, #tpu.memory_space<vmem>> -> memref<128x128xf32, #tpu.memory_space<vmem>>
    %dma_start3A_22 = arith.constant 0 : i32
    %dma_start3A_23 = tpu.memref_slice %arg2[%multiple_of3A_8, %dma_start3A_22] : memref<163840x128xf32, #tpu.memory_space<hbm>> -> memref<128x128xf32, #tpu.memory_space<hbm>>
    %dma_start3A_24 = arith.constant 0 : i32
    %dma_start3A_25 = arith.constant 0 : i32
    %dma_start3A_26 = tpu.memref_slice %arg7[%dma_start3A_17, %dma_start3A_24, %dma_start3A_25] : memref<2x128x128xf32, #tpu.memory_space<vmem>> -> memref<1x128x128xf32, #tpu.memory_space<vmem>>
    %dma_start3A_27 = tpu.memref_squeeze %dma_start3A_26 : memref<1x128x128xf32, #tpu.memory_space<vmem>> -> memref<128x128xf32, #tpu.memory_space<vmem>>
    %dma_start3A_28 = arith.constant 0 : i32
    %dma_start3A_29 = tpu.memref_slice %arg2[%multiple_of3A_8, %dma_start3A_28] : memref<163840x128xf32, #tpu.memory_space<hbm>> -> memref<128x128xf32, #tpu.memory_space<hbm>>
    tpu.enqueue_dma source(%dma_start3A_29 : memref<128x128xf32, #tpu.memory_space<hbm>>) target(%dma_start3A_27 : memref<128x128xf32, #tpu.memory_space<vmem>>) target_semaphore(%arg11 : memref<!tpu.dma_semaphore, #tpu.memory_space<semaphore_mem>>)
    %add3A_30 = arith.constant 128 : i32
    %add3A_31 = arith.addi %multiple_of3A_5, %add3A_30 : i32
    %multiple_of3A_32 = tpu.assume_multiple %add3A_31, 128 : i32
    %dma_start3A_33 = arith.constant 1 : i32
    %dma_start3A_34 = arith.constant 0 : i32
    %dma_start3A_35 = tpu.memref_slice %arg6[%dma_start3A_33, %dma_start3A_34] : memref<2x128xi32, #tpu.memory_space<vmem>> -> memref<1x128xi32, #tpu.memory_space<vmem>>
    %dma_start3A_36 = tpu.memref_squeeze %dma_start3A_35 : memref<1x128xi32, #tpu.memory_space<vmem>> -> memref<128xi32, #tpu.memory_space<vmem>>
    %dma_start3A_37 = tpu.memref_slice %arg3[%multiple_of3A_32] : memref<163840xi32, #tpu.memory_space<hbm>> -> memref<128xi32, #tpu.memory_space<hbm>>
    %dma_start3A_38 = arith.constant 0 : i32
    %dma_start3A_39 = tpu.memref_slice %arg6[%dma_start3A_33, %dma_start3A_38] : memref<2x128xi32, #tpu.memory_space<vmem>> -> memref<1x128xi32, #tpu.memory_space<vmem>>
    %dma_start3A_40 = tpu.memref_squeeze %dma_start3A_39 : memref<1x128xi32, #tpu.memory_space<vmem>> -> memref<128xi32, #tpu.memory_space<vmem>>
    %dma_start3A_41 = tpu.memref_slice %arg3[%multiple_of3A_32] : memref<163840xi32, #tpu.memory_space<hbm>> -> memref<128xi32, #tpu.memory_space<hbm>>
    tpu.enqueue_dma source(%dma_start3A_41 : memref<128xi32, #tpu.memory_space<hbm>>) target(%dma_start3A_40 : memref<128xi32, #tpu.memory_space<vmem>>) target_semaphore(%arg10 : memref<!tpu.dma_semaphore, #tpu.memory_space<semaphore_mem>>)
    %dma_start3A_42 = arith.constant 1 : i32
    %dma_start3A_43 = arith.constant 0 : i32
    %dma_start3A_44 = arith.constant 0 : i32
    %dma_start3A_45 = tpu.memref_slice %arg7[%dma_start3A_42, %dma_start3A_43, %dma_start3A_44] : memref<2x128x128xf32, #tpu.memory_space<vmem>> -> memref<1x128x128xf32, #tpu.memory_space<vmem>>
    %dma_start3A_46 = tpu.memref_squeeze %dma_start3A_45 : memref<1x128x128xf32, #tpu.memory_space<vmem>> -> memref<128x128xf32, #tpu.memory_space<vmem>>
    %dma_start3A_47 = arith.constant 0 : i32
    %dma_start3A_48 = tpu.memref_slice %arg2[%multiple_of3A_32, %dma_start3A_47] : memref<163840x128xf32, #tpu.memory_space<hbm>> -> memref<128x128xf32, #tpu.memory_space<hbm>>
    %dma_start3A_49 = arith.constant 0 : i32
    %dma_start3A_50 = arith.constant 0 : i32
    %dma_start3A_51 = tpu.memref_slice %arg7[%dma_start3A_42, %dma_start3A_49, %dma_start3A_50] : memref<2x128x128xf32, #tpu.memory_space<vmem>> -> memref<1x128x128xf32, #tpu.memory_space<vmem>>
    %dma_start3A_52 = tpu.memref_squeeze %dma_start3A_51 : memref<1x128x128xf32, #tpu.memory_space<vmem>> -> memref<128x128xf32, #tpu.memory_space<vmem>>
    %dma_start3A_53 = arith.constant 0 : i32
    %dma_start3A_54 = tpu.memref_slice %arg2[%multiple_of3A_32, %dma_start3A_53] : memref<163840x128xf32, #tpu.memory_space<hbm>> -> memref<128x128xf32, #tpu.memory_space<hbm>>
    tpu.enqueue_dma source(%dma_start3A_54 : memref<128x128xf32, #tpu.memory_space<hbm>>) target(%dma_start3A_52 : memref<128x128xf32, #tpu.memory_space<vmem>>) target_semaphore(%arg12 : memref<!tpu.dma_semaphore, #tpu.memory_space<semaphore_mem>>)
    %barrier3A = arith.constant 0 : index
    tpu.barrier barrier_id(%barrier3A)
    %scan3A = arith.constant 0 : i32
    %scan3A_55 = arith.constant 20 : i32
    %scan3A_56 = arith.addi %scan3A, %scan3A_55 : i32
    %scan3A_57 = arith.constant 1 : i32
    scf.for %scan3A_109 = %scan3A to %scan3A_56 step %scan3A_57  : i32 {
      %mul3A_110 = arith.constant 2 : i32
      %mul3A_111 = arith.muli %scan3A_109, %mul3A_110 : i32
      %add3A_112 = arith.constant 0 : i32
      %add3A_113 = arith.addi %add3A_112, %mul3A_111 : i32
      %add3A_114 = arith.constant 0 : i32
      %add3A_115 = arith.addi %add3A_113, %add3A_114 : i32
      %mul3A_116 = arith.constant 128 : i32
      %mul3A_117 = arith.muli %add3A_115, %mul3A_116 : i32
      %add3A_118 = arith.addi %multiple_of3A_5, %mul3A_117 : i32
      %multiple_of3A_119 = tpu.assume_multiple %add3A_118, 128 : i32
      %dma_wait3A_120 = arith.constant 0 : i32
      %dma_wait3A_121 = arith.constant 0 : i32
      %dma_wait3A_122 = tpu.memref_slice %arg6[%dma_wait3A_120, %dma_wait3A_121] : memref<2x128xi32, #tpu.memory_space<vmem>> -> memref<1x128xi32, #tpu.memory_space<vmem>>
      %dma_wait3A_123 = tpu.memref_squeeze %dma_wait3A_122 : memref<1x128xi32, #tpu.memory_space<vmem>> -> memref<128xi32, #tpu.memory_space<vmem>>
      %dma_wait3A_124 = tpu.memref_slice %arg3[%multiple_of3A_119] : memref<163840xi32, #tpu.memory_space<hbm>> -> memref<128xi32, #tpu.memory_space<hbm>>
      %dma_wait3A_125 = arith.constant 0 : i32
      %dma_wait3A_126 = tpu.memref_slice %arg6[%dma_wait3A_120, %dma_wait3A_125] : memref<2x128xi32, #tpu.memory_space<vmem>> -> memref<1x128xi32, #tpu.memory_space<vmem>>
      %dma_wait3A_127 = tpu.memref_squeeze %dma_wait3A_126 : memref<1x128xi32, #tpu.memory_space<vmem>> -> memref<128xi32, #tpu.memory_space<vmem>>
      %dma_wait3A_128 = tpu.memref_slice %arg3[%multiple_of3A_119] : memref<163840xi32, #tpu.memory_space<hbm>> -> memref<128xi32, #tpu.memory_space<hbm>>
      tpu.wait_dma2 semaphore(%arg9 : memref<!tpu.dma_semaphore, #tpu.memory_space<semaphore_mem>>) src(%dma_wait3A_128 : memref<128xi32, #tpu.memory_space<hbm>>) dst(%dma_wait3A_127 : memref<128xi32, #tpu.memory_space<vmem>>)
      %dma_wait3A_129 = arith.constant 0 : i32
      %dma_wait3A_130 = arith.constant 0 : i32
      %dma_wait3A_131 = arith.constant 0 : i32
      %dma_wait3A_132 = tpu.memref_slice %arg7[%dma_wait3A_129, %dma_wait3A_130, %dma_wait3A_131] : memref<2x128x128xf32, #tpu.memory_space<vmem>> -> memref<1x128x128xf32, #tpu.memory_space<vmem>>
      %dma_wait3A_133 = tpu.memref_squeeze %dma_wait3A_132 : memref<1x128x128xf32, #tpu.memory_space<vmem>> -> memref<128x128xf32, #tpu.memory_space<vmem>>
      %dma_wait3A_134 = arith.constant 0 : i32
      %dma_wait3A_135 = tpu.memref_slice %arg2[%multiple_of3A_119, %dma_wait3A_134] : memref<163840x128xf32, #tpu.memory_space<hbm>> -> memref<128x128xf32, #tpu.memory_space<hbm>>
      %dma_wait3A_136 = arith.constant 0 : i32
      %dma_wait3A_137 = arith.constant 0 : i32
      %dma_wait3A_138 = tpu.memref_slice %arg7[%dma_wait3A_129, %dma_wait3A_136, %dma_wait3A_137] : memref<2x128x128xf32, #tpu.memory_space<vmem>> -> memref<1x128x128xf32, #tpu.memory_space<vmem>>
      %dma_wait3A_139 = tpu.memref_squeeze %dma_wait3A_138 : memref<1x128x128xf32, #tpu.memory_space<vmem>> -> memref<128x128xf32, #tpu.memory_space<vmem>>
      %dma_wait3A_140 = arith.constant 0 : i32
      %dma_wait3A_141 = tpu.memref_slice %arg2[%multiple_of3A_119, %dma_wait3A_140] : memref<163840x128xf32, #tpu.memory_space<hbm>> -> memref<128x128xf32, #tpu.memory_space<hbm>>
      tpu.wait_dma2 semaphore(%arg11 : memref<!tpu.dma_semaphore, #tpu.memory_space<semaphore_mem>>) src(%dma_wait3A_141 : memref<128x128xf32, #tpu.memory_space<hbm>>) dst(%dma_wait3A_139 : memref<128x128xf32, #tpu.memory_space<vmem>>)
      %run_scoped3A = arith.constant 0 : i32
      %run_scoped3A_142 = arith.constant 0 : i32
      "tpu.region"() ({
        %run_scoped3A_236 = tpu.sem_alloc : memref<!tpu.dma_semaphore, #tpu.memory_space<semaphore_mem>>
        %dma_start3A_237 = arith.constant 0 : i32
        %dma_start3A_238 = arith.constant 0 : i32
        %dma_start3A_239 = tpu.memref_slice %arg7[%run_scoped3A, %dma_start3A_237, %dma_start3A_238] : memref<2x128x128xf32, #tpu.memory_space<vmem>> -> memref<1x128x128xf32, #tpu.memory_space<vmem>>
        %dma_start3A_240 = tpu.memref_squeeze %dma_start3A_239 : memref<1x128x128xf32, #tpu.memory_space<vmem>> -> memref<128x128xf32, #tpu.memory_space<vmem>>
        %dma_start3A_241 = arith.constant 0 : i32
        %dma_start3A_242 = tpu.memref_slice %arg6[%run_scoped3A_142, %dma_start3A_241] : memref<2x128xi32, #tpu.memory_space<vmem>> -> memref<1x128xi32, #tpu.memory_space<vmem>>
        %dma_start3A_243 = tpu.memref_squeeze %dma_start3A_242 : memref<1x128xi32, #tpu.memory_space<vmem>> -> memref<128xi32, #tpu.memory_space<vmem>>
        %dma_start3A_244 = arith.constant 0 : i32
        %dma_start3A_245 = arith.constant 0 : i32
        %dma_start3A_246 = tpu.memref_slice %arg8[%dma_start3A_244, %dma_start3A_245] : memref<10112x128xf32, #tpu.memory_space<vmem_shared>> -> memref<10112x128xf32, #tpu.memory_space<vmem_shared>>
        tpu.enqueue_indirect_dma source(%dma_start3A_240 : memref<128x128xf32, #tpu.memory_space<vmem>>) target(%dma_start3A_246 : memref<10112x128xf32, #tpu.memory_space<vmem_shared>>) offsets(%dma_start3A_243 : memref<128xi32, #tpu.memory_space<vmem>>) semaphore(%run_scoped3A_236 : memref<!tpu.dma_semaphore, #tpu.memory_space<semaphore_mem>>) {add = true}
        %dma_wait3A_247 = arith.constant 0 : i32
        %dma_wait3A_248 = arith.constant 0 : i32
        %dma_wait3A_249 = tpu.memref_slice %arg7[%run_scoped3A, %dma_wait3A_247, %dma_wait3A_248] : memref<2x128x128xf32, #tpu.memory_space<vmem>> -> memref<1x128x128xf32, #tpu.memory_space<vmem>>
        %dma_wait3A_250 = tpu.memref_squeeze %dma_wait3A_249 : memref<1x128x128xf32, #tpu.memory_space<vmem>> -> memref<128x128xf32, #tpu.memory_space<vmem>>
        %dma_wait3A_251 = arith.constant 0 : i32
        %dma_wait3A_252 = tpu.memref_slice %arg6[%run_scoped3A_142, %dma_wait3A_251] : memref<2x128xi32, #tpu.memory_space<vmem>> -> memref<1x128xi32, #tpu.memory_space<vmem>>
        %dma_wait3A_253 = tpu.memref_squeeze %dma_wait3A_252 : memref<1x128xi32, #tpu.memory_space<vmem>> -> memref<128xi32, #tpu.memory_space<vmem>>
        %dma_wait3A_254 = arith.constant 0 : i32
        %dma_wait3A_255 = arith.constant 0 : i32
        %dma_wait3A_256 = tpu.memref_slice %arg8[%dma_wait3A_254, %dma_wait3A_255] : memref<10112x128xf32, #tpu.memory_space<vmem_shared>> -> memref<10112x128xf32, #tpu.memory_space<vmem_shared>>
        tpu.wait_indirect_dma semaphore(%run_scoped3A_236 : memref<!tpu.dma_semaphore, #tpu.memory_space<semaphore_mem>>) src(%dma_wait3A_250 : memref<128x128xf32, #tpu.memory_space<vmem>>) dst(%dma_wait3A_256 : memref<10112x128xf32, #tpu.memory_space<vmem_shared>>)
        tpu.yield
      }) : () -> ()
      %add3A_143 = arith.constant 2 : i32
      %add3A_144 = arith.addi %add3A_115, %add3A_143 : i32
      %ge3A = arith.constant 40 : i32
      %ge3A_145 = arith.cmpi sge, %add3A_144, %ge3A : i32
      %sub3A = arith.constant 40 : i32
      %sub3A_146 = arith.subi %add3A_144, %sub3A : i32
      %select_n3A = arith.select %ge3A_145, %sub3A_146, %add3A_144 : i32
      %mul3A_147 = arith.constant 128 : i32
      %mul3A_148 = arith.muli %select_n3A, %mul3A_147 : i32
      %add3A_149 = arith.addi %multiple_of3A_5, %mul3A_148 : i32
      %multiple_of3A_150 = tpu.assume_multiple %add3A_149, 128 : i32
      %dma_start3A_151 = arith.constant 0 : i32
      %dma_start3A_152 = arith.constant 0 : i32
      %dma_start3A_153 = tpu.memref_slice %arg6[%dma_start3A_151, %dma_start3A_152] : memref<2x128xi32, #tpu.memory_space<vmem>> -> memref<1x128xi32, #tpu.memory_space<vmem>>
      %dma_start3A_154 = tpu.memref_squeeze %dma_start3A_153 : memref<1x128xi32, #tpu.memory_space<vmem>> -> memref<128xi32, #tpu.memory_space<vmem>>
      %dma_start3A_155 = tpu.memref_slice %arg3[%multiple_of3A_150] : memref<163840xi32, #tpu.memory_space<hbm>> -> memref<128xi32, #tpu.memory_space<hbm>>
      %dma_start3A_156 = arith.constant 0 : i32
      %dma_start3A_157 = tpu.memref_slice %arg6[%dma_start3A_151, %dma_start3A_156] : memref<2x128xi32, #tpu.memory_space<vmem>> -> memref<1x128xi32, #tpu.memory_space<vmem>>
      %dma_start3A_158 = tpu.memref_squeeze %dma_start3A_157 : memref<1x128xi32, #tpu.memory_space<vmem>> -> memref<128xi32, #tpu.memory_space<vmem>>
      %dma_start3A_159 = tpu.memref_slice %arg3[%multiple_of3A_150] : memref<163840xi32, #tpu.memory_space<hbm>> -> memref<128xi32, #tpu.memory_space<hbm>>
      tpu.enqueue_dma source(%dma_start3A_159 : memref<128xi32, #tpu.memory_space<hbm>>) target(%dma_start3A_158 : memref<128xi32, #tpu.memory_space<vmem>>) target_semaphore(%arg9 : memref<!tpu.dma_semaphore, #tpu.memory_space<semaphore_mem>>)
      %dma_start3A_160 = arith.constant 0 : i32
      %dma_start3A_161 = arith.constant 0 : i32
      %dma_start3A_162 = arith.constant 0 : i32
      %dma_start3A_163 = tpu.memref_slice %arg7[%dma_start3A_160, %dma_start3A_161, %dma_start3A_162] : memref<2x128x128xf32, #tpu.memory_space<vmem>> -> memref<1x128x128xf32, #tpu.memory_space<vmem>>
      %dma_start3A_164 = tpu.memref_squeeze %dma_start3A_163 : memref<1x128x128xf32, #tpu.memory_space<vmem>> -> memref<128x128xf32, #tpu.memory_space<vmem>>
      %dma_start3A_165 = arith.constant 0 : i32
      %dma_start3A_166 = tpu.memref_slice %arg2[%multiple_of3A_150, %dma_start3A_165] : memref<163840x128xf32, #tpu.memory_space<hbm>> -> memref<128x128xf32, #tpu.memory_space<hbm>>
      %dma_start3A_167 = arith.constant 0 : i32
      %dma_start3A_168 = arith.constant 0 : i32
      %dma_start3A_169 = tpu.memref_slice %arg7[%dma_start3A_160, %dma_start3A_167, %dma_start3A_168] : memref<2x128x128xf32, #tpu.memory_space<vmem>> -> memref<1x128x128xf32, #tpu.memory_space<vmem>>
      %dma_start3A_170 = tpu.memref_squeeze %dma_start3A_169 : memref<1x128x128xf32, #tpu.memory_space<vmem>> -> memref<128x128xf32, #tpu.memory_space<vmem>>
      %dma_start3A_171 = arith.constant 0 : i32
      %dma_start3A_172 = tpu.memref_slice %arg2[%multiple_of3A_150, %dma_start3A_171] : memref<163840x128xf32, #tpu.memory_space<hbm>> -> memref<128x128xf32, #tpu.memory_space<hbm>>
      tpu.enqueue_dma source(%dma_start3A_172 : memref<128x128xf32, #tpu.memory_space<hbm>>) target(%dma_start3A_170 : memref<128x128xf32, #tpu.memory_space<vmem>>) target_semaphore(%arg11 : memref<!tpu.dma_semaphore, #tpu.memory_space<semaphore_mem>>)
      %add3A_173 = arith.constant 1 : i32
      %add3A_174 = arith.addi %add3A_113, %add3A_173 : i32
      %mul3A_175 = arith.constant 128 : i32
      %mul3A_176 = arith.muli %add3A_174, %mul3A_175 : i32
      %add3A_177 = arith.addi %multiple_of3A_5, %mul3A_176 : i32
      %multiple_of3A_178 = tpu.assume_multiple %add3A_177, 128 : i32
      %dma_wait3A_179 = arith.constant 1 : i32
      %dma_wait3A_180 = arith.constant 0 : i32
      %dma_wait3A_181 = tpu.memref_slice %arg6[%dma_wait3A_179, %dma_wait3A_180] : memref<2x128xi32, #tpu.memory_space<vmem>> -> memref<1x128xi32, #tpu.memory_space<vmem>>
      %dma_wait3A_182 = tpu.memref_squeeze %dma_wait3A_181 : memref<1x128xi32, #tpu.memory_space<vmem>> -> memref<128xi32, #tpu.memory_space<vmem>>
      %dma_wait3A_183 = tpu.memref_slice %arg3[%multiple_of3A_178] : memref<163840xi32, #tpu.memory_space<hbm>> -> memref<128xi32, #tpu.memory_space<hbm>>
      %dma_wait3A_184 = arith.constant 0 : i32
      %dma_wait3A_185 = tpu.memref_slice %arg6[%dma_wait3A_179, %dma_wait3A_184] : memref<2x128xi32, #tpu.memory_space<vmem>> -> memref<1x128xi32, #tpu.memory_space<vmem>>
      %dma_wait3A_186 = tpu.memref_squeeze %dma_wait3A_185 : memref<1x128xi32, #tpu.memory_space<vmem>> -> memref<128xi32, #tpu.memory_space<vmem>>
      %dma_wait3A_187 = tpu.memref_slice %arg3[%multiple_of3A_178] : memref<163840xi32, #tpu.memory_space<hbm>> -> memref<128xi32, #tpu.memory_space<hbm>>
      tpu.wait_dma2 semaphore(%arg10 : memref<!tpu.dma_semaphore, #tpu.memory_space<semaphore_mem>>) src(%dma_wait3A_187 : memref<128xi32, #tpu.memory_space<hbm>>) dst(%dma_wait3A_186 : memref<128xi32, #tpu.memory_space<vmem>>)
      %dma_wait3A_188 = arith.constant 1 : i32
      %dma_wait3A_189 = arith.constant 0 : i32
      %dma_wait3A_190 = arith.constant 0 : i32
      %dma_wait3A_191 = tpu.memref_slice %arg7[%dma_wait3A_188, %dma_wait3A_189, %dma_wait3A_190] : memref<2x128x128xf32, #tpu.memory_space<vmem>> -> memref<1x128x128xf32, #tpu.memory_space<vmem>>
      %dma_wait3A_192 = tpu.memref_squeeze %dma_wait3A_191 : memref<1x128x128xf32, #tpu.memory_space<vmem>> -> memref<128x128xf32, #tpu.memory_space<vmem>>
      %dma_wait3A_193 = arith.constant 0 : i32
      %dma_wait3A_194 = tpu.memref_slice %arg2[%multiple_of3A_178, %dma_wait3A_193] : memref<163840x128xf32, #tpu.memory_space<hbm>> -> memref<128x128xf32, #tpu.memory_space<hbm>>
      %dma_wait3A_195 = arith.constant 0 : i32
      %dma_wait3A_196 = arith.constant 0 : i32
      %dma_wait3A_197 = tpu.memref_slice %arg7[%dma_wait3A_188, %dma_wait3A_195, %dma_wait3A_196] : memref<2x128x128xf32, #tpu.memory_space<vmem>> -> memref<1x128x128xf32, #tpu.memory_space<vmem>>
      %dma_wait3A_198 = tpu.memref_squeeze %dma_wait3A_197 : memref<1x128x128xf32, #tpu.memory_space<vmem>> -> memref<128x128xf32, #tpu.memory_space<vmem>>
      %dma_wait3A_199 = arith.constant 0 : i32
      %dma_wait3A_200 = tpu.memref_slice %arg2[%multiple_of3A_178, %dma_wait3A_199] : memref<163840x128xf32, #tpu.memory_space<hbm>> -> memref<128x128xf32, #tpu.memory_space<hbm>>
      tpu.wait_dma2 semaphore(%arg12 : memref<!tpu.dma_semaphore, #tpu.memory_space<semaphore_mem>>) src(%dma_wait3A_200 : memref<128x128xf32, #tpu.memory_space<hbm>>) dst(%dma_wait3A_198 : memref<128x128xf32, #tpu.memory_space<vmem>>)
      %run_scoped3A_201 = arith.constant 1 : i32
      %run_scoped3A_202 = arith.constant 1 : i32
      "tpu.region"() ({
        %run_scoped3A_236 = tpu.sem_alloc : memref<!tpu.dma_semaphore, #tpu.memory_space<semaphore_mem>>
        %dma_start3A_237 = arith.constant 0 : i32
        %dma_start3A_238 = arith.constant 0 : i32
        %dma_start3A_239 = tpu.memref_slice %arg7[%run_scoped3A_201, %dma_start3A_237, %dma_start3A_238] : memref<2x128x128xf32, #tpu.memory_space<vmem>> -> memref<1x128x128xf32, #tpu.memory_space<vmem>>
        %dma_start3A_240 = tpu.memref_squeeze %dma_start3A_239 : memref<1x128x128xf32, #tpu.memory_space<vmem>> -> memref<128x128xf32, #tpu.memory_space<vmem>>
        %dma_start3A_241 = arith.constant 0 : i32
        %dma_start3A_242 = tpu.memref_slice %arg6[%run_scoped3A_202, %dma_start3A_241] : memref<2x128xi32, #tpu.memory_space<vmem>> -> memref<1x128xi32, #tpu.memory_space<vmem>>
        %dma_start3A_243 = tpu.memref_squeeze %dma_start3A_242 : memref<1x128xi32, #tpu.memory_space<vmem>> -> memref<128xi32, #tpu.memory_space<vmem>>
        %dma_start3A_244 = arith.constant 0 : i32
        %dma_start3A_245 = arith.constant 0 : i32
        %dma_start3A_246 = tpu.memref_slice %arg8[%dma_start3A_244, %dma_start3A_245] : memref<10112x128xf32, #tpu.memory_space<vmem_shared>> -> memref<10112x128xf32, #tpu.memory_space<vmem_shared>>
        tpu.enqueue_indirect_dma source(%dma_start3A_240 : memref<128x128xf32, #tpu.memory_space<vmem>>) target(%dma_start3A_246 : memref<10112x128xf32, #tpu.memory_space<vmem_shared>>) offsets(%dma_start3A_243 : memref<128xi32, #tpu.memory_space<vmem>>) semaphore(%run_scoped3A_236 : memref<!tpu.dma_semaphore, #tpu.memory_space<semaphore_mem>>) {add = true}
        %dma_wait3A_247 = arith.constant 0 : i32
        %dma_wait3A_248 = arith.constant 0 : i32
        %dma_wait3A_249 = tpu.memref_slice %arg7[%run_scoped3A_201, %dma_wait3A_247, %dma_wait3A_248] : memref<2x128x128xf32, #tpu.memory_space<vmem>> -> memref<1x128x128xf32, #tpu.memory_space<vmem>>
        %dma_wait3A_250 = tpu.memref_squeeze %dma_wait3A_249 : memref<1x128x128xf32, #tpu.memory_space<vmem>> -> memref<128x128xf32, #tpu.memory_space<vmem>>
        %dma_wait3A_251 = arith.constant 0 : i32
        %dma_wait3A_252 = tpu.memref_slice %arg6[%run_scoped3A_202, %dma_wait3A_251] : memref<2x128xi32, #tpu.memory_space<vmem>> -> memref<1x128xi32, #tpu.memory_space<vmem>>
        %dma_wait3A_253 = tpu.memref_squeeze %dma_wait3A_252 : memref<1x128xi32, #tpu.memory_space<vmem>> -> memref<128xi32, #tpu.memory_space<vmem>>
        %dma_wait3A_254 = arith.constant 0 : i32
        %dma_wait3A_255 = arith.constant 0 : i32
        %dma_wait3A_256 = tpu.memref_slice %arg8[%dma_wait3A_254, %dma_wait3A_255] : memref<10112x128xf32, #tpu.memory_space<vmem_shared>> -> memref<10112x128xf32, #tpu.memory_space<vmem_shared>>
        tpu.wait_indirect_dma semaphore(%run_scoped3A_236 : memref<!tpu.dma_semaphore, #tpu.memory_space<semaphore_mem>>) src(%dma_wait3A_250 : memref<128x128xf32, #tpu.memory_space<vmem>>) dst(%dma_wait3A_256 : memref<10112x128xf32, #tpu.memory_space<vmem_shared>>)
        tpu.yield
      }) : () -> ()
      %add3A_203 = arith.constant 2 : i32
      %add3A_204 = arith.addi %add3A_174, %add3A_203 : i32
      %ge3A_205 = arith.constant 40 : i32
      %ge3A_206 = arith.cmpi sge, %add3A_204, %ge3A_205 : i32
      %sub3A_207 = arith.constant 40 : i32
      %sub3A_208 = arith.subi %add3A_204, %sub3A_207 : i32
      %select_n3A_209 = arith.select %ge3A_206, %sub3A_208, %add3A_204 : i32
      %mul3A_210 = arith.constant 128 : i32
      %mul3A_211 = arith.muli %select_n3A_209, %mul3A_210 : i32
      %add3A_212 = arith.addi %multiple_of3A_5, %mul3A_211 : i32
      %multiple_of3A_213 = tpu.assume_multiple %add3A_212, 128 : i32
      %dma_start3A_214 = arith.constant 1 : i32
      %dma_start3A_215 = arith.constant 0 : i32
      %dma_start3A_216 = tpu.memref_slice %arg6[%dma_start3A_214, %dma_start3A_215] : memref<2x128xi32, #tpu.memory_space<vmem>> -> memref<1x128xi32, #tpu.memory_space<vmem>>
      %dma_start3A_217 = tpu.memref_squeeze %dma_start3A_216 : memref<1x128xi32, #tpu.memory_space<vmem>> -> memref<128xi32, #tpu.memory_space<vmem>>
      %dma_start3A_218 = tpu.memref_slice %arg3[%multiple_of3A_213] : memref<163840xi32, #tpu.memory_space<hbm>> -> memref<128xi32, #tpu.memory_space<hbm>>
      %dma_start3A_219 = arith.constant 0 : i32
      %dma_start3A_220 = tpu.memref_slice %arg6[%dma_start3A_214, %dma_start3A_219] : memref<2x128xi32, #tpu.memory_space<vmem>> -> memref<1x128xi32, #tpu.memory_space<vmem>>
      %dma_start3A_221 = tpu.memref_squeeze %dma_start3A_220 : memref<1x128xi32, #tpu.memory_space<vmem>> -> memref<128xi32, #tpu.memory_space<vmem>>
      %dma_start3A_222 = tpu.memref_slice %arg3[%multiple_of3A_213] : memref<163840xi32, #tpu.memory_space<hbm>> -> memref<128xi32, #tpu.memory_space<hbm>>
      tpu.enqueue_dma source(%dma_start3A_222 : memref<128xi32, #tpu.memory_space<hbm>>) target(%dma_start3A_221 : memref<128xi32, #tpu.memory_space<vmem>>) target_semaphore(%arg10 : memref<!tpu.dma_semaphore, #tpu.memory_space<semaphore_mem>>)
      %dma_start3A_223 = arith.constant 1 : i32
      %dma_start3A_224 = arith.constant 0 : i32
      %dma_start3A_225 = arith.constant 0 : i32
      %dma_start3A_226 = tpu.memref_slice %arg7[%dma_start3A_223, %dma_start3A_224, %dma_start3A_225] : memref<2x128x128xf32, #tpu.memory_space<vmem>> -> memref<1x128x128xf32, #tpu.memory_space<vmem>>
      %dma_start3A_227 = tpu.memref_squeeze %dma_start3A_226 : memref<1x128x128xf32, #tpu.memory_space<vmem>> -> memref<128x128xf32, #tpu.memory_space<vmem>>
      %dma_start3A_228 = arith.constant 0 : i32
      %dma_start3A_229 = tpu.memref_slice %arg2[%multiple_of3A_213, %dma_start3A_228] : memref<163840x128xf32, #tpu.memory_space<hbm>> -> memref<128x128xf32, #tpu.memory_space<hbm>>
      %dma_start3A_230 = arith.constant 0 : i32
      %dma_start3A_231 = arith.constant 0 : i32
      %dma_start3A_232 = tpu.memref_slice %arg7[%dma_start3A_223, %dma_start3A_230, %dma_start3A_231] : memref<2x128x128xf32, #tpu.memory_space<vmem>> -> memref<1x128x128xf32, #tpu.memory_space<vmem>>
      %dma_start3A_233 = tpu.memref_squeeze %dma_start3A_232 : memref<1x128x128xf32, #tpu.memory_space<vmem>> -> memref<128x128xf32, #tpu.memory_space<vmem>>
      %dma_start3A_234 = arith.constant 0 : i32
      %dma_start3A_235 = tpu.memref_slice %arg2[%multiple_of3A_213, %dma_start3A_234] : memref<163840x128xf32, #tpu.memory_space<hbm>> -> memref<128x128xf32, #tpu.memory_space<hbm>>
      tpu.enqueue_dma source(%dma_start3A_235 : memref<128x128xf32, #tpu.memory_space<hbm>>) target(%dma_start3A_233 : memref<128x128xf32, #tpu.memory_space<vmem>>) target_semaphore(%arg12 : memref<!tpu.dma_semaphore, #tpu.memory_space<semaphore_mem>>)
    }
    %scan3A_58 = arith.constant 20 : i32
    %add3A_59 = arith.constant 0 : i32
    %add3A_60 = arith.addi %multiple_of3A_5, %add3A_59 : i32
    %multiple_of3A_61 = tpu.assume_multiple %add3A_60, 128 : i32
    %dma_wait3A = arith.constant 0 : i32
    %dma_wait3A_62 = arith.constant 0 : i32
    %dma_wait3A_63 = tpu.memref_slice %arg6[%dma_wait3A, %dma_wait3A_62] : memref<2x128xi32, #tpu.memory_space<vmem>> -> memref<1x128xi32, #tpu.memory_space<vmem>>
    %dma_wait3A_64 = tpu.memref_squeeze %dma_wait3A_63 : memref<1x128xi32, #tpu.memory_space<vmem>> -> memref<128xi32, #tpu.memory_space<vmem>>
    %dma_wait3A_65 = tpu.memref_slice %arg3[%multiple_of3A_61] : memref<163840xi32, #tpu.memory_space<hbm>> -> memref<128xi32, #tpu.memory_space<hbm>>
    %dma_wait3A_66 = arith.constant 0 : i32
    %dma_wait3A_67 = tpu.memref_slice %arg6[%dma_wait3A, %dma_wait3A_66] : memref<2x128xi32, #tpu.memory_space<vmem>> -> memref<1x128xi32, #tpu.memory_space<vmem>>
    %dma_wait3A_68 = tpu.memref_squeeze %dma_wait3A_67 : memref<1x128xi32, #tpu.memory_space<vmem>> -> memref<128xi32, #tpu.memory_space<vmem>>
    %dma_wait3A_69 = tpu.memref_slice %arg3[%multiple_of3A_61] : memref<163840xi32, #tpu.memory_space<hbm>> -> memref<128xi32, #tpu.memory_space<hbm>>
    tpu.wait_dma2 semaphore(%arg9 : memref<!tpu.dma_semaphore, #tpu.memory_space<semaphore_mem>>) src(%dma_wait3A_69 : memref<128xi32, #tpu.memory_space<hbm>>) dst(%dma_wait3A_68 : memref<128xi32, #tpu.memory_space<vmem>>)
    %dma_wait3A_70 = arith.constant 0 : i32
    %dma_wait3A_71 = arith.constant 0 : i32
    %dma_wait3A_72 = arith.constant 0 : i32
    %dma_wait3A_73 = tpu.memref_slice %arg7[%dma_wait3A_70, %dma_wait3A_71, %dma_wait3A_72] : memref<2x128x128xf32, #tpu.memory_space<vmem>> -> memref<1x128x128xf32, #tpu.memory_space<vmem>>
    %dma_wait3A_74 = tpu.memref_squeeze %dma_wait3A_73 : memref<1x128x128xf32, #tpu.memory_space<vmem>> -> memref<128x128xf32, #tpu.memory_space<vmem>>
    %dma_wait3A_75 = arith.constant 0 : i32
    %dma_wait3A_76 = tpu.memref_slice %arg2[%multiple_of3A_61, %dma_wait3A_75] : memref<163840x128xf32, #tpu.memory_space<hbm>> -> memref<128x128xf32, #tpu.memory_space<hbm>>
    %dma_wait3A_77 = arith.constant 0 : i32
    %dma_wait3A_78 = arith.constant 0 : i32
    %dma_wait3A_79 = tpu.memref_slice %arg7[%dma_wait3A_70, %dma_wait3A_77, %dma_wait3A_78] : memref<2x128x128xf32, #tpu.memory_space<vmem>> -> memref<1x128x128xf32, #tpu.memory_space<vmem>>
    %dma_wait3A_80 = tpu.memref_squeeze %dma_wait3A_79 : memref<1x128x128xf32, #tpu.memory_space<vmem>> -> memref<128x128xf32, #tpu.memory_space<vmem>>
    %dma_wait3A_81 = arith.constant 0 : i32
    %dma_wait3A_82 = tpu.memref_slice %arg2[%multiple_of3A_61, %dma_wait3A_81] : memref<163840x128xf32, #tpu.memory_space<hbm>> -> memref<128x128xf32, #tpu.memory_space<hbm>>
    tpu.wait_dma2 semaphore(%arg11 : memref<!tpu.dma_semaphore, #tpu.memory_space<semaphore_mem>>) src(%dma_wait3A_82 : memref<128x128xf32, #tpu.memory_space<hbm>>) dst(%dma_wait3A_80 : memref<128x128xf32, #tpu.memory_space<vmem>>)
    %add3A_83 = arith.constant 128 : i32
    %add3A_84 = arith.addi %multiple_of3A_5, %add3A_83 : i32
    %multiple_of3A_85 = tpu.assume_multiple %add3A_84, 128 : i32
    %dma_wait3A_86 = arith.constant 1 : i32
    %dma_wait3A_87 = arith.constant 0 : i32
    %dma_wait3A_88 = tpu.memref_slice %arg6[%dma_wait3A_86, %dma_wait3A_87] : memref<2x128xi32, #tpu.memory_space<vmem>> -> memref<1x128xi32, #tpu.memory_space<vmem>>
    %dma_wait3A_89 = tpu.memref_squeeze %dma_wait3A_88 : memref<1x128xi32, #tpu.memory_space<vmem>> -> memref<128xi32, #tpu.memory_space<vmem>>
    %dma_wait3A_90 = tpu.memref_slice %arg3[%multiple_of3A_85] : memref<163840xi32, #tpu.memory_space<hbm>> -> memref<128xi32, #tpu.memory_space<hbm>>
    %dma_wait3A_91 = arith.constant 0 : i32
    %dma_wait3A_92 = tpu.memref_slice %arg6[%dma_wait3A_86, %dma_wait3A_91] : memref<2x128xi32, #tpu.memory_space<vmem>> -> memref<1x128xi32, #tpu.memory_space<vmem>>
    %dma_wait3A_93 = tpu.memref_squeeze %dma_wait3A_92 : memref<1x128xi32, #tpu.memory_space<vmem>> -> memref<128xi32, #tpu.memory_space<vmem>>
    %dma_wait3A_94 = tpu.memref_slice %arg3[%multiple_of3A_85] : memref<163840xi32, #tpu.memory_space<hbm>> -> memref<128xi32, #tpu.memory_space<hbm>>
    tpu.wait_dma2 semaphore(%arg10 : memref<!tpu.dma_semaphore, #tpu.memory_space<semaphore_mem>>) src(%dma_wait3A_94 : memref<128xi32, #tpu.memory_space<hbm>>) dst(%dma_wait3A_93 : memref<128xi32, #tpu.memory_space<vmem>>)
    %dma_wait3A_95 = arith.constant 1 : i32
    %dma_wait3A_96 = arith.constant 0 : i32
    %dma_wait3A_97 = arith.constant 0 : i32
    %dma_wait3A_98 = tpu.memref_slice %arg7[%dma_wait3A_95, %dma_wait3A_96, %dma_wait3A_97] : memref<2x128x128xf32, #tpu.memory_space<vmem>> -> memref<1x128x128xf32, #tpu.memory_space<vmem>>
    %dma_wait3A_99 = tpu.memref_squeeze %dma_wait3A_98 : memref<1x128x128xf32, #tpu.memory_space<vmem>> -> memref<128x128xf32, #tpu.memory_space<vmem>>
    %dma_wait3A_100 = arith.constant 0 : i32
    %dma_wait3A_101 = tpu.memref_slice %arg2[%multiple_of3A_85, %dma_wait3A_100] : memref<163840x128xf32, #tpu.memory_space<hbm>> -> memref<128x128xf32, #tpu.memory_space<hbm>>
    %dma_wait3A_102 = arith.constant 0 : i32
    %dma_wait3A_103 = arith.constant 0 : i32
    %dma_wait3A_104 = tpu.memref_slice %arg7[%dma_wait3A_95, %dma_wait3A_102, %dma_wait3A_103] : memref<2x128x128xf32, #tpu.memory_space<vmem>> -> memref<1x128x128xf32, #tpu.memory_space<vmem>>
    %dma_wait3A_105 = tpu.memref_squeeze %dma_wait3A_104 : memref<1x128x128xf32, #tpu.memory_space<vmem>> -> memref<128x128xf32, #tpu.memory_space<vmem>>
    %dma_wait3A_106 = arith.constant 0 : i32
    %dma_wait3A_107 = tpu.memref_slice %arg2[%multiple_of3A_85, %dma_wait3A_106] : memref<163840x128xf32, #tpu.memory_space<hbm>> -> memref<128x128xf32, #tpu.memory_space<hbm>>
    tpu.wait_dma2 semaphore(%arg12 : memref<!tpu.dma_semaphore, #tpu.memory_space<semaphore_mem>>) src(%dma_wait3A_107 : memref<128x128xf32, #tpu.memory_space<hbm>>) dst(%dma_wait3A_105 : memref<128x128xf32, #tpu.memory_space<vmem>>)
    %barrier3A_108 = arith.constant 0 : index
    tpu.barrier barrier_id(%barrier3A_108)
    "tpu.region"() ({
      %run_scoped3A = tpu.sem_alloc : memref<!tpu.dma_semaphore, #tpu.memory_space<semaphore_mem>>
      %dma_start3A_109 = arith.constant 0 : i32
      %dma_start3A_110 = arith.constant 0 : i32
      %dma_start3A_111 = tpu.memref_slice %arg5[%arg0, %dma_start3A_109, %dma_start3A_110] : memref<2x10112x128xf32, #tpu.memory_space<hbm>> -> memref<1x10112x128xf32, #tpu.memory_space<hbm>>
      %dma_start3A_112 = tpu.memref_squeeze %dma_start3A_111 : memref<1x10112x128xf32, #tpu.memory_space<hbm>> -> memref<10112x128xf32, #tpu.memory_space<hbm>>
      %dma_start3A_113 = arith.constant 0 : i32
      %dma_start3A_114 = tpu.memref_slice %dma_start3A_112[%multiple_of3A, %dma_start3A_113] : memref<10112x128xf32, #tpu.memory_space<hbm>> -> memref<632x128xf32, #tpu.memory_space<hbm>>
      %dma_start3A_115 = arith.constant 0 : i32
      %dma_start3A_116 = tpu.memref_slice %arg8[%multiple_of3A, %dma_start3A_115] : memref<10112x128xf32, #tpu.memory_space<vmem_shared>> -> memref<632x128xf32, #tpu.memory_space<vmem_shared>>
      tpu.enqueue_dma source(%dma_start3A_116 : memref<632x128xf32, #tpu.memory_space<vmem_shared>>) target(%dma_start3A_114 : memref<632x128xf32, #tpu.memory_space<hbm>>) target_semaphore(%run_scoped3A : memref<!tpu.dma_semaphore, #tpu.memory_space<semaphore_mem>>)
      %dma_wait3A_117 = arith.constant 0 : i32
      %dma_wait3A_118 = arith.constant 0 : i32
      %dma_wait3A_119 = tpu.memref_slice %arg5[%arg0, %dma_wait3A_117, %dma_wait3A_118] : memref<2x10112x128xf32, #tpu.memory_space<hbm>> -> memref<1x10112x128xf32, #tpu.memory_space<hbm>>
      %dma_wait3A_120 = tpu.memref_squeeze %dma_wait3A_119 : memref<1x10112x128xf32, #tpu.memory_space<hbm>> -> memref<10112x128xf32, #tpu.memory_space<hbm>>
      %dma_wait3A_121 = arith.constant 0 : i32
      %dma_wait3A_122 = tpu.memref_slice %dma_wait3A_120[%multiple_of3A, %dma_wait3A_121] : memref<10112x128xf32, #tpu.memory_space<hbm>> -> memref<632x128xf32, #tpu.memory_space<hbm>>
      %dma_wait3A_123 = arith.constant 0 : i32
      %dma_wait3A_124 = tpu.memref_slice %arg8[%multiple_of3A, %dma_wait3A_123] : memref<10112x128xf32, #tpu.memory_space<vmem_shared>> -> memref<632x128xf32, #tpu.memory_space<vmem_shared>>
      tpu.wait_dma2 semaphore(%run_scoped3A : memref<!tpu.dma_semaphore, #tpu.memory_space<semaphore_mem>>) src(%dma_wait3A_124 : memref<632x128xf32, #tpu.memory_space<vmem_shared>>) dst(%dma_wait3A_122 : memref<632x128xf32, #tpu.memory_space<hbm>>)
      tpu.yield
    }) : () -> ()
    return
  }
}

#map = affine_map<(d0, d1) -> (0, 0)>
#map1 = affine_map<(d0, d1) -> (0)>
module attributes {stable_mosaic.version = 14 : i64} {
  func.func @k(%arg0: i32, %arg1: i32, %arg2: memref<10240x128xf32, #tpu.memory_space<hbm>>, %arg3: memref<163840xi32, #tpu.memory_space<hbm>>, %arg4: memref<163840x128xf32, #tpu.memory_space<hbm>>, %arg5: memref<2x128xi32, #tpu.memory_space<vmem>>, %arg6: memref<2x128x128xf32, #tpu.memory_space<vmem>>, %arg7: memref<10240x128xf32, #tpu.memory_space<vmem_shared>>, %arg8: memref<!tpu.dma_semaphore, #tpu.memory_space<semaphore_mem>>, %arg9: memref<!tpu.dma_semaphore, #tpu.memory_space<semaphore_mem>>, %arg10: memref<!tpu.dma_semaphore, #tpu.memory_space<semaphore_mem>>, %arg11: memref<!tpu.dma_semaphore, #tpu.memory_space<semaphore_mem>>, %arg12: memref<!tpu.dma_semaphore, #tpu.memory_space<semaphore_mem>>, %arg13: memref<!tpu.dma_semaphore, #tpu.memory_space<semaphore_mem>>) attributes {dimension_semantics = [#tpu.dimension_semantics<core_parallel>, #tpu.dimension_semantics<subcore_parallel>], iteration_bounds = array<i64: 2, 16>, scalar_prefetch = 0 : i64, scratch_operands = 9 : i64, tpu.core_type = #tpu.core_type<sc_vector_subcore>, window_params = [{transform_indices = #map}, {transform_indices = #map1}, {transform_indices = #map}]} {
    %mul3A = arith.constant 2 : i32
    %mul3A_0 = arith.muli %arg1, %mul3A : i32
    %add3A = arith.addi %mul3A_0, %arg0 : i32
    %mul3A_1 = arith.constant 5120 : i32
    %mul3A_2 = arith.muli %add3A, %mul3A_1 : i32
    %multiple_of3A = tpu.assume_multiple %mul3A_2, 128 : i32
    %mul3A_3 = arith.constant 640 : i32
    %mul3A_4 = arith.muli %arg1, %mul3A_3 : i32
    %multiple_of3A_5 = tpu.assume_multiple %mul3A_4, 16 : i32
    "tpu.region"() ({
      %run_scoped3A = tpu.sem_alloc : memref<!tpu.dma_semaphore, #tpu.memory_space<semaphore_mem>>
      %dma_start3A_114 = arith.constant 0 : i32
      %dma_start3A_115 = tpu.memref_slice %arg7[%multiple_of3A_5, %dma_start3A_114] : memref<10240x128xf32, #tpu.memory_space<vmem_shared>> -> memref<640x128xf32, #tpu.memory_space<vmem_shared>>
      %dma_start3A_116 = arith.constant 0 : i32
      %dma_start3A_117 = tpu.memref_slice %arg2[%multiple_of3A_5, %dma_start3A_116] : memref<10240x128xf32, #tpu.memory_space<hbm>> -> memref<640x128xf32, #tpu.memory_space<hbm>>
      tpu.enqueue_dma source(%dma_start3A_117 : memref<640x128xf32, #tpu.memory_space<hbm>>) target(%dma_start3A_115 : memref<640x128xf32, #tpu.memory_space<vmem_shared>>) target_semaphore(%run_scoped3A : memref<!tpu.dma_semaphore, #tpu.memory_space<semaphore_mem>>)
      %dma_wait3A_118 = arith.constant 0 : i32
      %dma_wait3A_119 = tpu.memref_slice %arg7[%multiple_of3A_5, %dma_wait3A_118] : memref<10240x128xf32, #tpu.memory_space<vmem_shared>> -> memref<640x128xf32, #tpu.memory_space<vmem_shared>>
      %dma_wait3A_120 = arith.constant 0 : i32
      %dma_wait3A_121 = tpu.memref_slice %arg2[%multiple_of3A_5, %dma_wait3A_120] : memref<10240x128xf32, #tpu.memory_space<hbm>> -> memref<640x128xf32, #tpu.memory_space<hbm>>
      tpu.wait_dma2 semaphore(%run_scoped3A : memref<!tpu.dma_semaphore, #tpu.memory_space<semaphore_mem>>) src(%dma_wait3A_121 : memref<640x128xf32, #tpu.memory_space<hbm>>) dst(%dma_wait3A_119 : memref<640x128xf32, #tpu.memory_space<vmem_shared>>)
      tpu.yield
    }) : () -> ()
    %add3A_6 = arith.constant 0 : i32
    %add3A_7 = arith.addi %multiple_of3A, %add3A_6 : i32
    %multiple_of3A_8 = tpu.assume_multiple %add3A_7, 128 : i32
    %dma_start3A = arith.constant 0 : i32
    %dma_start3A_9 = arith.constant 0 : i32
    %dma_start3A_10 = tpu.memref_slice %arg5[%dma_start3A, %dma_start3A_9] : memref<2x128xi32, #tpu.memory_space<vmem>> -> memref<1x128xi32, #tpu.memory_space<vmem>>
    %dma_start3A_11 = tpu.memref_squeeze %dma_start3A_10 : memref<1x128xi32, #tpu.memory_space<vmem>> -> memref<128xi32, #tpu.memory_space<vmem>>
    %dma_start3A_12 = tpu.memref_slice %arg3[%multiple_of3A_8] : memref<163840xi32, #tpu.memory_space<hbm>> -> memref<128xi32, #tpu.memory_space<hbm>>
    %dma_start3A_13 = arith.constant 0 : i32
    %dma_start3A_14 = tpu.memref_slice %arg5[%dma_start3A, %dma_start3A_13] : memref<2x128xi32, #tpu.memory_space<vmem>> -> memref<1x128xi32, #tpu.memory_space<vmem>>
    %dma_start3A_15 = tpu.memref_squeeze %dma_start3A_14 : memref<1x128xi32, #tpu.memory_space<vmem>> -> memref<128xi32, #tpu.memory_space<vmem>>
    %dma_start3A_16 = tpu.memref_slice %arg3[%multiple_of3A_8] : memref<163840xi32, #tpu.memory_space<hbm>> -> memref<128xi32, #tpu.memory_space<hbm>>
    tpu.enqueue_dma source(%dma_start3A_16 : memref<128xi32, #tpu.memory_space<hbm>>) target(%dma_start3A_15 : memref<128xi32, #tpu.memory_space<vmem>>) target_semaphore(%arg8 : memref<!tpu.dma_semaphore, #tpu.memory_space<semaphore_mem>>)
    %add3A_17 = arith.constant 0 : i32
    %add3A_18 = arith.addi %multiple_of3A, %add3A_17 : i32
    %multiple_of3A_19 = tpu.assume_multiple %add3A_18, 128 : i32
    %dma_start3A_20 = arith.constant 0 : i32
    %dma_start3A_21 = arith.constant 0 : i32
    %dma_start3A_22 = arith.constant 0 : i32
    %dma_start3A_23 = tpu.memref_slice %arg6[%dma_start3A_20, %dma_start3A_21, %dma_start3A_22] : memref<2x128x128xf32, #tpu.memory_space<vmem>> -> memref<1x128x128xf32, #tpu.memory_space<vmem>>
    %dma_start3A_24 = tpu.memref_squeeze %dma_start3A_23 : memref<1x128x128xf32, #tpu.memory_space<vmem>> -> memref<128x128xf32, #tpu.memory_space<vmem>>
    %dma_start3A_25 = arith.constant 0 : i32
    %dma_start3A_26 = tpu.memref_slice %arg4[%multiple_of3A_19, %dma_start3A_25] : memref<163840x128xf32, #tpu.memory_space<hbm>> -> memref<128x128xf32, #tpu.memory_space<hbm>>
    %dma_start3A_27 = arith.constant 0 : i32
    %dma_start3A_28 = tpu.memref_slice %arg4[%multiple_of3A_19, %dma_start3A_27] : memref<163840x128xf32, #tpu.memory_space<hbm>> -> memref<128x128xf32, #tpu.memory_space<hbm>>
    %dma_start3A_29 = arith.constant 0 : i32
    %dma_start3A_30 = arith.constant 0 : i32
    %dma_start3A_31 = tpu.memref_slice %arg6[%dma_start3A_20, %dma_start3A_29, %dma_start3A_30] : memref<2x128x128xf32, #tpu.memory_space<vmem>> -> memref<1x128x128xf32, #tpu.memory_space<vmem>>
    %dma_start3A_32 = tpu.memref_squeeze %dma_start3A_31 : memref<1x128x128xf32, #tpu.memory_space<vmem>> -> memref<128x128xf32, #tpu.memory_space<vmem>>
    tpu.enqueue_dma source(%dma_start3A_32 : memref<128x128xf32, #tpu.memory_space<vmem>>) target(%dma_start3A_28 : memref<128x128xf32, #tpu.memory_space<hbm>>) target_semaphore(%arg12 : memref<!tpu.dma_semaphore, #tpu.memory_space<semaphore_mem>>)
    %add3A_33 = arith.constant 128 : i32
    %add3A_34 = arith.addi %multiple_of3A, %add3A_33 : i32
    %multiple_of3A_35 = tpu.assume_multiple %add3A_34, 128 : i32
    %dma_start3A_36 = arith.constant 1 : i32
    %dma_start3A_37 = arith.constant 0 : i32
    %dma_start3A_38 = tpu.memref_slice %arg5[%dma_start3A_36, %dma_start3A_37] : memref<2x128xi32, #tpu.memory_space<vmem>> -> memref<1x128xi32, #tpu.memory_space<vmem>>
    %dma_start3A_39 = tpu.memref_squeeze %dma_start3A_38 : memref<1x128xi32, #tpu.memory_space<vmem>> -> memref<128xi32, #tpu.memory_space<vmem>>
    %dma_start3A_40 = tpu.memref_slice %arg3[%multiple_of3A_35] : memref<163840xi32, #tpu.memory_space<hbm>> -> memref<128xi32, #tpu.memory_space<hbm>>
    %dma_start3A_41 = arith.constant 0 : i32
    %dma_start3A_42 = tpu.memref_slice %arg5[%dma_start3A_36, %dma_start3A_41] : memref<2x128xi32, #tpu.memory_space<vmem>> -> memref<1x128xi32, #tpu.memory_space<vmem>>
    %dma_start3A_43 = tpu.memref_squeeze %dma_start3A_42 : memref<1x128xi32, #tpu.memory_space<vmem>> -> memref<128xi32, #tpu.memory_space<vmem>>
    %dma_start3A_44 = tpu.memref_slice %arg3[%multiple_of3A_35] : memref<163840xi32, #tpu.memory_space<hbm>> -> memref<128xi32, #tpu.memory_space<hbm>>
    tpu.enqueue_dma source(%dma_start3A_44 : memref<128xi32, #tpu.memory_space<hbm>>) target(%dma_start3A_43 : memref<128xi32, #tpu.memory_space<vmem>>) target_semaphore(%arg9 : memref<!tpu.dma_semaphore, #tpu.memory_space<semaphore_mem>>)
    %add3A_45 = arith.constant 128 : i32
    %add3A_46 = arith.addi %multiple_of3A, %add3A_45 : i32
    %multiple_of3A_47 = tpu.assume_multiple %add3A_46, 128 : i32
    %dma_start3A_48 = arith.constant 1 : i32
    %dma_start3A_49 = arith.constant 0 : i32
    %dma_start3A_50 = arith.constant 0 : i32
    %dma_start3A_51 = tpu.memref_slice %arg6[%dma_start3A_48, %dma_start3A_49, %dma_start3A_50] : memref<2x128x128xf32, #tpu.memory_space<vmem>> -> memref<1x128x128xf32, #tpu.memory_space<vmem>>
    %dma_start3A_52 = tpu.memref_squeeze %dma_start3A_51 : memref<1x128x128xf32, #tpu.memory_space<vmem>> -> memref<128x128xf32, #tpu.memory_space<vmem>>
    %dma_start3A_53 = arith.constant 0 : i32
    %dma_start3A_54 = tpu.memref_slice %arg4[%multiple_of3A_47, %dma_start3A_53] : memref<163840x128xf32, #tpu.memory_space<hbm>> -> memref<128x128xf32, #tpu.memory_space<hbm>>
    %dma_start3A_55 = arith.constant 0 : i32
    %dma_start3A_56 = tpu.memref_slice %arg4[%multiple_of3A_47, %dma_start3A_55] : memref<163840x128xf32, #tpu.memory_space<hbm>> -> memref<128x128xf32, #tpu.memory_space<hbm>>
    %dma_start3A_57 = arith.constant 0 : i32
    %dma_start3A_58 = arith.constant 0 : i32
    %dma_start3A_59 = tpu.memref_slice %arg6[%dma_start3A_48, %dma_start3A_57, %dma_start3A_58] : memref<2x128x128xf32, #tpu.memory_space<vmem>> -> memref<1x128x128xf32, #tpu.memory_space<vmem>>
    %dma_start3A_60 = tpu.memref_squeeze %dma_start3A_59 : memref<1x128x128xf32, #tpu.memory_space<vmem>> -> memref<128x128xf32, #tpu.memory_space<vmem>>
    tpu.enqueue_dma source(%dma_start3A_60 : memref<128x128xf32, #tpu.memory_space<vmem>>) target(%dma_start3A_56 : memref<128x128xf32, #tpu.memory_space<hbm>>) target_semaphore(%arg13 : memref<!tpu.dma_semaphore, #tpu.memory_space<semaphore_mem>>)
    %barrier3A = arith.constant 0 : index
    tpu.barrier barrier_id(%barrier3A)
    %scan3A = arith.constant 0 : i32
    %scan3A_61 = arith.constant 20 : i32
    %scan3A_62 = arith.addi %scan3A, %scan3A_61 : i32
    %scan3A_63 = arith.constant 1 : i32
    scf.for %scan3A_114 = %scan3A to %scan3A_62 step %scan3A_63  : i32 {
      %mul3A_115 = arith.constant 2 : i32
      %mul3A_116 = arith.muli %scan3A_114, %mul3A_115 : i32
      %add3A_117 = arith.constant 0 : i32
      %add3A_118 = arith.addi %add3A_117, %mul3A_116 : i32
      %add3A_119 = arith.constant 0 : i32
      %add3A_120 = arith.addi %add3A_118, %add3A_119 : i32
      %mul3A_121 = arith.constant 128 : i32
      %mul3A_122 = arith.muli %add3A_120, %mul3A_121 : i32
      %add3A_123 = arith.addi %multiple_of3A, %mul3A_122 : i32
      %multiple_of3A_124 = tpu.assume_multiple %add3A_123, 128 : i32
      %dma_wait3A_125 = arith.constant 0 : i32
      %dma_wait3A_126 = arith.constant 0 : i32
      %dma_wait3A_127 = arith.constant 0 : i32
      %dma_wait3A_128 = tpu.memref_slice %arg6[%dma_wait3A_125, %dma_wait3A_126, %dma_wait3A_127] : memref<2x128x128xf32, #tpu.memory_space<vmem>> -> memref<1x128x128xf32, #tpu.memory_space<vmem>>
      %dma_wait3A_129 = tpu.memref_squeeze %dma_wait3A_128 : memref<1x128x128xf32, #tpu.memory_space<vmem>> -> memref<128x128xf32, #tpu.memory_space<vmem>>
      %dma_wait3A_130 = arith.constant 0 : i32
      %dma_wait3A_131 = tpu.memref_slice %arg4[%multiple_of3A_124, %dma_wait3A_130] : memref<163840x128xf32, #tpu.memory_space<hbm>> -> memref<128x128xf32, #tpu.memory_space<hbm>>
      %dma_wait3A_132 = arith.constant 0 : i32
      %dma_wait3A_133 = tpu.memref_slice %arg4[%multiple_of3A_124, %dma_wait3A_132] : memref<163840x128xf32, #tpu.memory_space<hbm>> -> memref<128x128xf32, #tpu.memory_space<hbm>>
      %dma_wait3A_134 = arith.constant 0 : i32
      %dma_wait3A_135 = arith.constant 0 : i32
      %dma_wait3A_136 = tpu.memref_slice %arg6[%dma_wait3A_125, %dma_wait3A_134, %dma_wait3A_135] : memref<2x128x128xf32, #tpu.memory_space<vmem>> -> memref<1x128x128xf32, #tpu.memory_space<vmem>>
      %dma_wait3A_137 = tpu.memref_squeeze %dma_wait3A_136 : memref<1x128x128xf32, #tpu.memory_space<vmem>> -> memref<128x128xf32, #tpu.memory_space<vmem>>
      tpu.wait_dma2 semaphore(%arg12 : memref<!tpu.dma_semaphore, #tpu.memory_space<semaphore_mem>>) src(%dma_wait3A_137 : memref<128x128xf32, #tpu.memory_space<vmem>>) dst(%dma_wait3A_133 : memref<128x128xf32, #tpu.memory_space<hbm>>)
      %mul3A_138 = arith.constant 128 : i32
      %mul3A_139 = arith.muli %add3A_120, %mul3A_138 : i32
      %add3A_140 = arith.addi %multiple_of3A, %mul3A_139 : i32
      %multiple_of3A_141 = tpu.assume_multiple %add3A_140, 128 : i32
      %dma_wait3A_142 = arith.constant 0 : i32
      %dma_wait3A_143 = arith.constant 0 : i32
      %dma_wait3A_144 = tpu.memref_slice %arg5[%dma_wait3A_142, %dma_wait3A_143] : memref<2x128xi32, #tpu.memory_space<vmem>> -> memref<1x128xi32, #tpu.memory_space<vmem>>
      %dma_wait3A_145 = tpu.memref_squeeze %dma_wait3A_144 : memref<1x128xi32, #tpu.memory_space<vmem>> -> memref<128xi32, #tpu.memory_space<vmem>>
      %dma_wait3A_146 = tpu.memref_slice %arg3[%multiple_of3A_141] : memref<163840xi32, #tpu.memory_space<hbm>> -> memref<128xi32, #tpu.memory_space<hbm>>
      %dma_wait3A_147 = arith.constant 0 : i32
      %dma_wait3A_148 = tpu.memref_slice %arg5[%dma_wait3A_142, %dma_wait3A_147] : memref<2x128xi32, #tpu.memory_space<vmem>> -> memref<1x128xi32, #tpu.memory_space<vmem>>
      %dma_wait3A_149 = tpu.memref_squeeze %dma_wait3A_148 : memref<1x128xi32, #tpu.memory_space<vmem>> -> memref<128xi32, #tpu.memory_space<vmem>>
      %dma_wait3A_150 = tpu.memref_slice %arg3[%multiple_of3A_141] : memref<163840xi32, #tpu.memory_space<hbm>> -> memref<128xi32, #tpu.memory_space<hbm>>
      tpu.wait_dma2 semaphore(%arg8 : memref<!tpu.dma_semaphore, #tpu.memory_space<semaphore_mem>>) src(%dma_wait3A_150 : memref<128xi32, #tpu.memory_space<hbm>>) dst(%dma_wait3A_149 : memref<128xi32, #tpu.memory_space<vmem>>)
      %dma_start3A_151 = arith.constant 0 : i32
      %dma_start3A_152 = arith.constant 0 : i32
      %dma_start3A_153 = arith.constant 0 : i32
      %dma_start3A_154 = arith.constant 0 : i32
      %dma_start3A_155 = tpu.memref_slice %arg6[%dma_start3A_152, %dma_start3A_153, %dma_start3A_154] : memref<2x128x128xf32, #tpu.memory_space<vmem>> -> memref<1x128x128xf32, #tpu.memory_space<vmem>>
      %dma_start3A_156 = tpu.memref_squeeze %dma_start3A_155 : memref<1x128x128xf32, #tpu.memory_space<vmem>> -> memref<128x128xf32, #tpu.memory_space<vmem>>
      %dma_start3A_157 = arith.constant 0 : i32
      %dma_start3A_158 = tpu.memref_slice %arg5[%dma_start3A_151, %dma_start3A_157] : memref<2x128xi32, #tpu.memory_space<vmem>> -> memref<1x128xi32, #tpu.memory_space<vmem>>
      %dma_start3A_159 = tpu.memref_squeeze %dma_start3A_158 : memref<1x128xi32, #tpu.memory_space<vmem>> -> memref<128xi32, #tpu.memory_space<vmem>>
      %dma_start3A_160 = arith.constant 0 : i32
      %dma_start3A_161 = arith.constant 0 : i32
      %dma_start3A_162 = tpu.memref_slice %arg7[%dma_start3A_160, %dma_start3A_161] : memref<10240x128xf32, #tpu.memory_space<vmem_shared>> -> memref<10240x128xf32, #tpu.memory_space<vmem_shared>>
      tpu.enqueue_indirect_dma source(%dma_start3A_162 : memref<10240x128xf32, #tpu.memory_space<vmem_shared>>) target(%dma_start3A_156 : memref<128x128xf32, #tpu.memory_space<vmem>>) offsets(%dma_start3A_159 : memref<128xi32, #tpu.memory_space<vmem>>) semaphore(%arg10 : memref<!tpu.dma_semaphore, #tpu.memory_space<semaphore_mem>>)
      %add3A_163 = arith.constant 1 : i32
      %add3A_164 = arith.addi %add3A_118, %add3A_163 : i32
      %mul3A_165 = arith.constant 128 : i32
      %mul3A_166 = arith.muli %add3A_164, %mul3A_165 : i32
      %add3A_167 = arith.addi %multiple_of3A, %mul3A_166 : i32
      %multiple_of3A_168 = tpu.assume_multiple %add3A_167, 128 : i32
      %dma_wait3A_169 = arith.constant 1 : i32
      %dma_wait3A_170 = arith.constant 0 : i32
      %dma_wait3A_171 = arith.constant 0 : i32
      %dma_wait3A_172 = tpu.memref_slice %arg6[%dma_wait3A_169, %dma_wait3A_170, %dma_wait3A_171] : memref<2x128x128xf32, #tpu.memory_space<vmem>> -> memref<1x128x128xf32, #tpu.memory_space<vmem>>
      %dma_wait3A_173 = tpu.memref_squeeze %dma_wait3A_172 : memref<1x128x128xf32, #tpu.memory_space<vmem>> -> memref<128x128xf32, #tpu.memory_space<vmem>>
      %dma_wait3A_174 = arith.constant 0 : i32
      %dma_wait3A_175 = tpu.memref_slice %arg4[%multiple_of3A_168, %dma_wait3A_174] : memref<163840x128xf32, #tpu.memory_space<hbm>> -> memref<128x128xf32, #tpu.memory_space<hbm>>
      %dma_wait3A_176 = arith.constant 0 : i32
      %dma_wait3A_177 = tpu.memref_slice %arg4[%multiple_of3A_168, %dma_wait3A_176] : memref<163840x128xf32, #tpu.memory_space<hbm>> -> memref<128x128xf32, #tpu.memory_space<hbm>>
      %dma_wait3A_178 = arith.constant 0 : i32
      %dma_wait3A_179 = arith.constant 0 : i32
      %dma_wait3A_180 = tpu.memref_slice %arg6[%dma_wait3A_169, %dma_wait3A_178, %dma_wait3A_179] : memref<2x128x128xf32, #tpu.memory_space<vmem>> -> memref<1x128x128xf32, #tpu.memory_space<vmem>>
      %dma_wait3A_181 = tpu.memref_squeeze %dma_wait3A_180 : memref<1x128x128xf32, #tpu.memory_space<vmem>> -> memref<128x128xf32, #tpu.memory_space<vmem>>
      tpu.wait_dma2 semaphore(%arg13 : memref<!tpu.dma_semaphore, #tpu.memory_space<semaphore_mem>>) src(%dma_wait3A_181 : memref<128x128xf32, #tpu.memory_space<vmem>>) dst(%dma_wait3A_177 : memref<128x128xf32, #tpu.memory_space<hbm>>)
      %mul3A_182 = arith.constant 128 : i32
      %mul3A_183 = arith.muli %add3A_164, %mul3A_182 : i32
      %add3A_184 = arith.addi %multiple_of3A, %mul3A_183 : i32
      %multiple_of3A_185 = tpu.assume_multiple %add3A_184, 128 : i32
      %dma_wait3A_186 = arith.constant 1 : i32
      %dma_wait3A_187 = arith.constant 0 : i32
      %dma_wait3A_188 = tpu.memref_slice %arg5[%dma_wait3A_186, %dma_wait3A_187] : memref<2x128xi32, #tpu.memory_space<vmem>> -> memref<1x128xi32, #tpu.memory_space<vmem>>
      %dma_wait3A_189 = tpu.memref_squeeze %dma_wait3A_188 : memref<1x128xi32, #tpu.memory_space<vmem>> -> memref<128xi32, #tpu.memory_space<vmem>>
      %dma_wait3A_190 = tpu.memref_slice %arg3[%multiple_of3A_185] : memref<163840xi32, #tpu.memory_space<hbm>> -> memref<128xi32, #tpu.memory_space<hbm>>
      %dma_wait3A_191 = arith.constant 0 : i32
      %dma_wait3A_192 = tpu.memref_slice %arg5[%dma_wait3A_186, %dma_wait3A_191] : memref<2x128xi32, #tpu.memory_space<vmem>> -> memref<1x128xi32, #tpu.memory_space<vmem>>
      %dma_wait3A_193 = tpu.memref_squeeze %dma_wait3A_192 : memref<1x128xi32, #tpu.memory_space<vmem>> -> memref<128xi32, #tpu.memory_space<vmem>>
      %dma_wait3A_194 = tpu.memref_slice %arg3[%multiple_of3A_185] : memref<163840xi32, #tpu.memory_space<hbm>> -> memref<128xi32, #tpu.memory_space<hbm>>
      tpu.wait_dma2 semaphore(%arg9 : memref<!tpu.dma_semaphore, #tpu.memory_space<semaphore_mem>>) src(%dma_wait3A_194 : memref<128xi32, #tpu.memory_space<hbm>>) dst(%dma_wait3A_193 : memref<128xi32, #tpu.memory_space<vmem>>)
      %dma_start3A_195 = arith.constant 1 : i32
      %dma_start3A_196 = arith.constant 1 : i32
      %dma_start3A_197 = arith.constant 0 : i32
      %dma_start3A_198 = arith.constant 0 : i32
      %dma_start3A_199 = tpu.memref_slice %arg6[%dma_start3A_196, %dma_start3A_197, %dma_start3A_198] : memref<2x128x128xf32, #tpu.memory_space<vmem>> -> memref<1x128x128xf32, #tpu.memory_space<vmem>>
      %dma_start3A_200 = tpu.memref_squeeze %dma_start3A_199 : memref<1x128x128xf32, #tpu.memory_space<vmem>> -> memref<128x128xf32, #tpu.memory_space<vmem>>
      %dma_start3A_201 = arith.constant 0 : i32
      %dma_start3A_202 = tpu.memref_slice %arg5[%dma_start3A_195, %dma_start3A_201] : memref<2x128xi32, #tpu.memory_space<vmem>> -> memref<1x128xi32, #tpu.memory_space<vmem>>
      %dma_start3A_203 = tpu.memref_squeeze %dma_start3A_202 : memref<1x128xi32, #tpu.memory_space<vmem>> -> memref<128xi32, #tpu.memory_space<vmem>>
      %dma_start3A_204 = arith.constant 0 : i32
      %dma_start3A_205 = arith.constant 0 : i32
      %dma_start3A_206 = tpu.memref_slice %arg7[%dma_start3A_204, %dma_start3A_205] : memref<10240x128xf32, #tpu.memory_space<vmem_shared>> -> memref<10240x128xf32, #tpu.memory_space<vmem_shared>>
      tpu.enqueue_indirect_dma source(%dma_start3A_206 : memref<10240x128xf32, #tpu.memory_space<vmem_shared>>) target(%dma_start3A_200 : memref<128x128xf32, #tpu.memory_space<vmem>>) offsets(%dma_start3A_203 : memref<128xi32, #tpu.memory_space<vmem>>) semaphore(%arg11 : memref<!tpu.dma_semaphore, #tpu.memory_space<semaphore_mem>>)
      %add3A_207 = arith.constant 0 : i32
      %add3A_208 = arith.addi %add3A_118, %add3A_207 : i32
      %dma_wait3A_209 = arith.constant 0 : i32
      %dma_wait3A_210 = arith.constant 0 : i32
      %dma_wait3A_211 = arith.constant 0 : i32
      %dma_wait3A_212 = arith.constant 0 : i32
      %dma_wait3A_213 = tpu.memref_slice %arg6[%dma_wait3A_210, %dma_wait3A_211, %dma_wait3A_212] : memref<2x128x128xf32, #tpu.memory_space<vmem>> -> memref<1x128x128xf32, #tpu.memory_space<vmem>>
      %dma_wait3A_214 = tpu.memref_squeeze %dma_wait3A_213 : memref<1x128x128xf32, #tpu.memory_space<vmem>> -> memref<128x128xf32, #tpu.memory_space<vmem>>
      %dma_wait3A_215 = arith.constant 0 : i32
      %dma_wait3A_216 = tpu.memref_slice %arg5[%dma_wait3A_209, %dma_wait3A_215] : memref<2x128xi32, #tpu.memory_space<vmem>> -> memref<1x128xi32, #tpu.memory_space<vmem>>
      %dma_wait3A_217 = tpu.memref_squeeze %dma_wait3A_216 : memref<1x128xi32, #tpu.memory_space<vmem>> -> memref<128xi32, #tpu.memory_space<vmem>>
      %dma_wait3A_218 = arith.constant 0 : i32
      %dma_wait3A_219 = arith.constant 0 : i32
      %dma_wait3A_220 = tpu.memref_slice %arg7[%dma_wait3A_218, %dma_wait3A_219] : memref<10240x128xf32, #tpu.memory_space<vmem_shared>> -> memref<10240x128xf32, #tpu.memory_space<vmem_shared>>
      tpu.wait_indirect_dma semaphore(%arg10 : memref<!tpu.dma_semaphore, #tpu.memory_space<semaphore_mem>>) src(%dma_wait3A_220 : memref<10240x128xf32, #tpu.memory_space<vmem_shared>>) dst(%dma_wait3A_214 : memref<128x128xf32, #tpu.memory_space<vmem>>)
      %mul3A_221 = arith.constant 128 : i32
      %mul3A_222 = arith.muli %add3A_208, %mul3A_221 : i32
      %add3A_223 = arith.addi %multiple_of3A, %mul3A_222 : i32
      %multiple_of3A_224 = tpu.assume_multiple %add3A_223, 128 : i32
      %dma_start3A_225 = arith.constant 0 : i32
      %dma_start3A_226 = arith.constant 0 : i32
      %dma_start3A_227 = arith.constant 0 : i32
      %dma_start3A_228 = tpu.memref_slice %arg6[%dma_start3A_225, %dma_start3A_226, %dma_start3A_227] : memref<2x128x128xf32, #tpu.memory_space<vmem>> -> memref<1x128x128xf32, #tpu.memory_space<vmem>>
      %dma_start3A_229 = tpu.memref_squeeze %dma_start3A_228 : memref<1x128x128xf32, #tpu.memory_space<vmem>> -> memref<128x128xf32, #tpu.memory_space<vmem>>
      %dma_start3A_230 = arith.constant 0 : i32
      %dma_start3A_231 = tpu.memref_slice %arg4[%multiple_of3A_224, %dma_start3A_230] : memref<163840x128xf32, #tpu.memory_space<hbm>> -> memref<128x128xf32, #tpu.memory_space<hbm>>
      %dma_start3A_232 = arith.constant 0 : i32
      %dma_start3A_233 = tpu.memref_slice %arg4[%multiple_of3A_224, %dma_start3A_232] : memref<163840x128xf32, #tpu.memory_space<hbm>> -> memref<128x128xf32, #tpu.memory_space<hbm>>
      %dma_start3A_234 = arith.constant 0 : i32
      %dma_start3A_235 = arith.constant 0 : i32
      %dma_start3A_236 = tpu.memref_slice %arg6[%dma_start3A_225, %dma_start3A_234, %dma_start3A_235] : memref<2x128x128xf32, #tpu.memory_space<vmem>> -> memref<1x128x128xf32, #tpu.memory_space<vmem>>
      %dma_start3A_237 = tpu.memref_squeeze %dma_start3A_236 : memref<1x128x128xf32, #tpu.memory_space<vmem>> -> memref<128x128xf32, #tpu.memory_space<vmem>>
      tpu.enqueue_dma source(%dma_start3A_237 : memref<128x128xf32, #tpu.memory_space<vmem>>) target(%dma_start3A_233 : memref<128x128xf32, #tpu.memory_space<hbm>>) target_semaphore(%arg12 : memref<!tpu.dma_semaphore, #tpu.memory_space<semaphore_mem>>)
      %add3A_238 = arith.constant 2 : i32
      %add3A_239 = arith.addi %add3A_208, %add3A_238 : i32
      %ge3A = arith.constant 40 : i32
      %ge3A_240 = arith.cmpi sge, %add3A_239, %ge3A : i32
      %sub3A = arith.constant 40 : i32
      %sub3A_241 = arith.subi %add3A_239, %sub3A : i32
      %select_n3A = arith.select %ge3A_240, %sub3A_241, %add3A_239 : i32
      %mul3A_242 = arith.constant 128 : i32
      %mul3A_243 = arith.muli %select_n3A, %mul3A_242 : i32
      %add3A_244 = arith.addi %multiple_of3A, %mul3A_243 : i32
      %multiple_of3A_245 = tpu.assume_multiple %add3A_244, 128 : i32
      %dma_start3A_246 = arith.constant 0 : i32
      %dma_start3A_247 = arith.constant 0 : i32
      %dma_start3A_248 = tpu.memref_slice %arg5[%dma_start3A_246, %dma_start3A_247] : memref<2x128xi32, #tpu.memory_space<vmem>> -> memref<1x128xi32, #tpu.memory_space<vmem>>
      %dma_start3A_249 = tpu.memref_squeeze %dma_start3A_248 : memref<1x128xi32, #tpu.memory_space<vmem>> -> memref<128xi32, #tpu.memory_space<vmem>>
      %dma_start3A_250 = tpu.memref_slice %arg3[%multiple_of3A_245] : memref<163840xi32, #tpu.memory_space<hbm>> -> memref<128xi32, #tpu.memory_space<hbm>>
      %dma_start3A_251 = arith.constant 0 : i32
      %dma_start3A_252 = tpu.memref_slice %arg5[%dma_start3A_246, %dma_start3A_251] : memref<2x128xi32, #tpu.memory_space<vmem>> -> memref<1x128xi32, #tpu.memory_space<vmem>>
      %dma_start3A_253 = tpu.memref_squeeze %dma_start3A_252 : memref<1x128xi32, #tpu.memory_space<vmem>> -> memref<128xi32, #tpu.memory_space<vmem>>
      %dma_start3A_254 = tpu.memref_slice %arg3[%multiple_of3A_245] : memref<163840xi32, #tpu.memory_space<hbm>> -> memref<128xi32, #tpu.memory_space<hbm>>
      tpu.enqueue_dma source(%dma_start3A_254 : memref<128xi32, #tpu.memory_space<hbm>>) target(%dma_start3A_253 : memref<128xi32, #tpu.memory_space<vmem>>) target_semaphore(%arg8 : memref<!tpu.dma_semaphore, #tpu.memory_space<semaphore_mem>>)
      %add3A_255 = arith.constant 1 : i32
      %add3A_256 = arith.addi %add3A_118, %add3A_255 : i32
      %dma_wait3A_257 = arith.constant 1 : i32
      %dma_wait3A_258 = arith.constant 1 : i32
      %dma_wait3A_259 = arith.constant 0 : i32
      %dma_wait3A_260 = arith.constant 0 : i32
      %dma_wait3A_261 = tpu.memref_slice %arg6[%dma_wait3A_258, %dma_wait3A_259, %dma_wait3A_260] : memref<2x128x128xf32, #tpu.memory_space<vmem>> -> memref<1x128x128xf32, #tpu.memory_space<vmem>>
      %dma_wait3A_262 = tpu.memref_squeeze %dma_wait3A_261 : memref<1x128x128xf32, #tpu.memory_space<vmem>> -> memref<128x128xf32, #tpu.memory_space<vmem>>
      %dma_wait3A_263 = arith.constant 0 : i32
      %dma_wait3A_264 = tpu.memref_slice %arg5[%dma_wait3A_257, %dma_wait3A_263] : memref<2x128xi32, #tpu.memory_space<vmem>> -> memref<1x128xi32, #tpu.memory_space<vmem>>
      %dma_wait3A_265 = tpu.memref_squeeze %dma_wait3A_264 : memref<1x128xi32, #tpu.memory_space<vmem>> -> memref<128xi32, #tpu.memory_space<vmem>>
      %dma_wait3A_266 = arith.constant 0 : i32
      %dma_wait3A_267 = arith.constant 0 : i32
      %dma_wait3A_268 = tpu.memref_slice %arg7[%dma_wait3A_266, %dma_wait3A_267] : memref<10240x128xf32, #tpu.memory_space<vmem_shared>> -> memref<10240x128xf32, #tpu.memory_space<vmem_shared>>
      tpu.wait_indirect_dma semaphore(%arg11 : memref<!tpu.dma_semaphore, #tpu.memory_space<semaphore_mem>>) src(%dma_wait3A_268 : memref<10240x128xf32, #tpu.memory_space<vmem_shared>>) dst(%dma_wait3A_262 : memref<128x128xf32, #tpu.memory_space<vmem>>)
      %mul3A_269 = arith.constant 128 : i32
      %mul3A_270 = arith.muli %add3A_256, %mul3A_269 : i32
      %add3A_271 = arith.addi %multiple_of3A, %mul3A_270 : i32
      %multiple_of3A_272 = tpu.assume_multiple %add3A_271, 128 : i32
      %dma_start3A_273 = arith.constant 1 : i32
      %dma_start3A_274 = arith.constant 0 : i32
      %dma_start3A_275 = arith.constant 0 : i32
      %dma_start3A_276 = tpu.memref_slice %arg6[%dma_start3A_273, %dma_start3A_274, %dma_start3A_275] : memref<2x128x128xf32, #tpu.memory_space<vmem>> -> memref<1x128x128xf32, #tpu.memory_space<vmem>>
      %dma_start3A_277 = tpu.memref_squeeze %dma_start3A_276 : memref<1x128x128xf32, #tpu.memory_space<vmem>> -> memref<128x128xf32, #tpu.memory_space<vmem>>
      %dma_start3A_278 = arith.constant 0 : i32
      %dma_start3A_279 = tpu.memref_slice %arg4[%multiple_of3A_272, %dma_start3A_278] : memref<163840x128xf32, #tpu.memory_space<hbm>> -> memref<128x128xf32, #tpu.memory_space<hbm>>
      %dma_start3A_280 = arith.constant 0 : i32
      %dma_start3A_281 = tpu.memref_slice %arg4[%multiple_of3A_272, %dma_start3A_280] : memref<163840x128xf32, #tpu.memory_space<hbm>> -> memref<128x128xf32, #tpu.memory_space<hbm>>
      %dma_start3A_282 = arith.constant 0 : i32
      %dma_start3A_283 = arith.constant 0 : i32
      %dma_start3A_284 = tpu.memref_slice %arg6[%dma_start3A_273, %dma_start3A_282, %dma_start3A_283] : memref<2x128x128xf32, #tpu.memory_space<vmem>> -> memref<1x128x128xf32, #tpu.memory_space<vmem>>
      %dma_start3A_285 = tpu.memref_squeeze %dma_start3A_284 : memref<1x128x128xf32, #tpu.memory_space<vmem>> -> memref<128x128xf32, #tpu.memory_space<vmem>>
      tpu.enqueue_dma source(%dma_start3A_285 : memref<128x128xf32, #tpu.memory_space<vmem>>) target(%dma_start3A_281 : memref<128x128xf32, #tpu.memory_space<hbm>>) target_semaphore(%arg13 : memref<!tpu.dma_semaphore, #tpu.memory_space<semaphore_mem>>)
      %add3A_286 = arith.constant 2 : i32
      %add3A_287 = arith.addi %add3A_256, %add3A_286 : i32
      %ge3A_288 = arith.constant 40 : i32
      %ge3A_289 = arith.cmpi sge, %add3A_287, %ge3A_288 : i32
      %sub3A_290 = arith.constant 40 : i32
      %sub3A_291 = arith.subi %add3A_287, %sub3A_290 : i32
      %select_n3A_292 = arith.select %ge3A_289, %sub3A_291, %add3A_287 : i32
      %mul3A_293 = arith.constant 128 : i32
      %mul3A_294 = arith.muli %select_n3A_292, %mul3A_293 : i32
      %add3A_295 = arith.addi %multiple_of3A, %mul3A_294 : i32
      %multiple_of3A_296 = tpu.assume_multiple %add3A_295, 128 : i32
      %dma_start3A_297 = arith.constant 1 : i32
      %dma_start3A_298 = arith.constant 0 : i32
      %dma_start3A_299 = tpu.memref_slice %arg5[%dma_start3A_297, %dma_start3A_298] : memref<2x128xi32, #tpu.memory_space<vmem>> -> memref<1x128xi32, #tpu.memory_space<vmem>>
      %dma_start3A_300 = tpu.memref_squeeze %dma_start3A_299 : memref<1x128xi32, #tpu.memory_space<vmem>> -> memref<128xi32, #tpu.memory_space<vmem>>
      %dma_start3A_301 = tpu.memref_slice %arg3[%multiple_of3A_296] : memref<163840xi32, #tpu.memory_space<hbm>> -> memref<128xi32, #tpu.memory_space<hbm>>
      %dma_start3A_302 = arith.constant 0 : i32
      %dma_start3A_303 = tpu.memref_slice %arg5[%dma_start3A_297, %dma_start3A_302] : memref<2x128xi32, #tpu.memory_space<vmem>> -> memref<1x128xi32, #tpu.memory_space<vmem>>
      %dma_start3A_304 = tpu.memref_squeeze %dma_start3A_303 : memref<1x128xi32, #tpu.memory_space<vmem>> -> memref<128xi32, #tpu.memory_space<vmem>>
      %dma_start3A_305 = tpu.memref_slice %arg3[%multiple_of3A_296] : memref<163840xi32, #tpu.memory_space<hbm>> -> memref<128xi32, #tpu.memory_space<hbm>>
      tpu.enqueue_dma source(%dma_start3A_305 : memref<128xi32, #tpu.memory_space<hbm>>) target(%dma_start3A_304 : memref<128xi32, #tpu.memory_space<vmem>>) target_semaphore(%arg9 : memref<!tpu.dma_semaphore, #tpu.memory_space<semaphore_mem>>)
    }
    %scan3A_64 = arith.constant 20 : i32
    %add3A_65 = arith.constant 0 : i32
    %add3A_66 = arith.addi %multiple_of3A, %add3A_65 : i32
    %multiple_of3A_67 = tpu.assume_multiple %add3A_66, 128 : i32
    %dma_wait3A = arith.constant 0 : i32
    %dma_wait3A_68 = arith.constant 0 : i32
    %dma_wait3A_69 = arith.constant 0 : i32
    %dma_wait3A_70 = tpu.memref_slice %arg6[%dma_wait3A, %dma_wait3A_68, %dma_wait3A_69] : memref<2x128x128xf32, #tpu.memory_space<vmem>> -> memref<1x128x128xf32, #tpu.memory_space<vmem>>
    %dma_wait3A_71 = tpu.memref_squeeze %dma_wait3A_70 : memref<1x128x128xf32, #tpu.memory_space<vmem>> -> memref<128x128xf32, #tpu.memory_space<vmem>>
    %dma_wait3A_72 = arith.constant 0 : i32
    %dma_wait3A_73 = tpu.memref_slice %arg4[%multiple_of3A_67, %dma_wait3A_72] : memref<163840x128xf32, #tpu.memory_space<hbm>> -> memref<128x128xf32, #tpu.memory_space<hbm>>
    %dma_wait3A_74 = arith.constant 0 : i32
    %dma_wait3A_75 = tpu.memref_slice %arg4[%multiple_of3A_67, %dma_wait3A_74] : memref<163840x128xf32, #tpu.memory_space<hbm>> -> memref<128x128xf32, #tpu.memory_space<hbm>>
    %dma_wait3A_76 = arith.constant 0 : i32
    %dma_wait3A_77 = arith.constant 0 : i32
    %dma_wait3A_78 = tpu.memref_slice %arg6[%dma_wait3A, %dma_wait3A_76, %dma_wait3A_77] : memref<2x128x128xf32, #tpu.memory_space<vmem>> -> memref<1x128x128xf32, #tpu.memory_space<vmem>>
    %dma_wait3A_79 = tpu.memref_squeeze %dma_wait3A_78 : memref<1x128x128xf32, #tpu.memory_space<vmem>> -> memref<128x128xf32, #tpu.memory_space<vmem>>
    tpu.wait_dma2 semaphore(%arg12 : memref<!tpu.dma_semaphore, #tpu.memory_space<semaphore_mem>>) src(%dma_wait3A_79 : memref<128x128xf32, #tpu.memory_space<vmem>>) dst(%dma_wait3A_75 : memref<128x128xf32, #tpu.memory_space<hbm>>)
    %dma_wait3A_80 = arith.constant 0 : i32
    %dma_wait3A_81 = arith.constant 0 : i32
    %dma_wait3A_82 = tpu.memref_slice %arg5[%dma_wait3A_80, %dma_wait3A_81] : memref<2x128xi32, #tpu.memory_space<vmem>> -> memref<1x128xi32, #tpu.memory_space<vmem>>
    %dma_wait3A_83 = tpu.memref_squeeze %dma_wait3A_82 : memref<1x128xi32, #tpu.memory_space<vmem>> -> memref<128xi32, #tpu.memory_space<vmem>>
    %dma_wait3A_84 = tpu.memref_slice %arg3[%multiple_of3A] : memref<163840xi32, #tpu.memory_space<hbm>> -> memref<128xi32, #tpu.memory_space<hbm>>
    %dma_wait3A_85 = arith.constant 0 : i32
    %dma_wait3A_86 = tpu.memref_slice %arg5[%dma_wait3A_80, %dma_wait3A_85] : memref<2x128xi32, #tpu.memory_space<vmem>> -> memref<1x128xi32, #tpu.memory_space<vmem>>
    %dma_wait3A_87 = tpu.memref_squeeze %dma_wait3A_86 : memref<1x128xi32, #tpu.memory_space<vmem>> -> memref<128xi32, #tpu.memory_space<vmem>>
    %dma_wait3A_88 = tpu.memref_slice %arg3[%multiple_of3A] : memref<163840xi32, #tpu.memory_space<hbm>> -> memref<128xi32, #tpu.memory_space<hbm>>
    tpu.wait_dma2 semaphore(%arg8 : memref<!tpu.dma_semaphore, #tpu.memory_space<semaphore_mem>>) src(%dma_wait3A_88 : memref<128xi32, #tpu.memory_space<hbm>>) dst(%dma_wait3A_87 : memref<128xi32, #tpu.memory_space<vmem>>)
    %add3A_89 = arith.constant 128 : i32
    %add3A_90 = arith.addi %multiple_of3A, %add3A_89 : i32
    %multiple_of3A_91 = tpu.assume_multiple %add3A_90, 128 : i32
    %dma_wait3A_92 = arith.constant 1 : i32
    %dma_wait3A_93 = arith.constant 0 : i32
    %dma_wait3A_94 = arith.constant 0 : i32
    %dma_wait3A_95 = tpu.memref_slice %arg6[%dma_wait3A_92, %dma_wait3A_93, %dma_wait3A_94] : memref<2x128x128xf32, #tpu.memory_space<vmem>> -> memref<1x128x128xf32, #tpu.memory_space<vmem>>
    %dma_wait3A_96 = tpu.memref_squeeze %dma_wait3A_95 : memref<1x128x128xf32, #tpu.memory_space<vmem>> -> memref<128x128xf32, #tpu.memory_space<vmem>>
    %dma_wait3A_97 = arith.constant 0 : i32
    %dma_wait3A_98 = tpu.memref_slice %arg4[%multiple_of3A_91, %dma_wait3A_97] : memref<163840x128xf32, #tpu.memory_space<hbm>> -> memref<128x128xf32, #tpu.memory_space<hbm>>
    %dma_wait3A_99 = arith.constant 0 : i32
    %dma_wait3A_100 = tpu.memref_slice %arg4[%multiple_of3A_91, %dma_wait3A_99] : memref<163840x128xf32, #tpu.memory_space<hbm>> -> memref<128x128xf32, #tpu.memory_space<hbm>>
    %dma_wait3A_101 = arith.constant 0 : i32
    %dma_wait3A_102 = arith.constant 0 : i32
    %dma_wait3A_103 = tpu.memref_slice %arg6[%dma_wait3A_92, %dma_wait3A_101, %dma_wait3A_102] : memref<2x128x128xf32, #tpu.memory_space<vmem>> -> memref<1x128x128xf32, #tpu.memory_space<vmem>>
    %dma_wait3A_104 = tpu.memref_squeeze %dma_wait3A_103 : memref<1x128x128xf32, #tpu.memory_space<vmem>> -> memref<128x128xf32, #tpu.memory_space<vmem>>
    tpu.wait_dma2 semaphore(%arg13 : memref<!tpu.dma_semaphore, #tpu.memory_space<semaphore_mem>>) src(%dma_wait3A_104 : memref<128x128xf32, #tpu.memory_space<vmem>>) dst(%dma_wait3A_100 : memref<128x128xf32, #tpu.memory_space<hbm>>)
    %dma_wait3A_105 = arith.constant 1 : i32
    %dma_wait3A_106 = arith.constant 0 : i32
    %dma_wait3A_107 = tpu.memref_slice %arg5[%dma_wait3A_105, %dma_wait3A_106] : memref<2x128xi32, #tpu.memory_space<vmem>> -> memref<1x128xi32, #tpu.memory_space<vmem>>
    %dma_wait3A_108 = tpu.memref_squeeze %dma_wait3A_107 : memref<1x128xi32, #tpu.memory_space<vmem>> -> memref<128xi32, #tpu.memory_space<vmem>>
    %dma_wait3A_109 = tpu.memref_slice %arg3[%multiple_of3A] : memref<163840xi32, #tpu.memory_space<hbm>> -> memref<128xi32, #tpu.memory_space<hbm>>
    %dma_wait3A_110 = arith.constant 0 : i32
    %dma_wait3A_111 = tpu.memref_slice %arg5[%dma_wait3A_105, %dma_wait3A_110] : memref<2x128xi32, #tpu.memory_space<vmem>> -> memref<1x128xi32, #tpu.memory_space<vmem>>
    %dma_wait3A_112 = tpu.memref_squeeze %dma_wait3A_111 : memref<1x128xi32, #tpu.memory_space<vmem>> -> memref<128xi32, #tpu.memory_space<vmem>>
    %dma_wait3A_113 = tpu.memref_slice %arg3[%multiple_of3A] : memref<163840xi32, #tpu.memory_space<hbm>> -> memref<128xi32, #tpu.memory_space<hbm>>
    tpu.wait_dma2 semaphore(%arg9 : memref<!tpu.dma_semaphore, #tpu.memory_space<semaphore_mem>>) src(%dma_wait3A_113 : memref<128xi32, #tpu.memory_space<hbm>>) dst(%dma_wait3A_112 : memref<128xi32, #tpu.memory_space<vmem>>)
    return
  }
}

#map = affine_map<(d0, d1) -> (0, 0)>
#map1 = affine_map<(d0, d1) -> (0)>
#map2 = affine_map<(d0, d1) -> (0, 0, 0)>
module attributes {stable_mosaic.version = 14 : i64} {
  func.func @k(%arg0: i32, %arg1: i32, %arg2: memref<163840x128xf32, #tpu.memory_space<hbm>>, %arg3: memref<163840xi32, #tpu.memory_space<hbm>>, %arg4: memref<10112x128xf32, #tpu.memory_space<hbm>>, %arg5: memref<2x10112x128xf32, #tpu.memory_space<hbm>>, %arg6: memref<2x128xi32, #tpu.memory_space<vmem>>, %arg7: memref<2x128x128xf32, #tpu.memory_space<vmem>>, %arg8: memref<10112x128xf32, #tpu.memory_space<vmem_shared>>, %arg9: memref<!tpu.dma_semaphore, #tpu.memory_space<semaphore_mem>>, %arg10: memref<!tpu.dma_semaphore, #tpu.memory_space<semaphore_mem>>, %arg11: memref<!tpu.dma_semaphore, #tpu.memory_space<semaphore_mem>>, %arg12: memref<!tpu.dma_semaphore, #tpu.memory_space<semaphore_mem>>) attributes {dimension_semantics = [#tpu.dimension_semantics<core_parallel>, #tpu.dimension_semantics<subcore_parallel>], iteration_bounds = array<i64: 2, 16>, scalar_prefetch = 0 : i64, scratch_operands = 7 : i64, tpu.core_type = #tpu.core_type<sc_vector_subcore>, window_params = [{transform_indices = #map}, {transform_indices = #map1}, {transform_indices = #map}, {transform_indices = #map2}]} {
    %mul3A = arith.constant 632 : i32
    %mul3A_0 = arith.muli %arg1, %mul3A : i32
    %multiple_of3A = tpu.assume_multiple %mul3A_0, 8 : i32
    "tpu.region"() ({
      %run_scoped3A = tpu.sem_alloc : memref<!tpu.dma_semaphore, #tpu.memory_space<semaphore_mem>>
      %dma_start3A_109 = arith.constant 0 : i32
      %dma_start3A_110 = tpu.memref_slice %arg8[%multiple_of3A, %dma_start3A_109] : memref<10112x128xf32, #tpu.memory_space<vmem_shared>> -> memref<632x128xf32, #tpu.memory_space<vmem_shared>>
      %dma_start3A_111 = arith.constant 0 : i32
      %dma_start3A_112 = tpu.memref_slice %arg4[%multiple_of3A, %dma_start3A_111] : memref<10112x128xf32, #tpu.memory_space<hbm>> -> memref<632x128xf32, #tpu.memory_space<hbm>>
      tpu.enqueue_dma source(%dma_start3A_112 : memref<632x128xf32, #tpu.memory_space<hbm>>) target(%dma_start3A_110 : memref<632x128xf32, #tpu.memory_space<vmem_shared>>) target_semaphore(%run_scoped3A : memref<!tpu.dma_semaphore, #tpu.memory_space<semaphore_mem>>)
      %dma_wait3A_113 = arith.constant 0 : i32
      %dma_wait3A_114 = tpu.memref_slice %arg8[%multiple_of3A, %dma_wait3A_113] : memref<10112x128xf32, #tpu.memory_space<vmem_shared>> -> memref<632x128xf32, #tpu.memory_space<vmem_shared>>
      %dma_wait3A_115 = arith.constant 0 : i32
      %dma_wait3A_116 = tpu.memref_slice %arg4[%multiple_of3A, %dma_wait3A_115] : memref<10112x128xf32, #tpu.memory_space<hbm>> -> memref<632x128xf32, #tpu.memory_space<hbm>>
      tpu.wait_dma2 semaphore(%run_scoped3A : memref<!tpu.dma_semaphore, #tpu.memory_space<semaphore_mem>>) src(%dma_wait3A_116 : memref<632x128xf32, #tpu.memory_space<hbm>>) dst(%dma_wait3A_114 : memref<632x128xf32, #tpu.memory_space<vmem_shared>>)
      tpu.yield
    }) : () -> ()
    %mul3A_1 = arith.constant 81920 : i32
    %mul3A_2 = arith.muli %arg0, %mul3A_1 : i32
    %mul3A_3 = arith.constant 5120 : i32
    %mul3A_4 = arith.muli %arg1, %mul3A_3 : i32
    %add3A = arith.addi %mul3A_2, %mul3A_4 : i32
    %multiple_of3A_5 = tpu.assume_multiple %add3A, 128 : i32
    %add3A_6 = arith.constant 0 : i32
    %add3A_7 = arith.addi %multiple_of3A_5, %add3A_6 : i32
    %multiple_of3A_8 = tpu.assume_multiple %add3A_7, 128 : i32
    %dma_start3A = arith.constant 0 : i32
    %dma_start3A_9 = arith.constant 0 : i32
    %dma_start3A_10 = tpu.memref_slice %arg6[%dma_start3A, %dma_start3A_9] : memref<2x128xi32, #tpu.memory_space<vmem>> -> memref<1x128xi32, #tpu.memory_space<vmem>>
    %dma_start3A_11 = tpu.memref_squeeze %dma_start3A_10 : memref<1x128xi32, #tpu.memory_space<vmem>> -> memref<128xi32, #tpu.memory_space<vmem>>
    %dma_start3A_12 = tpu.memref_slice %arg3[%multiple_of3A_8] : memref<163840xi32, #tpu.memory_space<hbm>> -> memref<128xi32, #tpu.memory_space<hbm>>
    %dma_start3A_13 = arith.constant 0 : i32
    %dma_start3A_14 = tpu.memref_slice %arg6[%dma_start3A, %dma_start3A_13] : memref<2x128xi32, #tpu.memory_space<vmem>> -> memref<1x128xi32, #tpu.memory_space<vmem>>
    %dma_start3A_15 = tpu.memref_squeeze %dma_start3A_14 : memref<1x128xi32, #tpu.memory_space<vmem>> -> memref<128xi32, #tpu.memory_space<vmem>>
    %dma_start3A_16 = tpu.memref_slice %arg3[%multiple_of3A_8] : memref<163840xi32, #tpu.memory_space<hbm>> -> memref<128xi32, #tpu.memory_space<hbm>>
    tpu.enqueue_dma source(%dma_start3A_16 : memref<128xi32, #tpu.memory_space<hbm>>) target(%dma_start3A_15 : memref<128xi32, #tpu.memory_space<vmem>>) target_semaphore(%arg9 : memref<!tpu.dma_semaphore, #tpu.memory_space<semaphore_mem>>)
    %dma_start3A_17 = arith.constant 0 : i32
    %dma_start3A_18 = arith.constant 0 : i32
    %dma_start3A_19 = arith.constant 0 : i32
    %dma_start3A_20 = tpu.memref_slice %arg7[%dma_start3A_17, %dma_start3A_18, %dma_start3A_19] : memref<2x128x128xf32, #tpu.memory_space<vmem>> -> memref<1x128x128xf32, #tpu.memory_space<vmem>>
    %dma_start3A_21 = tpu.memref_squeeze %dma_start3A_20 : memref<1x128x128xf32, #tpu.memory_space<vmem>> -> memref<128x128xf32, #tpu.memory_space<vmem>>
    %dma_start3A_22 = arith.constant 0 : i32
    %dma_start3A_23 = tpu.memref_slice %arg2[%multiple_of3A_8, %dma_start3A_22] : memref<163840x128xf32, #tpu.memory_space<hbm>> -> memref<128x128xf32, #tpu.memory_space<hbm>>
    %dma_start3A_24 = arith.constant 0 : i32
    %dma_start3A_25 = arith.constant 0 : i32
    %dma_start3A_26 = tpu.memref_slice %arg7[%dma_start3A_17, %dma_start3A_24, %dma_start3A_25] : memref<2x128x128xf32, #tpu.memory_space<vmem>> -> memref<1x128x128xf32, #tpu.memory_space<vmem>>
    %dma_start3A_27 = tpu.memref_squeeze %dma_start3A_26 : memref<1x128x128xf32, #tpu.memory_space<vmem>> -> memref<128x128xf32, #tpu.memory_space<vmem>>
    %dma_start3A_28 = arith.constant 0 : i32
    %dma_start3A_29 = tpu.memref_slice %arg2[%multiple_of3A_8, %dma_start3A_28] : memref<163840x128xf32, #tpu.memory_space<hbm>> -> memref<128x128xf32, #tpu.memory_space<hbm>>
    tpu.enqueue_dma source(%dma_start3A_29 : memref<128x128xf32, #tpu.memory_space<hbm>>) target(%dma_start3A_27 : memref<128x128xf32, #tpu.memory_space<vmem>>) target_semaphore(%arg11 : memref<!tpu.dma_semaphore, #tpu.memory_space<semaphore_mem>>)
    %add3A_30 = arith.constant 128 : i32
    %add3A_31 = arith.addi %multiple_of3A_5, %add3A_30 : i32
    %multiple_of3A_32 = tpu.assume_multiple %add3A_31, 128 : i32
    %dma_start3A_33 = arith.constant 1 : i32
    %dma_start3A_34 = arith.constant 0 : i32
    %dma_start3A_35 = tpu.memref_slice %arg6[%dma_start3A_33, %dma_start3A_34] : memref<2x128xi32, #tpu.memory_space<vmem>> -> memref<1x128xi32, #tpu.memory_space<vmem>>
    %dma_start3A_36 = tpu.memref_squeeze %dma_start3A_35 : memref<1x128xi32, #tpu.memory_space<vmem>> -> memref<128xi32, #tpu.memory_space<vmem>>
    %dma_start3A_37 = tpu.memref_slice %arg3[%multiple_of3A_32] : memref<163840xi32, #tpu.memory_space<hbm>> -> memref<128xi32, #tpu.memory_space<hbm>>
    %dma_start3A_38 = arith.constant 0 : i32
    %dma_start3A_39 = tpu.memref_slice %arg6[%dma_start3A_33, %dma_start3A_38] : memref<2x128xi32, #tpu.memory_space<vmem>> -> memref<1x128xi32, #tpu.memory_space<vmem>>
    %dma_start3A_40 = tpu.memref_squeeze %dma_start3A_39 : memref<1x128xi32, #tpu.memory_space<vmem>> -> memref<128xi32, #tpu.memory_space<vmem>>
    %dma_start3A_41 = tpu.memref_slice %arg3[%multiple_of3A_32] : memref<163840xi32, #tpu.memory_space<hbm>> -> memref<128xi32, #tpu.memory_space<hbm>>
    tpu.enqueue_dma source(%dma_start3A_41 : memref<128xi32, #tpu.memory_space<hbm>>) target(%dma_start3A_40 : memref<128xi32, #tpu.memory_space<vmem>>) target_semaphore(%arg10 : memref<!tpu.dma_semaphore, #tpu.memory_space<semaphore_mem>>)
    %dma_start3A_42 = arith.constant 1 : i32
    %dma_start3A_43 = arith.constant 0 : i32
    %dma_start3A_44 = arith.constant 0 : i32
    %dma_start3A_45 = tpu.memref_slice %arg7[%dma_start3A_42, %dma_start3A_43, %dma_start3A_44] : memref<2x128x128xf32, #tpu.memory_space<vmem>> -> memref<1x128x128xf32, #tpu.memory_space<vmem>>
    %dma_start3A_46 = tpu.memref_squeeze %dma_start3A_45 : memref<1x128x128xf32, #tpu.memory_space<vmem>> -> memref<128x128xf32, #tpu.memory_space<vmem>>
    %dma_start3A_47 = arith.constant 0 : i32
    %dma_start3A_48 = tpu.memref_slice %arg2[%multiple_of3A_32, %dma_start3A_47] : memref<163840x128xf32, #tpu.memory_space<hbm>> -> memref<128x128xf32, #tpu.memory_space<hbm>>
    %dma_start3A_49 = arith.constant 0 : i32
    %dma_start3A_50 = arith.constant 0 : i32
    %dma_start3A_51 = tpu.memref_slice %arg7[%dma_start3A_42, %dma_start3A_49, %dma_start3A_50] : memref<2x128x128xf32, #tpu.memory_space<vmem>> -> memref<1x128x128xf32, #tpu.memory_space<vmem>>
    %dma_start3A_52 = tpu.memref_squeeze %dma_start3A_51 : memref<1x128x128xf32, #tpu.memory_space<vmem>> -> memref<128x128xf32, #tpu.memory_space<vmem>>
    %dma_start3A_53 = arith.constant 0 : i32
    %dma_start3A_54 = tpu.memref_slice %arg2[%multiple_of3A_32, %dma_start3A_53] : memref<163840x128xf32, #tpu.memory_space<hbm>> -> memref<128x128xf32, #tpu.memory_space<hbm>>
    tpu.enqueue_dma source(%dma_start3A_54 : memref<128x128xf32, #tpu.memory_space<hbm>>) target(%dma_start3A_52 : memref<128x128xf32, #tpu.memory_space<vmem>>) target_semaphore(%arg12 : memref<!tpu.dma_semaphore, #tpu.memory_space<semaphore_mem>>)
    %barrier3A = arith.constant 0 : index
    tpu.barrier barrier_id(%barrier3A)
    %scan3A = arith.constant 0 : i32
    %scan3A_55 = arith.constant 20 : i32
    %scan3A_56 = arith.addi %scan3A, %scan3A_55 : i32
    %scan3A_57 = arith.constant 1 : i32
    scf.for %scan3A_109 = %scan3A to %scan3A_56 step %scan3A_57  : i32 {
      %mul3A_110 = arith.constant 2 : i32
      %mul3A_111 = arith.muli %scan3A_109, %mul3A_110 : i32
      %add3A_112 = arith.constant 0 : i32
      %add3A_113 = arith.addi %add3A_112, %mul3A_111 : i32
      %add3A_114 = arith.constant 0 : i32
      %add3A_115 = arith.addi %add3A_113, %add3A_114 : i32
      %mul3A_116 = arith.constant 128 : i32
      %mul3A_117 = arith.muli %add3A_115, %mul3A_116 : i32
      %add3A_118 = arith.addi %multiple_of3A_5, %mul3A_117 : i32
      %multiple_of3A_119 = tpu.assume_multiple %add3A_118, 128 : i32
      %dma_wait3A_120 = arith.constant 0 : i32
      %dma_wait3A_121 = arith.constant 0 : i32
      %dma_wait3A_122 = tpu.memref_slice %arg6[%dma_wait3A_120, %dma_wait3A_121] : memref<2x128xi32, #tpu.memory_space<vmem>> -> memref<1x128xi32, #tpu.memory_space<vmem>>
      %dma_wait3A_123 = tpu.memref_squeeze %dma_wait3A_122 : memref<1x128xi32, #tpu.memory_space<vmem>> -> memref<128xi32, #tpu.memory_space<vmem>>
      %dma_wait3A_124 = tpu.memref_slice %arg3[%multiple_of3A_119] : memref<163840xi32, #tpu.memory_space<hbm>> -> memref<128xi32, #tpu.memory_space<hbm>>
      %dma_wait3A_125 = arith.constant 0 : i32
      %dma_wait3A_126 = tpu.memref_slice %arg6[%dma_wait3A_120, %dma_wait3A_125] : memref<2x128xi32, #tpu.memory_space<vmem>> -> memref<1x128xi32, #tpu.memory_space<vmem>>
      %dma_wait3A_127 = tpu.memref_squeeze %dma_wait3A_126 : memref<1x128xi32, #tpu.memory_space<vmem>> -> memref<128xi32, #tpu.memory_space<vmem>>
      %dma_wait3A_128 = tpu.memref_slice %arg3[%multiple_of3A_119] : memref<163840xi32, #tpu.memory_space<hbm>> -> memref<128xi32, #tpu.memory_space<hbm>>
      tpu.wait_dma2 semaphore(%arg9 : memref<!tpu.dma_semaphore, #tpu.memory_space<semaphore_mem>>) src(%dma_wait3A_128 : memref<128xi32, #tpu.memory_space<hbm>>) dst(%dma_wait3A_127 : memref<128xi32, #tpu.memory_space<vmem>>)
      %dma_wait3A_129 = arith.constant 0 : i32
      %dma_wait3A_130 = arith.constant 0 : i32
      %dma_wait3A_131 = arith.constant 0 : i32
      %dma_wait3A_132 = tpu.memref_slice %arg7[%dma_wait3A_129, %dma_wait3A_130, %dma_wait3A_131] : memref<2x128x128xf32, #tpu.memory_space<vmem>> -> memref<1x128x128xf32, #tpu.memory_space<vmem>>
      %dma_wait3A_133 = tpu.memref_squeeze %dma_wait3A_132 : memref<1x128x128xf32, #tpu.memory_space<vmem>> -> memref<128x128xf32, #tpu.memory_space<vmem>>
      %dma_wait3A_134 = arith.constant 0 : i32
      %dma_wait3A_135 = tpu.memref_slice %arg2[%multiple_of3A_119, %dma_wait3A_134] : memref<163840x128xf32, #tpu.memory_space<hbm>> -> memref<128x128xf32, #tpu.memory_space<hbm>>
      %dma_wait3A_136 = arith.constant 0 : i32
      %dma_wait3A_137 = arith.constant 0 : i32
      %dma_wait3A_138 = tpu.memref_slice %arg7[%dma_wait3A_129, %dma_wait3A_136, %dma_wait3A_137] : memref<2x128x128xf32, #tpu.memory_space<vmem>> -> memref<1x128x128xf32, #tpu.memory_space<vmem>>
      %dma_wait3A_139 = tpu.memref_squeeze %dma_wait3A_138 : memref<1x128x128xf32, #tpu.memory_space<vmem>> -> memref<128x128xf32, #tpu.memory_space<vmem>>
      %dma_wait3A_140 = arith.constant 0 : i32
      %dma_wait3A_141 = tpu.memref_slice %arg2[%multiple_of3A_119, %dma_wait3A_140] : memref<163840x128xf32, #tpu.memory_space<hbm>> -> memref<128x128xf32, #tpu.memory_space<hbm>>
      tpu.wait_dma2 semaphore(%arg11 : memref<!tpu.dma_semaphore, #tpu.memory_space<semaphore_mem>>) src(%dma_wait3A_141 : memref<128x128xf32, #tpu.memory_space<hbm>>) dst(%dma_wait3A_139 : memref<128x128xf32, #tpu.memory_space<vmem>>)
      %run_scoped3A = arith.constant 0 : i32
      %run_scoped3A_142 = arith.constant 0 : i32
      "tpu.region"() ({
        %run_scoped3A_236 = tpu.sem_alloc : memref<!tpu.dma_semaphore, #tpu.memory_space<semaphore_mem>>
        %dma_start3A_237 = arith.constant 0 : i32
        %dma_start3A_238 = arith.constant 0 : i32
        %dma_start3A_239 = tpu.memref_slice %arg7[%run_scoped3A, %dma_start3A_237, %dma_start3A_238] : memref<2x128x128xf32, #tpu.memory_space<vmem>> -> memref<1x128x128xf32, #tpu.memory_space<vmem>>
        %dma_start3A_240 = tpu.memref_squeeze %dma_start3A_239 : memref<1x128x128xf32, #tpu.memory_space<vmem>> -> memref<128x128xf32, #tpu.memory_space<vmem>>
        %dma_start3A_241 = arith.constant 0 : i32
        %dma_start3A_242 = tpu.memref_slice %arg6[%run_scoped3A_142, %dma_start3A_241] : memref<2x128xi32, #tpu.memory_space<vmem>> -> memref<1x128xi32, #tpu.memory_space<vmem>>
        %dma_start3A_243 = tpu.memref_squeeze %dma_start3A_242 : memref<1x128xi32, #tpu.memory_space<vmem>> -> memref<128xi32, #tpu.memory_space<vmem>>
        %dma_start3A_244 = arith.constant 0 : i32
        %dma_start3A_245 = arith.constant 0 : i32
        %dma_start3A_246 = tpu.memref_slice %arg8[%dma_start3A_244, %dma_start3A_245] : memref<10112x128xf32, #tpu.memory_space<vmem_shared>> -> memref<10112x128xf32, #tpu.memory_space<vmem_shared>>
        tpu.enqueue_indirect_dma source(%dma_start3A_240 : memref<128x128xf32, #tpu.memory_space<vmem>>) target(%dma_start3A_246 : memref<10112x128xf32, #tpu.memory_space<vmem_shared>>) offsets(%dma_start3A_243 : memref<128xi32, #tpu.memory_space<vmem>>) semaphore(%run_scoped3A_236 : memref<!tpu.dma_semaphore, #tpu.memory_space<semaphore_mem>>) {add = true}
        %dma_wait3A_247 = arith.constant 0 : i32
        %dma_wait3A_248 = arith.constant 0 : i32
        %dma_wait3A_249 = tpu.memref_slice %arg7[%run_scoped3A, %dma_wait3A_247, %dma_wait3A_248] : memref<2x128x128xf32, #tpu.memory_space<vmem>> -> memref<1x128x128xf32, #tpu.memory_space<vmem>>
        %dma_wait3A_250 = tpu.memref_squeeze %dma_wait3A_249 : memref<1x128x128xf32, #tpu.memory_space<vmem>> -> memref<128x128xf32, #tpu.memory_space<vmem>>
        %dma_wait3A_251 = arith.constant 0 : i32
        %dma_wait3A_252 = tpu.memref_slice %arg6[%run_scoped3A_142, %dma_wait3A_251] : memref<2x128xi32, #tpu.memory_space<vmem>> -> memref<1x128xi32, #tpu.memory_space<vmem>>
        %dma_wait3A_253 = tpu.memref_squeeze %dma_wait3A_252 : memref<1x128xi32, #tpu.memory_space<vmem>> -> memref<128xi32, #tpu.memory_space<vmem>>
        %dma_wait3A_254 = arith.constant 0 : i32
        %dma_wait3A_255 = arith.constant 0 : i32
        %dma_wait3A_256 = tpu.memref_slice %arg8[%dma_wait3A_254, %dma_wait3A_255] : memref<10112x128xf32, #tpu.memory_space<vmem_shared>> -> memref<10112x128xf32, #tpu.memory_space<vmem_shared>>
        tpu.wait_indirect_dma semaphore(%run_scoped3A_236 : memref<!tpu.dma_semaphore, #tpu.memory_space<semaphore_mem>>) src(%dma_wait3A_250 : memref<128x128xf32, #tpu.memory_space<vmem>>) dst(%dma_wait3A_256 : memref<10112x128xf32, #tpu.memory_space<vmem_shared>>)
        tpu.yield
      }) : () -> ()
      %add3A_143 = arith.constant 2 : i32
      %add3A_144 = arith.addi %add3A_115, %add3A_143 : i32
      %ge3A = arith.constant 40 : i32
      %ge3A_145 = arith.cmpi sge, %add3A_144, %ge3A : i32
      %sub3A = arith.constant 40 : i32
      %sub3A_146 = arith.subi %add3A_144, %sub3A : i32
      %select_n3A = arith.select %ge3A_145, %sub3A_146, %add3A_144 : i32
      %mul3A_147 = arith.constant 128 : i32
      %mul3A_148 = arith.muli %select_n3A, %mul3A_147 : i32
      %add3A_149 = arith.addi %multiple_of3A_5, %mul3A_148 : i32
      %multiple_of3A_150 = tpu.assume_multiple %add3A_149, 128 : i32
      %dma_start3A_151 = arith.constant 0 : i32
      %dma_start3A_152 = arith.constant 0 : i32
      %dma_start3A_153 = tpu.memref_slice %arg6[%dma_start3A_151, %dma_start3A_152] : memref<2x128xi32, #tpu.memory_space<vmem>> -> memref<1x128xi32, #tpu.memory_space<vmem>>
      %dma_start3A_154 = tpu.memref_squeeze %dma_start3A_153 : memref<1x128xi32, #tpu.memory_space<vmem>> -> memref<128xi32, #tpu.memory_space<vmem>>
      %dma_start3A_155 = tpu.memref_slice %arg3[%multiple_of3A_150] : memref<163840xi32, #tpu.memory_space<hbm>> -> memref<128xi32, #tpu.memory_space<hbm>>
      %dma_start3A_156 = arith.constant 0 : i32
      %dma_start3A_157 = tpu.memref_slice %arg6[%dma_start3A_151, %dma_start3A_156] : memref<2x128xi32, #tpu.memory_space<vmem>> -> memref<1x128xi32, #tpu.memory_space<vmem>>
      %dma_start3A_158 = tpu.memref_squeeze %dma_start3A_157 : memref<1x128xi32, #tpu.memory_space<vmem>> -> memref<128xi32, #tpu.memory_space<vmem>>
      %dma_start3A_159 = tpu.memref_slice %arg3[%multiple_of3A_150] : memref<163840xi32, #tpu.memory_space<hbm>> -> memref<128xi32, #tpu.memory_space<hbm>>
      tpu.enqueue_dma source(%dma_start3A_159 : memref<128xi32, #tpu.memory_space<hbm>>) target(%dma_start3A_158 : memref<128xi32, #tpu.memory_space<vmem>>) target_semaphore(%arg9 : memref<!tpu.dma_semaphore, #tpu.memory_space<semaphore_mem>>)
      %dma_start3A_160 = arith.constant 0 : i32
      %dma_start3A_161 = arith.constant 0 : i32
      %dma_start3A_162 = arith.constant 0 : i32
      %dma_start3A_163 = tpu.memref_slice %arg7[%dma_start3A_160, %dma_start3A_161, %dma_start3A_162] : memref<2x128x128xf32, #tpu.memory_space<vmem>> -> memref<1x128x128xf32, #tpu.memory_space<vmem>>
      %dma_start3A_164 = tpu.memref_squeeze %dma_start3A_163 : memref<1x128x128xf32, #tpu.memory_space<vmem>> -> memref<128x128xf32, #tpu.memory_space<vmem>>
      %dma_start3A_165 = arith.constant 0 : i32
      %dma_start3A_166 = tpu.memref_slice %arg2[%multiple_of3A_150, %dma_start3A_165] : memref<163840x128xf32, #tpu.memory_space<hbm>> -> memref<128x128xf32, #tpu.memory_space<hbm>>
      %dma_start3A_167 = arith.constant 0 : i32
      %dma_start3A_168 = arith.constant 0 : i32
      %dma_start3A_169 = tpu.memref_slice %arg7[%dma_start3A_160, %dma_start3A_167, %dma_start3A_168] : memref<2x128x128xf32, #tpu.memory_space<vmem>> -> memref<1x128x128xf32, #tpu.memory_space<vmem>>
      %dma_start3A_170 = tpu.memref_squeeze %dma_start3A_169 : memref<1x128x128xf32, #tpu.memory_space<vmem>> -> memref<128x128xf32, #tpu.memory_space<vmem>>
      %dma_start3A_171 = arith.constant 0 : i32
      %dma_start3A_172 = tpu.memref_slice %arg2[%multiple_of3A_150, %dma_start3A_171] : memref<163840x128xf32, #tpu.memory_space<hbm>> -> memref<128x128xf32, #tpu.memory_space<hbm>>
      tpu.enqueue_dma source(%dma_start3A_172 : memref<128x128xf32, #tpu.memory_space<hbm>>) target(%dma_start3A_170 : memref<128x128xf32, #tpu.memory_space<vmem>>) target_semaphore(%arg11 : memref<!tpu.dma_semaphore, #tpu.memory_space<semaphore_mem>>)
      %add3A_173 = arith.constant 1 : i32
      %add3A_174 = arith.addi %add3A_113, %add3A_173 : i32
      %mul3A_175 = arith.constant 128 : i32
      %mul3A_176 = arith.muli %add3A_174, %mul3A_175 : i32
      %add3A_177 = arith.addi %multiple_of3A_5, %mul3A_176 : i32
      %multiple_of3A_178 = tpu.assume_multiple %add3A_177, 128 : i32
      %dma_wait3A_179 = arith.constant 1 : i32
      %dma_wait3A_180 = arith.constant 0 : i32
      %dma_wait3A_181 = tpu.memref_slice %arg6[%dma_wait3A_179, %dma_wait3A_180] : memref<2x128xi32, #tpu.memory_space<vmem>> -> memref<1x128xi32, #tpu.memory_space<vmem>>
      %dma_wait3A_182 = tpu.memref_squeeze %dma_wait3A_181 : memref<1x128xi32, #tpu.memory_space<vmem>> -> memref<128xi32, #tpu.memory_space<vmem>>
      %dma_wait3A_183 = tpu.memref_slice %arg3[%multiple_of3A_178] : memref<163840xi32, #tpu.memory_space<hbm>> -> memref<128xi32, #tpu.memory_space<hbm>>
      %dma_wait3A_184 = arith.constant 0 : i32
      %dma_wait3A_185 = tpu.memref_slice %arg6[%dma_wait3A_179, %dma_wait3A_184] : memref<2x128xi32, #tpu.memory_space<vmem>> -> memref<1x128xi32, #tpu.memory_space<vmem>>
      %dma_wait3A_186 = tpu.memref_squeeze %dma_wait3A_185 : memref<1x128xi32, #tpu.memory_space<vmem>> -> memref<128xi32, #tpu.memory_space<vmem>>
      %dma_wait3A_187 = tpu.memref_slice %arg3[%multiple_of3A_178] : memref<163840xi32, #tpu.memory_space<hbm>> -> memref<128xi32, #tpu.memory_space<hbm>>
      tpu.wait_dma2 semaphore(%arg10 : memref<!tpu.dma_semaphore, #tpu.memory_space<semaphore_mem>>) src(%dma_wait3A_187 : memref<128xi32, #tpu.memory_space<hbm>>) dst(%dma_wait3A_186 : memref<128xi32, #tpu.memory_space<vmem>>)
      %dma_wait3A_188 = arith.constant 1 : i32
      %dma_wait3A_189 = arith.constant 0 : i32
      %dma_wait3A_190 = arith.constant 0 : i32
      %dma_wait3A_191 = tpu.memref_slice %arg7[%dma_wait3A_188, %dma_wait3A_189, %dma_wait3A_190] : memref<2x128x128xf32, #tpu.memory_space<vmem>> -> memref<1x128x128xf32, #tpu.memory_space<vmem>>
      %dma_wait3A_192 = tpu.memref_squeeze %dma_wait3A_191 : memref<1x128x128xf32, #tpu.memory_space<vmem>> -> memref<128x128xf32, #tpu.memory_space<vmem>>
      %dma_wait3A_193 = arith.constant 0 : i32
      %dma_wait3A_194 = tpu.memref_slice %arg2[%multiple_of3A_178, %dma_wait3A_193] : memref<163840x128xf32, #tpu.memory_space<hbm>> -> memref<128x128xf32, #tpu.memory_space<hbm>>
      %dma_wait3A_195 = arith.constant 0 : i32
      %dma_wait3A_196 = arith.constant 0 : i32
      %dma_wait3A_197 = tpu.memref_slice %arg7[%dma_wait3A_188, %dma_wait3A_195, %dma_wait3A_196] : memref<2x128x128xf32, #tpu.memory_space<vmem>> -> memref<1x128x128xf32, #tpu.memory_space<vmem>>
      %dma_wait3A_198 = tpu.memref_squeeze %dma_wait3A_197 : memref<1x128x128xf32, #tpu.memory_space<vmem>> -> memref<128x128xf32, #tpu.memory_space<vmem>>
      %dma_wait3A_199 = arith.constant 0 : i32
      %dma_wait3A_200 = tpu.memref_slice %arg2[%multiple_of3A_178, %dma_wait3A_199] : memref<163840x128xf32, #tpu.memory_space<hbm>> -> memref<128x128xf32, #tpu.memory_space<hbm>>
      tpu.wait_dma2 semaphore(%arg12 : memref<!tpu.dma_semaphore, #tpu.memory_space<semaphore_mem>>) src(%dma_wait3A_200 : memref<128x128xf32, #tpu.memory_space<hbm>>) dst(%dma_wait3A_198 : memref<128x128xf32, #tpu.memory_space<vmem>>)
      %run_scoped3A_201 = arith.constant 1 : i32
      %run_scoped3A_202 = arith.constant 1 : i32
      "tpu.region"() ({
        %run_scoped3A_236 = tpu.sem_alloc : memref<!tpu.dma_semaphore, #tpu.memory_space<semaphore_mem>>
        %dma_start3A_237 = arith.constant 0 : i32
        %dma_start3A_238 = arith.constant 0 : i32
        %dma_start3A_239 = tpu.memref_slice %arg7[%run_scoped3A_201, %dma_start3A_237, %dma_start3A_238] : memref<2x128x128xf32, #tpu.memory_space<vmem>> -> memref<1x128x128xf32, #tpu.memory_space<vmem>>
        %dma_start3A_240 = tpu.memref_squeeze %dma_start3A_239 : memref<1x128x128xf32, #tpu.memory_space<vmem>> -> memref<128x128xf32, #tpu.memory_space<vmem>>
        %dma_start3A_241 = arith.constant 0 : i32
        %dma_start3A_242 = tpu.memref_slice %arg6[%run_scoped3A_202, %dma_start3A_241] : memref<2x128xi32, #tpu.memory_space<vmem>> -> memref<1x128xi32, #tpu.memory_space<vmem>>
        %dma_start3A_243 = tpu.memref_squeeze %dma_start3A_242 : memref<1x128xi32, #tpu.memory_space<vmem>> -> memref<128xi32, #tpu.memory_space<vmem>>
        %dma_start3A_244 = arith.constant 0 : i32
        %dma_start3A_245 = arith.constant 0 : i32
        %dma_start3A_246 = tpu.memref_slice %arg8[%dma_start3A_244, %dma_start3A_245] : memref<10112x128xf32, #tpu.memory_space<vmem_shared>> -> memref<10112x128xf32, #tpu.memory_space<vmem_shared>>
        tpu.enqueue_indirect_dma source(%dma_start3A_240 : memref<128x128xf32, #tpu.memory_space<vmem>>) target(%dma_start3A_246 : memref<10112x128xf32, #tpu.memory_space<vmem_shared>>) offsets(%dma_start3A_243 : memref<128xi32, #tpu.memory_space<vmem>>) semaphore(%run_scoped3A_236 : memref<!tpu.dma_semaphore, #tpu.memory_space<semaphore_mem>>) {add = true}
        %dma_wait3A_247 = arith.constant 0 : i32
        %dma_wait3A_248 = arith.constant 0 : i32
        %dma_wait3A_249 = tpu.memref_slice %arg7[%run_scoped3A_201, %dma_wait3A_247, %dma_wait3A_248] : memref<2x128x128xf32, #tpu.memory_space<vmem>> -> memref<1x128x128xf32, #tpu.memory_space<vmem>>
        %dma_wait3A_250 = tpu.memref_squeeze %dma_wait3A_249 : memref<1x128x128xf32, #tpu.memory_space<vmem>> -> memref<128x128xf32, #tpu.memory_space<vmem>>
        %dma_wait3A_251 = arith.constant 0 : i32
        %dma_wait3A_252 = tpu.memref_slice %arg6[%run_scoped3A_202, %dma_wait3A_251] : memref<2x128xi32, #tpu.memory_space<vmem>> -> memref<1x128xi32, #tpu.memory_space<vmem>>
        %dma_wait3A_253 = tpu.memref_squeeze %dma_wait3A_252 : memref<1x128xi32, #tpu.memory_space<vmem>> -> memref<128xi32, #tpu.memory_space<vmem>>
        %dma_wait3A_254 = arith.constant 0 : i32
        %dma_wait3A_255 = arith.constant 0 : i32
        %dma_wait3A_256 = tpu.memref_slice %arg8[%dma_wait3A_254, %dma_wait3A_255] : memref<10112x128xf32, #tpu.memory_space<vmem_shared>> -> memref<10112x128xf32, #tpu.memory_space<vmem_shared>>
        tpu.wait_indirect_dma semaphore(%run_scoped3A_236 : memref<!tpu.dma_semaphore, #tpu.memory_space<semaphore_mem>>) src(%dma_wait3A_250 : memref<128x128xf32, #tpu.memory_space<vmem>>) dst(%dma_wait3A_256 : memref<10112x128xf32, #tpu.memory_space<vmem_shared>>)
        tpu.yield
      }) : () -> ()
      %add3A_203 = arith.constant 2 : i32
      %add3A_204 = arith.addi %add3A_174, %add3A_203 : i32
      %ge3A_205 = arith.constant 40 : i32
      %ge3A_206 = arith.cmpi sge, %add3A_204, %ge3A_205 : i32
      %sub3A_207 = arith.constant 40 : i32
      %sub3A_208 = arith.subi %add3A_204, %sub3A_207 : i32
      %select_n3A_209 = arith.select %ge3A_206, %sub3A_208, %add3A_204 : i32
      %mul3A_210 = arith.constant 128 : i32
      %mul3A_211 = arith.muli %select_n3A_209, %mul3A_210 : i32
      %add3A_212 = arith.addi %multiple_of3A_5, %mul3A_211 : i32
      %multiple_of3A_213 = tpu.assume_multiple %add3A_212, 128 : i32
      %dma_start3A_214 = arith.constant 1 : i32
      %dma_start3A_215 = arith.constant 0 : i32
      %dma_start3A_216 = tpu.memref_slice %arg6[%dma_start3A_214, %dma_start3A_215] : memref<2x128xi32, #tpu.memory_space<vmem>> -> memref<1x128xi32, #tpu.memory_space<vmem>>
      %dma_start3A_217 = tpu.memref_squeeze %dma_start3A_216 : memref<1x128xi32, #tpu.memory_space<vmem>> -> memref<128xi32, #tpu.memory_space<vmem>>
      %dma_start3A_218 = tpu.memref_slice %arg3[%multiple_of3A_213] : memref<163840xi32, #tpu.memory_space<hbm>> -> memref<128xi32, #tpu.memory_space<hbm>>
      %dma_start3A_219 = arith.constant 0 : i32
      %dma_start3A_220 = tpu.memref_slice %arg6[%dma_start3A_214, %dma_start3A_219] : memref<2x128xi32, #tpu.memory_space<vmem>> -> memref<1x128xi32, #tpu.memory_space<vmem>>
      %dma_start3A_221 = tpu.memref_squeeze %dma_start3A_220 : memref<1x128xi32, #tpu.memory_space<vmem>> -> memref<128xi32, #tpu.memory_space<vmem>>
      %dma_start3A_222 = tpu.memref_slice %arg3[%multiple_of3A_213] : memref<163840xi32, #tpu.memory_space<hbm>> -> memref<128xi32, #tpu.memory_space<hbm>>
      tpu.enqueue_dma source(%dma_start3A_222 : memref<128xi32, #tpu.memory_space<hbm>>) target(%dma_start3A_221 : memref<128xi32, #tpu.memory_space<vmem>>) target_semaphore(%arg10 : memref<!tpu.dma_semaphore, #tpu.memory_space<semaphore_mem>>)
      %dma_start3A_223 = arith.constant 1 : i32
      %dma_start3A_224 = arith.constant 0 : i32
      %dma_start3A_225 = arith.constant 0 : i32
      %dma_start3A_226 = tpu.memref_slice %arg7[%dma_start3A_223, %dma_start3A_224, %dma_start3A_225] : memref<2x128x128xf32, #tpu.memory_space<vmem>> -> memref<1x128x128xf32, #tpu.memory_space<vmem>>
      %dma_start3A_227 = tpu.memref_squeeze %dma_start3A_226 : memref<1x128x128xf32, #tpu.memory_space<vmem>> -> memref<128x128xf32, #tpu.memory_space<vmem>>
      %dma_start3A_228 = arith.constant 0 : i32
      %dma_start3A_229 = tpu.memref_slice %arg2[%multiple_of3A_213, %dma_start3A_228] : memref<163840x128xf32, #tpu.memory_space<hbm>> -> memref<128x128xf32, #tpu.memory_space<hbm>>
      %dma_start3A_230 = arith.constant 0 : i32
      %dma_start3A_231 = arith.constant 0 : i32
      %dma_start3A_232 = tpu.memref_slice %arg7[%dma_start3A_223, %dma_start3A_230, %dma_start3A_231] : memref<2x128x128xf32, #tpu.memory_space<vmem>> -> memref<1x128x128xf32, #tpu.memory_space<vmem>>
      %dma_start3A_233 = tpu.memref_squeeze %dma_start3A_232 : memref<1x128x128xf32, #tpu.memory_space<vmem>> -> memref<128x128xf32, #tpu.memory_space<vmem>>
      %dma_start3A_234 = arith.constant 0 : i32
      %dma_start3A_235 = tpu.memref_slice %arg2[%multiple_of3A_213, %dma_start3A_234] : memref<163840x128xf32, #tpu.memory_space<hbm>> -> memref<128x128xf32, #tpu.memory_space<hbm>>
      tpu.enqueue_dma source(%dma_start3A_235 : memref<128x128xf32, #tpu.memory_space<hbm>>) target(%dma_start3A_233 : memref<128x128xf32, #tpu.memory_space<vmem>>) target_semaphore(%arg12 : memref<!tpu.dma_semaphore, #tpu.memory_space<semaphore_mem>>)
    }
    %scan3A_58 = arith.constant 20 : i32
    %add3A_59 = arith.constant 0 : i32
    %add3A_60 = arith.addi %multiple_of3A_5, %add3A_59 : i32
    %multiple_of3A_61 = tpu.assume_multiple %add3A_60, 128 : i32
    %dma_wait3A = arith.constant 0 : i32
    %dma_wait3A_62 = arith.constant 0 : i32
    %dma_wait3A_63 = tpu.memref_slice %arg6[%dma_wait3A, %dma_wait3A_62] : memref<2x128xi32, #tpu.memory_space<vmem>> -> memref<1x128xi32, #tpu.memory_space<vmem>>
    %dma_wait3A_64 = tpu.memref_squeeze %dma_wait3A_63 : memref<1x128xi32, #tpu.memory_space<vmem>> -> memref<128xi32, #tpu.memory_space<vmem>>
    %dma_wait3A_65 = tpu.memref_slice %arg3[%multiple_of3A_61] : memref<163840xi32, #tpu.memory_space<hbm>> -> memref<128xi32, #tpu.memory_space<hbm>>
    %dma_wait3A_66 = arith.constant 0 : i32
    %dma_wait3A_67 = tpu.memref_slice %arg6[%dma_wait3A, %dma_wait3A_66] : memref<2x128xi32, #tpu.memory_space<vmem>> -> memref<1x128xi32, #tpu.memory_space<vmem>>
    %dma_wait3A_68 = tpu.memref_squeeze %dma_wait3A_67 : memref<1x128xi32, #tpu.memory_space<vmem>> -> memref<128xi32, #tpu.memory_space<vmem>>
    %dma_wait3A_69 = tpu.memref_slice %arg3[%multiple_of3A_61] : memref<163840xi32, #tpu.memory_space<hbm>> -> memref<128xi32, #tpu.memory_space<hbm>>
    tpu.wait_dma2 semaphore(%arg9 : memref<!tpu.dma_semaphore, #tpu.memory_space<semaphore_mem>>) src(%dma_wait3A_69 : memref<128xi32, #tpu.memory_space<hbm>>) dst(%dma_wait3A_68 : memref<128xi32, #tpu.memory_space<vmem>>)
    %dma_wait3A_70 = arith.constant 0 : i32
    %dma_wait3A_71 = arith.constant 0 : i32
    %dma_wait3A_72 = arith.constant 0 : i32
    %dma_wait3A_73 = tpu.memref_slice %arg7[%dma_wait3A_70, %dma_wait3A_71, %dma_wait3A_72] : memref<2x128x128xf32, #tpu.memory_space<vmem>> -> memref<1x128x128xf32, #tpu.memory_space<vmem>>
    %dma_wait3A_74 = tpu.memref_squeeze %dma_wait3A_73 : memref<1x128x128xf32, #tpu.memory_space<vmem>> -> memref<128x128xf32, #tpu.memory_space<vmem>>
    %dma_wait3A_75 = arith.constant 0 : i32
    %dma_wait3A_76 = tpu.memref_slice %arg2[%multiple_of3A_61, %dma_wait3A_75] : memref<163840x128xf32, #tpu.memory_space<hbm>> -> memref<128x128xf32, #tpu.memory_space<hbm>>
    %dma_wait3A_77 = arith.constant 0 : i32
    %dma_wait3A_78 = arith.constant 0 : i32
    %dma_wait3A_79 = tpu.memref_slice %arg7[%dma_wait3A_70, %dma_wait3A_77, %dma_wait3A_78] : memref<2x128x128xf32, #tpu.memory_space<vmem>> -> memref<1x128x128xf32, #tpu.memory_space<vmem>>
    %dma_wait3A_80 = tpu.memref_squeeze %dma_wait3A_79 : memref<1x128x128xf32, #tpu.memory_space<vmem>> -> memref<128x128xf32, #tpu.memory_space<vmem>>
    %dma_wait3A_81 = arith.constant 0 : i32
    %dma_wait3A_82 = tpu.memref_slice %arg2[%multiple_of3A_61, %dma_wait3A_81] : memref<163840x128xf32, #tpu.memory_space<hbm>> -> memref<128x128xf32, #tpu.memory_space<hbm>>
    tpu.wait_dma2 semaphore(%arg11 : memref<!tpu.dma_semaphore, #tpu.memory_space<semaphore_mem>>) src(%dma_wait3A_82 : memref<128x128xf32, #tpu.memory_space<hbm>>) dst(%dma_wait3A_80 : memref<128x128xf32, #tpu.memory_space<vmem>>)
    %add3A_83 = arith.constant 128 : i32
    %add3A_84 = arith.addi %multiple_of3A_5, %add3A_83 : i32
    %multiple_of3A_85 = tpu.assume_multiple %add3A_84, 128 : i32
    %dma_wait3A_86 = arith.constant 1 : i32
    %dma_wait3A_87 = arith.constant 0 : i32
    %dma_wait3A_88 = tpu.memref_slice %arg6[%dma_wait3A_86, %dma_wait3A_87] : memref<2x128xi32, #tpu.memory_space<vmem>> -> memref<1x128xi32, #tpu.memory_space<vmem>>
    %dma_wait3A_89 = tpu.memref_squeeze %dma_wait3A_88 : memref<1x128xi32, #tpu.memory_space<vmem>> -> memref<128xi32, #tpu.memory_space<vmem>>
    %dma_wait3A_90 = tpu.memref_slice %arg3[%multiple_of3A_85] : memref<163840xi32, #tpu.memory_space<hbm>> -> memref<128xi32, #tpu.memory_space<hbm>>
    %dma_wait3A_91 = arith.constant 0 : i32
    %dma_wait3A_92 = tpu.memref_slice %arg6[%dma_wait3A_86, %dma_wait3A_91] : memref<2x128xi32, #tpu.memory_space<vmem>> -> memref<1x128xi32, #tpu.memory_space<vmem>>
    %dma_wait3A_93 = tpu.memref_squeeze %dma_wait3A_92 : memref<1x128xi32, #tpu.memory_space<vmem>> -> memref<128xi32, #tpu.memory_space<vmem>>
    %dma_wait3A_94 = tpu.memref_slice %arg3[%multiple_of3A_85] : memref<163840xi32, #tpu.memory_space<hbm>> -> memref<128xi32, #tpu.memory_space<hbm>>
    tpu.wait_dma2 semaphore(%arg10 : memref<!tpu.dma_semaphore, #tpu.memory_space<semaphore_mem>>) src(%dma_wait3A_94 : memref<128xi32, #tpu.memory_space<hbm>>) dst(%dma_wait3A_93 : memref<128xi32, #tpu.memory_space<vmem>>)
    %dma_wait3A_95 = arith.constant 1 : i32
    %dma_wait3A_96 = arith.constant 0 : i32
    %dma_wait3A_97 = arith.constant 0 : i32
    %dma_wait3A_98 = tpu.memref_slice %arg7[%dma_wait3A_95, %dma_wait3A_96, %dma_wait3A_97] : memref<2x128x128xf32, #tpu.memory_space<vmem>> -> memref<1x128x128xf32, #tpu.memory_space<vmem>>
    %dma_wait3A_99 = tpu.memref_squeeze %dma_wait3A_98 : memref<1x128x128xf32, #tpu.memory_space<vmem>> -> memref<128x128xf32, #tpu.memory_space<vmem>>
    %dma_wait3A_100 = arith.constant 0 : i32
    %dma_wait3A_101 = tpu.memref_slice %arg2[%multiple_of3A_85, %dma_wait3A_100] : memref<163840x128xf32, #tpu.memory_space<hbm>> -> memref<128x128xf32, #tpu.memory_space<hbm>>
    %dma_wait3A_102 = arith.constant 0 : i32
    %dma_wait3A_103 = arith.constant 0 : i32
    %dma_wait3A_104 = tpu.memref_slice %arg7[%dma_wait3A_95, %dma_wait3A_102, %dma_wait3A_103] : memref<2x128x128xf32, #tpu.memory_space<vmem>> -> memref<1x128x128xf32, #tpu.memory_space<vmem>>
    %dma_wait3A_105 = tpu.memref_squeeze %dma_wait3A_104 : memref<1x128x128xf32, #tpu.memory_space<vmem>> -> memref<128x128xf32, #tpu.memory_space<vmem>>
    %dma_wait3A_106 = arith.constant 0 : i32
    %dma_wait3A_107 = tpu.memref_slice %arg2[%multiple_of3A_85, %dma_wait3A_106] : memref<163840x128xf32, #tpu.memory_space<hbm>> -> memref<128x128xf32, #tpu.memory_space<hbm>>
    tpu.wait_dma2 semaphore(%arg12 : memref<!tpu.dma_semaphore, #tpu.memory_space<semaphore_mem>>) src(%dma_wait3A_107 : memref<128x128xf32, #tpu.memory_space<hbm>>) dst(%dma_wait3A_105 : memref<128x128xf32, #tpu.memory_space<vmem>>)
    %barrier3A_108 = arith.constant 0 : index
    tpu.barrier barrier_id(%barrier3A_108)
    "tpu.region"() ({
      %run_scoped3A = tpu.sem_alloc : memref<!tpu.dma_semaphore, #tpu.memory_space<semaphore_mem>>
      %dma_start3A_109 = arith.constant 0 : i32
      %dma_start3A_110 = arith.constant 0 : i32
      %dma_start3A_111 = tpu.memref_slice %arg5[%arg0, %dma_start3A_109, %dma_start3A_110] : memref<2x10112x128xf32, #tpu.memory_space<hbm>> -> memref<1x10112x128xf32, #tpu.memory_space<hbm>>
      %dma_start3A_112 = tpu.memref_squeeze %dma_start3A_111 : memref<1x10112x128xf32, #tpu.memory_space<hbm>> -> memref<10112x128xf32, #tpu.memory_space<hbm>>
      %dma_start3A_113 = arith.constant 0 : i32
      %dma_start3A_114 = tpu.memref_slice %dma_start3A_112[%multiple_of3A, %dma_start3A_113] : memref<10112x128xf32, #tpu.memory_space<hbm>> -> memref<632x128xf32, #tpu.memory_space<hbm>>
      %dma_start3A_115 = arith.constant 0 : i32
      %dma_start3A_116 = tpu.memref_slice %arg8[%multiple_of3A, %dma_start3A_115] : memref<10112x128xf32, #tpu.memory_space<vmem_shared>> -> memref<632x128xf32, #tpu.memory_space<vmem_shared>>
      tpu.enqueue_dma source(%dma_start3A_116 : memref<632x128xf32, #tpu.memory_space<vmem_shared>>) target(%dma_start3A_114 : memref<632x128xf32, #tpu.memory_space<hbm>>) target_semaphore(%run_scoped3A : memref<!tpu.dma_semaphore, #tpu.memory_space<semaphore_mem>>)
      %dma_wait3A_117 = arith.constant 0 : i32
      %dma_wait3A_118 = arith.constant 0 : i32
      %dma_wait3A_119 = tpu.memref_slice %arg5[%arg0, %dma_wait3A_117, %dma_wait3A_118] : memref<2x10112x128xf32, #tpu.memory_space<hbm>> -> memref<1x10112x128xf32, #tpu.memory_space<hbm>>
      %dma_wait3A_120 = tpu.memref_squeeze %dma_wait3A_119 : memref<1x10112x128xf32, #tpu.memory_space<hbm>> -> memref<10112x128xf32, #tpu.memory_space<hbm>>
      %dma_wait3A_121 = arith.constant 0 : i32
      %dma_wait3A_122 = tpu.memref_slice %dma_wait3A_120[%multiple_of3A, %dma_wait3A_121] : memref<10112x128xf32, #tpu.memory_space<hbm>> -> memref<632x128xf32, #tpu.memory_space<hbm>>
      %dma_wait3A_123 = arith.constant 0 : i32
      %dma_wait3A_124 = tpu.memref_slice %arg8[%multiple_of3A, %dma_wait3A_123] : memref<10112x128xf32, #tpu.memory_space<vmem_shared>> -> memref<632x128xf32, #tpu.memory_space<vmem_shared>>
      tpu.wait_dma2 semaphore(%run_scoped3A : memref<!tpu.dma_semaphore, #tpu.memory_space<semaphore_mem>>) src(%dma_wait3A_124 : memref<632x128xf32, #tpu.memory_space<vmem_shared>>) dst(%dma_wait3A_122 : memref<632x128xf32, #tpu.memory_space<hbm>>)
      tpu.yield
    }) : () -> ()
    return
  }
}

#map = affine_map<(d0, d1) -> (0, 0)>
#map1 = affine_map<(d0, d1) -> (0)>
module attributes {stable_mosaic.version = 14 : i64} {
  func.func @k(%arg0: i32, %arg1: i32, %arg2: memref<10240x128xf32, #tpu.memory_space<hbm>>, %arg3: memref<10240x128xf32, #tpu.memory_space<hbm>>, %arg4: memref<327680xi32, #tpu.memory_space<hbm>>, %arg5: memref<327680xi32, #tpu.memory_space<hbm>>, %arg6: memref<327680x128xf32, #tpu.memory_space<hbm>>, %arg7: memref<327680x128xf32, #tpu.memory_space<hbm>>, %arg8: memref<2x128xi32, #tpu.memory_space<vmem>>, %arg9: memref<2x128x128xf32, #tpu.memory_space<vmem>>, %arg10: memref<10240x128xf32, #tpu.memory_space<vmem_shared>>, %arg11: memref<!tpu.dma_semaphore, #tpu.memory_space<semaphore_mem>>, %arg12: memref<!tpu.dma_semaphore, #tpu.memory_space<semaphore_mem>>, %arg13: memref<!tpu.dma_semaphore, #tpu.memory_space<semaphore_mem>>, %arg14: memref<!tpu.dma_semaphore, #tpu.memory_space<semaphore_mem>>, %arg15: memref<!tpu.dma_semaphore, #tpu.memory_space<semaphore_mem>>, %arg16: memref<!tpu.dma_semaphore, #tpu.memory_space<semaphore_mem>>) attributes {dimension_semantics = [#tpu.dimension_semantics<core_parallel>, #tpu.dimension_semantics<subcore_parallel>], iteration_bounds = array<i64: 2, 16>, scalar_prefetch = 0 : i64, scratch_operands = 9 : i64, tpu.core_type = #tpu.core_type<sc_vector_subcore>, window_params = [{transform_indices = #map}, {transform_indices = #map}, {transform_indices = #map1}, {transform_indices = #map1}, {transform_indices = #map}, {transform_indices = #map}]} {
    %mul3A = arith.constant 20480 : i32
    %mul3A_0 = arith.muli %arg1, %mul3A : i32
    %multiple_of3A = tpu.assume_multiple %mul3A_0, 128 : i32
    %mul3A_1 = arith.constant 640 : i32
    %mul3A_2 = arith.muli %arg1, %mul3A_1 : i32
    %multiple_of3A_3 = tpu.assume_multiple %mul3A_2, 16 : i32
    %eq3A = arith.constant 0 : i32
    %eq3A_4 = arith.cmpi eq, %arg0, %eq3A : i32
    %convert_element_type3A = arith.extui %eq3A_4 : i1 to i32
    %cond3A = arith.constant 0 : i32
    %cond3A_5 = arith.cmpi ne, %convert_element_type3A, %cond3A : i32
    scf.if %cond3A_5 {
      "tpu.region"() ({
        %run_scoped3A = tpu.sem_alloc : memref<!tpu.dma_semaphore, #tpu.memory_space<semaphore_mem>>
        %dma_start3A_118 = arith.constant 0 : i32
        %dma_start3A_119 = tpu.memref_slice %arg10[%multiple_of3A_3, %dma_start3A_118] : memref<10240x128xf32, #tpu.memory_space<vmem_shared>> -> memref<640x128xf32, #tpu.memory_space<vmem_shared>>
        %dma_start3A_120 = arith.constant 0 : i32
        %dma_start3A_121 = tpu.memref_slice %arg2[%multiple_of3A_3, %dma_start3A_120] : memref<10240x128xf32, #tpu.memory_space<hbm>> -> memref<640x128xf32, #tpu.memory_space<hbm>>
        tpu.enqueue_dma source(%dma_start3A_121 : memref<640x128xf32, #tpu.memory_space<hbm>>) target(%dma_start3A_119 : memref<640x128xf32, #tpu.memory_space<vmem_shared>>) target_semaphore(%run_scoped3A : memref<!tpu.dma_semaphore, #tpu.memory_space<semaphore_mem>>)
        %dma_wait3A_122 = arith.constant 0 : i32
        %dma_wait3A_123 = tpu.memref_slice %arg10[%multiple_of3A_3, %dma_wait3A_122] : memref<10240x128xf32, #tpu.memory_space<vmem_shared>> -> memref<640x128xf32, #tpu.memory_space<vmem_shared>>
        %dma_wait3A_124 = arith.constant 0 : i32
        %dma_wait3A_125 = tpu.memref_slice %arg2[%multiple_of3A_3, %dma_wait3A_124] : memref<10240x128xf32, #tpu.memory_space<hbm>> -> memref<640x128xf32, #tpu.memory_space<hbm>>
        tpu.wait_dma2 semaphore(%run_scoped3A : memref<!tpu.dma_semaphore, #tpu.memory_space<semaphore_mem>>) src(%dma_wait3A_125 : memref<640x128xf32, #tpu.memory_space<hbm>>) dst(%dma_wait3A_123 : memref<640x128xf32, #tpu.memory_space<vmem_shared>>)
        tpu.yield
      }) : () -> ()
      %add3A = arith.constant 0 : i32
      %add3A_11 = arith.addi %multiple_of3A, %add3A : i32
      %multiple_of3A_12 = tpu.assume_multiple %add3A_11, 128 : i32
      %dma_start3A = arith.constant 0 : i32
      %dma_start3A_13 = arith.constant 0 : i32
      %dma_start3A_14 = tpu.memref_slice %arg8[%dma_start3A, %dma_start3A_13] : memref<2x128xi32, #tpu.memory_space<vmem>> -> memref<1x128xi32, #tpu.memory_space<vmem>>
      %dma_start3A_15 = tpu.memref_squeeze %dma_start3A_14 : memref<1x128xi32, #tpu.memory_space<vmem>> -> memref<128xi32, #tpu.memory_space<vmem>>
      %dma_start3A_16 = tpu.memref_slice %arg4[%multiple_of3A_12] : memref<327680xi32, #tpu.memory_space<hbm>> -> memref<128xi32, #tpu.memory_space<hbm>>
      %dma_start3A_17 = arith.constant 0 : i32
      %dma_start3A_18 = tpu.memref_slice %arg8[%dma_start3A, %dma_start3A_17] : memref<2x128xi32, #tpu.memory_space<vmem>> -> memref<1x128xi32, #tpu.memory_space<vmem>>
      %dma_start3A_19 = tpu.memref_squeeze %dma_start3A_18 : memref<1x128xi32, #tpu.memory_space<vmem>> -> memref<128xi32, #tpu.memory_space<vmem>>
      %dma_start3A_20 = tpu.memref_slice %arg4[%multiple_of3A_12] : memref<327680xi32, #tpu.memory_space<hbm>> -> memref<128xi32, #tpu.memory_space<hbm>>
      tpu.enqueue_dma source(%dma_start3A_20 : memref<128xi32, #tpu.memory_space<hbm>>) target(%dma_start3A_19 : memref<128xi32, #tpu.memory_space<vmem>>) target_semaphore(%arg11 : memref<!tpu.dma_semaphore, #tpu.memory_space<semaphore_mem>>)
      %add3A_21 = arith.constant 0 : i32
      %add3A_22 = arith.addi %multiple_of3A, %add3A_21 : i32
      %multiple_of3A_23 = tpu.assume_multiple %add3A_22, 128 : i32
      %dma_start3A_24 = arith.constant 0 : i32
      %dma_start3A_25 = arith.constant 0 : i32
      %dma_start3A_26 = arith.constant 0 : i32
      %dma_start3A_27 = tpu.memref_slice %arg9[%dma_start3A_24, %dma_start3A_25, %dma_start3A_26] : memref<2x128x128xf32, #tpu.memory_space<vmem>> -> memref<1x128x128xf32, #tpu.memory_space<vmem>>
      %dma_start3A_28 = tpu.memref_squeeze %dma_start3A_27 : memref<1x128x128xf32, #tpu.memory_space<vmem>> -> memref<128x128xf32, #tpu.memory_space<vmem>>
      %dma_start3A_29 = arith.constant 0 : i32
      %dma_start3A_30 = tpu.memref_slice %arg6[%multiple_of3A_23, %dma_start3A_29] : memref<327680x128xf32, #tpu.memory_space<hbm>> -> memref<128x128xf32, #tpu.memory_space<hbm>>
      %dma_start3A_31 = arith.constant 0 : i32
      %dma_start3A_32 = tpu.memref_slice %arg6[%multiple_of3A_23, %dma_start3A_31] : memref<327680x128xf32, #tpu.memory_space<hbm>> -> memref<128x128xf32, #tpu.memory_space<hbm>>
      %dma_start3A_33 = arith.constant 0 : i32
      %dma_start3A_34 = arith.constant 0 : i32
      %dma_start3A_35 = tpu.memref_slice %arg9[%dma_start3A_24, %dma_start3A_33, %dma_start3A_34] : memref<2x128x128xf32, #tpu.memory_space<vmem>> -> memref<1x128x128xf32, #tpu.memory_space<vmem>>
      %dma_start3A_36 = tpu.memref_squeeze %dma_start3A_35 : memref<1x128x128xf32, #tpu.memory_space<vmem>> -> memref<128x128xf32, #tpu.memory_space<vmem>>
      tpu.enqueue_dma source(%dma_start3A_36 : memref<128x128xf32, #tpu.memory_space<vmem>>) target(%dma_start3A_32 : memref<128x128xf32, #tpu.memory_space<hbm>>) target_semaphore(%arg15 : memref<!tpu.dma_semaphore, #tpu.memory_space<semaphore_mem>>)
      %add3A_37 = arith.constant 128 : i32
      %add3A_38 = arith.addi %multiple_of3A, %add3A_37 : i32
      %multiple_of3A_39 = tpu.assume_multiple %add3A_38, 128 : i32
      %dma_start3A_40 = arith.constant 1 : i32
      %dma_start3A_41 = arith.constant 0 : i32
      %dma_start3A_42 = tpu.memref_slice %arg8[%dma_start3A_40, %dma_start3A_41] : memref<2x128xi32, #tpu.memory_space<vmem>> -> memref<1x128xi32, #tpu.memory_space<vmem>>
      %dma_start3A_43 = tpu.memref_squeeze %dma_start3A_42 : memref<1x128xi32, #tpu.memory_space<vmem>> -> memref<128xi32, #tpu.memory_space<vmem>>
      %dma_start3A_44 = tpu.memref_slice %arg4[%multiple_of3A_39] : memref<327680xi32, #tpu.memory_space<hbm>> -> memref<128xi32, #tpu.memory_space<hbm>>
      %dma_start3A_45 = arith.constant 0 : i32
      %dma_start3A_46 = tpu.memref_slice %arg8[%dma_start3A_40, %dma_start3A_45] : memref<2x128xi32, #tpu.memory_space<vmem>> -> memref<1x128xi32, #tpu.memory_space<vmem>>
      %dma_start3A_47 = tpu.memref_squeeze %dma_start3A_46 : memref<1x128xi32, #tpu.memory_space<vmem>> -> memref<128xi32, #tpu.memory_space<vmem>>
      %dma_start3A_48 = tpu.memref_slice %arg4[%multiple_of3A_39] : memref<327680xi32, #tpu.memory_space<hbm>> -> memref<128xi32, #tpu.memory_space<hbm>>
      tpu.enqueue_dma source(%dma_start3A_48 : memref<128xi32, #tpu.memory_space<hbm>>) target(%dma_start3A_47 : memref<128xi32, #tpu.memory_space<vmem>>) target_semaphore(%arg12 : memref<!tpu.dma_semaphore, #tpu.memory_space<semaphore_mem>>)
      %add3A_49 = arith.constant 128 : i32
      %add3A_50 = arith.addi %multiple_of3A, %add3A_49 : i32
      %multiple_of3A_51 = tpu.assume_multiple %add3A_50, 128 : i32
      %dma_start3A_52 = arith.constant 1 : i32
      %dma_start3A_53 = arith.constant 0 : i32
      %dma_start3A_54 = arith.constant 0 : i32
      %dma_start3A_55 = tpu.memref_slice %arg9[%dma_start3A_52, %dma_start3A_53, %dma_start3A_54] : memref<2x128x128xf32, #tpu.memory_space<vmem>> -> memref<1x128x128xf32, #tpu.memory_space<vmem>>
      %dma_start3A_56 = tpu.memref_squeeze %dma_start3A_55 : memref<1x128x128xf32, #tpu.memory_space<vmem>> -> memref<128x128xf32, #tpu.memory_space<vmem>>
      %dma_start3A_57 = arith.constant 0 : i32
      %dma_start3A_58 = tpu.memref_slice %arg6[%multiple_of3A_51, %dma_start3A_57] : memref<327680x128xf32, #tpu.memory_space<hbm>> -> memref<128x128xf32, #tpu.memory_space<hbm>>
      %dma_start3A_59 = arith.constant 0 : i32
      %dma_start3A_60 = tpu.memref_slice %arg6[%multiple_of3A_51, %dma_start3A_59] : memref<327680x128xf32, #tpu.memory_space<hbm>> -> memref<128x128xf32, #tpu.memory_space<hbm>>
      %dma_start3A_61 = arith.constant 0 : i32
      %dma_start3A_62 = arith.constant 0 : i32
      %dma_start3A_63 = tpu.memref_slice %arg9[%dma_start3A_52, %dma_start3A_61, %dma_start3A_62] : memref<2x128x128xf32, #tpu.memory_space<vmem>> -> memref<1x128x128xf32, #tpu.memory_space<vmem>>
      %dma_start3A_64 = tpu.memref_squeeze %dma_start3A_63 : memref<1x128x128xf32, #tpu.memory_space<vmem>> -> memref<128x128xf32, #tpu.memory_space<vmem>>
      tpu.enqueue_dma source(%dma_start3A_64 : memref<128x128xf32, #tpu.memory_space<vmem>>) target(%dma_start3A_60 : memref<128x128xf32, #tpu.memory_space<hbm>>) target_semaphore(%arg16 : memref<!tpu.dma_semaphore, #tpu.memory_space<semaphore_mem>>)
      %barrier3A = arith.constant 0 : index
      tpu.barrier barrier_id(%barrier3A)
      %scan3A = arith.constant 0 : i32
      %scan3A_65 = arith.constant 80 : i32
      %scan3A_66 = arith.addi %scan3A, %scan3A_65 : i32
      %scan3A_67 = arith.constant 1 : i32
      scf.for %scan3A_118 = %scan3A to %scan3A_66 step %scan3A_67  : i32 {
        %mul3A_119 = arith.constant 2 : i32
        %mul3A_120 = arith.muli %scan3A_118, %mul3A_119 : i32
        %add3A_121 = arith.constant 0 : i32
        %add3A_122 = arith.addi %add3A_121, %mul3A_120 : i32
        %add3A_123 = arith.constant 0 : i32
        %add3A_124 = arith.addi %add3A_122, %add3A_123 : i32
        %mul3A_125 = arith.constant 128 : i32
        %mul3A_126 = arith.muli %add3A_124, %mul3A_125 : i32
        %add3A_127 = arith.addi %multiple_of3A, %mul3A_126 : i32
        %multiple_of3A_128 = tpu.assume_multiple %add3A_127, 128 : i32
        %dma_wait3A_129 = arith.constant 0 : i32
        %dma_wait3A_130 = arith.constant 0 : i32
        %dma_wait3A_131 = arith.constant 0 : i32
        %dma_wait3A_132 = tpu.memref_slice %arg9[%dma_wait3A_129, %dma_wait3A_130, %dma_wait3A_131] : memref<2x128x128xf32, #tpu.memory_space<vmem>> -> memref<1x128x128xf32, #tpu.memory_space<vmem>>
        %dma_wait3A_133 = tpu.memref_squeeze %dma_wait3A_132 : memref<1x128x128xf32, #tpu.memory_space<vmem>> -> memref<128x128xf32, #tpu.memory_space<vmem>>
        %dma_wait3A_134 = arith.constant 0 : i32
        %dma_wait3A_135 = tpu.memref_slice %arg6[%multiple_of3A_128, %dma_wait3A_134] : memref<327680x128xf32, #tpu.memory_space<hbm>> -> memref<128x128xf32, #tpu.memory_space<hbm>>
        %dma_wait3A_136 = arith.constant 0 : i32
        %dma_wait3A_137 = tpu.memref_slice %arg6[%multiple_of3A_128, %dma_wait3A_136] : memref<327680x128xf32, #tpu.memory_space<hbm>> -> memref<128x128xf32, #tpu.memory_space<hbm>>
        %dma_wait3A_138 = arith.constant 0 : i32
        %dma_wait3A_139 = arith.constant 0 : i32
        %dma_wait3A_140 = tpu.memref_slice %arg9[%dma_wait3A_129, %dma_wait3A_138, %dma_wait3A_139] : memref<2x128x128xf32, #tpu.memory_space<vmem>> -> memref<1x128x128xf32, #tpu.memory_space<vmem>>
        %dma_wait3A_141 = tpu.memref_squeeze %dma_wait3A_140 : memref<1x128x128xf32, #tpu.memory_space<vmem>> -> memref<128x128xf32, #tpu.memory_space<vmem>>
        tpu.wait_dma2 semaphore(%arg15 : memref<!tpu.dma_semaphore, #tpu.memory_space<semaphore_mem>>) src(%dma_wait3A_141 : memref<128x128xf32, #tpu.memory_space<vmem>>) dst(%dma_wait3A_137 : memref<128x128xf32, #tpu.memory_space<hbm>>)
        %mul3A_142 = arith.constant 128 : i32
        %mul3A_143 = arith.muli %add3A_124, %mul3A_142 : i32
        %add3A_144 = arith.addi %multiple_of3A, %mul3A_143 : i32
        %multiple_of3A_145 = tpu.assume_multiple %add3A_144, 128 : i32
        %dma_wait3A_146 = arith.constant 0 : i32
        %dma_wait3A_147 = arith.constant 0 : i32
        %dma_wait3A_148 = tpu.memref_slice %arg8[%dma_wait3A_146, %dma_wait3A_147] : memref<2x128xi32, #tpu.memory_space<vmem>> -> memref<1x128xi32, #tpu.memory_space<vmem>>
        %dma_wait3A_149 = tpu.memref_squeeze %dma_wait3A_148 : memref<1x128xi32, #tpu.memory_space<vmem>> -> memref<128xi32, #tpu.memory_space<vmem>>
        %dma_wait3A_150 = tpu.memref_slice %arg4[%multiple_of3A_145] : memref<327680xi32, #tpu.memory_space<hbm>> -> memref<128xi32, #tpu.memory_space<hbm>>
        %dma_wait3A_151 = arith.constant 0 : i32
        %dma_wait3A_152 = tpu.memref_slice %arg8[%dma_wait3A_146, %dma_wait3A_151] : memref<2x128xi32, #tpu.memory_space<vmem>> -> memref<1x128xi32, #tpu.memory_space<vmem>>
        %dma_wait3A_153 = tpu.memref_squeeze %dma_wait3A_152 : memref<1x128xi32, #tpu.memory_space<vmem>> -> memref<128xi32, #tpu.memory_space<vmem>>
        %dma_wait3A_154 = tpu.memref_slice %arg4[%multiple_of3A_145] : memref<327680xi32, #tpu.memory_space<hbm>> -> memref<128xi32, #tpu.memory_space<hbm>>
        tpu.wait_dma2 semaphore(%arg11 : memref<!tpu.dma_semaphore, #tpu.memory_space<semaphore_mem>>) src(%dma_wait3A_154 : memref<128xi32, #tpu.memory_space<hbm>>) dst(%dma_wait3A_153 : memref<128xi32, #tpu.memory_space<vmem>>)
        %dma_start3A_155 = arith.constant 0 : i32
        %dma_start3A_156 = arith.constant 0 : i32
        %dma_start3A_157 = arith.constant 0 : i32
        %dma_start3A_158 = arith.constant 0 : i32
        %dma_start3A_159 = tpu.memref_slice %arg9[%dma_start3A_156, %dma_start3A_157, %dma_start3A_158] : memref<2x128x128xf32, #tpu.memory_space<vmem>> -> memref<1x128x128xf32, #tpu.memory_space<vmem>>
        %dma_start3A_160 = tpu.memref_squeeze %dma_start3A_159 : memref<1x128x128xf32, #tpu.memory_space<vmem>> -> memref<128x128xf32, #tpu.memory_space<vmem>>
        %dma_start3A_161 = arith.constant 0 : i32
        %dma_start3A_162 = tpu.memref_slice %arg8[%dma_start3A_155, %dma_start3A_161] : memref<2x128xi32, #tpu.memory_space<vmem>> -> memref<1x128xi32, #tpu.memory_space<vmem>>
        %dma_start3A_163 = tpu.memref_squeeze %dma_start3A_162 : memref<1x128xi32, #tpu.memory_space<vmem>> -> memref<128xi32, #tpu.memory_space<vmem>>
        %dma_start3A_164 = arith.constant 0 : i32
        %dma_start3A_165 = arith.constant 0 : i32
        %dma_start3A_166 = tpu.memref_slice %arg10[%dma_start3A_164, %dma_start3A_165] : memref<10240x128xf32, #tpu.memory_space<vmem_shared>> -> memref<10240x128xf32, #tpu.memory_space<vmem_shared>>
        tpu.enqueue_indirect_dma source(%dma_start3A_166 : memref<10240x128xf32, #tpu.memory_space<vmem_shared>>) target(%dma_start3A_160 : memref<128x128xf32, #tpu.memory_space<vmem>>) offsets(%dma_start3A_163 : memref<128xi32, #tpu.memory_space<vmem>>) semaphore(%arg13 : memref<!tpu.dma_semaphore, #tpu.memory_space<semaphore_mem>>)
        %add3A_167 = arith.constant 1 : i32
        %add3A_168 = arith.addi %add3A_122, %add3A_167 : i32
        %mul3A_169 = arith.constant 128 : i32
        %mul3A_170 = arith.muli %add3A_168, %mul3A_169 : i32
        %add3A_171 = arith.addi %multiple_of3A, %mul3A_170 : i32
        %multiple_of3A_172 = tpu.assume_multiple %add3A_171, 128 : i32
        %dma_wait3A_173 = arith.constant 1 : i32
        %dma_wait3A_174 = arith.constant 0 : i32
        %dma_wait3A_175 = arith.constant 0 : i32
        %dma_wait3A_176 = tpu.memref_slice %arg9[%dma_wait3A_173, %dma_wait3A_174, %dma_wait3A_175] : memref<2x128x128xf32, #tpu.memory_space<vmem>> -> memref<1x128x128xf32, #tpu.memory_space<vmem>>
        %dma_wait3A_177 = tpu.memref_squeeze %dma_wait3A_176 : memref<1x128x128xf32, #tpu.memory_space<vmem>> -> memref<128x128xf32, #tpu.memory_space<vmem>>
        %dma_wait3A_178 = arith.constant 0 : i32
        %dma_wait3A_179 = tpu.memref_slice %arg6[%multiple_of3A_172, %dma_wait3A_178] : memref<327680x128xf32, #tpu.memory_space<hbm>> -> memref<128x128xf32, #tpu.memory_space<hbm>>
        %dma_wait3A_180 = arith.constant 0 : i32
        %dma_wait3A_181 = tpu.memref_slice %arg6[%multiple_of3A_172, %dma_wait3A_180] : memref<327680x128xf32, #tpu.memory_space<hbm>> -> memref<128x128xf32, #tpu.memory_space<hbm>>
        %dma_wait3A_182 = arith.constant 0 : i32
        %dma_wait3A_183 = arith.constant 0 : i32
        %dma_wait3A_184 = tpu.memref_slice %arg9[%dma_wait3A_173, %dma_wait3A_182, %dma_wait3A_183] : memref<2x128x128xf32, #tpu.memory_space<vmem>> -> memref<1x128x128xf32, #tpu.memory_space<vmem>>
        %dma_wait3A_185 = tpu.memref_squeeze %dma_wait3A_184 : memref<1x128x128xf32, #tpu.memory_space<vmem>> -> memref<128x128xf32, #tpu.memory_space<vmem>>
        tpu.wait_dma2 semaphore(%arg16 : memref<!tpu.dma_semaphore, #tpu.memory_space<semaphore_mem>>) src(%dma_wait3A_185 : memref<128x128xf32, #tpu.memory_space<vmem>>) dst(%dma_wait3A_181 : memref<128x128xf32, #tpu.memory_space<hbm>>)
        %mul3A_186 = arith.constant 128 : i32
        %mul3A_187 = arith.muli %add3A_168, %mul3A_186 : i32
        %add3A_188 = arith.addi %multiple_of3A, %mul3A_187 : i32
        %multiple_of3A_189 = tpu.assume_multiple %add3A_188, 128 : i32
        %dma_wait3A_190 = arith.constant 1 : i32
        %dma_wait3A_191 = arith.constant 0 : i32
        %dma_wait3A_192 = tpu.memref_slice %arg8[%dma_wait3A_190, %dma_wait3A_191] : memref<2x128xi32, #tpu.memory_space<vmem>> -> memref<1x128xi32, #tpu.memory_space<vmem>>
        %dma_wait3A_193 = tpu.memref_squeeze %dma_wait3A_192 : memref<1x128xi32, #tpu.memory_space<vmem>> -> memref<128xi32, #tpu.memory_space<vmem>>
        %dma_wait3A_194 = tpu.memref_slice %arg4[%multiple_of3A_189] : memref<327680xi32, #tpu.memory_space<hbm>> -> memref<128xi32, #tpu.memory_space<hbm>>
        %dma_wait3A_195 = arith.constant 0 : i32
        %dma_wait3A_196 = tpu.memref_slice %arg8[%dma_wait3A_190, %dma_wait3A_195] : memref<2x128xi32, #tpu.memory_space<vmem>> -> memref<1x128xi32, #tpu.memory_space<vmem>>
        %dma_wait3A_197 = tpu.memref_squeeze %dma_wait3A_196 : memref<1x128xi32, #tpu.memory_space<vmem>> -> memref<128xi32, #tpu.memory_space<vmem>>
        %dma_wait3A_198 = tpu.memref_slice %arg4[%multiple_of3A_189] : memref<327680xi32, #tpu.memory_space<hbm>> -> memref<128xi32, #tpu.memory_space<hbm>>
        tpu.wait_dma2 semaphore(%arg12 : memref<!tpu.dma_semaphore, #tpu.memory_space<semaphore_mem>>) src(%dma_wait3A_198 : memref<128xi32, #tpu.memory_space<hbm>>) dst(%dma_wait3A_197 : memref<128xi32, #tpu.memory_space<vmem>>)
        %dma_start3A_199 = arith.constant 1 : i32
        %dma_start3A_200 = arith.constant 1 : i32
        %dma_start3A_201 = arith.constant 0 : i32
        %dma_start3A_202 = arith.constant 0 : i32
        %dma_start3A_203 = tpu.memref_slice %arg9[%dma_start3A_200, %dma_start3A_201, %dma_start3A_202] : memref<2x128x128xf32, #tpu.memory_space<vmem>> -> memref<1x128x128xf32, #tpu.memory_space<vmem>>
        %dma_start3A_204 = tpu.memref_squeeze %dma_start3A_203 : memref<1x128x128xf32, #tpu.memory_space<vmem>> -> memref<128x128xf32, #tpu.memory_space<vmem>>
        %dma_start3A_205 = arith.constant 0 : i32
        %dma_start3A_206 = tpu.memref_slice %arg8[%dma_start3A_199, %dma_start3A_205] : memref<2x128xi32, #tpu.memory_space<vmem>> -> memref<1x128xi32, #tpu.memory_space<vmem>>
        %dma_start3A_207 = tpu.memref_squeeze %dma_start3A_206 : memref<1x128xi32, #tpu.memory_space<vmem>> -> memref<128xi32, #tpu.memory_space<vmem>>
        %dma_start3A_208 = arith.constant 0 : i32
        %dma_start3A_209 = arith.constant 0 : i32
        %dma_start3A_210 = tpu.memref_slice %arg10[%dma_start3A_208, %dma_start3A_209] : memref<10240x128xf32, #tpu.memory_space<vmem_shared>> -> memref<10240x128xf32, #tpu.memory_space<vmem_shared>>
        tpu.enqueue_indirect_dma source(%dma_start3A_210 : memref<10240x128xf32, #tpu.memory_space<vmem_shared>>) target(%dma_start3A_204 : memref<128x128xf32, #tpu.memory_space<vmem>>) offsets(%dma_start3A_207 : memref<128xi32, #tpu.memory_space<vmem>>) semaphore(%arg14 : memref<!tpu.dma_semaphore, #tpu.memory_space<semaphore_mem>>)
        %add3A_211 = arith.constant 0 : i32
        %add3A_212 = arith.addi %add3A_122, %add3A_211 : i32
        %dma_wait3A_213 = arith.constant 0 : i32
        %dma_wait3A_214 = arith.constant 0 : i32
        %dma_wait3A_215 = arith.constant 0 : i32
        %dma_wait3A_216 = arith.constant 0 : i32
        %dma_wait3A_217 = tpu.memref_slice %arg9[%dma_wait3A_214, %dma_wait3A_215, %dma_wait3A_216] : memref<2x128x128xf32, #tpu.memory_space<vmem>> -> memref<1x128x128xf32, #tpu.memory_space<vmem>>
        %dma_wait3A_218 = tpu.memref_squeeze %dma_wait3A_217 : memref<1x128x128xf32, #tpu.memory_space<vmem>> -> memref<128x128xf32, #tpu.memory_space<vmem>>
        %dma_wait3A_219 = arith.constant 0 : i32
        %dma_wait3A_220 = tpu.memref_slice %arg8[%dma_wait3A_213, %dma_wait3A_219] : memref<2x128xi32, #tpu.memory_space<vmem>> -> memref<1x128xi32, #tpu.memory_space<vmem>>
        %dma_wait3A_221 = tpu.memref_squeeze %dma_wait3A_220 : memref<1x128xi32, #tpu.memory_space<vmem>> -> memref<128xi32, #tpu.memory_space<vmem>>
        %dma_wait3A_222 = arith.constant 0 : i32
        %dma_wait3A_223 = arith.constant 0 : i32
        %dma_wait3A_224 = tpu.memref_slice %arg10[%dma_wait3A_222, %dma_wait3A_223] : memref<10240x128xf32, #tpu.memory_space<vmem_shared>> -> memref<10240x128xf32, #tpu.memory_space<vmem_shared>>
        tpu.wait_indirect_dma semaphore(%arg13 : memref<!tpu.dma_semaphore, #tpu.memory_space<semaphore_mem>>) src(%dma_wait3A_224 : memref<10240x128xf32, #tpu.memory_space<vmem_shared>>) dst(%dma_wait3A_218 : memref<128x128xf32, #tpu.memory_space<vmem>>)
        %mul3A_225 = arith.constant 128 : i32
        %mul3A_226 = arith.muli %add3A_212, %mul3A_225 : i32
        %add3A_227 = arith.addi %multiple_of3A, %mul3A_226 : i32
        %multiple_of3A_228 = tpu.assume_multiple %add3A_227, 128 : i32
        %dma_start3A_229 = arith.constant 0 : i32
        %dma_start3A_230 = arith.constant 0 : i32
        %dma_start3A_231 = arith.constant 0 : i32
        %dma_start3A_232 = tpu.memref_slice %arg9[%dma_start3A_229, %dma_start3A_230, %dma_start3A_231] : memref<2x128x128xf32, #tpu.memory_space<vmem>> -> memref<1x128x128xf32, #tpu.memory_space<vmem>>
        %dma_start3A_233 = tpu.memref_squeeze %dma_start3A_232 : memref<1x128x128xf32, #tpu.memory_space<vmem>> -> memref<128x128xf32, #tpu.memory_space<vmem>>
        %dma_start3A_234 = arith.constant 0 : i32
        %dma_start3A_235 = tpu.memref_slice %arg6[%multiple_of3A_228, %dma_start3A_234] : memref<327680x128xf32, #tpu.memory_space<hbm>> -> memref<128x128xf32, #tpu.memory_space<hbm>>
        %dma_start3A_236 = arith.constant 0 : i32
        %dma_start3A_237 = tpu.memref_slice %arg6[%multiple_of3A_228, %dma_start3A_236] : memref<327680x128xf32, #tpu.memory_space<hbm>> -> memref<128x128xf32, #tpu.memory_space<hbm>>
        %dma_start3A_238 = arith.constant 0 : i32
        %dma_start3A_239 = arith.constant 0 : i32
        %dma_start3A_240 = tpu.memref_slice %arg9[%dma_start3A_229, %dma_start3A_238, %dma_start3A_239] : memref<2x128x128xf32, #tpu.memory_space<vmem>> -> memref<1x128x128xf32, #tpu.memory_space<vmem>>
        %dma_start3A_241 = tpu.memref_squeeze %dma_start3A_240 : memref<1x128x128xf32, #tpu.memory_space<vmem>> -> memref<128x128xf32, #tpu.memory_space<vmem>>
        tpu.enqueue_dma source(%dma_start3A_241 : memref<128x128xf32, #tpu.memory_space<vmem>>) target(%dma_start3A_237 : memref<128x128xf32, #tpu.memory_space<hbm>>) target_semaphore(%arg15 : memref<!tpu.dma_semaphore, #tpu.memory_space<semaphore_mem>>)
        %add3A_242 = arith.constant 2 : i32
        %add3A_243 = arith.addi %add3A_212, %add3A_242 : i32
        %ge3A = arith.constant 160 : i32
        %ge3A_244 = arith.cmpi sge, %add3A_243, %ge3A : i32
        %sub3A = arith.constant 160 : i32
        %sub3A_245 = arith.subi %add3A_243, %sub3A : i32
        %select_n3A = arith.select %ge3A_244, %sub3A_245, %add3A_243 : i32
        %mul3A_246 = arith.constant 128 : i32
        %mul3A_247 = arith.muli %select_n3A, %mul3A_246 : i32
        %add3A_248 = arith.addi %multiple_of3A, %mul3A_247 : i32
        %multiple_of3A_249 = tpu.assume_multiple %add3A_248, 128 : i32
        %dma_start3A_250 = arith.constant 0 : i32
        %dma_start3A_251 = arith.constant 0 : i32
        %dma_start3A_252 = tpu.memref_slice %arg8[%dma_start3A_250, %dma_start3A_251] : memref<2x128xi32, #tpu.memory_space<vmem>> -> memref<1x128xi32, #tpu.memory_space<vmem>>
        %dma_start3A_253 = tpu.memref_squeeze %dma_start3A_252 : memref<1x128xi32, #tpu.memory_space<vmem>> -> memref<128xi32, #tpu.memory_space<vmem>>
        %dma_start3A_254 = tpu.memref_slice %arg4[%multiple_of3A_249] : memref<327680xi32, #tpu.memory_space<hbm>> -> memref<128xi32, #tpu.memory_space<hbm>>
        %dma_start3A_255 = arith.constant 0 : i32
        %dma_start3A_256 = tpu.memref_slice %arg8[%dma_start3A_250, %dma_start3A_255] : memref<2x128xi32, #tpu.memory_space<vmem>> -> memref<1x128xi32, #tpu.memory_space<vmem>>
        %dma_start3A_257 = tpu.memref_squeeze %dma_start3A_256 : memref<1x128xi32, #tpu.memory_space<vmem>> -> memref<128xi32, #tpu.memory_space<vmem>>
        %dma_start3A_258 = tpu.memref_slice %arg4[%multiple_of3A_249] : memref<327680xi32, #tpu.memory_space<hbm>> -> memref<128xi32, #tpu.memory_space<hbm>>
        tpu.enqueue_dma source(%dma_start3A_258 : memref<128xi32, #tpu.memory_space<hbm>>) target(%dma_start3A_257 : memref<128xi32, #tpu.memory_space<vmem>>) target_semaphore(%arg11 : memref<!tpu.dma_semaphore, #tpu.memory_space<semaphore_mem>>)
        %add3A_259 = arith.constant 1 : i32
        %add3A_260 = arith.addi %add3A_122, %add3A_259 : i32
        %dma_wait3A_261 = arith.constant 1 : i32
        %dma_wait3A_262 = arith.constant 1 : i32
        %dma_wait3A_263 = arith.constant 0 : i32
        %dma_wait3A_264 = arith.constant 0 : i32
        %dma_wait3A_265 = tpu.memref_slice %arg9[%dma_wait3A_262, %dma_wait3A_263, %dma_wait3A_264] : memref<2x128x128xf32, #tpu.memory_space<vmem>> -> memref<1x128x128xf32, #tpu.memory_space<vmem>>
        %dma_wait3A_266 = tpu.memref_squeeze %dma_wait3A_265 : memref<1x128x128xf32, #tpu.memory_space<vmem>> -> memref<128x128xf32, #tpu.memory_space<vmem>>
        %dma_wait3A_267 = arith.constant 0 : i32
        %dma_wait3A_268 = tpu.memref_slice %arg8[%dma_wait3A_261, %dma_wait3A_267] : memref<2x128xi32, #tpu.memory_space<vmem>> -> memref<1x128xi32, #tpu.memory_space<vmem>>
        %dma_wait3A_269 = tpu.memref_squeeze %dma_wait3A_268 : memref<1x128xi32, #tpu.memory_space<vmem>> -> memref<128xi32, #tpu.memory_space<vmem>>
        %dma_wait3A_270 = arith.constant 0 : i32
        %dma_wait3A_271 = arith.constant 0 : i32
        %dma_wait3A_272 = tpu.memref_slice %arg10[%dma_wait3A_270, %dma_wait3A_271] : memref<10240x128xf32, #tpu.memory_space<vmem_shared>> -> memref<10240x128xf32, #tpu.memory_space<vmem_shared>>
        tpu.wait_indirect_dma semaphore(%arg14 : memref<!tpu.dma_semaphore, #tpu.memory_space<semaphore_mem>>) src(%dma_wait3A_272 : memref<10240x128xf32, #tpu.memory_space<vmem_shared>>) dst(%dma_wait3A_266 : memref<128x128xf32, #tpu.memory_space<vmem>>)
        %mul3A_273 = arith.constant 128 : i32
        %mul3A_274 = arith.muli %add3A_260, %mul3A_273 : i32
        %add3A_275 = arith.addi %multiple_of3A, %mul3A_274 : i32
        %multiple_of3A_276 = tpu.assume_multiple %add3A_275, 128 : i32
        %dma_start3A_277 = arith.constant 1 : i32
        %dma_start3A_278 = arith.constant 0 : i32
        %dma_start3A_279 = arith.constant 0 : i32
        %dma_start3A_280 = tpu.memref_slice %arg9[%dma_start3A_277, %dma_start3A_278, %dma_start3A_279] : memref<2x128x128xf32, #tpu.memory_space<vmem>> -> memref<1x128x128xf32, #tpu.memory_space<vmem>>
        %dma_start3A_281 = tpu.memref_squeeze %dma_start3A_280 : memref<1x128x128xf32, #tpu.memory_space<vmem>> -> memref<128x128xf32, #tpu.memory_space<vmem>>
        %dma_start3A_282 = arith.constant 0 : i32
        %dma_start3A_283 = tpu.memref_slice %arg6[%multiple_of3A_276, %dma_start3A_282] : memref<327680x128xf32, #tpu.memory_space<hbm>> -> memref<128x128xf32, #tpu.memory_space<hbm>>
        %dma_start3A_284 = arith.constant 0 : i32
        %dma_start3A_285 = tpu.memref_slice %arg6[%multiple_of3A_276, %dma_start3A_284] : memref<327680x128xf32, #tpu.memory_space<hbm>> -> memref<128x128xf32, #tpu.memory_space<hbm>>
        %dma_start3A_286 = arith.constant 0 : i32
        %dma_start3A_287 = arith.constant 0 : i32
        %dma_start3A_288 = tpu.memref_slice %arg9[%dma_start3A_277, %dma_start3A_286, %dma_start3A_287] : memref<2x128x128xf32, #tpu.memory_space<vmem>> -> memref<1x128x128xf32, #tpu.memory_space<vmem>>
        %dma_start3A_289 = tpu.memref_squeeze %dma_start3A_288 : memref<1x128x128xf32, #tpu.memory_space<vmem>> -> memref<128x128xf32, #tpu.memory_space<vmem>>
        tpu.enqueue_dma source(%dma_start3A_289 : memref<128x128xf32, #tpu.memory_space<vmem>>) target(%dma_start3A_285 : memref<128x128xf32, #tpu.memory_space<hbm>>) target_semaphore(%arg16 : memref<!tpu.dma_semaphore, #tpu.memory_space<semaphore_mem>>)
        %add3A_290 = arith.constant 2 : i32
        %add3A_291 = arith.addi %add3A_260, %add3A_290 : i32
        %ge3A_292 = arith.constant 160 : i32
        %ge3A_293 = arith.cmpi sge, %add3A_291, %ge3A_292 : i32
        %sub3A_294 = arith.constant 160 : i32
        %sub3A_295 = arith.subi %add3A_291, %sub3A_294 : i32
        %select_n3A_296 = arith.select %ge3A_293, %sub3A_295, %add3A_291 : i32
        %mul3A_297 = arith.constant 128 : i32
        %mul3A_298 = arith.muli %select_n3A_296, %mul3A_297 : i32
        %add3A_299 = arith.addi %multiple_of3A, %mul3A_298 : i32
        %multiple_of3A_300 = tpu.assume_multiple %add3A_299, 128 : i32
        %dma_start3A_301 = arith.constant 1 : i32
        %dma_start3A_302 = arith.constant 0 : i32
        %dma_start3A_303 = tpu.memref_slice %arg8[%dma_start3A_301, %dma_start3A_302] : memref<2x128xi32, #tpu.memory_space<vmem>> -> memref<1x128xi32, #tpu.memory_space<vmem>>
        %dma_start3A_304 = tpu.memref_squeeze %dma_start3A_303 : memref<1x128xi32, #tpu.memory_space<vmem>> -> memref<128xi32, #tpu.memory_space<vmem>>
        %dma_start3A_305 = tpu.memref_slice %arg4[%multiple_of3A_300] : memref<327680xi32, #tpu.memory_space<hbm>> -> memref<128xi32, #tpu.memory_space<hbm>>
        %dma_start3A_306 = arith.constant 0 : i32
        %dma_start3A_307 = tpu.memref_slice %arg8[%dma_start3A_301, %dma_start3A_306] : memref<2x128xi32, #tpu.memory_space<vmem>> -> memref<1x128xi32, #tpu.memory_space<vmem>>
        %dma_start3A_308 = tpu.memref_squeeze %dma_start3A_307 : memref<1x128xi32, #tpu.memory_space<vmem>> -> memref<128xi32, #tpu.memory_space<vmem>>
        %dma_start3A_309 = tpu.memref_slice %arg4[%multiple_of3A_300] : memref<327680xi32, #tpu.memory_space<hbm>> -> memref<128xi32, #tpu.memory_space<hbm>>
        tpu.enqueue_dma source(%dma_start3A_309 : memref<128xi32, #tpu.memory_space<hbm>>) target(%dma_start3A_308 : memref<128xi32, #tpu.memory_space<vmem>>) target_semaphore(%arg12 : memref<!tpu.dma_semaphore, #tpu.memory_space<semaphore_mem>>)
      }
      %scan3A_68 = arith.constant 80 : i32
      %add3A_69 = arith.constant 0 : i32
      %add3A_70 = arith.addi %multiple_of3A, %add3A_69 : i32
      %multiple_of3A_71 = tpu.assume_multiple %add3A_70, 128 : i32
      %dma_wait3A = arith.constant 0 : i32
      %dma_wait3A_72 = arith.constant 0 : i32
      %dma_wait3A_73 = arith.constant 0 : i32
      %dma_wait3A_74 = tpu.memref_slice %arg9[%dma_wait3A, %dma_wait3A_72, %dma_wait3A_73] : memref<2x128x128xf32, #tpu.memory_space<vmem>> -> memref<1x128x128xf32, #tpu.memory_space<vmem>>
      %dma_wait3A_75 = tpu.memref_squeeze %dma_wait3A_74 : memref<1x128x128xf32, #tpu.memory_space<vmem>> -> memref<128x128xf32, #tpu.memory_space<vmem>>
      %dma_wait3A_76 = arith.constant 0 : i32
      %dma_wait3A_77 = tpu.memref_slice %arg6[%multiple_of3A_71, %dma_wait3A_76] : memref<327680x128xf32, #tpu.memory_space<hbm>> -> memref<128x128xf32, #tpu.memory_space<hbm>>
      %dma_wait3A_78 = arith.constant 0 : i32
      %dma_wait3A_79 = tpu.memref_slice %arg6[%multiple_of3A_71, %dma_wait3A_78] : memref<327680x128xf32, #tpu.memory_space<hbm>> -> memref<128x128xf32, #tpu.memory_space<hbm>>
      %dma_wait3A_80 = arith.constant 0 : i32
      %dma_wait3A_81 = arith.constant 0 : i32
      %dma_wait3A_82 = tpu.memref_slice %arg9[%dma_wait3A, %dma_wait3A_80, %dma_wait3A_81] : memref<2x128x128xf32, #tpu.memory_space<vmem>> -> memref<1x128x128xf32, #tpu.memory_space<vmem>>
      %dma_wait3A_83 = tpu.memref_squeeze %dma_wait3A_82 : memref<1x128x128xf32, #tpu.memory_space<vmem>> -> memref<128x128xf32, #tpu.memory_space<vmem>>
      tpu.wait_dma2 semaphore(%arg15 : memref<!tpu.dma_semaphore, #tpu.memory_space<semaphore_mem>>) src(%dma_wait3A_83 : memref<128x128xf32, #tpu.memory_space<vmem>>) dst(%dma_wait3A_79 : memref<128x128xf32, #tpu.memory_space<hbm>>)
      %dma_wait3A_84 = arith.constant 0 : i32
      %dma_wait3A_85 = arith.constant 0 : i32
      %dma_wait3A_86 = tpu.memref_slice %arg8[%dma_wait3A_84, %dma_wait3A_85] : memref<2x128xi32, #tpu.memory_space<vmem>> -> memref<1x128xi32, #tpu.memory_space<vmem>>
      %dma_wait3A_87 = tpu.memref_squeeze %dma_wait3A_86 : memref<1x128xi32, #tpu.memory_space<vmem>> -> memref<128xi32, #tpu.memory_space<vmem>>
      %dma_wait3A_88 = tpu.memref_slice %arg4[%multiple_of3A] : memref<327680xi32, #tpu.memory_space<hbm>> -> memref<128xi32, #tpu.memory_space<hbm>>
      %dma_wait3A_89 = arith.constant 0 : i32
      %dma_wait3A_90 = tpu.memref_slice %arg8[%dma_wait3A_84, %dma_wait3A_89] : memref<2x128xi32, #tpu.memory_space<vmem>> -> memref<1x128xi32, #tpu.memory_space<vmem>>
      %dma_wait3A_91 = tpu.memref_squeeze %dma_wait3A_90 : memref<1x128xi32, #tpu.memory_space<vmem>> -> memref<128xi32, #tpu.memory_space<vmem>>
      %dma_wait3A_92 = tpu.memref_slice %arg4[%multiple_of3A] : memref<327680xi32, #tpu.memory_space<hbm>> -> memref<128xi32, #tpu.memory_space<hbm>>
      tpu.wait_dma2 semaphore(%arg11 : memref<!tpu.dma_semaphore, #tpu.memory_space<semaphore_mem>>) src(%dma_wait3A_92 : memref<128xi32, #tpu.memory_space<hbm>>) dst(%dma_wait3A_91 : memref<128xi32, #tpu.memory_space<vmem>>)
      %add3A_93 = arith.constant 128 : i32
      %add3A_94 = arith.addi %multiple_of3A, %add3A_93 : i32
      %multiple_of3A_95 = tpu.assume_multiple %add3A_94, 128 : i32
      %dma_wait3A_96 = arith.constant 1 : i32
      %dma_wait3A_97 = arith.constant 0 : i32
      %dma_wait3A_98 = arith.constant 0 : i32
      %dma_wait3A_99 = tpu.memref_slice %arg9[%dma_wait3A_96, %dma_wait3A_97, %dma_wait3A_98] : memref<2x128x128xf32, #tpu.memory_space<vmem>> -> memref<1x128x128xf32, #tpu.memory_space<vmem>>
      %dma_wait3A_100 = tpu.memref_squeeze %dma_wait3A_99 : memref<1x128x128xf32, #tpu.memory_space<vmem>> -> memref<128x128xf32, #tpu.memory_space<vmem>>
      %dma_wait3A_101 = arith.constant 0 : i32
      %dma_wait3A_102 = tpu.memref_slice %arg6[%multiple_of3A_95, %dma_wait3A_101] : memref<327680x128xf32, #tpu.memory_space<hbm>> -> memref<128x128xf32, #tpu.memory_space<hbm>>
      %dma_wait3A_103 = arith.constant 0 : i32
      %dma_wait3A_104 = tpu.memref_slice %arg6[%multiple_of3A_95, %dma_wait3A_103] : memref<327680x128xf32, #tpu.memory_space<hbm>> -> memref<128x128xf32, #tpu.memory_space<hbm>>
      %dma_wait3A_105 = arith.constant 0 : i32
      %dma_wait3A_106 = arith.constant 0 : i32
      %dma_wait3A_107 = tpu.memref_slice %arg9[%dma_wait3A_96, %dma_wait3A_105, %dma_wait3A_106] : memref<2x128x128xf32, #tpu.memory_space<vmem>> -> memref<1x128x128xf32, #tpu.memory_space<vmem>>
      %dma_wait3A_108 = tpu.memref_squeeze %dma_wait3A_107 : memref<1x128x128xf32, #tpu.memory_space<vmem>> -> memref<128x128xf32, #tpu.memory_space<vmem>>
      tpu.wait_dma2 semaphore(%arg16 : memref<!tpu.dma_semaphore, #tpu.memory_space<semaphore_mem>>) src(%dma_wait3A_108 : memref<128x128xf32, #tpu.memory_space<vmem>>) dst(%dma_wait3A_104 : memref<128x128xf32, #tpu.memory_space<hbm>>)
      %dma_wait3A_109 = arith.constant 1 : i32
      %dma_wait3A_110 = arith.constant 0 : i32
      %dma_wait3A_111 = tpu.memref_slice %arg8[%dma_wait3A_109, %dma_wait3A_110] : memref<2x128xi32, #tpu.memory_space<vmem>> -> memref<1x128xi32, #tpu.memory_space<vmem>>
      %dma_wait3A_112 = tpu.memref_squeeze %dma_wait3A_111 : memref<1x128xi32, #tpu.memory_space<vmem>> -> memref<128xi32, #tpu.memory_space<vmem>>
      %dma_wait3A_113 = tpu.memref_slice %arg4[%multiple_of3A] : memref<327680xi32, #tpu.memory_space<hbm>> -> memref<128xi32, #tpu.memory_space<hbm>>
      %dma_wait3A_114 = arith.constant 0 : i32
      %dma_wait3A_115 = tpu.memref_slice %arg8[%dma_wait3A_109, %dma_wait3A_114] : memref<2x128xi32, #tpu.memory_space<vmem>> -> memref<1x128xi32, #tpu.memory_space<vmem>>
      %dma_wait3A_116 = tpu.memref_squeeze %dma_wait3A_115 : memref<1x128xi32, #tpu.memory_space<vmem>> -> memref<128xi32, #tpu.memory_space<vmem>>
      %dma_wait3A_117 = tpu.memref_slice %arg4[%multiple_of3A] : memref<327680xi32, #tpu.memory_space<hbm>> -> memref<128xi32, #tpu.memory_space<hbm>>
      tpu.wait_dma2 semaphore(%arg12 : memref<!tpu.dma_semaphore, #tpu.memory_space<semaphore_mem>>) src(%dma_wait3A_117 : memref<128xi32, #tpu.memory_space<hbm>>) dst(%dma_wait3A_116 : memref<128xi32, #tpu.memory_space<vmem>>)
    } else {
    }
    %eq3A_6 = arith.constant 1 : i32
    %eq3A_7 = arith.cmpi eq, %arg0, %eq3A_6 : i32
    %convert_element_type3A_8 = arith.extui %eq3A_7 : i1 to i32
    %cond3A_9 = arith.constant 0 : i32
    %cond3A_10 = arith.cmpi ne, %convert_element_type3A_8, %cond3A_9 : i32
    scf.if %cond3A_10 {
      "tpu.region"() ({
        %run_scoped3A = tpu.sem_alloc : memref<!tpu.dma_semaphore, #tpu.memory_space<semaphore_mem>>
        %dma_start3A_118 = arith.constant 0 : i32
        %dma_start3A_119 = tpu.memref_slice %arg10[%multiple_of3A_3, %dma_start3A_118] : memref<10240x128xf32, #tpu.memory_space<vmem_shared>> -> memref<640x128xf32, #tpu.memory_space<vmem_shared>>
        %dma_start3A_120 = arith.constant 0 : i32
        %dma_start3A_121 = tpu.memref_slice %arg3[%multiple_of3A_3, %dma_start3A_120] : memref<10240x128xf32, #tpu.memory_space<hbm>> -> memref<640x128xf32, #tpu.memory_space<hbm>>
        tpu.enqueue_dma source(%dma_start3A_121 : memref<640x128xf32, #tpu.memory_space<hbm>>) target(%dma_start3A_119 : memref<640x128xf32, #tpu.memory_space<vmem_shared>>) target_semaphore(%run_scoped3A : memref<!tpu.dma_semaphore, #tpu.memory_space<semaphore_mem>>)
        %dma_wait3A_122 = arith.constant 0 : i32
        %dma_wait3A_123 = tpu.memref_slice %arg10[%multiple_of3A_3, %dma_wait3A_122] : memref<10240x128xf32, #tpu.memory_space<vmem_shared>> -> memref<640x128xf32, #tpu.memory_space<vmem_shared>>
        %dma_wait3A_124 = arith.constant 0 : i32
        %dma_wait3A_125 = tpu.memref_slice %arg3[%multiple_of3A_3, %dma_wait3A_124] : memref<10240x128xf32, #tpu.memory_space<hbm>> -> memref<640x128xf32, #tpu.memory_space<hbm>>
        tpu.wait_dma2 semaphore(%run_scoped3A : memref<!tpu.dma_semaphore, #tpu.memory_space<semaphore_mem>>) src(%dma_wait3A_125 : memref<640x128xf32, #tpu.memory_space<hbm>>) dst(%dma_wait3A_123 : memref<640x128xf32, #tpu.memory_space<vmem_shared>>)
        tpu.yield
      }) : () -> ()
      %add3A = arith.constant 0 : i32
      %add3A_11 = arith.addi %multiple_of3A, %add3A : i32
      %multiple_of3A_12 = tpu.assume_multiple %add3A_11, 128 : i32
      %dma_start3A = arith.constant 0 : i32
      %dma_start3A_13 = arith.constant 0 : i32
      %dma_start3A_14 = tpu.memref_slice %arg8[%dma_start3A, %dma_start3A_13] : memref<2x128xi32, #tpu.memory_space<vmem>> -> memref<1x128xi32, #tpu.memory_space<vmem>>
      %dma_start3A_15 = tpu.memref_squeeze %dma_start3A_14 : memref<1x128xi32, #tpu.memory_space<vmem>> -> memref<128xi32, #tpu.memory_space<vmem>>
      %dma_start3A_16 = tpu.memref_slice %arg5[%multiple_of3A_12] : memref<327680xi32, #tpu.memory_space<hbm>> -> memref<128xi32, #tpu.memory_space<hbm>>
      %dma_start3A_17 = arith.constant 0 : i32
      %dma_start3A_18 = tpu.memref_slice %arg8[%dma_start3A, %dma_start3A_17] : memref<2x128xi32, #tpu.memory_space<vmem>> -> memref<1x128xi32, #tpu.memory_space<vmem>>
      %dma_start3A_19 = tpu.memref_squeeze %dma_start3A_18 : memref<1x128xi32, #tpu.memory_space<vmem>> -> memref<128xi32, #tpu.memory_space<vmem>>
      %dma_start3A_20 = tpu.memref_slice %arg5[%multiple_of3A_12] : memref<327680xi32, #tpu.memory_space<hbm>> -> memref<128xi32, #tpu.memory_space<hbm>>
      tpu.enqueue_dma source(%dma_start3A_20 : memref<128xi32, #tpu.memory_space<hbm>>) target(%dma_start3A_19 : memref<128xi32, #tpu.memory_space<vmem>>) target_semaphore(%arg11 : memref<!tpu.dma_semaphore, #tpu.memory_space<semaphore_mem>>)
      %add3A_21 = arith.constant 0 : i32
      %add3A_22 = arith.addi %multiple_of3A, %add3A_21 : i32
      %multiple_of3A_23 = tpu.assume_multiple %add3A_22, 128 : i32
      %dma_start3A_24 = arith.constant 0 : i32
      %dma_start3A_25 = arith.constant 0 : i32
      %dma_start3A_26 = arith.constant 0 : i32
      %dma_start3A_27 = tpu.memref_slice %arg9[%dma_start3A_24, %dma_start3A_25, %dma_start3A_26] : memref<2x128x128xf32, #tpu.memory_space<vmem>> -> memref<1x128x128xf32, #tpu.memory_space<vmem>>
      %dma_start3A_28 = tpu.memref_squeeze %dma_start3A_27 : memref<1x128x128xf32, #tpu.memory_space<vmem>> -> memref<128x128xf32, #tpu.memory_space<vmem>>
      %dma_start3A_29 = arith.constant 0 : i32
      %dma_start3A_30 = tpu.memref_slice %arg7[%multiple_of3A_23, %dma_start3A_29] : memref<327680x128xf32, #tpu.memory_space<hbm>> -> memref<128x128xf32, #tpu.memory_space<hbm>>
      %dma_start3A_31 = arith.constant 0 : i32
      %dma_start3A_32 = tpu.memref_slice %arg7[%multiple_of3A_23, %dma_start3A_31] : memref<327680x128xf32, #tpu.memory_space<hbm>> -> memref<128x128xf32, #tpu.memory_space<hbm>>
      %dma_start3A_33 = arith.constant 0 : i32
      %dma_start3A_34 = arith.constant 0 : i32
      %dma_start3A_35 = tpu.memref_slice %arg9[%dma_start3A_24, %dma_start3A_33, %dma_start3A_34] : memref<2x128x128xf32, #tpu.memory_space<vmem>> -> memref<1x128x128xf32, #tpu.memory_space<vmem>>
      %dma_start3A_36 = tpu.memref_squeeze %dma_start3A_35 : memref<1x128x128xf32, #tpu.memory_space<vmem>> -> memref<128x128xf32, #tpu.memory_space<vmem>>
      tpu.enqueue_dma source(%dma_start3A_36 : memref<128x128xf32, #tpu.memory_space<vmem>>) target(%dma_start3A_32 : memref<128x128xf32, #tpu.memory_space<hbm>>) target_semaphore(%arg15 : memref<!tpu.dma_semaphore, #tpu.memory_space<semaphore_mem>>)
      %add3A_37 = arith.constant 128 : i32
      %add3A_38 = arith.addi %multiple_of3A, %add3A_37 : i32
      %multiple_of3A_39 = tpu.assume_multiple %add3A_38, 128 : i32
      %dma_start3A_40 = arith.constant 1 : i32
      %dma_start3A_41 = arith.constant 0 : i32
      %dma_start3A_42 = tpu.memref_slice %arg8[%dma_start3A_40, %dma_start3A_41] : memref<2x128xi32, #tpu.memory_space<vmem>> -> memref<1x128xi32, #tpu.memory_space<vmem>>
      %dma_start3A_43 = tpu.memref_squeeze %dma_start3A_42 : memref<1x128xi32, #tpu.memory_space<vmem>> -> memref<128xi32, #tpu.memory_space<vmem>>
      %dma_start3A_44 = tpu.memref_slice %arg5[%multiple_of3A_39] : memref<327680xi32, #tpu.memory_space<hbm>> -> memref<128xi32, #tpu.memory_space<hbm>>
      %dma_start3A_45 = arith.constant 0 : i32
      %dma_start3A_46 = tpu.memref_slice %arg8[%dma_start3A_40, %dma_start3A_45] : memref<2x128xi32, #tpu.memory_space<vmem>> -> memref<1x128xi32, #tpu.memory_space<vmem>>
      %dma_start3A_47 = tpu.memref_squeeze %dma_start3A_46 : memref<1x128xi32, #tpu.memory_space<vmem>> -> memref<128xi32, #tpu.memory_space<vmem>>
      %dma_start3A_48 = tpu.memref_slice %arg5[%multiple_of3A_39] : memref<327680xi32, #tpu.memory_space<hbm>> -> memref<128xi32, #tpu.memory_space<hbm>>
      tpu.enqueue_dma source(%dma_start3A_48 : memref<128xi32, #tpu.memory_space<hbm>>) target(%dma_start3A_47 : memref<128xi32, #tpu.memory_space<vmem>>) target_semaphore(%arg12 : memref<!tpu.dma_semaphore, #tpu.memory_space<semaphore_mem>>)
      %add3A_49 = arith.constant 128 : i32
      %add3A_50 = arith.addi %multiple_of3A, %add3A_49 : i32
      %multiple_of3A_51 = tpu.assume_multiple %add3A_50, 128 : i32
      %dma_start3A_52 = arith.constant 1 : i32
      %dma_start3A_53 = arith.constant 0 : i32
      %dma_start3A_54 = arith.constant 0 : i32
      %dma_start3A_55 = tpu.memref_slice %arg9[%dma_start3A_52, %dma_start3A_53, %dma_start3A_54] : memref<2x128x128xf32, #tpu.memory_space<vmem>> -> memref<1x128x128xf32, #tpu.memory_space<vmem>>
      %dma_start3A_56 = tpu.memref_squeeze %dma_start3A_55 : memref<1x128x128xf32, #tpu.memory_space<vmem>> -> memref<128x128xf32, #tpu.memory_space<vmem>>
      %dma_start3A_57 = arith.constant 0 : i32
      %dma_start3A_58 = tpu.memref_slice %arg7[%multiple_of3A_51, %dma_start3A_57] : memref<327680x128xf32, #tpu.memory_space<hbm>> -> memref<128x128xf32, #tpu.memory_space<hbm>>
      %dma_start3A_59 = arith.constant 0 : i32
      %dma_start3A_60 = tpu.memref_slice %arg7[%multiple_of3A_51, %dma_start3A_59] : memref<327680x128xf32, #tpu.memory_space<hbm>> -> memref<128x128xf32, #tpu.memory_space<hbm>>
      %dma_start3A_61 = arith.constant 0 : i32
      %dma_start3A_62 = arith.constant 0 : i32
      %dma_start3A_63 = tpu.memref_slice %arg9[%dma_start3A_52, %dma_start3A_61, %dma_start3A_62] : memref<2x128x128xf32, #tpu.memory_space<vmem>> -> memref<1x128x128xf32, #tpu.memory_space<vmem>>
      %dma_start3A_64 = tpu.memref_squeeze %dma_start3A_63 : memref<1x128x128xf32, #tpu.memory_space<vmem>> -> memref<128x128xf32, #tpu.memory_space<vmem>>
      tpu.enqueue_dma source(%dma_start3A_64 : memref<128x128xf32, #tpu.memory_space<vmem>>) target(%dma_start3A_60 : memref<128x128xf32, #tpu.memory_space<hbm>>) target_semaphore(%arg16 : memref<!tpu.dma_semaphore, #tpu.memory_space<semaphore_mem>>)
      %barrier3A = arith.constant 0 : index
      tpu.barrier barrier_id(%barrier3A)
      %scan3A = arith.constant 0 : i32
      %scan3A_65 = arith.constant 80 : i32
      %scan3A_66 = arith.addi %scan3A, %scan3A_65 : i32
      %scan3A_67 = arith.constant 1 : i32
      scf.for %scan3A_118 = %scan3A to %scan3A_66 step %scan3A_67  : i32 {
        %mul3A_119 = arith.constant 2 : i32
        %mul3A_120 = arith.muli %scan3A_118, %mul3A_119 : i32
        %add3A_121 = arith.constant 0 : i32
        %add3A_122 = arith.addi %add3A_121, %mul3A_120 : i32
        %add3A_123 = arith.constant 0 : i32
        %add3A_124 = arith.addi %add3A_122, %add3A_123 : i32
        %mul3A_125 = arith.constant 128 : i32
        %mul3A_126 = arith.muli %add3A_124, %mul3A_125 : i32
        %add3A_127 = arith.addi %multiple_of3A, %mul3A_126 : i32
        %multiple_of3A_128 = tpu.assume_multiple %add3A_127, 128 : i32
        %dma_wait3A_129 = arith.constant 0 : i32
        %dma_wait3A_130 = arith.constant 0 : i32
        %dma_wait3A_131 = arith.constant 0 : i32
        %dma_wait3A_132 = tpu.memref_slice %arg9[%dma_wait3A_129, %dma_wait3A_130, %dma_wait3A_131] : memref<2x128x128xf32, #tpu.memory_space<vmem>> -> memref<1x128x128xf32, #tpu.memory_space<vmem>>
        %dma_wait3A_133 = tpu.memref_squeeze %dma_wait3A_132 : memref<1x128x128xf32, #tpu.memory_space<vmem>> -> memref<128x128xf32, #tpu.memory_space<vmem>>
        %dma_wait3A_134 = arith.constant 0 : i32
        %dma_wait3A_135 = tpu.memref_slice %arg7[%multiple_of3A_128, %dma_wait3A_134] : memref<327680x128xf32, #tpu.memory_space<hbm>> -> memref<128x128xf32, #tpu.memory_space<hbm>>
        %dma_wait3A_136 = arith.constant 0 : i32
        %dma_wait3A_137 = tpu.memref_slice %arg7[%multiple_of3A_128, %dma_wait3A_136] : memref<327680x128xf32, #tpu.memory_space<hbm>> -> memref<128x128xf32, #tpu.memory_space<hbm>>
        %dma_wait3A_138 = arith.constant 0 : i32
        %dma_wait3A_139 = arith.constant 0 : i32
        %dma_wait3A_140 = tpu.memref_slice %arg9[%dma_wait3A_129, %dma_wait3A_138, %dma_wait3A_139] : memref<2x128x128xf32, #tpu.memory_space<vmem>> -> memref<1x128x128xf32, #tpu.memory_space<vmem>>
        %dma_wait3A_141 = tpu.memref_squeeze %dma_wait3A_140 : memref<1x128x128xf32, #tpu.memory_space<vmem>> -> memref<128x128xf32, #tpu.memory_space<vmem>>
        tpu.wait_dma2 semaphore(%arg15 : memref<!tpu.dma_semaphore, #tpu.memory_space<semaphore_mem>>) src(%dma_wait3A_141 : memref<128x128xf32, #tpu.memory_space<vmem>>) dst(%dma_wait3A_137 : memref<128x128xf32, #tpu.memory_space<hbm>>)
        %mul3A_142 = arith.constant 128 : i32
        %mul3A_143 = arith.muli %add3A_124, %mul3A_142 : i32
        %add3A_144 = arith.addi %multiple_of3A, %mul3A_143 : i32
        %multiple_of3A_145 = tpu.assume_multiple %add3A_144, 128 : i32
        %dma_wait3A_146 = arith.constant 0 : i32
        %dma_wait3A_147 = arith.constant 0 : i32
        %dma_wait3A_148 = tpu.memref_slice %arg8[%dma_wait3A_146, %dma_wait3A_147] : memref<2x128xi32, #tpu.memory_space<vmem>> -> memref<1x128xi32, #tpu.memory_space<vmem>>
        %dma_wait3A_149 = tpu.memref_squeeze %dma_wait3A_148 : memref<1x128xi32, #tpu.memory_space<vmem>> -> memref<128xi32, #tpu.memory_space<vmem>>
        %dma_wait3A_150 = tpu.memref_slice %arg5[%multiple_of3A_145] : memref<327680xi32, #tpu.memory_space<hbm>> -> memref<128xi32, #tpu.memory_space<hbm>>
        %dma_wait3A_151 = arith.constant 0 : i32
        %dma_wait3A_152 = tpu.memref_slice %arg8[%dma_wait3A_146, %dma_wait3A_151] : memref<2x128xi32, #tpu.memory_space<vmem>> -> memref<1x128xi32, #tpu.memory_space<vmem>>
        %dma_wait3A_153 = tpu.memref_squeeze %dma_wait3A_152 : memref<1x128xi32, #tpu.memory_space<vmem>> -> memref<128xi32, #tpu.memory_space<vmem>>
        %dma_wait3A_154 = tpu.memref_slice %arg5[%multiple_of3A_145] : memref<327680xi32, #tpu.memory_space<hbm>> -> memref<128xi32, #tpu.memory_space<hbm>>
        tpu.wait_dma2 semaphore(%arg11 : memref<!tpu.dma_semaphore, #tpu.memory_space<semaphore_mem>>) src(%dma_wait3A_154 : memref<128xi32, #tpu.memory_space<hbm>>) dst(%dma_wait3A_153 : memref<128xi32, #tpu.memory_space<vmem>>)
        %dma_start3A_155 = arith.constant 0 : i32
        %dma_start3A_156 = arith.constant 0 : i32
        %dma_start3A_157 = arith.constant 0 : i32
        %dma_start3A_158 = arith.constant 0 : i32
        %dma_start3A_159 = tpu.memref_slice %arg9[%dma_start3A_156, %dma_start3A_157, %dma_start3A_158] : memref<2x128x128xf32, #tpu.memory_space<vmem>> -> memref<1x128x128xf32, #tpu.memory_space<vmem>>
        %dma_start3A_160 = tpu.memref_squeeze %dma_start3A_159 : memref<1x128x128xf32, #tpu.memory_space<vmem>> -> memref<128x128xf32, #tpu.memory_space<vmem>>
        %dma_start3A_161 = arith.constant 0 : i32
        %dma_start3A_162 = tpu.memref_slice %arg8[%dma_start3A_155, %dma_start3A_161] : memref<2x128xi32, #tpu.memory_space<vmem>> -> memref<1x128xi32, #tpu.memory_space<vmem>>
        %dma_start3A_163 = tpu.memref_squeeze %dma_start3A_162 : memref<1x128xi32, #tpu.memory_space<vmem>> -> memref<128xi32, #tpu.memory_space<vmem>>
        %dma_start3A_164 = arith.constant 0 : i32
        %dma_start3A_165 = arith.constant 0 : i32
        %dma_start3A_166 = tpu.memref_slice %arg10[%dma_start3A_164, %dma_start3A_165] : memref<10240x128xf32, #tpu.memory_space<vmem_shared>> -> memref<10240x128xf32, #tpu.memory_space<vmem_shared>>
        tpu.enqueue_indirect_dma source(%dma_start3A_166 : memref<10240x128xf32, #tpu.memory_space<vmem_shared>>) target(%dma_start3A_160 : memref<128x128xf32, #tpu.memory_space<vmem>>) offsets(%dma_start3A_163 : memref<128xi32, #tpu.memory_space<vmem>>) semaphore(%arg13 : memref<!tpu.dma_semaphore, #tpu.memory_space<semaphore_mem>>)
        %add3A_167 = arith.constant 1 : i32
        %add3A_168 = arith.addi %add3A_122, %add3A_167 : i32
        %mul3A_169 = arith.constant 128 : i32
        %mul3A_170 = arith.muli %add3A_168, %mul3A_169 : i32
        %add3A_171 = arith.addi %multiple_of3A, %mul3A_170 : i32
        %multiple_of3A_172 = tpu.assume_multiple %add3A_171, 128 : i32
        %dma_wait3A_173 = arith.constant 1 : i32
        %dma_wait3A_174 = arith.constant 0 : i32
        %dma_wait3A_175 = arith.constant 0 : i32
        %dma_wait3A_176 = tpu.memref_slice %arg9[%dma_wait3A_173, %dma_wait3A_174, %dma_wait3A_175] : memref<2x128x128xf32, #tpu.memory_space<vmem>> -> memref<1x128x128xf32, #tpu.memory_space<vmem>>
        %dma_wait3A_177 = tpu.memref_squeeze %dma_wait3A_176 : memref<1x128x128xf32, #tpu.memory_space<vmem>> -> memref<128x128xf32, #tpu.memory_space<vmem>>
        %dma_wait3A_178 = arith.constant 0 : i32
        %dma_wait3A_179 = tpu.memref_slice %arg7[%multiple_of3A_172, %dma_wait3A_178] : memref<327680x128xf32, #tpu.memory_space<hbm>> -> memref<128x128xf32, #tpu.memory_space<hbm>>
        %dma_wait3A_180 = arith.constant 0 : i32
        %dma_wait3A_181 = tpu.memref_slice %arg7[%multiple_of3A_172, %dma_wait3A_180] : memref<327680x128xf32, #tpu.memory_space<hbm>> -> memref<128x128xf32, #tpu.memory_space<hbm>>
        %dma_wait3A_182 = arith.constant 0 : i32
        %dma_wait3A_183 = arith.constant 0 : i32
        %dma_wait3A_184 = tpu.memref_slice %arg9[%dma_wait3A_173, %dma_wait3A_182, %dma_wait3A_183] : memref<2x128x128xf32, #tpu.memory_space<vmem>> -> memref<1x128x128xf32, #tpu.memory_space<vmem>>
        %dma_wait3A_185 = tpu.memref_squeeze %dma_wait3A_184 : memref<1x128x128xf32, #tpu.memory_space<vmem>> -> memref<128x128xf32, #tpu.memory_space<vmem>>
        tpu.wait_dma2 semaphore(%arg16 : memref<!tpu.dma_semaphore, #tpu.memory_space<semaphore_mem>>) src(%dma_wait3A_185 : memref<128x128xf32, #tpu.memory_space<vmem>>) dst(%dma_wait3A_181 : memref<128x128xf32, #tpu.memory_space<hbm>>)
        %mul3A_186 = arith.constant 128 : i32
        %mul3A_187 = arith.muli %add3A_168, %mul3A_186 : i32
        %add3A_188 = arith.addi %multiple_of3A, %mul3A_187 : i32
        %multiple_of3A_189 = tpu.assume_multiple %add3A_188, 128 : i32
        %dma_wait3A_190 = arith.constant 1 : i32
        %dma_wait3A_191 = arith.constant 0 : i32
        %dma_wait3A_192 = tpu.memref_slice %arg8[%dma_wait3A_190, %dma_wait3A_191] : memref<2x128xi32, #tpu.memory_space<vmem>> -> memref<1x128xi32, #tpu.memory_space<vmem>>
        %dma_wait3A_193 = tpu.memref_squeeze %dma_wait3A_192 : memref<1x128xi32, #tpu.memory_space<vmem>> -> memref<128xi32, #tpu.memory_space<vmem>>
        %dma_wait3A_194 = tpu.memref_slice %arg5[%multiple_of3A_189] : memref<327680xi32, #tpu.memory_space<hbm>> -> memref<128xi32, #tpu.memory_space<hbm>>
        %dma_wait3A_195 = arith.constant 0 : i32
        %dma_wait3A_196 = tpu.memref_slice %arg8[%dma_wait3A_190, %dma_wait3A_195] : memref<2x128xi32, #tpu.memory_space<vmem>> -> memref<1x128xi32, #tpu.memory_space<vmem>>
        %dma_wait3A_197 = tpu.memref_squeeze %dma_wait3A_196 : memref<1x128xi32, #tpu.memory_space<vmem>> -> memref<128xi32, #tpu.memory_space<vmem>>
        %dma_wait3A_198 = tpu.memref_slice %arg5[%multiple_of3A_189] : memref<327680xi32, #tpu.memory_space<hbm>> -> memref<128xi32, #tpu.memory_space<hbm>>
        tpu.wait_dma2 semaphore(%arg12 : memref<!tpu.dma_semaphore, #tpu.memory_space<semaphore_mem>>) src(%dma_wait3A_198 : memref<128xi32, #tpu.memory_space<hbm>>) dst(%dma_wait3A_197 : memref<128xi32, #tpu.memory_space<vmem>>)
        %dma_start3A_199 = arith.constant 1 : i32
        %dma_start3A_200 = arith.constant 1 : i32
        %dma_start3A_201 = arith.constant 0 : i32
        %dma_start3A_202 = arith.constant 0 : i32
        %dma_start3A_203 = tpu.memref_slice %arg9[%dma_start3A_200, %dma_start3A_201, %dma_start3A_202] : memref<2x128x128xf32, #tpu.memory_space<vmem>> -> memref<1x128x128xf32, #tpu.memory_space<vmem>>
        %dma_start3A_204 = tpu.memref_squeeze %dma_start3A_203 : memref<1x128x128xf32, #tpu.memory_space<vmem>> -> memref<128x128xf32, #tpu.memory_space<vmem>>
        %dma_start3A_205 = arith.constant 0 : i32
        %dma_start3A_206 = tpu.memref_slice %arg8[%dma_start3A_199, %dma_start3A_205] : memref<2x128xi32, #tpu.memory_space<vmem>> -> memref<1x128xi32, #tpu.memory_space<vmem>>
        %dma_start3A_207 = tpu.memref_squeeze %dma_start3A_206 : memref<1x128xi32, #tpu.memory_space<vmem>> -> memref<128xi32, #tpu.memory_space<vmem>>
        %dma_start3A_208 = arith.constant 0 : i32
        %dma_start3A_209 = arith.constant 0 : i32
        %dma_start3A_210 = tpu.memref_slice %arg10[%dma_start3A_208, %dma_start3A_209] : memref<10240x128xf32, #tpu.memory_space<vmem_shared>> -> memref<10240x128xf32, #tpu.memory_space<vmem_shared>>
        tpu.enqueue_indirect_dma source(%dma_start3A_210 : memref<10240x128xf32, #tpu.memory_space<vmem_shared>>) target(%dma_start3A_204 : memref<128x128xf32, #tpu.memory_space<vmem>>) offsets(%dma_start3A_207 : memref<128xi32, #tpu.memory_space<vmem>>) semaphore(%arg14 : memref<!tpu.dma_semaphore, #tpu.memory_space<semaphore_mem>>)
        %add3A_211 = arith.constant 0 : i32
        %add3A_212 = arith.addi %add3A_122, %add3A_211 : i32
        %dma_wait3A_213 = arith.constant 0 : i32
        %dma_wait3A_214 = arith.constant 0 : i32
        %dma_wait3A_215 = arith.constant 0 : i32
        %dma_wait3A_216 = arith.constant 0 : i32
        %dma_wait3A_217 = tpu.memref_slice %arg9[%dma_wait3A_214, %dma_wait3A_215, %dma_wait3A_216] : memref<2x128x128xf32, #tpu.memory_space<vmem>> -> memref<1x128x128xf32, #tpu.memory_space<vmem>>
        %dma_wait3A_218 = tpu.memref_squeeze %dma_wait3A_217 : memref<1x128x128xf32, #tpu.memory_space<vmem>> -> memref<128x128xf32, #tpu.memory_space<vmem>>
        %dma_wait3A_219 = arith.constant 0 : i32
        %dma_wait3A_220 = tpu.memref_slice %arg8[%dma_wait3A_213, %dma_wait3A_219] : memref<2x128xi32, #tpu.memory_space<vmem>> -> memref<1x128xi32, #tpu.memory_space<vmem>>
        %dma_wait3A_221 = tpu.memref_squeeze %dma_wait3A_220 : memref<1x128xi32, #tpu.memory_space<vmem>> -> memref<128xi32, #tpu.memory_space<vmem>>
        %dma_wait3A_222 = arith.constant 0 : i32
        %dma_wait3A_223 = arith.constant 0 : i32
        %dma_wait3A_224 = tpu.memref_slice %arg10[%dma_wait3A_222, %dma_wait3A_223] : memref<10240x128xf32, #tpu.memory_space<vmem_shared>> -> memref<10240x128xf32, #tpu.memory_space<vmem_shared>>
        tpu.wait_indirect_dma semaphore(%arg13 : memref<!tpu.dma_semaphore, #tpu.memory_space<semaphore_mem>>) src(%dma_wait3A_224 : memref<10240x128xf32, #tpu.memory_space<vmem_shared>>) dst(%dma_wait3A_218 : memref<128x128xf32, #tpu.memory_space<vmem>>)
        %mul3A_225 = arith.constant 128 : i32
        %mul3A_226 = arith.muli %add3A_212, %mul3A_225 : i32
        %add3A_227 = arith.addi %multiple_of3A, %mul3A_226 : i32
        %multiple_of3A_228 = tpu.assume_multiple %add3A_227, 128 : i32
        %dma_start3A_229 = arith.constant 0 : i32
        %dma_start3A_230 = arith.constant 0 : i32
        %dma_start3A_231 = arith.constant 0 : i32
        %dma_start3A_232 = tpu.memref_slice %arg9[%dma_start3A_229, %dma_start3A_230, %dma_start3A_231] : memref<2x128x128xf32, #tpu.memory_space<vmem>> -> memref<1x128x128xf32, #tpu.memory_space<vmem>>
        %dma_start3A_233 = tpu.memref_squeeze %dma_start3A_232 : memref<1x128x128xf32, #tpu.memory_space<vmem>> -> memref<128x128xf32, #tpu.memory_space<vmem>>
        %dma_start3A_234 = arith.constant 0 : i32
        %dma_start3A_235 = tpu.memref_slice %arg7[%multiple_of3A_228, %dma_start3A_234] : memref<327680x128xf32, #tpu.memory_space<hbm>> -> memref<128x128xf32, #tpu.memory_space<hbm>>
        %dma_start3A_236 = arith.constant 0 : i32
        %dma_start3A_237 = tpu.memref_slice %arg7[%multiple_of3A_228, %dma_start3A_236] : memref<327680x128xf32, #tpu.memory_space<hbm>> -> memref<128x128xf32, #tpu.memory_space<hbm>>
        %dma_start3A_238 = arith.constant 0 : i32
        %dma_start3A_239 = arith.constant 0 : i32
        %dma_start3A_240 = tpu.memref_slice %arg9[%dma_start3A_229, %dma_start3A_238, %dma_start3A_239] : memref<2x128x128xf32, #tpu.memory_space<vmem>> -> memref<1x128x128xf32, #tpu.memory_space<vmem>>
        %dma_start3A_241 = tpu.memref_squeeze %dma_start3A_240 : memref<1x128x128xf32, #tpu.memory_space<vmem>> -> memref<128x128xf32, #tpu.memory_space<vmem>>
        tpu.enqueue_dma source(%dma_start3A_241 : memref<128x128xf32, #tpu.memory_space<vmem>>) target(%dma_start3A_237 : memref<128x128xf32, #tpu.memory_space<hbm>>) target_semaphore(%arg15 : memref<!tpu.dma_semaphore, #tpu.memory_space<semaphore_mem>>)
        %add3A_242 = arith.constant 2 : i32
        %add3A_243 = arith.addi %add3A_212, %add3A_242 : i32
        %ge3A = arith.constant 160 : i32
        %ge3A_244 = arith.cmpi sge, %add3A_243, %ge3A : i32
        %sub3A = arith.constant 160 : i32
        %sub3A_245 = arith.subi %add3A_243, %sub3A : i32
        %select_n3A = arith.select %ge3A_244, %sub3A_245, %add3A_243 : i32
        %mul3A_246 = arith.constant 128 : i32
        %mul3A_247 = arith.muli %select_n3A, %mul3A_246 : i32
        %add3A_248 = arith.addi %multiple_of3A, %mul3A_247 : i32
        %multiple_of3A_249 = tpu.assume_multiple %add3A_248, 128 : i32
        %dma_start3A_250 = arith.constant 0 : i32
        %dma_start3A_251 = arith.constant 0 : i32
        %dma_start3A_252 = tpu.memref_slice %arg8[%dma_start3A_250, %dma_start3A_251] : memref<2x128xi32, #tpu.memory_space<vmem>> -> memref<1x128xi32, #tpu.memory_space<vmem>>
        %dma_start3A_253 = tpu.memref_squeeze %dma_start3A_252 : memref<1x128xi32, #tpu.memory_space<vmem>> -> memref<128xi32, #tpu.memory_space<vmem>>
        %dma_start3A_254 = tpu.memref_slice %arg5[%multiple_of3A_249] : memref<327680xi32, #tpu.memory_space<hbm>> -> memref<128xi32, #tpu.memory_space<hbm>>
        %dma_start3A_255 = arith.constant 0 : i32
        %dma_start3A_256 = tpu.memref_slice %arg8[%dma_start3A_250, %dma_start3A_255] : memref<2x128xi32, #tpu.memory_space<vmem>> -> memref<1x128xi32, #tpu.memory_space<vmem>>
        %dma_start3A_257 = tpu.memref_squeeze %dma_start3A_256 : memref<1x128xi32, #tpu.memory_space<vmem>> -> memref<128xi32, #tpu.memory_space<vmem>>
        %dma_start3A_258 = tpu.memref_slice %arg5[%multiple_of3A_249] : memref<327680xi32, #tpu.memory_space<hbm>> -> memref<128xi32, #tpu.memory_space<hbm>>
        tpu.enqueue_dma source(%dma_start3A_258 : memref<128xi32, #tpu.memory_space<hbm>>) target(%dma_start3A_257 : memref<128xi32, #tpu.memory_space<vmem>>) target_semaphore(%arg11 : memref<!tpu.dma_semaphore, #tpu.memory_space<semaphore_mem>>)
        %add3A_259 = arith.constant 1 : i32
        %add3A_260 = arith.addi %add3A_122, %add3A_259 : i32
        %dma_wait3A_261 = arith.constant 1 : i32
        %dma_wait3A_262 = arith.constant 1 : i32
        %dma_wait3A_263 = arith.constant 0 : i32
        %dma_wait3A_264 = arith.constant 0 : i32
        %dma_wait3A_265 = tpu.memref_slice %arg9[%dma_wait3A_262, %dma_wait3A_263, %dma_wait3A_264] : memref<2x128x128xf32, #tpu.memory_space<vmem>> -> memref<1x128x128xf32, #tpu.memory_space<vmem>>
        %dma_wait3A_266 = tpu.memref_squeeze %dma_wait3A_265 : memref<1x128x128xf32, #tpu.memory_space<vmem>> -> memref<128x128xf32, #tpu.memory_space<vmem>>
        %dma_wait3A_267 = arith.constant 0 : i32
        %dma_wait3A_268 = tpu.memref_slice %arg8[%dma_wait3A_261, %dma_wait3A_267] : memref<2x128xi32, #tpu.memory_space<vmem>> -> memref<1x128xi32, #tpu.memory_space<vmem>>
        %dma_wait3A_269 = tpu.memref_squeeze %dma_wait3A_268 : memref<1x128xi32, #tpu.memory_space<vmem>> -> memref<128xi32, #tpu.memory_space<vmem>>
        %dma_wait3A_270 = arith.constant 0 : i32
        %dma_wait3A_271 = arith.constant 0 : i32
        %dma_wait3A_272 = tpu.memref_slice %arg10[%dma_wait3A_270, %dma_wait3A_271] : memref<10240x128xf32, #tpu.memory_space<vmem_shared>> -> memref<10240x128xf32, #tpu.memory_space<vmem_shared>>
        tpu.wait_indirect_dma semaphore(%arg14 : memref<!tpu.dma_semaphore, #tpu.memory_space<semaphore_mem>>) src(%dma_wait3A_272 : memref<10240x128xf32, #tpu.memory_space<vmem_shared>>) dst(%dma_wait3A_266 : memref<128x128xf32, #tpu.memory_space<vmem>>)
        %mul3A_273 = arith.constant 128 : i32
        %mul3A_274 = arith.muli %add3A_260, %mul3A_273 : i32
        %add3A_275 = arith.addi %multiple_of3A, %mul3A_274 : i32
        %multiple_of3A_276 = tpu.assume_multiple %add3A_275, 128 : i32
        %dma_start3A_277 = arith.constant 1 : i32
        %dma_start3A_278 = arith.constant 0 : i32
        %dma_start3A_279 = arith.constant 0 : i32
        %dma_start3A_280 = tpu.memref_slice %arg9[%dma_start3A_277, %dma_start3A_278, %dma_start3A_279] : memref<2x128x128xf32, #tpu.memory_space<vmem>> -> memref<1x128x128xf32, #tpu.memory_space<vmem>>
        %dma_start3A_281 = tpu.memref_squeeze %dma_start3A_280 : memref<1x128x128xf32, #tpu.memory_space<vmem>> -> memref<128x128xf32, #tpu.memory_space<vmem>>
        %dma_start3A_282 = arith.constant 0 : i32
        %dma_start3A_283 = tpu.memref_slice %arg7[%multiple_of3A_276, %dma_start3A_282] : memref<327680x128xf32, #tpu.memory_space<hbm>> -> memref<128x128xf32, #tpu.memory_space<hbm>>
        %dma_start3A_284 = arith.constant 0 : i32
        %dma_start3A_285 = tpu.memref_slice %arg7[%multiple_of3A_276, %dma_start3A_284] : memref<327680x128xf32, #tpu.memory_space<hbm>> -> memref<128x128xf32, #tpu.memory_space<hbm>>
        %dma_start3A_286 = arith.constant 0 : i32
        %dma_start3A_287 = arith.constant 0 : i32
        %dma_start3A_288 = tpu.memref_slice %arg9[%dma_start3A_277, %dma_start3A_286, %dma_start3A_287] : memref<2x128x128xf32, #tpu.memory_space<vmem>> -> memref<1x128x128xf32, #tpu.memory_space<vmem>>
        %dma_start3A_289 = tpu.memref_squeeze %dma_start3A_288 : memref<1x128x128xf32, #tpu.memory_space<vmem>> -> memref<128x128xf32, #tpu.memory_space<vmem>>
        tpu.enqueue_dma source(%dma_start3A_289 : memref<128x128xf32, #tpu.memory_space<vmem>>) target(%dma_start3A_285 : memref<128x128xf32, #tpu.memory_space<hbm>>) target_semaphore(%arg16 : memref<!tpu.dma_semaphore, #tpu.memory_space<semaphore_mem>>)
        %add3A_290 = arith.constant 2 : i32
        %add3A_291 = arith.addi %add3A_260, %add3A_290 : i32
        %ge3A_292 = arith.constant 160 : i32
        %ge3A_293 = arith.cmpi sge, %add3A_291, %ge3A_292 : i32
        %sub3A_294 = arith.constant 160 : i32
        %sub3A_295 = arith.subi %add3A_291, %sub3A_294 : i32
        %select_n3A_296 = arith.select %ge3A_293, %sub3A_295, %add3A_291 : i32
        %mul3A_297 = arith.constant 128 : i32
        %mul3A_298 = arith.muli %select_n3A_296, %mul3A_297 : i32
        %add3A_299 = arith.addi %multiple_of3A, %mul3A_298 : i32
        %multiple_of3A_300 = tpu.assume_multiple %add3A_299, 128 : i32
        %dma_start3A_301 = arith.constant 1 : i32
        %dma_start3A_302 = arith.constant 0 : i32
        %dma_start3A_303 = tpu.memref_slice %arg8[%dma_start3A_301, %dma_start3A_302] : memref<2x128xi32, #tpu.memory_space<vmem>> -> memref<1x128xi32, #tpu.memory_space<vmem>>
        %dma_start3A_304 = tpu.memref_squeeze %dma_start3A_303 : memref<1x128xi32, #tpu.memory_space<vmem>> -> memref<128xi32, #tpu.memory_space<vmem>>
        %dma_start3A_305 = tpu.memref_slice %arg5[%multiple_of3A_300] : memref<327680xi32, #tpu.memory_space<hbm>> -> memref<128xi32, #tpu.memory_space<hbm>>
        %dma_start3A_306 = arith.constant 0 : i32
        %dma_start3A_307 = tpu.memref_slice %arg8[%dma_start3A_301, %dma_start3A_306] : memref<2x128xi32, #tpu.memory_space<vmem>> -> memref<1x128xi32, #tpu.memory_space<vmem>>
        %dma_start3A_308 = tpu.memref_squeeze %dma_start3A_307 : memref<1x128xi32, #tpu.memory_space<vmem>> -> memref<128xi32, #tpu.memory_space<vmem>>
        %dma_start3A_309 = tpu.memref_slice %arg5[%multiple_of3A_300] : memref<327680xi32, #tpu.memory_space<hbm>> -> memref<128xi32, #tpu.memory_space<hbm>>
        tpu.enqueue_dma source(%dma_start3A_309 : memref<128xi32, #tpu.memory_space<hbm>>) target(%dma_start3A_308 : memref<128xi32, #tpu.memory_space<vmem>>) target_semaphore(%arg12 : memref<!tpu.dma_semaphore, #tpu.memory_space<semaphore_mem>>)
      }
      %scan3A_68 = arith.constant 80 : i32
      %add3A_69 = arith.constant 0 : i32
      %add3A_70 = arith.addi %multiple_of3A, %add3A_69 : i32
      %multiple_of3A_71 = tpu.assume_multiple %add3A_70, 128 : i32
      %dma_wait3A = arith.constant 0 : i32
      %dma_wait3A_72 = arith.constant 0 : i32
      %dma_wait3A_73 = arith.constant 0 : i32
      %dma_wait3A_74 = tpu.memref_slice %arg9[%dma_wait3A, %dma_wait3A_72, %dma_wait3A_73] : memref<2x128x128xf32, #tpu.memory_space<vmem>> -> memref<1x128x128xf32, #tpu.memory_space<vmem>>
      %dma_wait3A_75 = tpu.memref_squeeze %dma_wait3A_74 : memref<1x128x128xf32, #tpu.memory_space<vmem>> -> memref<128x128xf32, #tpu.memory_space<vmem>>
      %dma_wait3A_76 = arith.constant 0 : i32
      %dma_wait3A_77 = tpu.memref_slice %arg7[%multiple_of3A_71, %dma_wait3A_76] : memref<327680x128xf32, #tpu.memory_space<hbm>> -> memref<128x128xf32, #tpu.memory_space<hbm>>
      %dma_wait3A_78 = arith.constant 0 : i32
      %dma_wait3A_79 = tpu.memref_slice %arg7[%multiple_of3A_71, %dma_wait3A_78] : memref<327680x128xf32, #tpu.memory_space<hbm>> -> memref<128x128xf32, #tpu.memory_space<hbm>>
      %dma_wait3A_80 = arith.constant 0 : i32
      %dma_wait3A_81 = arith.constant 0 : i32
      %dma_wait3A_82 = tpu.memref_slice %arg9[%dma_wait3A, %dma_wait3A_80, %dma_wait3A_81] : memref<2x128x128xf32, #tpu.memory_space<vmem>> -> memref<1x128x128xf32, #tpu.memory_space<vmem>>
      %dma_wait3A_83 = tpu.memref_squeeze %dma_wait3A_82 : memref<1x128x128xf32, #tpu.memory_space<vmem>> -> memref<128x128xf32, #tpu.memory_space<vmem>>
      tpu.wait_dma2 semaphore(%arg15 : memref<!tpu.dma_semaphore, #tpu.memory_space<semaphore_mem>>) src(%dma_wait3A_83 : memref<128x128xf32, #tpu.memory_space<vmem>>) dst(%dma_wait3A_79 : memref<128x128xf32, #tpu.memory_space<hbm>>)
      %dma_wait3A_84 = arith.constant 0 : i32
      %dma_wait3A_85 = arith.constant 0 : i32
      %dma_wait3A_86 = tpu.memref_slice %arg8[%dma_wait3A_84, %dma_wait3A_85] : memref<2x128xi32, #tpu.memory_space<vmem>> -> memref<1x128xi32, #tpu.memory_space<vmem>>
      %dma_wait3A_87 = tpu.memref_squeeze %dma_wait3A_86 : memref<1x128xi32, #tpu.memory_space<vmem>> -> memref<128xi32, #tpu.memory_space<vmem>>
      %dma_wait3A_88 = tpu.memref_slice %arg5[%multiple_of3A] : memref<327680xi32, #tpu.memory_space<hbm>> -> memref<128xi32, #tpu.memory_space<hbm>>
      %dma_wait3A_89 = arith.constant 0 : i32
      %dma_wait3A_90 = tpu.memref_slice %arg8[%dma_wait3A_84, %dma_wait3A_89] : memref<2x128xi32, #tpu.memory_space<vmem>> -> memref<1x128xi32, #tpu.memory_space<vmem>>
      %dma_wait3A_91 = tpu.memref_squeeze %dma_wait3A_90 : memref<1x128xi32, #tpu.memory_space<vmem>> -> memref<128xi32, #tpu.memory_space<vmem>>
      %dma_wait3A_92 = tpu.memref_slice %arg5[%multiple_of3A] : memref<327680xi32, #tpu.memory_space<hbm>> -> memref<128xi32, #tpu.memory_space<hbm>>
      tpu.wait_dma2 semaphore(%arg11 : memref<!tpu.dma_semaphore, #tpu.memory_space<semaphore_mem>>) src(%dma_wait3A_92 : memref<128xi32, #tpu.memory_space<hbm>>) dst(%dma_wait3A_91 : memref<128xi32, #tpu.memory_space<vmem>>)
      %add3A_93 = arith.constant 128 : i32
      %add3A_94 = arith.addi %multiple_of3A, %add3A_93 : i32
      %multiple_of3A_95 = tpu.assume_multiple %add3A_94, 128 : i32
      %dma_wait3A_96 = arith.constant 1 : i32
      %dma_wait3A_97 = arith.constant 0 : i32
      %dma_wait3A_98 = arith.constant 0 : i32
      %dma_wait3A_99 = tpu.memref_slice %arg9[%dma_wait3A_96, %dma_wait3A_97, %dma_wait3A_98] : memref<2x128x128xf32, #tpu.memory_space<vmem>> -> memref<1x128x128xf32, #tpu.memory_space<vmem>>
      %dma_wait3A_100 = tpu.memref_squeeze %dma_wait3A_99 : memref<1x128x128xf32, #tpu.memory_space<vmem>> -> memref<128x128xf32, #tpu.memory_space<vmem>>
      %dma_wait3A_101 = arith.constant 0 : i32
      %dma_wait3A_102 = tpu.memref_slice %arg7[%multiple_of3A_95, %dma_wait3A_101] : memref<327680x128xf32, #tpu.memory_space<hbm>> -> memref<128x128xf32, #tpu.memory_space<hbm>>
      %dma_wait3A_103 = arith.constant 0 : i32
      %dma_wait3A_104 = tpu.memref_slice %arg7[%multiple_of3A_95, %dma_wait3A_103] : memref<327680x128xf32, #tpu.memory_space<hbm>> -> memref<128x128xf32, #tpu.memory_space<hbm>>
      %dma_wait3A_105 = arith.constant 0 : i32
      %dma_wait3A_106 = arith.constant 0 : i32
      %dma_wait3A_107 = tpu.memref_slice %arg9[%dma_wait3A_96, %dma_wait3A_105, %dma_wait3A_106] : memref<2x128x128xf32, #tpu.memory_space<vmem>> -> memref<1x128x128xf32, #tpu.memory_space<vmem>>
      %dma_wait3A_108 = tpu.memref_squeeze %dma_wait3A_107 : memref<1x128x128xf32, #tpu.memory_space<vmem>> -> memref<128x128xf32, #tpu.memory_space<vmem>>
      tpu.wait_dma2 semaphore(%arg16 : memref<!tpu.dma_semaphore, #tpu.memory_space<semaphore_mem>>) src(%dma_wait3A_108 : memref<128x128xf32, #tpu.memory_space<vmem>>) dst(%dma_wait3A_104 : memref<128x128xf32, #tpu.memory_space<hbm>>)
      %dma_wait3A_109 = arith.constant 1 : i32
      %dma_wait3A_110 = arith.constant 0 : i32
      %dma_wait3A_111 = tpu.memref_slice %arg8[%dma_wait3A_109, %dma_wait3A_110] : memref<2x128xi32, #tpu.memory_space<vmem>> -> memref<1x128xi32, #tpu.memory_space<vmem>>
      %dma_wait3A_112 = tpu.memref_squeeze %dma_wait3A_111 : memref<1x128xi32, #tpu.memory_space<vmem>> -> memref<128xi32, #tpu.memory_space<vmem>>
      %dma_wait3A_113 = tpu.memref_slice %arg5[%multiple_of3A] : memref<327680xi32, #tpu.memory_space<hbm>> -> memref<128xi32, #tpu.memory_space<hbm>>
      %dma_wait3A_114 = arith.constant 0 : i32
      %dma_wait3A_115 = tpu.memref_slice %arg8[%dma_wait3A_109, %dma_wait3A_114] : memref<2x128xi32, #tpu.memory_space<vmem>> -> memref<1x128xi32, #tpu.memory_space<vmem>>
      %dma_wait3A_116 = tpu.memref_squeeze %dma_wait3A_115 : memref<1x128xi32, #tpu.memory_space<vmem>> -> memref<128xi32, #tpu.memory_space<vmem>>
      %dma_wait3A_117 = tpu.memref_slice %arg5[%multiple_of3A] : memref<327680xi32, #tpu.memory_space<hbm>> -> memref<128xi32, #tpu.memory_space<hbm>>
      tpu.wait_dma2 semaphore(%arg12 : memref<!tpu.dma_semaphore, #tpu.memory_space<semaphore_mem>>) src(%dma_wait3A_117 : memref<128xi32, #tpu.memory_space<hbm>>) dst(%dma_wait3A_116 : memref<128xi32, #tpu.memory_space<vmem>>)
    } else {
    }
    return
  }
}

module attributes {stable_mosaic.version = 14 : i64} {
  func.func @_msg_kernel(%arg0: i32, %arg1: memref<1280x128xf32, #tpu.memory_space<vmem>>, %arg2: memref<1280x16xf32, #tpu.memory_space<vmem>>, %arg3: memref<128x16xf32, #tpu.memory_space<vmem>>, %arg4: memref<1x128xf32, #tpu.memory_space<vmem>>, %arg5: memref<1280x128xf32, #tpu.memory_space<vmem>>) attributes {dimension_semantics = [#tpu.dimension_semantics<arbitrary>], iteration_bounds = array<i64: 128>, scalar_prefetch = 0 : i64, scratch_operands = 0 : i64, tpu.core_type = #tpu.core_type<tc>, window_params = [{transform_indices = @transform_0, window_bounds = array<i64: 1280, 128>}, {transform_indices = @transform_1, window_bounds = array<i64: 1280, 16>}, {pipeline_mode = #tpu.pipeline_mode<synchronous>, transform_indices = @transform_2, window_bounds = array<i64: 128, 16>}, {pipeline_mode = #tpu.pipeline_mode<synchronous>, transform_indices = @transform_3, window_bounds = array<i64: 1, 128>}, {transform_indices = @transform_4, window_bounds = array<i64: 1280, 128>}]} {
    %get3A = arith.constant 0 : index
    %get3A_0 = arith.constant 0 : index
    %get3A_1 = vector.load %arg1[%get3A, %get3A_0] : memref<1280x128xf32, #tpu.memory_space<vmem>>, vector<1280x128xf32>
    %get3A_2 = arith.constant 0 : index
    %get3A_3 = arith.constant 0 : index
    %get3A_4 = vector.load %arg2[%get3A_2, %get3A_3] : memref<1280x16xf32, #tpu.memory_space<vmem>>, vector<1280x16xf32>
    %get3A_5 = arith.constant 0 : index
    %get3A_6 = arith.constant 0 : index
    %get3A_7 = vector.load %arg3[%get3A_5, %get3A_6] : memref<128x16xf32, #tpu.memory_space<vmem>>, vector<128x16xf32>
    %dot_general3A = arith.constant dense<0.000000e+00> : vector<1280x128xf32>
    %dot_general3A_8 = tpu.matmul %get3A_4, %get3A_7, %dot_general3A {dimension_numbers = #tpu.dot_dimension_numbers<[1], [1], [0], [0], [0, 0, 1, 0], [], []>, transpose_lhs_hint = false} : vector<1280x16xf32>, vector<128x16xf32>, vector<1280x128xf32> -> vector<1280x128xf32>
    %add3A = arith.addf %get3A_1, %dot_general3A_8 : vector<1280x128xf32>
    %get3A_9 = arith.constant 0 : index
    %get3A_10 = arith.constant 0 : index
    %get3A_11 = vector.load %arg4[%get3A_9, %get3A_10] : memref<1x128xf32, #tpu.memory_space<vmem>>, vector<1x128xf32>
    %add3A_12 = vector.broadcast %get3A_11 : vector<1x128xf32> to vector<1280x128xf32>
    %add3A_13 = arith.addf %add3A, %add3A_12 : vector<1280x128xf32>
    %max3A = arith.constant 0.000000e+00 : f32
    %max3A_14 = vector.broadcast %max3A : f32 to vector<1280x128xf32>
    %max3A_15 = arith.maximumf %add3A_13, %max3A_14 : vector<1280x128xf32>
    %swap3A = arith.constant 0 : index
    %swap3A_16 = arith.constant 0 : index
    %swap3A_17 = vector.load %arg5[%swap3A, %swap3A_16] : memref<1280x128xf32, #tpu.memory_space<vmem>>, vector<1280x128xf32>
    tpu.vector_store %arg5[%swap3A, %swap3A_16], %max3A_15 {strides = array<i32>} : memref<1280x128xf32, #tpu.memory_space<vmem>>, vector<1280x128xf32>,
    return
  }
  func.func @transform_0(%arg0: i32) -> (i32, i32) {
    %c0_i32 = arith.constant 0 : i32
    %c0_i32_0 = arith.constant 0 : i32
    return %arg0, %c0_i32 : i32, i32
  }
  func.func @transform_1(%arg0: i32) -> (i32, i32) {
    %c0_i32 = arith.constant 0 : i32
    %c0_i32_0 = arith.constant 0 : i32
    return %arg0, %c0_i32 : i32, i32
  }
  func.func @transform_2(%arg0: i32) -> (i32, i32) {
    %c0_i32 = arith.constant 0 : i32
    %c0_i32_0 = arith.constant 0 : i32
    %c0_i32_1 = arith.constant 0 : i32
    return %c0_i32, %c0_i32_0 : i32, i32
  }
  func.func @transform_3(%arg0: i32) -> (i32, i32) {
    %c0_i32 = arith.constant 0 : i32
    %c0_i32_0 = arith.constant 0 : i32
    %c0_i32_1 = arith.constant 0 : i32
    return %c0_i32, %c0_i32_0 : i32, i32
  }
  func.func @transform_4(%arg0: i32) -> (i32, i32) {
    %c0_i32 = arith.constant 0 : i32
    %c0_i32_0 = arith.constant 0 : i32
    return %arg0, %c0_i32 : i32, i32
  }
}

module attributes {stable_mosaic.version = 14 : i64} {
  func.func @_node_kernel(%arg0: memref<10000x128xf32, #tpu.memory_space<vmem>>, %arg1: memref<2x10112x128xf32, #tpu.memory_space<vmem>>, %arg2: memref<2x10112x128xf32, #tpu.memory_space<vmem>>, %arg3: memref<128x128xf32, #tpu.memory_space<vmem>>, %arg4: memref<1x128xf32, #tpu.memory_space<vmem>>, %arg5: memref<128x128xf32, #tpu.memory_space<vmem>>, %arg6: memref<1x128xf32, #tpu.memory_space<vmem>>, %arg7: memref<1x128xf32, #tpu.memory_space<vmem>>, %arg8: memref<1x128xf32, #tpu.memory_space<vmem>>, %arg9: memref<128x128xf32, #tpu.memory_space<vmem>>, %arg10: memref<128x128xf32, #tpu.memory_space<vmem>>, %arg11: memref<10000x128xf32, #tpu.memory_space<vmem>>, %arg12: memref<10240x128xf32, #tpu.memory_space<vmem>>, %arg13: memref<10240x128xf32, #tpu.memory_space<vmem>>) attributes {dimension_semantics = [], scalar_prefetch = 0 : i64, scratch_operands = 0 : i64, tpu.core_type = #tpu.core_type<tc>} {
    %get3A = arith.constant 0 : index
    %get3A_0 = arith.constant 0 : index
    %get3A_1 = vector.load %arg0[%get3A, %get3A_0] : memref<10000x128xf32, #tpu.memory_space<vmem>>, vector<10000x128xf32>
    %get3A_2 = arith.constant 0 : index
    %get3A_3 = arith.constant 0 : index
    %get3A_4 = arith.constant 0 : index
    %get3A_5 = vector.load %arg1[%get3A_2, %get3A_3, %get3A_4] : memref<2x10112x128xf32, #tpu.memory_space<vmem>>, vector<1x10000x128xf32>
    %get3A_6 = vector.shape_cast %get3A_5 : vector<1x10000x128xf32> to vector<10000x128xf32>
    %add3A = arith.addf %get3A_1, %get3A_6 : vector<10000x128xf32>
    %get3A_7 = arith.constant 1 : index
    %get3A_8 = arith.constant 0 : index
    %get3A_9 = arith.constant 0 : index
    %get3A_10 = vector.load %arg1[%get3A_7, %get3A_8, %get3A_9] : memref<2x10112x128xf32, #tpu.memory_space<vmem>>, vector<1x10000x128xf32>
    %get3A_11 = vector.shape_cast %get3A_10 : vector<1x10000x128xf32> to vector<10000x128xf32>
    %add3A_12 = arith.addf %add3A, %get3A_11 : vector<10000x128xf32>
    %get3A_13 = arith.constant 0 : index
    %get3A_14 = arith.constant 0 : index
    %get3A_15 = arith.constant 0 : index
    %get3A_16 = vector.load %arg2[%get3A_13, %get3A_14, %get3A_15] : memref<2x10112x128xf32, #tpu.memory_space<vmem>>, vector<1x10000x128xf32>
    %get3A_17 = vector.shape_cast %get3A_16 : vector<1x10000x128xf32> to vector<10000x128xf32>
    %add3A_18 = arith.addf %add3A_12, %get3A_17 : vector<10000x128xf32>
    %get3A_19 = arith.constant 1 : index
    %get3A_20 = arith.constant 0 : index
    %get3A_21 = arith.constant 0 : index
    %get3A_22 = vector.load %arg2[%get3A_19, %get3A_20, %get3A_21] : memref<2x10112x128xf32, #tpu.memory_space<vmem>>, vector<1x10000x128xf32>
    %get3A_23 = vector.shape_cast %get3A_22 : vector<1x10000x128xf32> to vector<10000x128xf32>
    %add3A_24 = arith.addf %add3A_18, %get3A_23 : vector<10000x128xf32>
    %get3A_25 = arith.constant 0 : index
    %get3A_26 = arith.constant 0 : index
    %get3A_27 = vector.load %arg3[%get3A_25, %get3A_26] : memref<128x128xf32, #tpu.memory_space<vmem>>, vector<128x128xf32>
    %dot_general3A = arith.constant dense<0.000000e+00> : vector<10000x128xf32>
    %dot_general3A_28 = tpu.matmul %add3A_24, %get3A_27, %dot_general3A {dimension_numbers = #tpu.dot_dimension_numbers<[1], [1], [0], [0], [0, 0, 1, 0], [], []>, transpose_lhs_hint = false} : vector<10000x128xf32>, vector<128x128xf32>, vector<10000x128xf32> -> vector<10000x128xf32>
    %get3A_29 = arith.constant 0 : index
    %get3A_30 = arith.constant 0 : index
    %get3A_31 = vector.load %arg4[%get3A_29, %get3A_30] : memref<1x128xf32, #tpu.memory_space<vmem>>, vector<1x128xf32>
    %add3A_32 = vector.broadcast %get3A_31 : vector<1x128xf32> to vector<10000x128xf32>
    %add3A_33 = arith.addf %dot_general3A_28, %add3A_32 : vector<10000x128xf32>
    %max3A = arith.constant 0.000000e+00 : f32
    %max3A_34 = vector.broadcast %max3A : f32 to vector<10000x128xf32>
    %max3A_35 = arith.maximumf %add3A_33, %max3A_34 : vector<10000x128xf32>
    %get3A_36 = arith.constant 0 : index
    %get3A_37 = arith.constant 0 : index
    %get3A_38 = vector.load %arg5[%get3A_36, %get3A_37] : memref<128x128xf32, #tpu.memory_space<vmem>>, vector<128x128xf32>
    %dot_general3A_39 = arith.constant dense<0.000000e+00> : vector<10000x128xf32>
    %dot_general3A_40 = tpu.matmul %max3A_35, %get3A_38, %dot_general3A_39 {dimension_numbers = #tpu.dot_dimension_numbers<[1], [1], [0], [0], [0, 0, 1, 0], [], []>, transpose_lhs_hint = false} : vector<10000x128xf32>, vector<128x128xf32>, vector<10000x128xf32> -> vector<10000x128xf32>
    %get3A_41 = arith.constant 0 : index
    %get3A_42 = arith.constant 0 : index
    %get3A_43 = vector.load %arg6[%get3A_41, %get3A_42] : memref<1x128xf32, #tpu.memory_space<vmem>>, vector<1x128xf32>
    %add3A_44 = vector.broadcast %get3A_43 : vector<1x128xf32> to vector<10000x128xf32>
    %add3A_45 = arith.addf %dot_general3A_40, %add3A_44 : vector<10000x128xf32>
    %reduce_sum3A = arith.constant dense<0.000000e+00> : vector<128xf32>
    %reduce_sum3A_46 = vector.multi_reduction <add>, %add3A_45, %reduce_sum3A [0] : vector<10000x128xf32> to vector<128xf32>
    %broadcast_in_dim3A = vector.shape_cast %reduce_sum3A_46 : vector<128xf32> to vector<1x128xf32>
    %div3A = arith.constant 1.000000e+04 : f32
    %div3A_47 = vector.broadcast %div3A : f32 to vector<1x128xf32>
    %div3A_48 = arith.divf %broadcast_in_dim3A, %div3A_47 : vector<1x128xf32>
    %sub3A = vector.broadcast %div3A_48 : vector<1x128xf32> to vector<10000x128xf32>
    %sub3A_49 = arith.subf %add3A_45, %sub3A : vector<10000x128xf32>
    %integer_pow3A = arith.mulf %sub3A_49, %sub3A_49 : vector<10000x128xf32>
    %reduce_sum3A_50 = arith.constant dense<0.000000e+00> : vector<128xf32>
    %reduce_sum3A_51 = vector.multi_reduction <add>, %integer_pow3A, %reduce_sum3A_50 [0] : vector<10000x128xf32> to vector<128xf32>
    %broadcast_in_dim3A_52 = vector.shape_cast %reduce_sum3A_51 : vector<128xf32> to vector<1x128xf32>
    %div3A_53 = arith.constant 1.000000e+04 : f32
    %div3A_54 = vector.broadcast %div3A_53 : f32 to vector<1x128xf32>
    %div3A_55 = arith.divf %broadcast_in_dim3A_52, %div3A_54 : vector<1x128xf32>
    %sub3A_56 = vector.broadcast %div3A_48 : vector<1x128xf32> to vector<10000x128xf32>
    %sub3A_57 = arith.subf %add3A_45, %sub3A_56 : vector<10000x128xf32>
    %add3A_58 = arith.constant 9.99999974E-6 : f32
    %add3A_59 = vector.broadcast %add3A_58 : f32 to vector<1x128xf32>
    %add3A_60 = arith.addf %div3A_55, %add3A_59 : vector<1x128xf32>
    %rsqrt3A = math.rsqrt %add3A_60 : vector<1x128xf32>
    %mul3A = vector.broadcast %rsqrt3A : vector<1x128xf32> to vector<10000x128xf32>
    %mul3A_61 = arith.mulf %sub3A_57, %mul3A : vector<10000x128xf32>
    %get3A_62 = arith.constant 0 : index
    %get3A_63 = arith.constant 0 : index
    %get3A_64 = vector.load %arg7[%get3A_62, %get3A_63] : memref<1x128xf32, #tpu.memory_space<vmem>>, vector<1x128xf32>
    %mul3A_65 = vector.broadcast %get3A_64 : vector<1x128xf32> to vector<10000x128xf32>
    %mul3A_66 = arith.mulf %mul3A_61, %mul3A_65 : vector<10000x128xf32>
    %get3A_67 = arith.constant 0 : index
    %get3A_68 = arith.constant 0 : index
    %get3A_69 = vector.load %arg8[%get3A_67, %get3A_68] : memref<1x128xf32, #tpu.memory_space<vmem>>, vector<1x128xf32>
    %add3A_70 = vector.broadcast %get3A_69 : vector<1x128xf32> to vector<10000x128xf32>
    %add3A_71 = arith.addf %mul3A_66, %add3A_70 : vector<10000x128xf32>
    %max3A_72 = arith.constant 0.000000e+00 : f32
    %max3A_73 = vector.broadcast %max3A_72 : f32 to vector<10000x128xf32>
    %max3A_74 = arith.maximumf %add3A_71, %max3A_73 : vector<10000x128xf32>
    %swap3A = arith.constant 0 : index
    %swap3A_75 = arith.constant 0 : index
    %swap3A_76 = vector.load %arg11[%swap3A, %swap3A_75] : memref<10000x128xf32, #tpu.memory_space<vmem>>, vector<10000x128xf32>
    tpu.vector_store %arg11[%swap3A, %swap3A_75], %max3A_74 {strides = array<i32>} : memref<10000x128xf32, #tpu.memory_space<vmem>>, vector<10000x128xf32>,
    %get3A_77 = arith.constant 0 : index
    %get3A_78 = arith.constant 0 : index
    %get3A_79 = vector.load %arg9[%get3A_77, %get3A_78] : memref<128x128xf32, #tpu.memory_space<vmem>>, vector<128x128xf32>
    %dot_general3A_80 = arith.constant dense<0.000000e+00> : vector<10000x128xf32>
    %dot_general3A_81 = tpu.matmul %max3A_74, %get3A_79, %dot_general3A_80 {dimension_numbers = #tpu.dot_dimension_numbers<[1], [1], [0], [0], [0, 0, 1, 0], [], []>, transpose_lhs_hint = false} : vector<10000x128xf32>, vector<128x128xf32>, vector<10000x128xf32> -> vector<10000x128xf32>
    %swap3A_82 = arith.constant 0 : index
    %swap3A_83 = arith.constant 0 : index
    %swap3A_84 = vector.load %arg12[%swap3A_82, %swap3A_83] : memref<10240x128xf32, #tpu.memory_space<vmem>>, vector<10000x128xf32>
    tpu.vector_store %arg12[%swap3A_82, %swap3A_83], %dot_general3A_81 {strides = array<i32>} : memref<10240x128xf32, #tpu.memory_space<vmem>>, vector<10000x128xf32>,
    %get3A_85 = arith.constant 0 : index
    %get3A_86 = arith.constant 0 : index
    %get3A_87 = vector.load %arg10[%get3A_85, %get3A_86] : memref<128x128xf32, #tpu.memory_space<vmem>>, vector<128x128xf32>
    %dot_general3A_88 = arith.constant dense<0.000000e+00> : vector<10000x128xf32>
    %dot_general3A_89 = tpu.matmul %max3A_74, %get3A_87, %dot_general3A_88 {dimension_numbers = #tpu.dot_dimension_numbers<[1], [1], [0], [0], [0, 0, 1, 0], [], []>, transpose_lhs_hint = false} : vector<10000x128xf32>, vector<128x128xf32>, vector<10000x128xf32> -> vector<10000x128xf32>
    %swap3A_90 = arith.constant 0 : index
    %swap3A_91 = arith.constant 0 : index
    %swap3A_92 = vector.load %arg13[%swap3A_90, %swap3A_91] : memref<10240x128xf32, #tpu.memory_space<vmem>>, vector<10000x128xf32>
    tpu.vector_store %arg13[%swap3A_90, %swap3A_91], %dot_general3A_89 {strides = array<i32>} : memref<10240x128xf32, #tpu.memory_space<vmem>>, vector<10000x128xf32>,
    return
  }
}

module attributes {stable_mosaic.version = 14 : i64} {
  func.func @_edge12_kernel(%arg0: i32, %arg1: memref<1280x128xf32, #tpu.memory_space<vmem>>, %arg2: memref<1280x128xf32, #tpu.memory_space<vmem>>, %arg3: memref<1280x16xf32, #tpu.memory_space<vmem>>, %arg4: memref<128x16xf32, #tpu.memory_space<vmem>>, %arg5: memref<1x128xf32, #tpu.memory_space<vmem>>, %arg6: memref<128x128xf32, #tpu.memory_space<vmem>>, %arg7: memref<1x128xf32, #tpu.memory_space<vmem>>, %arg8: memref<1280x128xbf16, #tpu.memory_space<vmem>>, %arg9: memref<1x128xf32, #tpu.memory_space<vmem>>, %arg10: memref<128x128xf32, #tpu.memory_space<vmem>>) attributes {dimension_semantics = [#tpu.dimension_semantics<arbitrary>], iteration_bounds = array<i64: 256>, scalar_prefetch = 0 : i64, scratch_operands = 0 : i64, tpu.core_type = #tpu.core_type<tc>, window_params = [{transform_indices = @transform_0, window_bounds = array<i64: 1280, 128>}, {transform_indices = @transform_1, window_bounds = array<i64: 1280, 128>}, {transform_indices = @transform_2, window_bounds = array<i64: 1280, 16>}, {pipeline_mode = #tpu.pipeline_mode<synchronous>, transform_indices = @transform_3, window_bounds = array<i64: 128, 16>}, {pipeline_mode = #tpu.pipeline_mode<synchronous>, transform_indices = @transform_4, window_bounds = array<i64: 1, 128>}, {pipeline_mode = #tpu.pipeline_mode<synchronous>, transform_indices = @transform_5, window_bounds = array<i64: 128, 128>}, {pipeline_mode = #tpu.pipeline_mode<synchronous>, transform_indices = @transform_6, window_bounds = array<i64: 1, 128>}, {transform_indices = @transform_7, window_bounds = array<i64: 1280, 128>}, {pipeline_mode = #tpu.pipeline_mode<synchronous>, transform_indices = @transform_8, window_bounds = array<i64: 1, 128>}, {pipeline_mode = #tpu.pipeline_mode<synchronous>, transform_indices = @transform_9, window_bounds = array<i64: 128, 128>}]} {
    %eq3A = arith.constant 0 : i32
    %eq3A_0 = arith.cmpi eq, %arg0, %eq3A : i32
    %convert_element_type3A = arith.extui %eq3A_0 : i1 to i32
    %cond3A = arith.constant 0 : i32
    %cond3A_1 = arith.cmpi ne, %convert_element_type3A, %cond3A : i32
    scf.if %cond3A_1 {
      %broadcast_in_dim3A = arith.constant 0.000000e+00 : f32
      %broadcast_in_dim3A_42 = vector.broadcast %broadcast_in_dim3A : f32 to vector<1x128xf32>
      %swap3A_43 = arith.constant 0 : index
      %swap3A_44 = arith.constant 0 : index
      %swap3A_45 = vector.load %arg9[%swap3A_43, %swap3A_44] : memref<1x128xf32, #tpu.memory_space<vmem>>, vector<1x128xf32>
      tpu.vector_store %arg9[%swap3A_43, %swap3A_44], %broadcast_in_dim3A_42 {strides = array<i32>} : memref<1x128xf32, #tpu.memory_space<vmem>>, vector<1x128xf32>,
      %broadcast_in_dim3A_46 = arith.constant 0.000000e+00 : f32
      %broadcast_in_dim3A_47 = vector.broadcast %broadcast_in_dim3A_46 : f32 to vector<128x128xf32>
      %swap3A_48 = arith.constant 0 : index
      %swap3A_49 = arith.constant 0 : index
      %swap3A_50 = vector.load %arg10[%swap3A_48, %swap3A_49] : memref<128x128xf32, #tpu.memory_space<vmem>>, vector<128x128xf32>
      tpu.vector_store %arg10[%swap3A_48, %swap3A_49], %broadcast_in_dim3A_47 {strides = array<i32>} : memref<128x128xf32, #tpu.memory_space<vmem>>, vector<128x128xf32>,
    } else {
    }
    %get3A = arith.constant 0 : index
    %get3A_2 = arith.constant 0 : index
    %get3A_3 = vector.load %arg1[%get3A, %get3A_2] : memref<1280x128xf32, #tpu.memory_space<vmem>>, vector<1280x128xf32>
    %get3A_4 = arith.constant 0 : index
    %get3A_5 = arith.constant 0 : index
    %get3A_6 = vector.load %arg2[%get3A_4, %get3A_5] : memref<1280x128xf32, #tpu.memory_space<vmem>>, vector<1280x128xf32>
    %add3A = arith.addf %get3A_3, %get3A_6 : vector<1280x128xf32>
    %get3A_7 = arith.constant 0 : index
    %get3A_8 = arith.constant 0 : index
    %get3A_9 = vector.load %arg3[%get3A_7, %get3A_8] : memref<1280x16xf32, #tpu.memory_space<vmem>>, vector<1280x16xf32>
    %get3A_10 = arith.constant 0 : index
    %get3A_11 = arith.constant 0 : index
    %get3A_12 = vector.load %arg4[%get3A_10, %get3A_11] : memref<128x16xf32, #tpu.memory_space<vmem>>, vector<128x16xf32>
    %dot_general3A = arith.constant dense<0.000000e+00> : vector<1280x128xf32>
    %dot_general3A_13 = tpu.matmul %get3A_9, %get3A_12, %dot_general3A {dimension_numbers = #tpu.dot_dimension_numbers<[1], [1], [0], [0], [0, 0, 1, 0], [], []>, transpose_lhs_hint = false} : vector<1280x16xf32>, vector<128x16xf32>, vector<1280x128xf32> -> vector<1280x128xf32>
    %add3A_14 = arith.addf %add3A, %dot_general3A_13 : vector<1280x128xf32>
    %get3A_15 = arith.constant 0 : index
    %get3A_16 = arith.constant 0 : index
    %get3A_17 = vector.load %arg5[%get3A_15, %get3A_16] : memref<1x128xf32, #tpu.memory_space<vmem>>, vector<1x128xf32>
    %add3A_18 = vector.broadcast %get3A_17 : vector<1x128xf32> to vector<1280x128xf32>
    %add3A_19 = arith.addf %add3A_14, %add3A_18 : vector<1280x128xf32>
    %max3A = arith.constant 0.000000e+00 : f32
    %max3A_20 = vector.broadcast %max3A : f32 to vector<1280x128xf32>
    %max3A_21 = arith.maximumf %add3A_19, %max3A_20 : vector<1280x128xf32>
    %get3A_22 = arith.constant 0 : index
    %get3A_23 = arith.constant 0 : index
    %get3A_24 = vector.load %arg6[%get3A_22, %get3A_23] : memref<128x128xf32, #tpu.memory_space<vmem>>, vector<128x128xf32>
    %dot_general3A_25 = arith.constant dense<0.000000e+00> : vector<1280x128xf32>
    %dot_general3A_26 = tpu.matmul %max3A_21, %get3A_24, %dot_general3A_25 {dimension_numbers = #tpu.dot_dimension_numbers<[1], [1], [0], [0], [0, 0, 1, 0], [], []>, transpose_lhs_hint = false} : vector<1280x128xf32>, vector<128x128xf32>, vector<1280x128xf32> -> vector<1280x128xf32>
    %get3A_27 = arith.constant 0 : index
    %get3A_28 = arith.constant 0 : index
    %get3A_29 = vector.load %arg7[%get3A_27, %get3A_28] : memref<1x128xf32, #tpu.memory_space<vmem>>, vector<1x128xf32>
    %add3A_30 = vector.broadcast %get3A_29 : vector<1x128xf32> to vector<1280x128xf32>
    %add3A_31 = arith.addf %dot_general3A_26, %add3A_30 : vector<1280x128xf32>
    %max3A_32 = arith.constant 0.000000e+00 : f32
    %max3A_33 = vector.broadcast %max3A_32 : f32 to vector<1280x128xf32>
    %max3A_34 = arith.maximumf %add3A_31, %max3A_33 : vector<1280x128xf32>
    %convert_element_type3A_35 = arith.truncf %max3A_34 : vector<1280x128xf32> to vector<1280x128xbf16>
    %swap3A = arith.constant 0 : index
    %swap3A_36 = arith.constant 0 : index
    %swap3A_37 = vector.load %arg8[%swap3A, %swap3A_36] : memref<1280x128xbf16, #tpu.memory_space<vmem>>, vector<1280x128xbf16>
    tpu.vector_store %arg8[%swap3A, %swap3A_36], %convert_element_type3A_35 {strides = array<i32>} : memref<1280x128xbf16, #tpu.memory_space<vmem>>, vector<1280x128xbf16>,
    %lt3A = arith.constant 250 : i32
    %lt3A_38 = arith.cmpi slt, %arg0, %lt3A : i32
    %convert_element_type3A_39 = arith.extui %lt3A_38 : i1 to i32
    %cond3A_40 = arith.constant 0 : i32
    %cond3A_41 = arith.cmpi ne, %convert_element_type3A_39, %cond3A_40 : i32
    scf.if %cond3A_41 {
      %get3A_42 = arith.constant 0 : index
      %get3A_43 = arith.constant 0 : index
      %get3A_44 = vector.load %arg9[%get3A_42, %get3A_43] : memref<1x128xf32, #tpu.memory_space<vmem>>, vector<1x128xf32>
      %reduce_sum3A = arith.constant dense<0.000000e+00> : vector<128xf32>
      %reduce_sum3A_45 = vector.multi_reduction <add>, %max3A_34, %reduce_sum3A [0] : vector<1280x128xf32> to vector<128xf32>
      %broadcast_in_dim3A = vector.shape_cast %reduce_sum3A_45 : vector<128xf32> to vector<1x128xf32>
      %add3A_46 = arith.addf %get3A_44, %broadcast_in_dim3A : vector<1x128xf32>
      %swap3A_47 = arith.constant 0 : index
      %swap3A_48 = arith.constant 0 : index
      %swap3A_49 = vector.load %arg9[%swap3A_47, %swap3A_48] : memref<1x128xf32, #tpu.memory_space<vmem>>, vector<1x128xf32>
      tpu.vector_store %arg9[%swap3A_47, %swap3A_48], %add3A_46 {strides = array<i32>} : memref<1x128xf32, #tpu.memory_space<vmem>>, vector<1x128xf32>,
      %get3A_50 = arith.constant 0 : index
      %get3A_51 = arith.constant 0 : index
      %get3A_52 = vector.load %arg10[%get3A_50, %get3A_51] : memref<128x128xf32, #tpu.memory_space<vmem>>, vector<128x128xf32>
      %dot_general3A_53 = arith.constant dense<0.000000e+00> : vector<128x128xf32>
      %dot_general3A_54 = tpu.matmul %max3A_34, %max3A_34, %dot_general3A_53 {dimension_numbers = #tpu.dot_dimension_numbers<[0], [0], [1], [1], [0, 1, 1, 1], [], []>, transpose_lhs_hint = false} : vector<1280x128xf32>, vector<1280x128xf32>, vector<128x128xf32> -> vector<128x128xf32>
      %add3A_55 = arith.addf %get3A_52, %dot_general3A_54 : vector<128x128xf32>
      %swap3A_56 = arith.constant 0 : index
      %swap3A_57 = arith.constant 0 : index
      %swap3A_58 = vector.load %arg10[%swap3A_56, %swap3A_57] : memref<128x128xf32, #tpu.memory_space<vmem>>, vector<128x128xf32>
      tpu.vector_store %arg10[%swap3A_56, %swap3A_57], %add3A_55 {strides = array<i32>} : memref<128x128xf32, #tpu.memory_space<vmem>>, vector<128x128xf32>,
    } else {
    }
    return
  }
  func.func @transform_0(%arg0: i32) -> (i32, i32) {
    %c0_i32 = arith.constant 0 : i32
    %c0_i32_0 = arith.constant 0 : i32
    return %arg0, %c0_i32 : i32, i32
  }
  func.func @transform_1(%arg0: i32) -> (i32, i32) {
    %c0_i32 = arith.constant 0 : i32
    %c0_i32_0 = arith.constant 0 : i32
    return %arg0, %c0_i32 : i32, i32
  }
  func.func @transform_2(%arg0: i32) -> (i32, i32) {
    %c0_i32 = arith.constant 0 : i32
    %c0_i32_0 = arith.constant 0 : i32
    return %arg0, %c0_i32 : i32, i32
  }
  func.func @transform_3(%arg0: i32) -> (i32, i32) {
    %c0_i32 = arith.constant 0 : i32
    %c0_i32_0 = arith.constant 0 : i32
    %c0_i32_1 = arith.constant 0 : i32
    return %c0_i32, %c0_i32_0 : i32, i32
  }
  func.func @transform_4(%arg0: i32) -> (i32, i32) {
    %c0_i32 = arith.constant 0 : i32
    %c0_i32_0 = arith.constant 0 : i32
    %c0_i32_1 = arith.constant 0 : i32
    return %c0_i32, %c0_i32_0 : i32, i32
  }
  func.func @transform_5(%arg0: i32) -> (i32, i32) {
    %c0_i32 = arith.constant 0 : i32
    %c0_i32_0 = arith.constant 0 : i32
    %c0_i32_1 = arith.constant 0 : i32
    return %c0_i32, %c0_i32_0 : i32, i32
  }
  func.func @transform_6(%arg0: i32) -> (i32, i32) {
    %c0_i32 = arith.constant 0 : i32
    %c0_i32_0 = arith.constant 0 : i32
    %c0_i32_1 = arith.constant 0 : i32
    return %c0_i32, %c0_i32_0 : i32, i32
  }
  func.func @transform_7(%arg0: i32) -> (i32, i32) {
    %c0_i32 = arith.constant 0 : i32
    %c0_i32_0 = arith.constant 0 : i32
    return %arg0, %c0_i32 : i32, i32
  }
  func.func @transform_8(%arg0: i32) -> (i32, i32) {
    %c0_i32 = arith.constant 0 : i32
    %c0_i32_0 = arith.constant 0 : i32
    %c0_i32_1 = arith.constant 0 : i32
    return %c0_i32, %c0_i32_0 : i32, i32
  }
  func.func @transform_9(%arg0: i32) -> (i32, i32) {
    %c0_i32 = arith.constant 0 : i32
    %c0_i32_0 = arith.constant 0 : i32
    %c0_i32_1 = arith.constant 0 : i32
    return %c0_i32, %c0_i32_0 : i32, i32
  }
}

module attributes {stable_mosaic.version = 14 : i64} {
  func.func @_fold_kernel(%arg0: memref<128x1xf32, #tpu.memory_space<vmem>>, %arg1: memref<128x128xf32, #tpu.memory_space<vmem>>, %arg2: memref<128x128xf32, #tpu.memory_space<vmem>>, %arg3: memref<128x1xf32, #tpu.memory_space<vmem>>, %arg4: memref<128x1xf32, #tpu.memory_space<vmem>>, %arg5: memref<128x1xf32, #tpu.memory_space<vmem>>, %arg6: memref<128x128xf32, #tpu.memory_space<vmem>>, %arg7: memref<128x1xf32, #tpu.memory_space<vmem>>) attributes {dimension_semantics = [], scalar_prefetch = 0 : i64, scratch_operands = 0 : i64, tpu.core_type = #tpu.core_type<tc>} {
    %get3A = arith.constant 0 : index
    %get3A_0 = arith.constant 0 : index
    %get3A_1 = vector.load %arg2[%get3A, %get3A_0] : memref<128x128xf32, #tpu.memory_space<vmem>>, vector<128x128xf32>
    %get3A_2 = arith.constant 0 : index
    %get3A_3 = arith.constant 0 : index
    %get3A_4 = vector.load %arg0[%get3A_2, %get3A_3] : memref<128x1xf32, #tpu.memory_space<vmem>>, vector<128x1xf32>
    %div3A = arith.constant 3.200000e+05 : f32
    %div3A_5 = vector.broadcast %div3A : f32 to vector<128x1xf32>
    %div3A_6 = arith.divf %get3A_4, %div3A_5 : vector<128x1xf32>
    %get3A_7 = arith.constant 0 : index
    %get3A_8 = arith.constant 0 : index
    %get3A_9 = vector.load %arg3[%get3A_7, %get3A_8] : memref<128x1xf32, #tpu.memory_space<vmem>>, vector<128x1xf32>
    %dot_general3A = arith.constant dense<0.000000e+00> : vector<128x1xf32>
    %dot_general3A_10 = tpu.matmul %get3A_1, %div3A_6, %dot_general3A {dimension_numbers = #tpu.dot_dimension_numbers<[1], [0], [0], [1], [0, 0, 1, 1], [], []>, transpose_lhs_hint = false} : vector<128x128xf32>, vector<128x1xf32>, vector<128x1xf32> -> vector<128x1xf32>
    %add3A = arith.addf %dot_general3A_10, %get3A_9 : vector<128x1xf32>
    %get3A_11 = arith.constant 0 : index
    %get3A_12 = arith.constant 0 : index
    %get3A_13 = vector.load %arg1[%get3A_11, %get3A_12] : memref<128x128xf32, #tpu.memory_space<vmem>>, vector<128x128xf32>
    %div3A_14 = arith.constant 3.200000e+05 : f32
    %div3A_15 = vector.broadcast %div3A_14 : f32 to vector<128x128xf32>
    %div3A_16 = arith.divf %get3A_13, %div3A_15 : vector<128x128xf32>
    %dot_general3A_17 = arith.constant dense<0.000000e+00> : vector<128x128xf32>
    %dot_general3A_18 = tpu.matmul %get3A_1, %div3A_16, %dot_general3A_17 {dimension_numbers = #tpu.dot_dimension_numbers<[1], [0], [0], [1], [0, 0, 1, 1], [], []>, transpose_lhs_hint = false} : vector<128x128xf32>, vector<128x128xf32>, vector<128x128xf32> -> vector<128x128xf32>
    %mul3A = arith.mulf %dot_general3A_18, %get3A_1 : vector<128x128xf32>
    %reduce_sum3A = arith.constant dense<0.000000e+00> : vector<128xf32>
    %reduce_sum3A_19 = vector.multi_reduction <add>, %mul3A, %reduce_sum3A [1] : vector<128x128xf32> to vector<128xf32>
    %broadcast_in_dim3A = vector.shape_cast %reduce_sum3A_19 : vector<128xf32> to vector<128x1xf32>
    %mul3A_20 = arith.constant 2.000000e+00 : f32
    %mul3A_21 = vector.broadcast %mul3A_20 : f32 to vector<128x1xf32>
    %mul3A_22 = arith.mulf %mul3A_21, %get3A_9 : vector<128x1xf32>
    %mul3A_23 = arith.mulf %mul3A_22, %dot_general3A_10 : vector<128x1xf32>
    %add3A_24 = arith.addf %broadcast_in_dim3A, %mul3A_23 : vector<128x1xf32>
    %mul3A_25 = arith.mulf %get3A_9, %get3A_9 : vector<128x1xf32>
    %add3A_26 = arith.addf %add3A_24, %mul3A_25 : vector<128x1xf32>
    %mul3A_27 = arith.mulf %add3A, %add3A : vector<128x1xf32>
    %sub3A = arith.subf %add3A_26, %mul3A_27 : vector<128x1xf32>
    %get3A_28 = arith.constant 0 : index
    %get3A_29 = arith.constant 0 : index
    %get3A_30 = vector.load %arg4[%get3A_28, %get3A_29] : memref<128x1xf32, #tpu.memory_space<vmem>>, vector<128x1xf32>
    %add3A_31 = arith.constant 9.99999974E-6 : f32
    %add3A_32 = vector.broadcast %add3A_31 : f32 to vector<128x1xf32>
    %add3A_33 = arith.addf %sub3A, %add3A_32 : vector<128x1xf32>
    %rsqrt3A = math.rsqrt %add3A_33 : vector<128x1xf32>
    %mul3A_34 = arith.mulf %get3A_30, %rsqrt3A : vector<128x1xf32>
    %mul3A_35 = vector.broadcast %mul3A_34 : vector<128x1xf32> to vector<128x128xf32>
    %mul3A_36 = arith.mulf %mul3A_35, %get3A_1 : vector<128x128xf32>
    %swap3A = arith.constant 0 : index
    %swap3A_37 = arith.constant 0 : index
    %swap3A_38 = vector.load %arg6[%swap3A, %swap3A_37] : memref<128x128xf32, #tpu.memory_space<vmem>>, vector<128x128xf32>
    tpu.vector_store %arg6[%swap3A, %swap3A_37], %mul3A_36 {strides = array<i32>} : memref<128x128xf32, #tpu.memory_space<vmem>>, vector<128x128xf32>,
    %sub3A_39 = arith.subf %get3A_9, %add3A : vector<128x1xf32>
    %mul3A_40 = arith.mulf %mul3A_34, %sub3A_39 : vector<128x1xf32>
    %get3A_41 = arith.constant 0 : index
    %get3A_42 = arith.constant 0 : index
    %get3A_43 = vector.load %arg5[%get3A_41, %get3A_42] : memref<128x1xf32, #tpu.memory_space<vmem>>, vector<128x1xf32>
    %add3A_44 = arith.addf %mul3A_40, %get3A_43 : vector<128x1xf32>
    %swap3A_45 = arith.constant 0 : index
    %swap3A_46 = arith.constant 0 : index
    %swap3A_47 = vector.load %arg7[%swap3A_45, %swap3A_46] : memref<128x1xf32, #tpu.memory_space<vmem>>, vector<128x1xf32>
    tpu.vector_store %arg7[%swap3A_45, %swap3A_46], %add3A_44 {strides = array<i32>} : memref<128x1xf32, #tpu.memory_space<vmem>>, vector<128x1xf32>,
    return
  }
}

module attributes {stable_mosaic.version = 14 : i64} {
  func.func @_edge3_kernel(%arg0: i32, %arg1: memref<1280x128xbf16, #tpu.memory_space<vmem>>, %arg2: memref<128x128xf32, #tpu.memory_space<vmem>>, %arg3: memref<1x128xf32, #tpu.memory_space<vmem>>, %arg4: memref<1280x128xf32, #tpu.memory_space<vmem>>) attributes {dimension_semantics = [#tpu.dimension_semantics<arbitrary>], iteration_bounds = array<i64: 256>, scalar_prefetch = 0 : i64, scratch_operands = 0 : i64, tpu.core_type = #tpu.core_type<tc>, window_params = [{transform_indices = @transform_0, window_bounds = array<i64: 1280, 128>}, {pipeline_mode = #tpu.pipeline_mode<synchronous>, transform_indices = @transform_1, window_bounds = array<i64: 128, 128>}, {pipeline_mode = #tpu.pipeline_mode<synchronous>, transform_indices = @transform_2, window_bounds = array<i64: 1, 128>}, {transform_indices = @transform_3, window_bounds = array<i64: 1280, 128>}]} {
    %get3A = arith.constant 0 : index
    %get3A_0 = arith.constant 0 : index
    %get3A_1 = vector.load %arg1[%get3A, %get3A_0] : memref<1280x128xbf16, #tpu.memory_space<vmem>>, vector<1280x128xbf16>
    %convert_element_type3A = arith.extf %get3A_1 : vector<1280x128xbf16> to vector<1280x128xf32>
    %get3A_2 = arith.constant 0 : index
    %get3A_3 = arith.constant 0 : index
    %get3A_4 = vector.load %arg2[%get3A_2, %get3A_3] : memref<128x128xf32, #tpu.memory_space<vmem>>, vector<128x128xf32>
    %dot_general3A = arith.constant dense<0.000000e+00> : vector<1280x128xf32>
    %dot_general3A_5 = tpu.matmul %convert_element_type3A, %get3A_4, %dot_general3A {dimension_numbers = #tpu.dot_dimension_numbers<[1], [1], [0], [0], [0, 0, 1, 0], [], []>, transpose_lhs_hint = false} : vector<1280x128xf32>, vector<128x128xf32>, vector<1280x128xf32> -> vector<1280x128xf32>
    %get3A_6 = arith.constant 0 : index
    %get3A_7 = arith.constant 0 : index
    %get3A_8 = vector.load %arg3[%get3A_6, %get3A_7] : memref<1x128xf32, #tpu.memory_space<vmem>>, vector<1x128xf32>
    %add3A = vector.broadcast %get3A_8 : vector<1x128xf32> to vector<1280x128xf32>
    %add3A_9 = arith.addf %dot_general3A_5, %add3A : vector<1280x128xf32>
    %max3A = arith.constant 0.000000e+00 : f32
    %max3A_10 = vector.broadcast %max3A : f32 to vector<1280x128xf32>
    %max3A_11 = arith.maximumf %add3A_9, %max3A_10 : vector<1280x128xf32>
    %swap3A = arith.constant 0 : index
    %swap3A_12 = arith.constant 0 : index
    %swap3A_13 = vector.load %arg4[%swap3A, %swap3A_12] : memref<1280x128xf32, #tpu.memory_space<vmem>>, vector<1280x128xf32>
    tpu.vector_store %arg4[%swap3A, %swap3A_12], %max3A_11 {strides = array<i32>} : memref<1280x128xf32, #tpu.memory_space<vmem>>, vector<1280x128xf32>,
    return
  }
  func.func @transform_0(%arg0: i32) -> (i32, i32) {
    %c0_i32 = arith.constant 0 : i32
    %c0_i32_0 = arith.constant 0 : i32
    return %arg0, %c0_i32 : i32, i32
  }
  func.func @transform_1(%arg0: i32) -> (i32, i32) {
    %c0_i32 = arith.constant 0 : i32
    %c0_i32_0 = arith.constant 0 : i32
    %c0_i32_1 = arith.constant 0 : i32
    return %c0_i32, %c0_i32_0 : i32, i32
  }
  func.func @transform_2(%arg0: i32) -> (i32, i32) {
    %c0_i32 = arith.constant 0 : i32
    %c0_i32_0 = arith.constant 0 : i32
    %c0_i32_1 = arith.constant 0 : i32
    return %c0_i32, %c0_i32_0 : i32, i32
  }
  func.func @transform_3(%arg0: i32) -> (i32, i32) {
    %c0_i32 = arith.constant 0 : i32
    %c0_i32_0 = arith.constant 0 : i32
    return %arg0, %c0_i32 : i32, i32
  }
}

</mosaic_0001>

<sc_bundles>
// kernel: kernel.13.cloned.1.call-start
scs
__scs_entry_jumppad:
0x0: {  	(pc) =	sbr.rel $0x88, $3  }
0x1: {  	(tag) =	ssettag $0x0;
	lr =	simm.s32 $0x1  }
0x2: {  	[smem:$0x3F8E] =	sst lr;
	_ =	strace $0xD0000000  }
0x3: {  	_ = 	snop  }
0x4: {  	_ = 	snop  }
0x5: {  	_ = 	snop  }
0x6: {  	_ = 	snop  }
0x7: {  	_ = 	snop  }
__scs_overlays_trampoline_lowered:
0x8: {  	[smem:$0x3F9D] =	sst s0  }
0x9: {  	[smem:$0x3F9E] =	sst s1  }
0xa: {  	[smem:$0x3F9F] =	sst s2  }
0xb: {  	[smem:$0x3FA0] =	sst s3  }
0xc: {  	[smem:$0x3FA1] =	sst s4  }
0xd: {  	[smem:$0x3FA2] =	sst s5  }
0xe: {  	[smem:$0x3FA3] =	sst s6  }
0xf: {  	[smem:$0x3FA4] =	sst s7  }
0x10: {  	[smem:$0x3FA5] =	sst s8  }
0x11: {  	[smem:$0x3FA6] =	sst s9;
	s0 =	simm.s32 @!p0 $0x0  }
0x12: {  	s1 =	sld [smem:$0x3F8C];
	s0 =	simm.s32 @p0 $0x1  }
0x13: {  	[smem:$0x3FA7] =	sst s0;
	s0 =	simm.s32 @!p1 $0x0  }
0x14: {  	s2 =	sld [smem:$0x3F8B];
	s0 =	simm.s32 @p1 $0x1  }
0x15: {  	[smem:$0x3FA8] =	sst s0;
	s0 =	simm.s32 @!p2 $0x0  }
0x16: {  	s3 =	sld [smem:$0x3FDB];
	s0 =	simm.s32 @p2 $0x1  }
0x17: {  	s4 =	simm.s32 $0x1BF5;
	[smem:$0x3FAA] =	sst s0  }
0x18: {  	s0 =	sld [smem:$0x3F8D];
	_ =	swait.ge [sflag:s4], $0x0  }
0x19: {  	s7 =	sld [smem:$0x3F8E]  }
0x1a: {  	s8 =	sadd.s32 $0xFFFFE003, lr  }
0x1b: {  	s9 =	sadd.s32 $0xFFFFFEF7, lr;
	s5 =	simm.s32 $0xFFFFFFFF;
	p2 =	slt.u32 s8, $0xFFFFF086  }
0x1c: {  	p1 =	slt.u32 s9, $0xF7A;
	s5 =	simm.s32 @!p2 $0x0  }
0x1d: {  	s5 =	simm.s32 @p1 $0x1;
	p0 =	seq.s32 s7, s2  }
0x1e: {  	s7 =	smul.u32 @!p0 $0xF7A, s2;
	p2 =	seq.s32 @!p0 s5, $0x0  }
0x1f: {  	s9 =	smul.u32 $0xF7A, s1;
	s8 =	simm.s32 @!p0 $0x1BF5;
	p2 =	por !p2, p0  }
0x20: {  	[sflag:s8] =	ssyncset.s32 @!p0 $0xFFFFF086;
	s6 =	sadd.s32 @!p0 s3, s7;
	s7 =	simm.s32 @!p0 $0x108  }
0x21: {  	s3 =	sadd.s32 s3, s9;
	s6 =	sadd.s32 @!p0 $0x88, s6;
	s7 =	simm.s32 @p2 $0x1082  }
0x22: {  	[simem:s7], [sflag:s8] =	dma.local @!p0 [hbm:s6], $0xF7A  }
0x23: {  	s9 =	sor.u32 $0xD0000000, s2;
	s6 =	simm.s32 $0x108;
	_ =	swait.ge @!p0 [sflag:s8], $0x0  }
0x24: {  	s3 =	sadd.s32 $0x88, s3;
	s6 =	simm.s32 @!p1 $0x1082;
	[sflag:s4] =	ssyncset.s32 $0xFFFFF086  }
0x25: {  	[simem:s6], [sflag:s4] =	dma.local [hbm:s3], $0xF7A  }
0x26: {  	[smem:$0x3F8E] =	sst s1;
	(tag) =	ssettag s2;
	_ =	strace s9  }
0x27: {  	s1 =	sld [smem:$0x3F9E]  }
0x28: {  	s2 =	sld [smem:$0x3F9F]  }
0x29: {  	s4 =	sld [smem:$0x3FA1]  }
0x2a: {  	p0 =	seq.s32 s5, $0x0;
	s5 =	sld [smem:$0x3FA2]  }
0x2b: {  	s6 =	sld [smem:$0x3FA3]  }
0x2c: {  	s7 =	sld [smem:$0x3FA4]  }
0x2d: {  	s3 =	simm.s32 $0x108;
	s8 =	sld [smem:$0x3FA5]  }
0x2e: {  	s3 =	simm.s32 @!p0 $0x1082;
	s9 =	sld [smem:$0x3FA6]  }
0x2f: {  	lr =	sadd.s32 s0, s3;
	s0 =	sld [smem:$0x3F9D]  }
0x30: {  	s3 =	sld [smem:$0x3FA0]  }
0x31: {  	[smem:$0x3FA9] =	sst s10  }
0x32: {  	s10 =	sld [smem:$0x3FA7];
	_ =	sdelay $0x3  }
0x33: {  	p0 =	seq.s32 s10, $0x1;
	s10 =	sld [smem:$0x3FA9];
	_ =	sdelay $0x3  }
0x34: {  	[smem:$0x3FA9] =	sst s10  }
0x35: {  	s10 =	sld [smem:$0x3FA8];
	_ =	sdelay $0x3  }
0x36: {  	p1 =	seq.s32 s10, $0x1;
	s10 =	sld [smem:$0x3FA9];
	_ =	sdelay $0x3  }
0x37: {  	[smem:$0x3FA9] =	sst s10  }
0x38: {  	s10 =	sld [smem:$0x3FAA]  }
0x39: {  	_ = 	snop;
	(pc) =	sbr.ind lr, $3  }
0x3a: {  	_ = 	snop  }
0x3b: {  	_ = 	snop  }
0x3c: {  	p2 =	seq.s32 s10, $0x1;
	s10 =	sld [smem:$0x3FA9]  }
0x3d: {  	_ =	shalt  }
0x3e: {  	_ =	shalt  }
0x3f: {  	_ =	shalt  }
0x40: {  	_ =	shalt  }
0x41: {  	_ =	shalt  }
0x42: {  	_ =	shalt  }
0x43: {  	_ =	shalt  }
0x44: {  	_ =	shalt  }
0x45: {  	_ =	shalt  }
0x46: {  	_ =	shalt  }
0x47: {  	_ =	shalt  }
0x48: {  	_ =	shalt  }
0x49: {  	_ =	shalt  }
0x4a: {  	_ =	shalt  }
0x4b: {  	_ =	shalt  }
0x4c: {  	_ =	shalt  }
0x4d: {  	_ =	shalt  }
0x4e: {  	_ =	shalt  }
0x4f: {  	_ =	shalt  }
0x50: {  	_ =	shalt  }
0x51: {  	_ =	shalt  }
0x52: {  	_ =	shalt  }
0x53: {  	_ =	shalt  }
0x54: {  	_ =	shalt  }
0x55: {  	_ =	shalt  }
0x56: {  	_ =	shalt  }
0x57: {  	_ =	shalt  }
0x58: {  	_ =	shalt  }
0x59: {  	_ =	shalt  }
0x5a: {  	_ =	shalt  }
0x5b: {  	_ =	shalt  }
0x5c: {  	_ =	shalt  }
0x5d: {  	_ =	shalt  }
0x5e: {  	_ =	shalt  }
0x5f: {  	_ =	shalt  }
0x60: {  	_ =	shalt  }
0x61: {  	_ =	shalt  }
0x62: {  	_ =	shalt  }
0x63: {  	_ =	shalt  }
0x64: {  	_ =	shalt  }
0x65: {  	_ =	shalt  }
0x66: {  	_ =	shalt  }
0x67: {  	_ =	shalt  }
0x68: {  	_ =	shalt  }
0x69: {  	_ =	shalt  }
0x6a: {  	_ =	shalt  }
0x6b: {  	_ =	shalt  }
0x6c: {  	_ =	shalt  }
0x6d: {  	_ =	shalt  }
0x6e: {  	_ =	shalt  }
0x6f: {  	_ =	shalt  }
0x70: {  	_ =	shalt  }
0x71: {  	_ =	shalt  }
0x72: {  	_ =	shalt  }
0x73: {  	_ =	shalt  }
0x74: {  	_ =	shalt  }
0x75: {  	_ =	shalt  }
0x76: {  	_ =	shalt  }
0x77: {  	_ =	shalt  }
0x78: {  	_ =	shalt  }
0x79: {  	_ =	shalt  }
0x7a: {  	_ =	shalt  }
0x7b: {  	_ =	shalt  }
0x7c: {  	_ =	shalt  }
0x7d: {  	_ =	shalt  }
0x7e: {  	_ =	shalt  }
0x7f: {  	_ =	shalt  }
0x80: {  	_ =	shalt  }
0x81: {  	_ =	shalt  }
0x82: {  	_ =	shalt  }
0x83: {  	_ =	shalt  }
0x84: {  	_ =	shalt  }
0x85: {  	_ =	shalt  }
0x86: {  	_ =	shalt  }
0x87: {  	_ =	shalt  }
.Lfunc_end0:
.L_simem_size_0:
called_computation_lowered:
.L_overlay_start_0:
0x88: {  	s2 =	sld [smem:$0x3FD9]  }
0x89: {  	s3 =	sld [smem:$0x3FFE];
	_ =	sdelay $0x1  }
0x8a: {  	s1 =	srdreg.scid  }
0x8b: {  	s0 =	sand.u32 $0x1, s1  }
0x8c: {  	s16 =	sshll.u32 s0, $0xA;
	s2 =	sadd.s32 s3, s2  }
0x8d: {  	s2 =	sadd.s32 s2, s16  }
0x8e: {  	[smem:$0x3FB5] =	sst s2  }
0x8f: {  	_ = 	snop  }
0x90: {  	(tm) =	ssettm $0x1  }
0x91: {  	s17 =	sld [smem:$0x3FFB];
	_ =	sdelay $0x3  }
0x92: {  	_ =	strace s17  }
0x93: {  	s2 =	sld [smem:$0x3FFC];
	_ =	sdelay $0x3  }
0x94: {  	_ =	strace s2  }
0x95: {  	s2 =	sld [smem:$0x3FFD];
	_ =	sdelay $0x3  }
0x96: {  	_ =	strace s2  }
0x97: {  	_ =	strace $0x8FFFFFFF  }
0x98: {  	s18 =	sld [smem:$0x3FDB];
	_ =	sdelay $0x1  }
0x99: {  	s19 =	simm.s32 $_scs_section_size  }
0x9a: {  	s4 =	simm.s32 $_size__tile_overlayer_lowered;
	s5 =	simm.s32 $_tile_overlayer_lowered  }
0x9b: {  	s22 =	simm.s32 $0x1BFF;
	s21 =	sshll.u32 s5, $0x1;
	s2 =	sadd.s32 s19, s18  }
0x9c: {  	s6 =	simm.s32 $0x0;
	s20 =	sshll.u32 s4, $0x1;
	s4 =	sadd.s32 s21, s2  }
0x9d: {  	[timem:s6], [sflag:s22] =	dma.local [hbm:s4], s20  }
0x9e: {  	_ =	swait.ge [sflag:s22], s20  }
0x9f: {  	s3 =	ssub.s32 $0x0, s20;
	[sflag:s22] =	ssyncset.done $0x0  }
0xa0: {  	[sflag:s22] =	ssyncadd.s32 s3;
	_ =	sdelay $0x1  }
0xa1: {  	s23 =	simm.s32 $0x1B8B  }
0xa2: {  	_ =	swait.ge [sflag:s23], $0x1  }
0xa3: {  	[sflag:s23] =	ssyncset.done $0x0  }
0xa4: {  	s25 =	simm.s32 $0x1B8E;
	s24 =	sld [smem:$0x3FFE];
	[sflag:s23] =	ssyncadd.s32 $0xFFFFFFFF  }
0xa5: {  	s26 =	simm.s32 $execute0_lowered;
	[smem:$0x3FD2] =	sst s25  }
0xa6: {  	s4 =	sshll.u32 s26, $0x1;
	_ =	strace $0x80000046;
	[dreg:$0x1] =	wrdreg $0xFFFFFFFF  }
0xa7: {  	s28 =	simm.s32 $_size_execute0_lowered;
	s2 =	sadd.s32 s2, s4;
	[dreg:$0x0] =	wrdreg $0x0  }
0xa8: {  	s4 =	sshll.u32 s28, $0x1;
	[dreg:$0x2] =	wrdreg s2  }
0xa9: {  	[dreg:$0x3] =	wrdreg s4  }
0xaa: {  	[dreg:$0x4] =	wrdreg $0xC0  }
0xab: {  	_ =	task [dreg:s6], $0x5FFFF  }
0xac: {  	[dreg:$0x1] =	wrdreg $0xFFFFFFFF  }
0xad: {  	[dreg:$0x0] =	wrdreg $0x60  }
0xae: {  	[dreg:$0x2] =	wrdreg s24  }
0xaf: {  	[dreg:$0x3] =	wrdreg $0x81000  }
0xb0: {  	[dreg:$0x4] =	wrdreg $0xA  }
0xb1: {  	_ =	task.clear_ibuf [dreg:s6], $0x5FFFF;
	_ =	strace $0x90000046  }
0xb2: {  	s29 =	simm.s32 $0xA;
	_ =	strace $0x80000048  }
0xb3: {  	_ =	swait.ge [sflag:s29], $0x1  }
0xb4: {  	[sflag:s29] =	ssyncadd.s32 $0xFFFFFFFF  }
0xb5: {  	_ =	strace $0x90000048  }
0xb6: {  	_ =	sfence  }
0xb7: {  	s30 =	sld [smem:$0x0];
	_ =	sdelay $0x2  }
0xb8: {  	s31 =	sshll.u32 s1, $0xD;
	s1 =	sshrl.u32 s1, $0x2  }
0xb9: {  	s3 =	sand.u32 $0x4000, s31;
	s1 =	sadd.s32 s1, s30  }
0xba: {  	s0 =	sor.u32 s3, s0;
	s1 =	sshll.u32 s1, $0x11  }
0xbb: {  	s0 =	sor.u32 s1, s0  }
0xbc: {  	s0 =	sadd.s32 $0x8F2B, s0  }
0xbd: {  	[sflag:s0] =	ssyncadd.remote.s32 $0x1  }
0xbe: {  	_ =	sfence.sel $0xFFFF  }
0xbf: {  	[dreg:$0x0] =	wrdreg $0xFFFFFFFF;
	(pc) =	sbr.abs _section_cstart, $3  }
0xc0: {  	[dreg:$0x1] =	wrdreg $0xFFFFFFFF  }
0xc1: {  	_ =	task.clear_ibuf [dreg:s6], $0x2FFFF;
	_ =	strace $0x9FFFFFFF  }
0xc2: {  	(tm) =	ssettm $0x7FFFFFFF  }
0xc3: {  	_ =	shalt  }
tec
execute0_lowered:
.L_overlay_start_1:
0x0: {  	(tag) =	ssettag $0x1  }
0x1: {  	s0 =	rddreg [dreg:$0x0]  }
0x2: {  	s2 =	rddreg [dreg:$0x1];
	s17 =	stileid.u32  }
0x3: {  	s3 =	simm.s32 $0x0;
	s4 =	srdreg.scid;
	s19 =	simm.s32 $0x7  }
0x4: {  	s20 =	simm.s32 $0x100;
	s28 =	simm.s32 $0x3;
	s1 =	smul.u32 $0x2800, s17  }
0x5: {  	s29 =	simm.s32 $0x4;
	s30 =	simm.s32 $0x0;
	s7 =	smul.u32 $0x50000, s17  }
0x6: {  	[smem:$0x7FF] =	sst s3;
	s4 =	sand.u32 $0x1, s4;
	s13 =	smul.u32 $0x140000, s17  }
0x7: {  	s9 =	sshll.u32 s17, $0x1;
	s23 =	sshll.u32 s17, $0x6;
	s17 =	smul.u32 $0x28000, s17  }
0x8: {  	s16 =	sadd.s32 $0x6600, s0;
	_ =	strace $0x80000047;
	s14 =	smul.u32 $0xA0000, s4  }
0x9: {  	s6 =	ssub.s32 $0x2, s4;
	s21 =	sor.u32 s4, s9;
	s15 =	smul.u32 $0x1400, s4  }
0xa: {  	s24 =	sor.u32 $0x1C07, s23;
	s4 =	smul.u32 $0x14000, s4;
	s23 =	simm.s32 $0x5  }
0xb: {  	s5 =	sadd.s32 s1, s0;
	s0 =	sadd.s32 $0x38600, s0;
	s22 =	smul.u32 $0x1400, s21  }
0xc: {  	s8 =	sshrl.u32 s6, $0x1;
	s7 =	sshrl.u32 s7, $0x2;
	s25 =	smul.u32 $0x14000, s21  }
0xd: {  	[dreg:$0x4] =	wrdreg s24;
	s12 =	smul.u32 $0xA0000, s21;
	s21 =	simm.s32 $0x80  }
0xe: {  	s24 =	simm.s32 $0x1;
	s10 =	ssub.s32 s6, s8;
	s18 =	sadd.s32 s7, s2  }
0xf: {  	s5 =	sadd.s32 $0x10600, s5;
	s14 =	sadd.s32 s14, s13;
	s1 =	sadd.s32 s15, s1  }
0x10: {  	[dreg:$0x3] =	wrdreg s5;
	s26 =	sshrl.u32 s22, $0x3;
	s11 =	sor.u32 $0x80, s22  }
0x11: {  	s7 =	sadd.s32 s0, s25;
	s31 =	sshrl.u32 s12, $0x3;
	s10 =	smax.u32 s10, $0x1  }
0x12: {  	s14 =	sshrl.u32 s14, $0x3;
	s15 =	sor.u32 $0x180, s1;
	s1 =	sor.u32 $0x100, s1  }
0x13: {  	s18 =	sshrl.u32 s18, $0x3;
	s22 =	simm.s32 $0x4100;
	s25 =	simm.s32 $0x6  }
0x14: {  	s6 =	sadd.s32 s16, s26;
	s8 =	sshrl.u32 s11, $0x3;
	s11 =	sshll.u32 s11, $0x4  }
0x15: {  	s12 =	sadd.s32 s0, s31;
	s14 =	sadd.s32 s14, s0;
	s15 =	sshrl.u32 s15, $0x3  }
0x16: {  	s1 =	sshrl.u32 s1, $0x3;
	s26 =	simm.s32 $0x2;
	s8 =	sadd.s32 s16, s8  }
0x17: {  	s9 =	sadd.s32 s0, s11;
	s11 =	sadd.s32 $0x13000, s12;
	s0 =	sadd.s32 s17, s0  }
0x18: {  	s12 =	sadd.s32 $0x13800, s7;
	s13 =	sadd.s32 $0x10, s6;
	s0 =	sadd.s32 s4, s0  }
0x19: {  	s15 =	sadd.s32 s15, s16;
	s16 =	sadd.s32 s1, s16;
	s17 =	sadd.s32 $0x800, s0  }
.LBB2_1:
0x1a: {  	s0 =	rddreg [dreg:$0x3]  }
0x1b: {  	s1 =	rddreg [dreg:$0x4]  }
0x1c: {  	[spmem:s18], [sflag:s1] =	dma.local [hbm:s0], $0x2800  }
0x1d: {  	_ =	swait.ge [sflag:s19], $0x2800  }
0x1e: {  	[sflag:s19] =	ssyncset.done $0x0  }
0x1f: {  	[sflag:s19] =	ssyncadd.s32 $0xFFFFD800  }
0x20: {  	[tilespmem:s3], [sflag:$0x1] =	stream.linear.gather [hbm4b:s6+s3], $0x80, $0x38;
	[tilespmem:$0x1C100] =	vst v63  }
0x21: {  	_ = 	snop  }
0x22: {  	[hbm4b:s7+s3] =	stream.linear.scatter [tilespmem:s20], [sflag:$0x5], $0x4000, $0x38;
	[tilespmem:$0x1C100] =	vst v63  }
0x23: {  	_ = 	snop  }
0x24: {  	[tilespmem:s21], [sflag:$0x2] =	stream.linear.gather [hbm4b:s8+s3], $0x80, $0x38;
	[tilespmem:$0x1C100] =	vst v63  }
0x25: {  	_ = 	snop  }
0x26: {  	[hbm4b:s9+s3] =	stream.linear.scatter [tilespmem:s22], [sflag:$0x6], $0x4000, $0x38;
	[tilespmem:$0x1C100] =	vst v63  }
0x27: {  	[bflag:$0x0] =	sbarrier.arrive $0xFFFF  }
0x28: {  	_ =	swait.ge [sflag:s23], $0x4000  }
0x29: {  	[sflag:s23] =	ssyncset.done $0x0  }
0x2a: {  	[sflag:s23] =	ssyncadd.s32 $0xFFFFC000  }
0x2b: {  	_ =	swait.ge [sflag:s24], $0x80  }
0x2c: {  	[sflag:s24] =	ssyncset.done $0x0  }
0x2d: {  	[sflag:s24] =	ssyncadd.s32 $0xFFFFFF80  }
0x2e: {  	[tilespmem:s20], [sflag:$0x3] =	stream.indirect.gather [spmem:s2], $0x80, s3, s21, $0xb8;
	[tilespmem:$0x1C100] =	vst v63  }
0x2f: {  	_ =	swait.ge [sflag:s25], $0x4000  }
0x30: {  	[sflag:s25] =	ssyncset.done $0x0  }
0x31: {  	[sflag:s25] =	ssyncadd.s32 $0xFFFFC000  }
0x32: {  	_ =	swait.ge [sflag:s26], $0x80  }
0x33: {  	[sflag:s26] =	ssyncset.done $0x0  }
0x34: {  	[sflag:s26] =	ssyncadd.s32 $0xFFFFFF80  }
0x35: {  	[tilespmem:s22], [sflag:$0x4] =	stream.indirect.gather [spmem:s2], $0x80, s21, s21, $0xb8;
	[tilespmem:$0x1C100] =	vst v63  }
0x36: {  	_ =	swait.ge [sflag:s28], $0x4000  }
0x37: {  	[sflag:s28] =	ssyncset.done $0x0  }
0x38: {  	[sflag:s28] =	ssyncadd.s32 $0xFFFFC000  }
0x39: {  	[hbm4b:s14+s3] =	stream.linear.scatter [tilespmem:s20], [sflag:$0x5], $0x4000, $0x38;
	[tilespmem:$0x1C100] =	vst v63  }
0x3a: {  	s5 =	sadd.s32 $0x0, s16  }
0x3b: {  	[tilespmem:s3], [sflag:$0x1] =	stream.linear.gather [hbm4b:s5+s3], $0x80, $0x38;
	[tilespmem:$0x1C100] =	vst v63  }
0x3c: {  	_ =	swait.ge [sflag:s29], $0x4000  }
0x3d: {  	s31 =	simm.s32 $0x20;
	s4 =	sadd.s32 $0x0, s15;
	[sflag:s29] =	ssyncset.done $0x0  }
0x3e: {  	s0 =	sadd.s32 $0x1000, s14;
	s1 =	sadd.s32 $0x1000, s17;
	[sflag:s29] =	ssyncadd.s32 $0xFFFFC000  }
0x3f: {  	[hbm4b:s17+s3] =	stream.linear.scatter [tilespmem:s22], [sflag:$0x6], $0x4000, $0x38;
	[tilespmem:$0x1C100] =	vst v63  }
.LBB2_2:
0x40: {  	[tilespmem:s21], [sflag:$0x2] =	stream.linear.gather [hbm4b:s4+s3], $0x80, $0x38;
	[tilespmem:$0x1C100] =	vst v63  }
0x41: {  	s4 =	smov.u32 s31  }
0x42: {  	p0 =	sne.s32 s31, $0x240;
	s31 =	sadd.s32 $0x20, s31;
	_ =	swait.ge [sflag:s23], $0x4000  }
0x43: {  	[sflag:s23] =	ssyncset.done $0x0  }
0x44: {  	[sflag:s23] =	ssyncadd.s32 $0xFFFFC000  }
0x45: {  	_ =	swait.ge [sflag:s24], $0x80  }
0x46: {  	[sflag:s24] =	ssyncset.done $0x0  }
0x47: {  	[sflag:s24] =	ssyncadd.s32 $0xFFFFFF80  }
0x48: {  	[tilespmem:s20], [sflag:$0x3] =	stream.indirect.gather [spmem:s2], $0x80, s3, s21, $0xb8;
	[tilespmem:$0x1C100] =	vst v63  }
0x49: {  	_ =	swait.ge [sflag:s25], $0x4000  }
0x4a: {  	[sflag:s25] =	ssyncset.done $0x0  }
0x4b: {  	[sflag:s25] =	ssyncadd.s32 $0xFFFFC000  }
0x4c: {  	_ =	swait.ge [sflag:s26], $0x80  }
0x4d: {  	[sflag:s26] =	ssyncset.done $0x0  }
0x4e: {  	[sflag:s26] =	ssyncadd.s32 $0xFFFFFF80  }
0x4f: {  	[tilespmem:s22], [sflag:$0x4] =	stream.indirect.gather [spmem:s2], $0x80, s21, s21, $0xb8;
	[tilespmem:$0x1C100] =	vst v63  }
0x50: {  	_ =	swait.ge [sflag:s28], $0x4000  }
0x51: {  	[sflag:s28] =	ssyncset.done $0x0  }
0x52: {  	[sflag:s28] =	ssyncadd.s32 $0xFFFFC000  }
0x53: {  	[hbm4b:s0+s3] =	stream.linear.scatter [tilespmem:s20], [sflag:$0x5], $0x4000, $0x38;
	[tilespmem:$0x1C100] =	vst v63  }
0x54: {  	s5 =	sadd.s32 s4, s16  }
0x55: {  	[tilespmem:s3], [sflag:$0x1] =	stream.linear.gather [hbm4b:s5+s3], $0x80, $0x38;
	[tilespmem:$0x1C100] =	vst v63  }
.Ltmp0:
0x56: {  	_ =	swait.ge [sflag:s29], $0x4000;
	(pc) =	sbr.rel @p0 .LBB2_2-.Ltmp0, $4  }
0x57: {  	[sflag:s29] =	ssyncset.done $0x0  }
0x58: {  	[sflag:s29] =	ssyncadd.s32 $0xFFFFC000  }
0x59: {  	[hbm4b:s1+s3] =	stream.linear.scatter [tilespmem:s22], [sflag:$0x6], $0x4000, $0x38;
	[tilespmem:$0x1C100] =	vst v63  }
0x5a: {  	s4 =	sadd.s32 s4, s15;
	s0 =	sadd.s32 $0x1000, s0;
	s1 =	sadd.s32 $0x1000, s1  }
0x5b: {  	[tilespmem:s21], [sflag:$0x2] =	stream.linear.gather [hbm4b:s4+s3], $0x80, $0x38;
	[tilespmem:$0x1C100] =	vst v63  }
0x5c: {  	_ =	swait.ge [sflag:s23], $0x4000  }
0x5d: {  	[sflag:s23] =	ssyncset.done $0x0  }
0x5e: {  	[sflag:s23] =	ssyncadd.s32 $0xFFFFC000  }
0x5f: {  	_ =	swait.ge [sflag:s24], $0x80  }
0x60: {  	[sflag:s24] =	ssyncset.done $0x0  }
0x61: {  	[sflag:s24] =	ssyncadd.s32 $0xFFFFFF80  }
0x62: {  	[tilespmem:s20], [sflag:$0x3] =	stream.indirect.gather [spmem:s2], $0x80, s3, s21, $0xb8;
	[tilespmem:$0x1C100] =	vst v63  }
0x63: {  	_ =	swait.ge [sflag:s25], $0x4000  }
0x64: {  	[sflag:s25] =	ssyncset.done $0x0  }
0x65: {  	[sflag:s25] =	ssyncadd.s32 $0xFFFFC000  }
0x66: {  	_ =	swait.ge [sflag:s26], $0x80  }
0x67: {  	[sflag:s26] =	ssyncset.done $0x0  }
0x68: {  	[sflag:s26] =	ssyncadd.s32 $0xFFFFFF80  }
0x69: {  	[tilespmem:s22], [sflag:$0x4] =	stream.indirect.gather [spmem:s2], $0x80, s21, s21, $0xb8;
	[tilespmem:$0x1C100] =	vst v63  }
0x6a: {  	_ =	swait.ge [sflag:s28], $0x4000  }
0x6b: {  	[sflag:s28] =	ssyncset.done $0x0  }
0x6c: {  	[sflag:s28] =	ssyncadd.s32 $0xFFFFC000  }
0x6d: {  	[hbm4b:s11+s3] =	stream.linear.scatter [tilespmem:s20], [sflag:$0x5], $0x4000, $0x38;
	[tilespmem:$0x1C100] =	vst v63  }
0x6e: {  	_ = 	snop  }
0x6f: {  	[tilespmem:s3], [sflag:$0x1] =	stream.linear.gather [hbm4b:s6+s3], $0x80, $0x38;
	[tilespmem:$0x1C100] =	vst v63  }
0x70: {  	_ =	swait.ge [sflag:s29], $0x4000  }
0x71: {  	[sflag:s29] =	ssyncset.done $0x0  }
0x72: {  	[sflag:s29] =	ssyncadd.s32 $0xFFFFC000  }
0x73: {  	[hbm4b:s12+s3] =	stream.linear.scatter [tilespmem:s22], [sflag:$0x6], $0x4000, $0x38;
	[tilespmem:$0x1C100] =	vst v63  }
0x74: {  	_ = 	snop  }
0x75: {  	[tilespmem:s21], [sflag:$0x2] =	stream.linear.gather [hbm4b:s13+s3], $0x80, $0x38;
	[tilespmem:$0x1C100] =	vst v63  }
0x76: {  	_ =	swait.ge [sflag:s23], $0x4000  }
0x77: {  	[sflag:s23] =	ssyncset.done $0x0  }
0x78: {  	[sflag:s23] =	ssyncadd.s32 $0xFFFFC000  }
0x79: {  	_ =	swait.ge [sflag:s24], $0x80  }
0x7a: {  	[sflag:s24] =	ssyncset.done $0x0  }
0x7b: {  	s30 =	sadd.s32 $0x1, s30;
	[sflag:s24] =	ssyncadd.s32 $0xFFFFFF80  }
0x7c: {  	p0 =	sne.s32 s30, s10;
	_ =	swait.ge [sflag:s25], $0x4000  }
.Ltmp1:
0x7d: {  	[sflag:s25] =	ssyncset.done $0x0;
	(pc) =	sbr.rel @p0 .LBB2_1-.Ltmp1, $4  }
0x7e: {  	[sflag:s25] =	ssyncadd.s32 $0xFFFFC000  }
0x7f: {  	_ =	swait.ge [sflag:s26], $0x80  }
0x80: {  	[sflag:s26] =	ssyncset.done $0x0  }
0x81: {  	[sflag:s26] =	ssyncadd.s32 $0xFFFFFF80  }
0x82: {  	_ =	sfence.sel $0x180000  }
0x83: {  	[bflag:$0x0] =	sbarrier.arrive $0xFFFF  }
0x84: {  	_ =	strace $0x90000047  }
0x85: {  	s0 =	stileid.u32;
	[bflag:$0x2] =	sbarrier.arrive $0xFFFF  }
0x86: {  	p0 =	sne.s32 s0, $0x0;
	s0 =	rddreg [dreg:$0x2]  }
0x87: {  	s0 =	sadd.s32 @!p0 $0x100000, s0  }
0x88: {  	[sflag:s0] =	ssyncadd.tile.s32 @!p0 $0x1;
	_ =	shalt  }
.Lfunc_end2:
_tile_overlayer_lowered:
.L_overlay_start_2:
0x89: {  	(tag) =	ssettag $0x2  }
0x8a: {  	s0 =	rddreg [dreg:$0x0];
	s2 =	stileid.u32  }
0x8b: {  	s1 =	rddreg [dreg:$0x1];
	p0 =	sne.s32 s2, $0x0  }
0x8c: {  	s3 =	rddreg [dreg:$0x2];
	[bflag:$0x3] =	sbarrier.arrive $0xFFFF;
	s2 =	simm.s32 @!p0 $0x1C07  }
0x8d: {  	[timem:s3], [sflag:s2] =	dma.local @!p0 [hbm:s0], s1  }
0x8e: {  	s0 =	simm.s32 @!p0 $0x7  }
0x8f: {  	_ =	swait.ge @!p0 [sflag:s0], s1  }
0x90: {  	s1 =	ssub.s32 @!p0 $0x0, s1;
	[sflag:s0] =	ssyncset.done @!p0 $0x0  }
0x91: {  	[sflag:s0] =	ssyncadd.s32 @!p0 s1  }
0x92: {  	[bflag:$0x3] =	sbarrier.arrive $0xFFFF  }
0x93: {  	_ =	shalt  }

// kernel: kernel.16.cloned.1.call-start
scs
__scs_entry_jumppad:
0x0: {  	(pc) =	sbr.rel $0x88, $3  }
0x1: {  	(tag) =	ssettag $0x0;
	lr =	simm.s32 $0x1  }
0x2: {  	[smem:$0x3F8E] =	sst lr;
	_ =	strace $0xD0000000  }
0x3: {  	_ = 	snop  }
0x4: {  	_ = 	snop  }
0x5: {  	_ = 	snop  }
0x6: {  	_ = 	snop  }
0x7: {  	_ = 	snop  }
__scs_overlays_trampoline_lowered:
0x8: {  	[smem:$0x3F9D] =	sst s0  }
0x9: {  	[smem:$0x3F9E] =	sst s1  }
0xa: {  	[smem:$0x3F9F] =	sst s2  }
0xb: {  	[smem:$0x3FA0] =	sst s3  }
0xc: {  	[smem:$0x3FA1] =	sst s4  }
0xd: {  	[smem:$0x3FA2] =	sst s5  }
0xe: {  	[smem:$0x3FA3] =	sst s6  }
0xf: {  	[smem:$0x3FA4] =	sst s7  }
0x10: {  	[smem:$0x3FA5] =	sst s8  }
0x11: {  	[smem:$0x3FA6] =	sst s9;
	s0 =	simm.s32 @!p0 $0x0  }
0x12: {  	s1 =	sld [smem:$0x3F8C];
	s0 =	simm.s32 @p0 $0x1  }
0x13: {  	[smem:$0x3FA7] =	sst s0;
	s0 =	simm.s32 @!p1 $0x0  }
0x14: {  	s2 =	sld [smem:$0x3F8B];
	s0 =	simm.s32 @p1 $0x1  }
0x15: {  	[smem:$0x3FA8] =	sst s0;
	s0 =	simm.s32 @!p2 $0x0  }
0x16: {  	s3 =	sld [smem:$0x3FDB];
	s0 =	simm.s32 @p2 $0x1  }
0x17: {  	s4 =	simm.s32 $0x1BF5;
	[smem:$0x3FAA] =	sst s0  }
0x18: {  	s0 =	sld [smem:$0x3F8D];
	_ =	swait.ge [sflag:s4], $0x0  }
0x19: {  	s7 =	sld [smem:$0x3F8E]  }
0x1a: {  	s8 =	sadd.s32 $0xFFFFE003, lr  }
0x1b: {  	s9 =	sadd.s32 $0xFFFFFEF7, lr;
	s5 =	simm.s32 $0xFFFFFFFF;
	p2 =	slt.u32 s8, $0xFFFFF086  }
0x1c: {  	p1 =	slt.u32 s9, $0xF7A;
	s5 =	simm.s32 @!p2 $0x0  }
0x1d: {  	s5 =	simm.s32 @p1 $0x1;
	p0 =	seq.s32 s7, s2  }
0x1e: {  	s7 =	smul.u32 @!p0 $0xF7A, s2;
	p2 =	seq.s32 @!p0 s5, $0x0  }
0x1f: {  	s9 =	smul.u32 $0xF7A, s1;
	s8 =	simm.s32 @!p0 $0x1BF5;
	p2 =	por !p2, p0  }
0x20: {  	[sflag:s8] =	ssyncset.s32 @!p0 $0xFFFFF086;
	s6 =	sadd.s32 @!p0 s3, s7;
	s7 =	simm.s32 @!p0 $0x108  }
0x21: {  	s3 =	sadd.s32 s3, s9;
	s6 =	sadd.s32 @!p0 $0x88, s6;
	s7 =	simm.s32 @p2 $0x1082  }
0x22: {  	[simem:s7], [sflag:s8] =	dma.local @!p0 [hbm:s6], $0xF7A  }
0x23: {  	s9 =	sor.u32 $0xD0000000, s2;
	s6 =	simm.s32 $0x108;
	_ =	swait.ge @!p0 [sflag:s8], $0x0  }
0x24: {  	s3 =	sadd.s32 $0x88, s3;
	s6 =	simm.s32 @!p1 $0x1082;
	[sflag:s4] =	ssyncset.s32 $0xFFFFF086  }
0x25: {  	[simem:s6], [sflag:s4] =	dma.local [hbm:s3], $0xF7A  }
0x26: {  	[smem:$0x3F8E] =	sst s1;
	(tag) =	ssettag s2;
	_ =	strace s9  }
0x27: {  	s1 =	sld [smem:$0x3F9E]  }
0x28: {  	s2 =	sld [smem:$0x3F9F]  }
0x29: {  	s4 =	sld [smem:$0x3FA1]  }
0x2a: {  	p0 =	seq.s32 s5, $0x0;
	s5 =	sld [smem:$0x3FA2]  }
0x2b: {  	s6 =	sld [smem:$0x3FA3]  }
0x2c: {  	s7 =	sld [smem:$0x3FA4]  }
0x2d: {  	s3 =	simm.s32 $0x108;
	s8 =	sld [smem:$0x3FA5]  }
0x2e: {  	s3 =	simm.s32 @!p0 $0x1082;
	s9 =	sld [smem:$0x3FA6]  }
0x2f: {  	lr =	sadd.s32 s0, s3;
	s0 =	sld [smem:$0x3F9D]  }
0x30: {  	s3 =	sld [smem:$0x3FA0]  }
0x31: {  	[smem:$0x3FA9] =	sst s10  }
0x32: {  	s10 =	sld [smem:$0x3FA7];
	_ =	sdelay $0x3  }
0x33: {  	p0 =	seq.s32 s10, $0x1;
	s10 =	sld [smem:$0x3FA9];
	_ =	sdelay $0x3  }
0x34: {  	[smem:$0x3FA9] =	sst s10  }
0x35: {  	s10 =	sld [smem:$0x3FA8];
	_ =	sdelay $0x3  }
0x36: {  	p1 =	seq.s32 s10, $0x1;
	s10 =	sld [smem:$0x3FA9];
	_ =	sdelay $0x3  }
0x37: {  	[smem:$0x3FA9] =	sst s10  }
0x38: {  	s10 =	sld [smem:$0x3FAA]  }
0x39: {  	_ = 	snop;
	(pc) =	sbr.ind lr, $3  }
0x3a: {  	_ = 	snop  }
0x3b: {  	_ = 	snop  }
0x3c: {  	p2 =	seq.s32 s10, $0x1;
	s10 =	sld [smem:$0x3FA9]  }
0x3d: {  	_ =	shalt  }
0x3e: {  	_ =	shalt  }
0x3f: {  	_ =	shalt  }
0x40: {  	_ =	shalt  }
0x41: {  	_ =	shalt  }
0x42: {  	_ =	shalt  }
0x43: {  	_ =	shalt  }
0x44: {  	_ =	shalt  }
0x45: {  	_ =	shalt  }
0x46: {  	_ =	shalt  }
0x47: {  	_ =	shalt  }
0x48: {  	_ =	shalt  }
0x49: {  	_ =	shalt  }
0x4a: {  	_ =	shalt  }
0x4b: {  	_ =	shalt  }
0x4c: {  	_ =	shalt  }
0x4d: {  	_ =	shalt  }
0x4e: {  	_ =	shalt  }
0x4f: {  	_ =	shalt  }
0x50: {  	_ =	shalt  }
0x51: {  	_ =	shalt  }
0x52: {  	_ =	shalt  }
0x53: {  	_ =	shalt  }
0x54: {  	_ =	shalt  }
0x55: {  	_ =	shalt  }
0x56: {  	_ =	shalt  }
0x57: {  	_ =	shalt  }
0x58: {  	_ =	shalt  }
0x59: {  	_ =	shalt  }
0x5a: {  	_ =	shalt  }
0x5b: {  	_ =	shalt  }
0x5c: {  	_ =	shalt  }
0x5d: {  	_ =	shalt  }
0x5e: {  	_ =	shalt  }
0x5f: {  	_ =	shalt  }
0x60: {  	_ =	shalt  }
0x61: {  	_ =	shalt  }
0x62: {  	_ =	shalt  }
0x63: {  	_ =	shalt  }
0x64: {  	_ =	shalt  }
0x65: {  	_ =	shalt  }
0x66: {  	_ =	shalt  }
0x67: {  	_ =	shalt  }
0x68: {  	_ =	shalt  }
0x69: {  	_ =	shalt  }
0x6a: {  	_ =	shalt  }
0x6b: {  	_ =	shalt  }
0x6c: {  	_ =	shalt  }
0x6d: {  	_ =	shalt  }
0x6e: {  	_ =	shalt  }
0x6f: {  	_ =	shalt  }
0x70: {  	_ =	shalt  }
0x71: {  	_ =	shalt  }
0x72: {  	_ =	shalt  }
0x73: {  	_ =	shalt  }
0x74: {  	_ =	shalt  }
0x75: {  	_ =	shalt  }
0x76: {  	_ =	shalt  }
0x77: {  	_ =	shalt  }
0x78: {  	_ =	shalt  }
0x79: {  	_ =	shalt  }
0x7a: {  	_ =	shalt  }
0x7b: {  	_ =	shalt  }
0x7c: {  	_ =	shalt  }
0x7d: {  	_ =	shalt  }
0x7e: {  	_ =	shalt  }
0x7f: {  	_ =	shalt  }
0x80: {  	_ =	shalt  }
0x81: {  	_ =	shalt  }
0x82: {  	_ =	shalt  }
0x83: {  	_ =	shalt  }
0x84: {  	_ =	shalt  }
0x85: {  	_ =	shalt  }
0x86: {  	_ =	shalt  }
0x87: {  	_ =	shalt  }
.Lfunc_end0:
.L_simem_size_0:
called_computation.1_lowered:
.L_overlay_start_0:
0x88: {  	s2 =	sld [smem:$0x3FD9]  }
0x89: {  	s3 =	sld [smem:$0x3FFE];
	_ =	sdelay $0x1  }
0x8a: {  	s1 =	srdreg.scid  }
0x8b: {  	s0 =	sand.u32 $0x1, s1  }
0x8c: {  	s17 =	sshll.u32 s0, $0xA;
	s2 =	sadd.s32 s3, s2  }
0x8d: {  	s2 =	sadd.s32 s2, s17  }
0x8e: {  	[smem:$0x3FB5] =	sst s2  }
0x8f: {  	_ = 	snop  }
0x90: {  	(tm) =	ssettm $0x1  }
0x91: {  	s18 =	sld [smem:$0x3FFB];
	_ =	sdelay $0x3  }
0x92: {  	_ =	strace s18  }
0x93: {  	s2 =	sld [smem:$0x3FFC];
	_ =	sdelay $0x3  }
0x94: {  	_ =	strace s2  }
0x95: {  	s2 =	sld [smem:$0x3FFD];
	_ =	sdelay $0x3  }
0x96: {  	_ =	strace s2  }
0x97: {  	_ =	strace $0x8FFFFFFF  }
0x98: {  	s19 =	sld [smem:$0x3FDB];
	_ =	sdelay $0x1  }
0x99: {  	s20 =	simm.s32 $_scs_section_size  }
0x9a: {  	s4 =	simm.s32 $_size__tile_overlayer_lowered;
	s5 =	simm.s32 $_tile_overlayer_lowered  }
0x9b: {  	s6 =	simm.s32 $0x1BFF;
	s21 =	sshll.u32 s5, $0x1;
	s3 =	sadd.s32 s20, s19  }
0x9c: {  	s22 =	simm.s32 $0x0;
	s4 =	sshll.u32 s4, $0x1;
	s5 =	sadd.s32 s21, s3  }
0x9d: {  	[timem:s22], [sflag:s6] =	dma.local [hbm:s5], s4  }
0x9e: {  	_ =	swait.ge [sflag:s6], s4  }
0x9f: {  	s4 =	ssub.s32 $0x0, s4;
	[sflag:s6] =	ssyncset.done $0x0  }
0xa0: {  	[sflag:s6] =	ssyncadd.s32 s4;
	_ =	sdelay $0x1  }
0xa1: {  	s23 =	simm.s32 $0x1B8B  }
0xa2: {  	_ =	swait.ge [sflag:s23], $0x1  }
0xa3: {  	[sflag:s23] =	ssyncset.done $0x0  }
0xa4: {  	[sflag:s23] =	ssyncadd.s32 $0xFFFFFFFF  }
0xa5: {  	s4 =	sld [smem:$0x0]  }
0xa6: {  	s5 =	sand.u32 $0xFFFFFFFE, s1  }
0xa7: {  	p0 =	sne.s32 s1, s5  }
0xa8: {  	s5 =	sshll.u32 @p0 s5, $0xE  }
0xa9: {  	s5 =	sadd.s32 @p0 $0x11B8D, s5;
	s6 =	sshll.u32 @p0 s4, $0x11  }
0xaa: {  	s5 =	sor.u32 @p0 s6, s5  }
0xab: {  	[sflag:s5] =	ssyncadd.remote.s32 @p0 $0x1;
	_ =	sdelay $0x1  }
0xac: {  	s5 =	simm.s32 @p0 $0x1B8D  }
0xad: {  	_ =	swait.eq @p0 [sflag:s5], $0x1  }
0xae: {  	[sflag:s5] =	ssyncadd.s32 @p0 $0xFFFFFFFF  }
0xaf: {  	s6 =	sshll.u32 @!p0 s1, $0xE  }
0xb0: {  	s6 =	sor.u32 @!p0 $0x4000, s6;
	s5 =	simm.s32 @!p0 $0x1B8D  }
0xb1: {  	s4 =	sshll.u32 @!p0 s4, $0x11;
	s6 =	sadd.s32 @!p0 $0x11B8D, s6;
	_ =	swait.eq @!p0 [sflag:s5], $0x1  }
0xb2: {  	s4 =	sor.u32 @!p0 s4, s6;
	[sflag:s5] =	ssyncadd.s32 @!p0 $0xFFFFFFFF  }
0xb3: {  	s25 =	simm.s32 $0x1B8E;
	s24 =	sld [smem:$0x3FFE];
	[sflag:s4] =	ssyncadd.remote.s32 @!p0 $0x1  }
0xb4: {  	s26 =	simm.s32 $execute0_lowered;
	[smem:$0x3FD2] =	sst s25  }
0xb5: {  	s5 =	sshll.u32 s26, $0x1;
	_ =	strace $0x80000049;
	[dreg:$0x1] =	wrdreg $0xFFFFFFFF  }
0xb6: {  	s28 =	simm.s32 $_size_execute0_lowered;
	s3 =	sadd.s32 s3, s5;
	[dreg:$0x0] =	wrdreg $0x0  }
0xb7: {  	s5 =	sshll.u32 s28, $0x1;
	[dreg:$0x2] =	wrdreg s3  }
0xb8: {  	[dreg:$0x3] =	wrdreg s5  }
0xb9: {  	[dreg:$0x4] =	wrdreg $0xC0  }
0xba: {  	_ =	task [dreg:s22], $0x5FFFF  }
0xbb: {  	[dreg:$0x1] =	wrdreg $0xFFFFFFFF  }
0xbc: {  	[dreg:$0x0] =	wrdreg $0x60  }
0xbd: {  	[dreg:$0x2] =	wrdreg s24  }
0xbe: {  	[dreg:$0x3] =	wrdreg $0x81000  }
0xbf: {  	[dreg:$0x4] =	wrdreg $0x9  }
0xc0: {  	_ =	task.clear_ibuf [dreg:s22], $0x5FFFF;
	_ =	strace $0x90000049  }
0xc1: {  	s29 =	simm.s32 $0x9;
	_ =	strace $0x8000004B  }
0xc2: {  	_ =	swait.ge [sflag:s29], $0x1  }
0xc3: {  	[sflag:s29] =	ssyncadd.s32 $0xFFFFFFFF  }
0xc4: {  	_ =	strace $0x9000004B  }
0xc5: {  	_ =	sfence  }
0xc6: {  	s30 =	sld [smem:$0x0];
	_ =	sdelay $0x2  }
0xc7: {  	s31 =	sshll.u32 s1, $0xD;
	s1 =	sshrl.u32 s1, $0x2  }
0xc8: {  	s4 =	sand.u32 $0x4000, s31;
	s1 =	sadd.s32 s1, s30  }
0xc9: {  	s0 =	sor.u32 s4, s0;
	s1 =	sshll.u32 s1, $0x11  }
0xca: {  	s0 =	sor.u32 s1, s0  }
0xcb: {  	s0 =	sadd.s32 $0x8F2B, s0  }
0xcc: {  	[sflag:s0] =	ssyncadd.remote.s32 $0x1  }
0xcd: {  	_ =	sfence.sel $0xFFFF  }
0xce: {  	[dreg:$0x0] =	wrdreg $0xFFFFFFFF;
	(pc) =	sbr.abs _section_cstart, $3  }
0xcf: {  	[dreg:$0x1] =	wrdreg $0xFFFFFFFF  }
0xd0: {  	_ =	task.clear_ibuf [dreg:s22], $0x2FFFF;
	_ =	strace $0x9FFFFFFF  }
0xd1: {  	(tm) =	ssettm $0x7FFFFFFF  }
tec
execute0_lowered:
.L_overlay_start_1:
0x0: {  	(tag) =	ssettag $0x1  }
0x1: {  	s0 =	rddreg [dreg:$0x0]  }
0x2: {  	s2 =	rddreg [dreg:$0x1];
	s17 =	stileid.u32  }
0x3: {  	s3 =	simm.s32 $0x0;
	s4 =	srdreg.scid;
	s19 =	simm.s32 $0x7  }
0x4: {  	s20 =	simm.s32 $0x100;
	s28 =	simm.s32 $0x3;
	s1 =	smul.u32 $0x2800, s17  }
0x5: {  	s29 =	simm.s32 $0x4;
	[smem:$0x7FF] =	sst s3;
	s7 =	smul.u32 $0x50000, s17  }
0x6: {  	s4 =	sand.u32 $0x1, s4;
	s16 =	sadd.s32 $0x2C2400, s0;
	s13 =	smul.u32 $0x140000, s17  }
0x7: {  	s9 =	sshll.u32 s17, $0x1;
	s23 =	sshll.u32 s17, $0x6;
	s17 =	smul.u32 $0x28000, s17  }
0x8: {  	s30 =	simm.s32 $0x0;
	_ =	strace $0x8000004A;
	s14 =	smul.u32 $0xA0000, s4  }
0x9: {  	s6 =	ssub.s32 $0x2, s4;
	s21 =	sor.u32 s4, s9;
	s15 =	smul.u32 $0x1400, s4  }
0xa: {  	s24 =	sor.u32 $0x1C07, s23;
	s4 =	smul.u32 $0x14000, s4;
	s23 =	simm.s32 $0x5  }
0xb: {  	s5 =	sadd.s32 s1, s0;
	s0 =	sadd.s32 $0x2CC400, s0;
	s22 =	smul.u32 $0x1400, s21  }
0xc: {  	s8 =	sshrl.u32 s6, $0x1;
	s7 =	sshrl.u32 s7, $0x2;
	s25 =	smul.u32 $0x14000, s21  }
0xd: {  	[dreg:$0x4] =	wrdreg s24;
	s12 =	smul.u32 $0xA0000, s21;
	s21 =	simm.s32 $0x80  }
0xe: {  	s24 =	simm.s32 $0x1;
	s10 =	ssub.s32 s6, s8;
	s18 =	sadd.s32 s7, s2  }
0xf: {  	s5 =	sadd.s32 $0x10600, s5;
	s14 =	sadd.s32 s14, s13;
	s1 =	sadd.s32 s15, s1  }
0x10: {  	[dreg:$0x3] =	wrdreg s5;
	s26 =	sshrl.u32 s22, $0x3;
	s11 =	sor.u32 $0x80, s22  }
0x11: {  	s7 =	sadd.s32 s0, s25;
	s31 =	sshrl.u32 s12, $0x3;
	s10 =	smax.u32 s10, $0x1  }
0x12: {  	s14 =	sshrl.u32 s14, $0x3;
	s15 =	sor.u32 $0x180, s1;
	s1 =	sor.u32 $0x100, s1  }
0x13: {  	s18 =	sshrl.u32 s18, $0x3;
	s22 =	simm.s32 $0x4100;
	s25 =	simm.s32 $0x6  }
0x14: {  	s6 =	sadd.s32 s16, s26;
	s8 =	sshrl.u32 s11, $0x3;
	s11 =	sshll.u32 s11, $0x4  }
0x15: {  	s12 =	sadd.s32 s0, s31;
	s14 =	sadd.s32 s14, s0;
	s15 =	sshrl.u32 s15, $0x3  }
0x16: {  	s1 =	sshrl.u32 s1, $0x3;
	s26 =	simm.s32 $0x2;
	s8 =	sadd.s32 s16, s8  }
0x17: {  	s9 =	sadd.s32 s0, s11;
	s11 =	sadd.s32 $0x13000, s12;
	s0 =	sadd.s32 s17, s0  }
0x18: {  	s12 =	sadd.s32 $0x13800, s7;
	s13 =	sadd.s32 $0x10, s6;
	s0 =	sadd.s32 s4, s0  }
0x19: {  	s15 =	sadd.s32 s15, s16;
	s16 =	sadd.s32 s1, s16;
	s17 =	sadd.s32 $0x800, s0  }
.LBB2_1:
0x1a: {  	s0 =	rddreg [dreg:$0x3]  }
0x1b: {  	s1 =	rddreg [dreg:$0x4]  }
0x1c: {  	[spmem:s18], [sflag:s1] =	dma.local [hbm:s0], $0x2800  }
0x1d: {  	_ =	swait.ge [sflag:s19], $0x2800  }
0x1e: {  	[sflag:s19] =	ssyncset.done $0x0  }
0x1f: {  	[sflag:s19] =	ssyncadd.s32 $0xFFFFD800  }
0x20: {  	[tilespmem:s3], [sflag:$0x1] =	stream.linear.gather [hbm4b:s6+s3], $0x80, $0x38;
	[tilespmem:$0x1C100] =	vst v63  }
0x21: {  	_ = 	snop  }
0x22: {  	[hbm4b:s7+s3] =	stream.linear.scatter [tilespmem:s20], [sflag:$0x5], $0x4000, $0x38;
	[tilespmem:$0x1C100] =	vst v63  }
0x23: {  	_ = 	snop  }
0x24: {  	[tilespmem:s21], [sflag:$0x2] =	stream.linear.gather [hbm4b:s8+s3], $0x80, $0x38;
	[tilespmem:$0x1C100] =	vst v63  }
0x25: {  	_ = 	snop  }
0x26: {  	[hbm4b:s9+s3] =	stream.linear.scatter [tilespmem:s22], [sflag:$0x6], $0x4000, $0x38;
	[tilespmem:$0x1C100] =	vst v63  }
0x27: {  	[bflag:$0x0] =	sbarrier.arrive $0xFFFF  }
0x28: {  	_ =	swait.ge [sflag:s23], $0x4000  }
0x29: {  	[sflag:s23] =	ssyncset.done $0x0  }
0x2a: {  	[sflag:s23] =	ssyncadd.s32 $0xFFFFC000  }
0x2b: {  	_ =	swait.ge [sflag:s24], $0x80  }
0x2c: {  	[sflag:s24] =	ssyncset.done $0x0  }
0x2d: {  	[sflag:s24] =	ssyncadd.s32 $0xFFFFFF80  }
0x2e: {  	[tilespmem:s20], [sflag:$0x3] =	stream.indirect.gather [spmem:s2], $0x80, s3, s21, $0xb8;
	[tilespmem:$0x1C100] =	vst v63  }
0x2f: {  	_ =	swait.ge [sflag:s25], $0x4000  }
0x30: {  	[sflag:s25] =	ssyncset.done $0x0  }
0x31: {  	[sflag:s25] =	ssyncadd.s32 $0xFFFFC000  }
0x32: {  	_ =	swait.ge [sflag:s26], $0x80  }
0x33: {  	[sflag:s26] =	ssyncset.done $0x0  }
0x34: {  	[sflag:s26] =	ssyncadd.s32 $0xFFFFFF80  }
0x35: {  	[tilespmem:s22], [sflag:$0x4] =	stream.indirect.gather [spmem:s2], $0x80, s21, s21, $0xb8;
	[tilespmem:$0x1C100] =	vst v63  }
0x36: {  	_ =	swait.ge [sflag:s28], $0x4000  }
0x37: {  	[sflag:s28] =	ssyncset.done $0x0  }
0x38: {  	[sflag:s28] =	ssyncadd.s32 $0xFFFFC000  }
0x39: {  	[hbm4b:s14+s3] =	stream.linear.scatter [tilespmem:s20], [sflag:$0x5], $0x4000, $0x38;
	[tilespmem:$0x1C100] =	vst v63  }
0x3a: {  	s5 =	sadd.s32 $0x0, s16  }
0x3b: {  	[tilespmem:s3], [sflag:$0x1] =	stream.linear.gather [hbm4b:s5+s3], $0x80, $0x38;
	[tilespmem:$0x1C100] =	vst v63  }
0x3c: {  	_ =	swait.ge [sflag:s29], $0x4000  }
0x3d: {  	s31 =	simm.s32 $0x20;
	s4 =	sadd.s32 $0x0, s15;
	[sflag:s29] =	ssyncset.done $0x0  }
0x3e: {  	s0 =	sadd.s32 $0x1000, s14;
	s1 =	sadd.s32 $0x1000, s17;
	[sflag:s29] =	ssyncadd.s32 $0xFFFFC000  }
0x3f: {  	[hbm4b:s17+s3] =	stream.linear.scatter [tilespmem:s22], [sflag:$0x6], $0x4000, $0x38;
	[tilespmem:$0x1C100] =	vst v63  }
.LBB2_2:
0x40: {  	[tilespmem:s21], [sflag:$0x2] =	stream.linear.gather [hbm4b:s4+s3], $0x80, $0x38;
	[tilespmem:$0x1C100] =	vst v63  }
0x41: {  	s4 =	smov.u32 s31  }
0x42: {  	p0 =	sne.s32 s31, $0x240;
	s31 =	sadd.s32 $0x20, s31;
	_ =	swait.ge [sflag:s23], $0x4000  }
0x43: {  	[sflag:s23] =	ssyncset.done $0x0  }
0x44: {  	[sflag:s23] =	ssyncadd.s32 $0xFFFFC000  }
0x45: {  	_ =	swait.ge [sflag:s24], $0x80  }
0x46: {  	[sflag:s24] =	ssyncset.done $0x0  }
0x47: {  	[sflag:s24] =	ssyncadd.s32 $0xFFFFFF80  }
0x48: {  	[tilespmem:s20], [sflag:$0x3] =	stream.indirect.gather [spmem:s2], $0x80, s3, s21, $0xb8;
	[tilespmem:$0x1C100] =	vst v63  }
0x49: {  	_ =	swait.ge [sflag:s25], $0x4000  }
0x4a: {  	[sflag:s25] =	ssyncset.done $0x0  }
0x4b: {  	[sflag:s25] =	ssyncadd.s32 $0xFFFFC000  }
0x4c: {  	_ =	swait.ge [sflag:s26], $0x80  }
0x4d: {  	[sflag:s26] =	ssyncset.done $0x0  }
0x4e: {  	[sflag:s26] =	ssyncadd.s32 $0xFFFFFF80  }
0x4f: {  	[tilespmem:s22], [sflag:$0x4] =	stream.indirect.gather [spmem:s2], $0x80, s21, s21, $0xb8;
	[tilespmem:$0x1C100] =	vst v63  }
0x50: {  	_ =	swait.ge [sflag:s28], $0x4000  }
0x51: {  	[sflag:s28] =	ssyncset.done $0x0  }
0x52: {  	[sflag:s28] =	ssyncadd.s32 $0xFFFFC000  }
0x53: {  	[hbm4b:s0+s3] =	stream.linear.scatter [tilespmem:s20], [sflag:$0x5], $0x4000, $0x38;
	[tilespmem:$0x1C100] =	vst v63  }
0x54: {  	s5 =	sadd.s32 s4, s16  }
0x55: {  	[tilespmem:s3], [sflag:$0x1] =	stream.linear.gather [hbm4b:s5+s3], $0x80, $0x38;
	[tilespmem:$0x1C100] =	vst v63  }
.Ltmp0:
0x56: {  	_ =	swait.ge [sflag:s29], $0x4000;
	(pc) =	sbr.rel @p0 .LBB2_2-.Ltmp0, $4  }
0x57: {  	[sflag:s29] =	ssyncset.done $0x0  }
0x58: {  	[sflag:s29] =	ssyncadd.s32 $0xFFFFC000  }
0x59: {  	[hbm4b:s1+s3] =	stream.linear.scatter [tilespmem:s22], [sflag:$0x6], $0x4000, $0x38;
	[tilespmem:$0x1C100] =	vst v63  }
0x5a: {  	s4 =	sadd.s32 s4, s15;
	s0 =	sadd.s32 $0x1000, s0;
	s1 =	sadd.s32 $0x1000, s1  }
0x5b: {  	[tilespmem:s21], [sflag:$0x2] =	stream.linear.gather [hbm4b:s4+s3], $0x80, $0x38;
	[tilespmem:$0x1C100] =	vst v63  }
0x5c: {  	_ =	swait.ge [sflag:s23], $0x4000  }
0x5d: {  	[sflag:s23] =	ssyncset.done $0x0  }
0x5e: {  	[sflag:s23] =	ssyncadd.s32 $0xFFFFC000  }
0x5f: {  	_ =	swait.ge [sflag:s24], $0x80  }
0x60: {  	[sflag:s24] =	ssyncset.done $0x0  }
0x61: {  	[sflag:s24] =	ssyncadd.s32 $0xFFFFFF80  }
0x62: {  	[tilespmem:s20], [sflag:$0x3] =	stream.indirect.gather [spmem:s2], $0x80, s3, s21, $0xb8;
	[tilespmem:$0x1C100] =	vst v63  }
0x63: {  	_ =	swait.ge [sflag:s25], $0x4000  }
0x64: {  	[sflag:s25] =	ssyncset.done $0x0  }
0x65: {  	[sflag:s25] =	ssyncadd.s32 $0xFFFFC000  }
0x66: {  	_ =	swait.ge [sflag:s26], $0x80  }
0x67: {  	[sflag:s26] =	ssyncset.done $0x0  }
0x68: {  	[sflag:s26] =	ssyncadd.s32 $0xFFFFFF80  }
0x69: {  	[tilespmem:s22], [sflag:$0x4] =	stream.indirect.gather [spmem:s2], $0x80, s21, s21, $0xb8;
	[tilespmem:$0x1C100] =	vst v63  }
0x6a: {  	_ =	swait.ge [sflag:s28], $0x4000  }
0x6b: {  	[sflag:s28] =	ssyncset.done $0x0  }
0x6c: {  	[sflag:s28] =	ssyncadd.s32 $0xFFFFC000  }
0x6d: {  	[hbm4b:s11+s3] =	stream.linear.scatter [tilespmem:s20], [sflag:$0x5], $0x4000, $0x38;
	[tilespmem:$0x1C100] =	vst v63  }
0x6e: {  	_ = 	snop  }
0x6f: {  	[tilespmem:s3], [sflag:$0x1] =	stream.linear.gather [hbm4b:s6+s3], $0x80, $0x38;
	[tilespmem:$0x1C100] =	vst v63  }
0x70: {  	_ =	swait.ge [sflag:s29], $0x4000  }
0x71: {  	[sflag:s29] =	ssyncset.done $0x0  }
0x72: {  	[sflag:s29] =	ssyncadd.s32 $0xFFFFC000  }
0x73: {  	[hbm4b:s12+s3] =	stream.linear.scatter [tilespmem:s22], [sflag:$0x6], $0x4000, $0x38;
	[tilespmem:$0x1C100] =	vst v63  }
0x74: {  	_ = 	snop  }
0x75: {  	[tilespmem:s21], [sflag:$0x2] =	stream.linear.gather [hbm4b:s13+s3], $0x80, $0x38;
	[tilespmem:$0x1C100] =	vst v63  }
0x76: {  	_ =	swait.ge [sflag:s23], $0x4000  }
0x77: {  	[sflag:s23] =	ssyncset.done $0x0  }
0x78: {  	[sflag:s23] =	ssyncadd.s32 $0xFFFFC000  }
0x79: {  	_ =	swait.ge [sflag:s24], $0x80  }
0x7a: {  	[sflag:s24] =	ssyncset.done $0x0  }
0x7b: {  	s30 =	sadd.s32 $0x1, s30;
	[sflag:s24] =	ssyncadd.s32 $0xFFFFFF80  }
0x7c: {  	p0 =	sne.s32 s30, s10;
	_ =	swait.ge [sflag:s25], $0x4000  }
.Ltmp1:
0x7d: {  	[sflag:s25] =	ssyncset.done $0x0;
	(pc) =	sbr.rel @p0 .LBB2_1-.Ltmp1, $4  }
0x7e: {  	[sflag:s25] =	ssyncadd.s32 $0xFFFFC000  }
0x7f: {  	_ =	swait.ge [sflag:s26], $0x80  }
0x80: {  	[sflag:s26] =	ssyncset.done $0x0  }
0x81: {  	[sflag:s26] =	ssyncadd.s32 $0xFFFFFF80  }
0x82: {  	_ =	sfence.sel $0x180000  }
0x83: {  	[bflag:$0x0] =	sbarrier.arrive $0xFFFF  }
0x84: {  	_ =	strace $0x9000004A  }
0x85: {  	s0 =	stileid.u32;
	[bflag:$0x2] =	sbarrier.arrive $0xFFFF  }
0x86: {  	p0 =	sne.s32 s0, $0x0;
	s0 =	rddreg [dreg:$0x2]  }
0x87: {  	s0 =	sadd.s32 @!p0 $0x100000, s0  }
0x88: {  	[sflag:s0] =	ssyncadd.tile.s32 @!p0 $0x1;
	_ =	shalt  }
.Lfunc_end2:
_tile_overlayer_lowered:
.L_overlay_start_2:
0x89: {  	(tag) =	ssettag $0x2  }
0x8a: {  	s0 =	rddreg [dreg:$0x0];
	s2 =	stileid.u32  }
0x8b: {  	s1 =	rddreg [dreg:$0x1];
	p0 =	sne.s32 s2, $0x0  }
0x8c: {  	s3 =	rddreg [dreg:$0x2];
	[bflag:$0x3] =	sbarrier.arrive $0xFFFF;
	s2 =	simm.s32 @!p0 $0x1C07  }
0x8d: {  	[timem:s3], [sflag:s2] =	dma.local @!p0 [hbm:s0], s1  }
0x8e: {  	s0 =	simm.s32 @!p0 $0x7  }
0x8f: {  	_ =	swait.ge @!p0 [sflag:s0], s1  }
0x90: {  	s1 =	ssub.s32 @!p0 $0x0, s1;
	[sflag:s0] =	ssyncset.done @!p0 $0x0  }
0x91: {  	[sflag:s0] =	ssyncadd.s32 @!p0 s1  }
0x92: {  	[bflag:$0x3] =	sbarrier.arrive $0xFFFF  }
0x93: {  	_ =	shalt  }

// kernel: kernel.19.cloned.1.call-start
scs
__scs_entry_jumppad:
0x0: {  	(pc) =	sbr.rel $0x88, $3  }
0x1: {  	(tag) =	ssettag $0x0;
	lr =	simm.s32 $0x1  }
0x2: {  	[smem:$0x3F8E] =	sst lr;
	_ =	strace $0xD0000000  }
0x3: {  	_ = 	snop  }
0x4: {  	_ = 	snop  }
0x5: {  	_ = 	snop  }
0x6: {  	_ = 	snop  }
0x7: {  	_ = 	snop  }
__scs_overlays_trampoline_lowered:
0x8: {  	[smem:$0x3F9D] =	sst s0  }
0x9: {  	[smem:$0x3F9E] =	sst s1  }
0xa: {  	[smem:$0x3F9F] =	sst s2  }
0xb: {  	[smem:$0x3FA0] =	sst s3  }
0xc: {  	[smem:$0x3FA1] =	sst s4  }
0xd: {  	[smem:$0x3FA2] =	sst s5  }
0xe: {  	[smem:$0x3FA3] =	sst s6  }
0xf: {  	[smem:$0x3FA4] =	sst s7  }
0x10: {  	[smem:$0x3FA5] =	sst s8  }
0x11: {  	[smem:$0x3FA6] =	sst s9;
	s0 =	simm.s32 @!p0 $0x0  }
0x12: {  	s1 =	sld [smem:$0x3F8C];
	s0 =	simm.s32 @p0 $0x1  }
0x13: {  	[smem:$0x3FA7] =	sst s0;
	s0 =	simm.s32 @!p1 $0x0  }
0x14: {  	s2 =	sld [smem:$0x3F8B];
	s0 =	simm.s32 @p1 $0x1  }
0x15: {  	[smem:$0x3FA8] =	sst s0;
	s0 =	simm.s32 @!p2 $0x0  }
0x16: {  	s3 =	sld [smem:$0x3FDB];
	s0 =	simm.s32 @p2 $0x1  }
0x17: {  	s4 =	simm.s32 $0x1BF5;
	[smem:$0x3FAA] =	sst s0  }
0x18: {  	s0 =	sld [smem:$0x3F8D];
	_ =	swait.ge [sflag:s4], $0x0  }
0x19: {  	s7 =	sld [smem:$0x3F8E]  }
0x1a: {  	s8 =	sadd.s32 $0xFFFFE003, lr  }
0x1b: {  	s9 =	sadd.s32 $0xFFFFFEF7, lr;
	s5 =	simm.s32 $0xFFFFFFFF;
	p2 =	slt.u32 s8, $0xFFFFF086  }
0x1c: {  	p1 =	slt.u32 s9, $0xF7A;
	s5 =	simm.s32 @!p2 $0x0  }
0x1d: {  	s5 =	simm.s32 @p1 $0x1;
	p0 =	seq.s32 s7, s2  }
0x1e: {  	s7 =	smul.u32 @!p0 $0xF7A, s2;
	p2 =	seq.s32 @!p0 s5, $0x0  }
0x1f: {  	s9 =	smul.u32 $0xF7A, s1;
	s8 =	simm.s32 @!p0 $0x1BF5;
	p2 =	por !p2, p0  }
0x20: {  	[sflag:s8] =	ssyncset.s32 @!p0 $0xFFFFF086;
	s6 =	sadd.s32 @!p0 s3, s7;
	s7 =	simm.s32 @!p0 $0x108  }
0x21: {  	s3 =	sadd.s32 s3, s9;
	s6 =	sadd.s32 @!p0 $0x88, s6;
	s7 =	simm.s32 @p2 $0x1082  }
0x22: {  	[simem:s7], [sflag:s8] =	dma.local @!p0 [hbm:s6], $0xF7A  }
0x23: {  	s9 =	sor.u32 $0xD0000000, s2;
	s6 =	simm.s32 $0x108;
	_ =	swait.ge @!p0 [sflag:s8], $0x0  }
0x24: {  	s3 =	sadd.s32 $0x88, s3;
	s6 =	simm.s32 @!p1 $0x1082;
	[sflag:s4] =	ssyncset.s32 $0xFFFFF086  }
0x25: {  	[simem:s6], [sflag:s4] =	dma.local [hbm:s3], $0xF7A  }
0x26: {  	[smem:$0x3F8E] =	sst s1;
	(tag) =	ssettag s2;
	_ =	strace s9  }
0x27: {  	s1 =	sld [smem:$0x3F9E]  }
0x28: {  	s2 =	sld [smem:$0x3F9F]  }
0x29: {  	s4 =	sld [smem:$0x3FA1]  }
0x2a: {  	p0 =	seq.s32 s5, $0x0;
	s5 =	sld [smem:$0x3FA2]  }
0x2b: {  	s6 =	sld [smem:$0x3FA3]  }
0x2c: {  	s7 =	sld [smem:$0x3FA4]  }
0x2d: {  	s3 =	simm.s32 $0x108;
	s8 =	sld [smem:$0x3FA5]  }
0x2e: {  	s3 =	simm.s32 @!p0 $0x1082;
	s9 =	sld [smem:$0x3FA6]  }
0x2f: {  	lr =	sadd.s32 s0, s3;
	s0 =	sld [smem:$0x3F9D]  }
0x30: {  	s3 =	sld [smem:$0x3FA0]  }
0x31: {  	[smem:$0x3FA9] =	sst s10  }
0x32: {  	s10 =	sld [smem:$0x3FA7];
	_ =	sdelay $0x3  }
0x33: {  	p0 =	seq.s32 s10, $0x1;
	s10 =	sld [smem:$0x3FA9];
	_ =	sdelay $0x3  }
0x34: {  	[smem:$0x3FA9] =	sst s10  }
0x35: {  	s10 =	sld [smem:$0x3FA8];
	_ =	sdelay $0x3  }
0x36: {  	p1 =	seq.s32 s10, $0x1;
	s10 =	sld [smem:$0x3FA9];
	_ =	sdelay $0x3  }
0x37: {  	[smem:$0x3FA9] =	sst s10  }
0x38: {  	s10 =	sld [smem:$0x3FAA]  }
0x39: {  	_ = 	snop;
	(pc) =	sbr.ind lr, $3  }
0x3a: {  	_ = 	snop  }
0x3b: {  	_ = 	snop  }
0x3c: {  	p2 =	seq.s32 s10, $0x1;
	s10 =	sld [smem:$0x3FA9]  }
0x3d: {  	_ =	shalt  }
0x3e: {  	_ =	shalt  }
0x3f: {  	_ =	shalt  }
0x40: {  	_ =	shalt  }
0x41: {  	_ =	shalt  }
0x42: {  	_ =	shalt  }
0x43: {  	_ =	shalt  }
0x44: {  	_ =	shalt  }
0x45: {  	_ =	shalt  }
0x46: {  	_ =	shalt  }
0x47: {  	_ =	shalt  }
0x48: {  	_ =	shalt  }
0x49: {  	_ =	shalt  }
0x4a: {  	_ =	shalt  }
0x4b: {  	_ =	shalt  }
0x4c: {  	_ =	shalt  }
0x4d: {  	_ =	shalt  }
0x4e: {  	_ =	shalt  }
0x4f: {  	_ =	shalt  }
0x50: {  	_ =	shalt  }
0x51: {  	_ =	shalt  }
0x52: {  	_ =	shalt  }
0x53: {  	_ =	shalt  }
0x54: {  	_ =	shalt  }
0x55: {  	_ =	shalt  }
0x56: {  	_ =	shalt  }
0x57: {  	_ =	shalt  }
0x58: {  	_ =	shalt  }
0x59: {  	_ =	shalt  }
0x5a: {  	_ =	shalt  }
0x5b: {  	_ =	shalt  }
0x5c: {  	_ =	shalt  }
0x5d: {  	_ =	shalt  }
0x5e: {  	_ =	shalt  }
0x5f: {  	_ =	shalt  }
0x60: {  	_ =	shalt  }
0x61: {  	_ =	shalt  }
0x62: {  	_ =	shalt  }
0x63: {  	_ =	shalt  }
0x64: {  	_ =	shalt  }
0x65: {  	_ =	shalt  }
0x66: {  	_ =	shalt  }
0x67: {  	_ =	shalt  }
0x68: {  	_ =	shalt  }
0x69: {  	_ =	shalt  }
0x6a: {  	_ =	shalt  }
0x6b: {  	_ =	shalt  }
0x6c: {  	_ =	shalt  }
0x6d: {  	_ =	shalt  }
0x6e: {  	_ =	shalt  }
0x6f: {  	_ =	shalt  }
0x70: {  	_ =	shalt  }
0x71: {  	_ =	shalt  }
0x72: {  	_ =	shalt  }
0x73: {  	_ =	shalt  }
0x74: {  	_ =	shalt  }
0x75: {  	_ =	shalt  }
0x76: {  	_ =	shalt  }
0x77: {  	_ =	shalt  }
0x78: {  	_ =	shalt  }
0x79: {  	_ =	shalt  }
0x7a: {  	_ =	shalt  }
0x7b: {  	_ =	shalt  }
0x7c: {  	_ =	shalt  }
0x7d: {  	_ =	shalt  }
0x7e: {  	_ =	shalt  }
0x7f: {  	_ =	shalt  }
0x80: {  	_ =	shalt  }
0x81: {  	_ =	shalt  }
0x82: {  	_ =	shalt  }
0x83: {  	_ =	shalt  }
0x84: {  	_ =	shalt  }
0x85: {  	_ =	shalt  }
0x86: {  	_ =	shalt  }
0x87: {  	_ =	shalt  }
.Lfunc_end0:
.L_simem_size_0:
called_computation.2_lowered:
.L_overlay_start_0:
0x88: {  	s2 =	sld [smem:$0x3FD9]  }
0x89: {  	s3 =	sld [smem:$0x3FFE];
	_ =	sdelay $0x1  }
0x8a: {  	s1 =	srdreg.scid  }
0x8b: {  	s0 =	sand.u32 $0x1, s1  }
0x8c: {  	s17 =	sshll.u32 s0, $0xA;
	s2 =	sadd.s32 s3, s2  }
0x8d: {  	s2 =	sadd.s32 s2, s17  }
0x8e: {  	[smem:$0x3FB5] =	sst s2  }
0x8f: {  	_ = 	snop  }
0x90: {  	(tm) =	ssettm $0x1  }
0x91: {  	s18 =	sld [smem:$0x3FFB];
	_ =	sdelay $0x3  }
0x92: {  	_ =	strace s18  }
0x93: {  	s2 =	sld [smem:$0x3FFC];
	_ =	sdelay $0x3  }
0x94: {  	_ =	strace s2  }
0x95: {  	s2 =	sld [smem:$0x3FFD];
	_ =	sdelay $0x3  }
0x96: {  	_ =	strace s2  }
0x97: {  	_ =	strace $0x8FFFFFFF  }
0x98: {  	s19 =	sld [smem:$0x3FDB];
	_ =	sdelay $0x1  }
0x99: {  	s20 =	simm.s32 $_scs_section_size  }
0x9a: {  	s4 =	simm.s32 $_size__tile_overlayer_lowered;
	s5 =	simm.s32 $_tile_overlayer_lowered  }
0x9b: {  	s6 =	simm.s32 $0x1BFF;
	s21 =	sshll.u32 s5, $0x1;
	s3 =	sadd.s32 s20, s19  }
0x9c: {  	s22 =	simm.s32 $0x0;
	s4 =	sshll.u32 s4, $0x1;
	s5 =	sadd.s32 s21, s3  }
0x9d: {  	[timem:s22], [sflag:s6] =	dma.local [hbm:s5], s4  }
0x9e: {  	_ =	swait.ge [sflag:s6], s4  }
0x9f: {  	s4 =	ssub.s32 $0x0, s4;
	[sflag:s6] =	ssyncset.done $0x0  }
0xa0: {  	[sflag:s6] =	ssyncadd.s32 s4;
	_ =	sdelay $0x1  }
0xa1: {  	s23 =	simm.s32 $0x1B8B  }
0xa2: {  	_ =	swait.ge [sflag:s23], $0x1  }
0xa3: {  	[sflag:s23] =	ssyncset.done $0x0  }
0xa4: {  	[sflag:s23] =	ssyncadd.s32 $0xFFFFFFFF  }
0xa5: {  	s4 =	sld [smem:$0x0]  }
0xa6: {  	s5 =	sand.u32 $0xFFFFFFFE, s1  }
0xa7: {  	p0 =	sne.s32 s1, s5  }
0xa8: {  	s5 =	sshll.u32 @p0 s5, $0xE  }
0xa9: {  	s5 =	sadd.s32 @p0 $0x11B8D, s5;
	s6 =	sshll.u32 @p0 s4, $0x11  }
0xaa: {  	s5 =	sor.u32 @p0 s6, s5  }
0xab: {  	[sflag:s5] =	ssyncadd.remote.s32 @p0 $0x1;
	_ =	sdelay $0x1  }
0xac: {  	s5 =	simm.s32 @p0 $0x1B8D  }
0xad: {  	_ =	swait.eq @p0 [sflag:s5], $0x1  }
0xae: {  	[sflag:s5] =	ssyncadd.s32 @p0 $0xFFFFFFFF  }
0xaf: {  	s6 =	sshll.u32 @!p0 s1, $0xE  }
0xb0: {  	s6 =	sor.u32 @!p0 $0x4000, s6;
	s5 =	simm.s32 @!p0 $0x1B8D  }
0xb1: {  	s4 =	sshll.u32 @!p0 s4, $0x11;
	s6 =	sadd.s32 @!p0 $0x11B8D, s6;
	_ =	swait.eq @!p0 [sflag:s5], $0x1  }
0xb2: {  	s4 =	sor.u32 @!p0 s4, s6;
	[sflag:s5] =	ssyncadd.s32 @!p0 $0xFFFFFFFF  }
0xb3: {  	s25 =	simm.s32 $0x1B8E;
	s24 =	sld [smem:$0x3FFE];
	[sflag:s4] =	ssyncadd.remote.s32 @!p0 $0x1  }
0xb4: {  	s26 =	simm.s32 $execute0_lowered;
	[smem:$0x3FD2] =	sst s25  }
0xb5: {  	s5 =	sshll.u32 s26, $0x1;
	_ =	strace $0x8000004C;
	[dreg:$0x1] =	wrdreg $0xFFFFFFFF  }
0xb6: {  	s28 =	simm.s32 $_size_execute0_lowered;
	s3 =	sadd.s32 s3, s5;
	[dreg:$0x0] =	wrdreg $0x0  }
0xb7: {  	s5 =	sshll.u32 s28, $0x1;
	[dreg:$0x2] =	wrdreg s3  }
0xb8: {  	[dreg:$0x3] =	wrdreg s5  }
0xb9: {  	[dreg:$0x4] =	wrdreg $0xC0  }
0xba: {  	_ =	task [dreg:s22], $0x5FFFF  }
0xbb: {  	[dreg:$0x1] =	wrdreg $0xFFFFFFFF  }
0xbc: {  	[dreg:$0x0] =	wrdreg $0x60  }
0xbd: {  	[dreg:$0x2] =	wrdreg s24  }
0xbe: {  	[dreg:$0x3] =	wrdreg $0x81000  }
0xbf: {  	[dreg:$0x4] =	wrdreg $0xA  }
0xc0: {  	_ =	task.clear_ibuf [dreg:s22], $0x5FFFF;
	_ =	strace $0x9000004C  }
0xc1: {  	s29 =	simm.s32 $0xA;
	_ =	strace $0x8000004E  }
0xc2: {  	_ =	swait.ge [sflag:s29], $0x1  }
0xc3: {  	[sflag:s29] =	ssyncadd.s32 $0xFFFFFFFF  }
0xc4: {  	_ =	strace $0x9000004E  }
0xc5: {  	_ =	sfence  }
0xc6: {  	s30 =	sld [smem:$0x0];
	_ =	sdelay $0x2  }
0xc7: {  	s31 =	sshll.u32 s1, $0xD;
	s1 =	sshrl.u32 s1, $0x2  }
0xc8: {  	s4 =	sand.u32 $0x4000, s31;
	s1 =	sadd.s32 s1, s30  }
0xc9: {  	s0 =	sor.u32 s4, s0;
	s1 =	sshll.u32 s1, $0x11  }
0xca: {  	s0 =	sor.u32 s1, s0  }
0xcb: {  	s0 =	sadd.s32 $0x8F2B, s0  }
0xcc: {  	[sflag:s0] =	ssyncadd.remote.s32 $0x1  }
0xcd: {  	_ =	sfence.sel $0xFFFF  }
0xce: {  	[dreg:$0x0] =	wrdreg $0xFFFFFFFF;
	(pc) =	sbr.abs _section_cstart, $3  }
0xcf: {  	[dreg:$0x1] =	wrdreg $0xFFFFFFFF  }
0xd0: {  	_ =	task.clear_ibuf [dreg:s22], $0x2FFFF;
	_ =	strace $0x9FFFFFFF  }
0xd1: {  	(tm) =	ssettm $0x7FFFFFFF  }
tec
execute0_lowered:
.L_overlay_start_1:
0x0: {  	(tag) =	ssettag $0x1  }
0x1: {  	s4 =	rddreg [dreg:$0x0]  }
0x2: {  	s2 =	rddreg [dreg:$0x1];
	s1 =	stileid.u32  }
0x3: {  	s0 =	rddreg [dreg:$0x2];
	s3 =	simm.s32 $0x0;
	s23 =	smul.u32 $0x2780, s1  }
0x4: {  	s5 =	srdreg.scid;
	s18 =	simm.s32 $0x4100;
	s7 =	smul.u32 $0x4F000, s1  }
0x5: {  	s19 =	simm.s32 $0x1;
	[smem:$0x7FF] =	sst s3;
	s12 =	smul.u32 $0x1400, s1  }
0x6: {  	s9 =	sand.u32 $0x1, s5;
	s11 =	sadd.s32 $0xA4C400, s4;
	s28 =	smul.u32 $0x14000, s1  }
0x7: {  	s13 =	sadd.s32 $0xB600, s4;
	s22 =	sshll.u32 s1, $0x6;
	s5 =	smul.u32 $0x27800, s9  }
0x8: {  	_ =	strace $0x8000004D;
	s20 =	ssub.s32 $0x2, s9;
	s8 =	smul.u32 $0x14000, s9  }
0x9: {  	s17 =	smul.u32 $0x140000, s9;
	s6 =	sadd.s32 s23, s4;
	s21 =	sshrl.u32 s20, $0x1  }
0xa: {  	s7 =	sshrl.u32 s7, $0x2;
	s10 =	sadd.s32 s5, s4;
	s14 =	ssub.s32 s20, s21  }
0xb: {  	s15 =	sadd.s32 s7, s2;
	s4 =	sadd.s32 $0x38600, s6;
	s5 =	sor.u32 $0x1C05, s22  }
0xc: {  	s12 =	sadd.s32 s12, s8;
	s20 =	simm.s32 $0x3;
	s21 =	simm.s32 $0x2  }
0xd: {  	s22 =	simm.s32 $0x4;
	s24 =	sshrl.u32 s12, $0x3;
	s25 =	sshll.u32 s12, $0x4  }
0xe: {  	s16 =	sor.u32 $0x80, s12;
	s29 =	sor.u32 $0x180, s12;
	s30 =	sor.u32 $0x100, s12  }
0xf: {  	s6 =	sadd.s32 s13, s24;
	s7 =	sadd.s32 s11, s25;
	s26 =	sshrl.u32 s16, $0x3  }
0x10: {  	s16 =	sshll.u32 s16, $0x4;
	s24 =	sadd.s32 $0x5FE00, s10;
	s10 =	smax.u32 s14, $0x1  }
0x11: {  	s14 =	sshrl.u32 s29, $0x3;
	s31 =	sshrl.u32 s30, $0x3;
	s8 =	sadd.s32 s13, s26  }
0x12: {  	s9 =	sadd.s32 s11, s16;
	s11 =	sadd.s32 s17, s11;
	s17 =	simm.s32 $0x80  }
0x13: {  	s23 =	sadd.s32 s23, s24;
	s24 =	simm.s32 $0x0;
	s16 =	sadd.s32 s28, s11  }
0x14: {  	s11 =	sadd.s32 s14, s13;
	s13 =	sadd.s32 s31, s13;
	s14 =	sshrl.u32 s15, $0x3  }
0x15: {  	s15 =	simm.s32 $0x5;
	s12 =	sadd.s32 $0x1800, s16;
	s16 =	simm.s32 $0x100  }
.LBB2_1:
0x16: {  	[spmem:s14], [sflag:s5] =	dma.local [hbm:s4], $0x2780  }
0x17: {  	_ =	swait.ge [sflag:s15], $0x2780  }
0x18: {  	[sflag:s15] =	ssyncset.done $0x0  }
0x19: {  	[sflag:s15] =	ssyncadd.s32 $0xFFFFD880  }
0x1a: {  	[tilespmem:s3], [sflag:$0x1] =	stream.linear.gather [hbm4b:s6+s3], $0x80, $0x38;
	[tilespmem:$0x1BD00] =	vst v63  }
0x1b: {  	_ = 	snop  }
0x1c: {  	[tilespmem:s16], [sflag:$0x3] =	stream.linear.gather [hbm4b:s7+s3], $0x4000, $0x38;
	[tilespmem:$0x1BD00] =	vst v63  }
0x1d: {  	_ = 	snop  }
0x1e: {  	[tilespmem:s17], [sflag:$0x2] =	stream.linear.gather [hbm4b:s8+s3], $0x80, $0x38;
	[tilespmem:$0x1BD00] =	vst v63  }
0x1f: {  	_ = 	snop  }
0x20: {  	[tilespmem:s18], [sflag:$0x4] =	stream.linear.gather [hbm4b:s9+s3], $0x4000, $0x38;
	[tilespmem:$0x1BD00] =	vst v63  }
0x21: {  	[bflag:$0x0] =	sbarrier.arrive $0xFFFF  }
0x22: {  	_ =	swait.ge [sflag:s19], $0x80  }
0x23: {  	[sflag:s19] =	ssyncset.done $0x0  }
0x24: {  	[sflag:s19] =	ssyncadd.s32 $0xFFFFFF80  }
0x25: {  	_ =	swait.ge [sflag:s20], $0x4000  }
0x26: {  	[sflag:s20] =	ssyncset.done $0x0  }
0x27: {  	[sflag:s20] =	ssyncadd.s32 $0xFFFFC000  }
0x28: {  	[spmem:s2] =	stream.indirect.scatter.add.f32 [tilespmem:s16], [sflag:$0x5], $0x80, s3, s17, $0xb8;
	[tilespmem:$0x1BD00] =	vst v63  }
0x29: {  	_ =	swait.ge [sflag:s15], $0x4000  }
0x2a: {  	[sflag:s15] =	ssyncset.done $0x0  }
0x2b: {  	s25 =	sadd.s32 $0x0, s13;
	[sflag:s15] =	ssyncadd.s32 $0xFFFFC000  }
0x2c: {  	[tilespmem:s3], [sflag:$0x1] =	stream.linear.gather [hbm4b:s25+s3], $0x80, $0x38;
	[tilespmem:$0x1BD00] =	vst v63  }
0x2d: {  	s30 =	sadd.s32 $0xFFFFF800, s12  }
0x2e: {  	[tilespmem:s16], [sflag:$0x3] =	stream.linear.gather [hbm4b:s30+s3], $0x4000, $0x38;
	[tilespmem:$0x1BD00] =	vst v63  }
0x2f: {  	_ =	swait.ge [sflag:s21], $0x80  }
0x30: {  	[sflag:s21] =	ssyncset.done $0x0  }
0x31: {  	[sflag:s21] =	ssyncadd.s32 $0xFFFFFF80  }
0x32: {  	_ =	swait.ge [sflag:s22], $0x4000  }
0x33: {  	[sflag:s22] =	ssyncset.done $0x0  }
0x34: {  	[sflag:s22] =	ssyncadd.s32 $0xFFFFC000  }
0x35: {  	[spmem:s2] =	stream.indirect.scatter.add.f32 [tilespmem:s18], [sflag:$0x5], $0x80, s17, s17, $0xb8;
	[tilespmem:$0x1BD00] =	vst v63  }
0x36: {  	_ =	swait.ge [sflag:s15], $0x4000  }
0x37: {  	s31 =	sadd.s32 $0x0, s11;
	s26 =	sadd.s32 $0x1000, s12;
	[sflag:s15] =	ssyncset.done $0x0  }
0x38: {  	s28 =	smov.u32 s12;
	s25 =	simm.s32 $0x20;
	[sflag:s15] =	ssyncadd.s32 $0xFFFFC000  }
0x39: {  	[tilespmem:s17], [sflag:$0x2] =	stream.linear.gather [hbm4b:s31+s3], $0x80, $0x38;
	[tilespmem:$0x1BD00] =	vst v63  }
.LBB2_2:
0x3a: {  	[tilespmem:s18], [sflag:$0x4] =	stream.linear.gather [hbm4b:s28+s3], $0x4000, $0x38;
	[tilespmem:$0x1BD00] =	vst v63  }
0x3b: {  	s29 =	smov.u32 s25;
	s28 =	smov.u32 s26  }
0x3c: {  	p0 =	sne.s32 s25, $0x240;
	s25 =	sadd.s32 $0x20, s25;
	_ =	swait.ge [sflag:s19], $0x80  }
0x3d: {  	[sflag:s19] =	ssyncset.done $0x0  }
0x3e: {  	[sflag:s19] =	ssyncadd.s32 $0xFFFFFF80  }
0x3f: {  	_ =	swait.ge [sflag:s20], $0x4000  }
0x40: {  	[sflag:s20] =	ssyncset.done $0x0  }
0x41: {  	[sflag:s20] =	ssyncadd.s32 $0xFFFFC000  }
0x42: {  	[spmem:s2] =	stream.indirect.scatter.add.f32 [tilespmem:s16], [sflag:$0x5], $0x80, s3, s17, $0xb8;
	[tilespmem:$0x1BD00] =	vst v63  }
0x43: {  	_ =	swait.ge [sflag:s15], $0x4000  }
0x44: {  	[sflag:s15] =	ssyncset.done $0x0  }
0x45: {  	s30 =	sadd.s32 s29, s13;
	[sflag:s15] =	ssyncadd.s32 $0xFFFFC000  }
0x46: {  	[tilespmem:s3], [sflag:$0x1] =	stream.linear.gather [hbm4b:s30+s3], $0x80, $0x38;
	[tilespmem:$0x1BD00] =	vst v63  }
0x47: {  	s30 =	sadd.s32 $0xFFFFF800, s26  }
0x48: {  	[tilespmem:s16], [sflag:$0x3] =	stream.linear.gather [hbm4b:s30+s3], $0x4000, $0x38;
	[tilespmem:$0x1BD00] =	vst v63  }
0x49: {  	_ =	swait.ge [sflag:s21], $0x80  }
0x4a: {  	[sflag:s21] =	ssyncset.done $0x0  }
0x4b: {  	[sflag:s21] =	ssyncadd.s32 $0xFFFFFF80  }
0x4c: {  	_ =	swait.ge [sflag:s22], $0x4000  }
0x4d: {  	[sflag:s22] =	ssyncset.done $0x0  }
0x4e: {  	[sflag:s22] =	ssyncadd.s32 $0xFFFFC000  }
0x4f: {  	[spmem:s2] =	stream.indirect.scatter.add.f32 [tilespmem:s18], [sflag:$0x5], $0x80, s17, s17, $0xb8;
	[tilespmem:$0x1BD00] =	vst v63  }
.Ltmp0:
0x50: {  	_ =	swait.ge [sflag:s15], $0x4000;
	(pc) =	sbr.rel @p0 .LBB2_2-.Ltmp0, $4  }
0x51: {  	[sflag:s15] =	ssyncset.done $0x0  }
0x52: {  	s29 =	sadd.s32 s29, s11;
	[sflag:s15] =	ssyncadd.s32 $0xFFFFC000  }
0x53: {  	[tilespmem:s17], [sflag:$0x2] =	stream.linear.gather [hbm4b:s29+s3], $0x80, $0x38;
	[tilespmem:$0x1BD00] =	vst v63  }
0x54: {  	s26 =	sadd.s32 $0x1000, s26  }
0x55: {  	[tilespmem:s18], [sflag:$0x4] =	stream.linear.gather [hbm4b:s28+s3], $0x4000, $0x38;
	[tilespmem:$0x1BD00] =	vst v63  }
0x56: {  	_ =	swait.ge [sflag:s19], $0x80  }
0x57: {  	[sflag:s19] =	ssyncset.done $0x0  }
0x58: {  	[sflag:s19] =	ssyncadd.s32 $0xFFFFFF80  }
0x59: {  	_ =	swait.ge [sflag:s20], $0x4000  }
0x5a: {  	[sflag:s20] =	ssyncset.done $0x0  }
0x5b: {  	[sflag:s20] =	ssyncadd.s32 $0xFFFFC000  }
0x5c: {  	[spmem:s2] =	stream.indirect.scatter.add.f32 [tilespmem:s16], [sflag:$0x5], $0x80, s3, s17, $0xb8;
	[tilespmem:$0x1BD00] =	vst v63  }
0x5d: {  	_ =	swait.ge [sflag:s15], $0x4000  }
0x5e: {  	[sflag:s15] =	ssyncset.done $0x0  }
0x5f: {  	[sflag:s15] =	ssyncadd.s32 $0xFFFFC000  }
0x60: {  	[tilespmem:s3], [sflag:$0x1] =	stream.linear.gather [hbm4b:s6+s3], $0x80, $0x38;
	[tilespmem:$0x1BD00] =	vst v63  }
0x61: {  	_ = 	snop  }
0x62: {  	[tilespmem:s16], [sflag:$0x3] =	stream.linear.gather [hbm4b:s7+s3], $0x4000, $0x38;
	[tilespmem:$0x1BD00] =	vst v63  }
0x63: {  	_ =	swait.ge [sflag:s21], $0x80  }
0x64: {  	[sflag:s21] =	ssyncset.done $0x0  }
0x65: {  	[sflag:s21] =	ssyncadd.s32 $0xFFFFFF80  }
0x66: {  	_ =	swait.ge [sflag:s22], $0x4000  }
0x67: {  	[sflag:s22] =	ssyncset.done $0x0  }
0x68: {  	[sflag:s22] =	ssyncadd.s32 $0xFFFFC000  }
0x69: {  	[spmem:s2] =	stream.indirect.scatter.add.f32 [tilespmem:s18], [sflag:$0x5], $0x80, s17, s17, $0xb8;
	[tilespmem:$0x1BD00] =	vst v63  }
0x6a: {  	_ =	swait.ge [sflag:s15], $0x4000  }
0x6b: {  	[sflag:s15] =	ssyncset.done $0x0  }
0x6c: {  	[sflag:s15] =	ssyncadd.s32 $0xFFFFC000  }
0x6d: {  	[tilespmem:s17], [sflag:$0x2] =	stream.linear.gather [hbm4b:s8+s3], $0x80, $0x38;
	[tilespmem:$0x1BD00] =	vst v63  }
0x6e: {  	_ = 	snop  }
0x6f: {  	[tilespmem:s18], [sflag:$0x4] =	stream.linear.gather [hbm4b:s9+s3], $0x4000, $0x38;
	[tilespmem:$0x1BD00] =	vst v63  }
0x70: {  	_ =	swait.ge [sflag:s19], $0x80  }
0x71: {  	[sflag:s19] =	ssyncset.done $0x0  }
0x72: {  	[sflag:s19] =	ssyncadd.s32 $0xFFFFFF80  }
0x73: {  	_ =	swait.ge [sflag:s20], $0x4000  }
0x74: {  	[sflag:s20] =	ssyncset.done $0x0  }
0x75: {  	[sflag:s20] =	ssyncadd.s32 $0xFFFFC000  }
0x76: {  	_ =	swait.ge [sflag:s21], $0x80  }
0x77: {  	[sflag:s21] =	ssyncset.done $0x0  }
0x78: {  	[sflag:s21] =	ssyncadd.s32 $0xFFFFFF80  }
0x79: {  	_ =	swait.ge [sflag:s22], $0x4000  }
0x7a: {  	s24 =	sadd.s32 $0x1, s24;
	[sflag:s22] =	ssyncset.done $0x0  }
0x7b: {  	p0 =	sne.s32 s24, s10;
	[sflag:s22] =	ssyncadd.s32 $0xFFFFC000  }
.Ltmp1:
0x7c: {  	[bflag:$0x0] =	sbarrier.arrive $0xFFFF;
	(pc) =	sbr.rel @p0 .LBB2_1-.Ltmp1, $4  }
0x7d: {  	[hbm:s23], [sflag:s5] =	dma.local [spmem:s14], $0x2780  }
0x7e: {  	_ =	swait.ge [sflag:s15], $0x2780  }
0x7f: {  	[sflag:s15] =	ssyncset.done $0x0  }
0x80: {  	[sflag:s15] =	ssyncadd.s32 $0xFFFFD880  }
0x81: {  	_ =	sfence.sel $0x180000  }
0x82: {  	[bflag:$0x0] =	sbarrier.arrive $0xFFFF  }
0x83: {  	p0 =	sne.s32 s1, $0x0;
	_ =	strace $0x9000004D  }
0x84: {  	s0 =	sadd.s32 @!p0 $0x100000, s0;
	[bflag:$0x2] =	sbarrier.arrive $0xFFFF  }
0x85: {  	[sflag:s0] =	ssyncadd.tile.s32 @!p0 $0x1;
	_ =	shalt  }
.Lfunc_end2:
_tile_overlayer_lowered:
.L_overlay_start_2:
0x86: {  	(tag) =	ssettag $0x2  }
0x87: {  	s0 =	rddreg [dreg:$0x0];
	s2 =	stileid.u32  }
0x88: {  	s1 =	rddreg [dreg:$0x1];
	p0 =	sne.s32 s2, $0x0  }
0x89: {  	s3 =	rddreg [dreg:$0x2];
	[bflag:$0x3] =	sbarrier.arrive $0xFFFF;
	s2 =	simm.s32 @!p0 $0x1C05  }
0x8a: {  	[timem:s3], [sflag:s2] =	dma.local @!p0 [hbm:s0], s1  }
0x8b: {  	s0 =	simm.s32 @!p0 $0x5  }
0x8c: {  	_ =	swait.ge @!p0 [sflag:s0], s1  }
0x8d: {  	s1 =	ssub.s32 @!p0 $0x0, s1;
	[sflag:s0] =	ssyncset.done @!p0 $0x0  }
0x8e: {  	[sflag:s0] =	ssyncadd.s32 @!p0 s1  }
0x8f: {  	[bflag:$0x3] =	sbarrier.arrive $0xFFFF  }
0x90: {  	_ =	shalt  }

// kernel: kernel.22.cloned.1.call-start
scs
__scs_entry_jumppad:
0x0: {  	(pc) =	sbr.rel $0x88, $3  }
0x1: {  	(tag) =	ssettag $0x0;
	lr =	simm.s32 $0x1  }
0x2: {  	[smem:$0x3F8E] =	sst lr;
	_ =	strace $0xD0000000  }
0x3: {  	_ = 	snop  }
0x4: {  	_ = 	snop  }
0x5: {  	_ = 	snop  }
0x6: {  	_ = 	snop  }
0x7: {  	_ = 	snop  }
__scs_overlays_trampoline_lowered:
0x8: {  	[smem:$0x3F9D] =	sst s0  }
0x9: {  	[smem:$0x3F9E] =	sst s1  }
0xa: {  	[smem:$0x3F9F] =	sst s2  }
0xb: {  	[smem:$0x3FA0] =	sst s3  }
0xc: {  	[smem:$0x3FA1] =	sst s4  }
0xd: {  	[smem:$0x3FA2] =	sst s5  }
0xe: {  	[smem:$0x3FA3] =	sst s6  }
0xf: {  	[smem:$0x3FA4] =	sst s7  }
0x10: {  	[smem:$0x3FA5] =	sst s8  }
0x11: {  	[smem:$0x3FA6] =	sst s9;
	s0 =	simm.s32 @!p0 $0x0  }
0x12: {  	s1 =	sld [smem:$0x3F8C];
	s0 =	simm.s32 @p0 $0x1  }
0x13: {  	[smem:$0x3FA7] =	sst s0;
	s0 =	simm.s32 @!p1 $0x0  }
0x14: {  	s2 =	sld [smem:$0x3F8B];
	s0 =	simm.s32 @p1 $0x1  }
0x15: {  	[smem:$0x3FA8] =	sst s0;
	s0 =	simm.s32 @!p2 $0x0  }
0x16: {  	s3 =	sld [smem:$0x3FDB];
	s0 =	simm.s32 @p2 $0x1  }
0x17: {  	s4 =	simm.s32 $0x1BF5;
	[smem:$0x3FAA] =	sst s0  }
0x18: {  	s0 =	sld [smem:$0x3F8D];
	_ =	swait.ge [sflag:s4], $0x0  }
0x19: {  	s7 =	sld [smem:$0x3F8E]  }
0x1a: {  	s8 =	sadd.s32 $0xFFFFE003, lr  }
0x1b: {  	s9 =	sadd.s32 $0xFFFFFEF7, lr;
	s5 =	simm.s32 $0xFFFFFFFF;
	p2 =	slt.u32 s8, $0xFFFFF086  }
0x1c: {  	p1 =	slt.u32 s9, $0xF7A;
	s5 =	simm.s32 @!p2 $0x0  }
0x1d: {  	s5 =	simm.s32 @p1 $0x1;
	p0 =	seq.s32 s7, s2  }
0x1e: {  	s7 =	smul.u32 @!p0 $0xF7A, s2;
	p2 =	seq.s32 @!p0 s5, $0x0  }
0x1f: {  	s9 =	smul.u32 $0xF7A, s1;
	s8 =	simm.s32 @!p0 $0x1BF5;
	p2 =	por !p2, p0  }
0x20: {  	[sflag:s8] =	ssyncset.s32 @!p0 $0xFFFFF086;
	s6 =	sadd.s32 @!p0 s3, s7;
	s7 =	simm.s32 @!p0 $0x108  }
0x21: {  	s3 =	sadd.s32 s3, s9;
	s6 =	sadd.s32 @!p0 $0x88, s6;
	s7 =	simm.s32 @p2 $0x1082  }
0x22: {  	[simem:s7], [sflag:s8] =	dma.local @!p0 [hbm:s6], $0xF7A  }
0x23: {  	s9 =	sor.u32 $0xD0000000, s2;
	s6 =	simm.s32 $0x108;
	_ =	swait.ge @!p0 [sflag:s8], $0x0  }
0x24: {  	s3 =	sadd.s32 $0x88, s3;
	s6 =	simm.s32 @!p1 $0x1082;
	[sflag:s4] =	ssyncset.s32 $0xFFFFF086  }
0x25: {  	[simem:s6], [sflag:s4] =	dma.local [hbm:s3], $0xF7A  }
0x26: {  	[smem:$0x3F8E] =	sst s1;
	(tag) =	ssettag s2;
	_ =	strace s9  }
0x27: {  	s1 =	sld [smem:$0x3F9E]  }
0x28: {  	s2 =	sld [smem:$0x3F9F]  }
0x29: {  	s4 =	sld [smem:$0x3FA1]  }
0x2a: {  	p0 =	seq.s32 s5, $0x0;
	s5 =	sld [smem:$0x3FA2]  }
0x2b: {  	s6 =	sld [smem:$0x3FA3]  }
0x2c: {  	s7 =	sld [smem:$0x3FA4]  }
0x2d: {  	s3 =	simm.s32 $0x108;
	s8 =	sld [smem:$0x3FA5]  }
0x2e: {  	s3 =	simm.s32 @!p0 $0x1082;
	s9 =	sld [smem:$0x3FA6]  }
0x2f: {  	lr =	sadd.s32 s0, s3;
	s0 =	sld [smem:$0x3F9D]  }
0x30: {  	s3 =	sld [smem:$0x3FA0]  }
0x31: {  	[smem:$0x3FA9] =	sst s10  }
0x32: {  	s10 =	sld [smem:$0x3FA7];
	_ =	sdelay $0x3  }
0x33: {  	p0 =	seq.s32 s10, $0x1;
	s10 =	sld [smem:$0x3FA9];
	_ =	sdelay $0x3  }
0x34: {  	[smem:$0x3FA9] =	sst s10  }
0x35: {  	s10 =	sld [smem:$0x3FA8];
	_ =	sdelay $0x3  }
0x36: {  	p1 =	seq.s32 s10, $0x1;
	s10 =	sld [smem:$0x3FA9];
	_ =	sdelay $0x3  }
0x37: {  	[smem:$0x3FA9] =	sst s10  }
0x38: {  	s10 =	sld [smem:$0x3FAA]  }
0x39: {  	_ = 	snop;
	(pc) =	sbr.ind lr, $3  }
0x3a: {  	_ = 	snop  }
0x3b: {  	_ = 	snop  }
0x3c: {  	p2 =	seq.s32 s10, $0x1;
	s10 =	sld [smem:$0x3FA9]  }
0x3d: {  	_ =	shalt  }
0x3e: {  	_ =	shalt  }
0x3f: {  	_ =	shalt  }
0x40: {  	_ =	shalt  }
0x41: {  	_ =	shalt  }
0x42: {  	_ =	shalt  }
0x43: {  	_ =	shalt  }
0x44: {  	_ =	shalt  }
0x45: {  	_ =	shalt  }
0x46: {  	_ =	shalt  }
0x47: {  	_ =	shalt  }
0x48: {  	_ =	shalt  }
0x49: {  	_ =	shalt  }
0x4a: {  	_ =	shalt  }
0x4b: {  	_ =	shalt  }
0x4c: {  	_ =	shalt  }
0x4d: {  	_ =	shalt  }
0x4e: {  	_ =	shalt  }
0x4f: {  	_ =	shalt  }
0x50: {  	_ =	shalt  }
0x51: {  	_ =	shalt  }
0x52: {  	_ =	shalt  }
0x53: {  	_ =	shalt  }
0x54: {  	_ =	shalt  }
0x55: {  	_ =	shalt  }
0x56: {  	_ =	shalt  }
0x57: {  	_ =	shalt  }
0x58: {  	_ =	shalt  }
0x59: {  	_ =	shalt  }
0x5a: {  	_ =	shalt  }
0x5b: {  	_ =	shalt  }
0x5c: {  	_ =	shalt  }
0x5d: {  	_ =	shalt  }
0x5e: {  	_ =	shalt  }
0x5f: {  	_ =	shalt  }
0x60: {  	_ =	shalt  }
0x61: {  	_ =	shalt  }
0x62: {  	_ =	shalt  }
0x63: {  	_ =	shalt  }
0x64: {  	_ =	shalt  }
0x65: {  	_ =	shalt  }
0x66: {  	_ =	shalt  }
0x67: {  	_ =	shalt  }
0x68: {  	_ =	shalt  }
0x69: {  	_ =	shalt  }
0x6a: {  	_ =	shalt  }
0x6b: {  	_ =	shalt  }
0x6c: {  	_ =	shalt  }
0x6d: {  	_ =	shalt  }
0x6e: {  	_ =	shalt  }
0x6f: {  	_ =	shalt  }
0x70: {  	_ =	shalt  }
0x71: {  	_ =	shalt  }
0x72: {  	_ =	shalt  }
0x73: {  	_ =	shalt  }
0x74: {  	_ =	shalt  }
0x75: {  	_ =	shalt  }
0x76: {  	_ =	shalt  }
0x77: {  	_ =	shalt  }
0x78: {  	_ =	shalt  }
0x79: {  	_ =	shalt  }
0x7a: {  	_ =	shalt  }
0x7b: {  	_ =	shalt  }
0x7c: {  	_ =	shalt  }
0x7d: {  	_ =	shalt  }
0x7e: {  	_ =	shalt  }
0x7f: {  	_ =	shalt  }
0x80: {  	_ =	shalt  }
0x81: {  	_ =	shalt  }
0x82: {  	_ =	shalt  }
0x83: {  	_ =	shalt  }
0x84: {  	_ =	shalt  }
0x85: {  	_ =	shalt  }
0x86: {  	_ =	shalt  }
0x87: {  	_ =	shalt  }
.Lfunc_end0:
.L_simem_size_0:
called_computation.3_lowered:
.L_overlay_start_0:
0x88: {  	s2 =	sld [smem:$0x3FD9]  }
0x89: {  	s3 =	sld [smem:$0x3FFE];
	_ =	sdelay $0x1  }
0x8a: {  	s1 =	srdreg.scid  }
0x8b: {  	s0 =	sand.u32 $0x1, s1  }
0x8c: {  	s17 =	sshll.u32 s0, $0xA;
	s2 =	sadd.s32 s3, s2  }
0x8d: {  	s2 =	sadd.s32 s2, s17  }
0x8e: {  	[smem:$0x3FB5] =	sst s2  }
0x8f: {  	_ = 	snop  }
0x90: {  	(tm) =	ssettm $0x1  }
0x91: {  	s18 =	sld [smem:$0x3FFB];
	_ =	sdelay $0x3  }
0x92: {  	_ =	strace s18  }
0x93: {  	s2 =	sld [smem:$0x3FFC];
	_ =	sdelay $0x3  }
0x94: {  	_ =	strace s2  }
0x95: {  	s2 =	sld [smem:$0x3FFD];
	_ =	sdelay $0x3  }
0x96: {  	_ =	strace s2  }
0x97: {  	_ =	strace $0x8FFFFFFF  }
0x98: {  	s19 =	sld [smem:$0x3FDB];
	_ =	sdelay $0x1  }
0x99: {  	s20 =	simm.s32 $_scs_section_size  }
0x9a: {  	s4 =	simm.s32 $_size__tile_overlayer_lowered;
	s5 =	simm.s32 $_tile_overlayer_lowered  }
0x9b: {  	s6 =	simm.s32 $0x1BFF;
	s21 =	sshll.u32 s5, $0x1;
	s3 =	sadd.s32 s20, s19  }
0x9c: {  	s22 =	simm.s32 $0x0;
	s4 =	sshll.u32 s4, $0x1;
	s5 =	sadd.s32 s21, s3  }
0x9d: {  	[timem:s22], [sflag:s6] =	dma.local [hbm:s5], s4  }
0x9e: {  	_ =	swait.ge [sflag:s6], s4  }
0x9f: {  	s4 =	ssub.s32 $0x0, s4;
	[sflag:s6] =	ssyncset.done $0x0  }
0xa0: {  	[sflag:s6] =	ssyncadd.s32 s4;
	_ =	sdelay $0x1  }
0xa1: {  	s23 =	simm.s32 $0x1B8B  }
0xa2: {  	_ =	swait.ge [sflag:s23], $0x1  }
0xa3: {  	[sflag:s23] =	ssyncset.done $0x0  }
0xa4: {  	[sflag:s23] =	ssyncadd.s32 $0xFFFFFFFF  }
0xa5: {  	s4 =	sld [smem:$0x0]  }
0xa6: {  	s5 =	sand.u32 $0xFFFFFFFE, s1  }
0xa7: {  	p0 =	sne.s32 s1, s5  }
0xa8: {  	s5 =	sshll.u32 @p0 s5, $0xE  }
0xa9: {  	s5 =	sadd.s32 @p0 $0x11B8D, s5;
	s6 =	sshll.u32 @p0 s4, $0x11  }
0xaa: {  	s5 =	sor.u32 @p0 s6, s5  }
0xab: {  	[sflag:s5] =	ssyncadd.remote.s32 @p0 $0x1;
	_ =	sdelay $0x1  }
0xac: {  	s5 =	simm.s32 @p0 $0x1B8D  }
0xad: {  	_ =	swait.eq @p0 [sflag:s5], $0x1  }
0xae: {  	[sflag:s5] =	ssyncadd.s32 @p0 $0xFFFFFFFF  }
0xaf: {  	s6 =	sshll.u32 @!p0 s1, $0xE  }
0xb0: {  	s6 =	sor.u32 @!p0 $0x4000, s6;
	s5 =	simm.s32 @!p0 $0x1B8D  }
0xb1: {  	s4 =	sshll.u32 @!p0 s4, $0x11;
	s6 =	sadd.s32 @!p0 $0x11B8D, s6;
	_ =	swait.eq @!p0 [sflag:s5], $0x1  }
0xb2: {  	s4 =	sor.u32 @!p0 s4, s6;
	[sflag:s5] =	ssyncadd.s32 @!p0 $0xFFFFFFFF  }
0xb3: {  	s25 =	simm.s32 $0x1B8E;
	s24 =	sld [smem:$0x3FFE];
	[sflag:s4] =	ssyncadd.remote.s32 @!p0 $0x1  }
0xb4: {  	s26 =	simm.s32 $execute0_lowered;
	[smem:$0x3FD2] =	sst s25  }
0xb5: {  	s5 =	sshll.u32 s26, $0x1;
	_ =	strace $0x8000004F;
	[dreg:$0x1] =	wrdreg $0xFFFFFFFF  }
0xb6: {  	s28 =	simm.s32 $_size_execute0_lowered;
	s3 =	sadd.s32 s3, s5;
	[dreg:$0x0] =	wrdreg $0x0  }
0xb7: {  	s5 =	sshll.u32 s28, $0x1;
	[dreg:$0x2] =	wrdreg s3  }
0xb8: {  	[dreg:$0x3] =	wrdreg s5  }
0xb9: {  	[dreg:$0x4] =	wrdreg $0xC0  }
0xba: {  	_ =	task [dreg:s22], $0x5FFFF  }
0xbb: {  	[dreg:$0x1] =	wrdreg $0xFFFFFFFF  }
0xbc: {  	[dreg:$0x0] =	wrdreg $0x60  }
0xbd: {  	[dreg:$0x2] =	wrdreg s24  }
0xbe: {  	[dreg:$0x3] =	wrdreg $0x81000  }
0xbf: {  	[dreg:$0x4] =	wrdreg $0x9  }
0xc0: {  	_ =	task.clear_ibuf [dreg:s22], $0x5FFFF;
	_ =	strace $0x9000004F  }
0xc1: {  	s29 =	simm.s32 $0x9;
	_ =	strace $0x80000051  }
0xc2: {  	_ =	swait.ge [sflag:s29], $0x1  }
0xc3: {  	[sflag:s29] =	ssyncadd.s32 $0xFFFFFFFF  }
0xc4: {  	_ =	strace $0x90000051  }
0xc5: {  	_ =	sfence  }
0xc6: {  	s30 =	sld [smem:$0x0];
	_ =	sdelay $0x2  }
0xc7: {  	s31 =	sshll.u32 s1, $0xD;
	s1 =	sshrl.u32 s1, $0x2  }
0xc8: {  	s4 =	sand.u32 $0x4000, s31;
	s1 =	sadd.s32 s1, s30  }
0xc9: {  	s0 =	sor.u32 s4, s0;
	s1 =	sshll.u32 s1, $0x11  }
0xca: {  	s0 =	sor.u32 s1, s0  }
0xcb: {  	s0 =	sadd.s32 $0x8F2B, s0  }
0xcc: {  	[sflag:s0] =	ssyncadd.remote.s32 $0x1  }
0xcd: {  	_ =	sfence.sel $0xFFFF  }
0xce: {  	[dreg:$0x0] =	wrdreg $0xFFFFFFFF;
	(pc) =	sbr.abs _section_cstart, $3  }
0xcf: {  	[dreg:$0x1] =	wrdreg $0xFFFFFFFF  }
0xd0: {  	_ =	task.clear_ibuf [dreg:s22], $0x2FFFF;
	_ =	strace $0x9FFFFFFF  }
0xd1: {  	(tm) =	ssettm $0x7FFFFFFF  }
tec
execute0_lowered:
.L_overlay_start_1:
0x0: {  	(tag) =	ssettag $0x1  }
0x1: {  	s4 =	rddreg [dreg:$0x0]  }
0x2: {  	s2 =	rddreg [dreg:$0x1];
	s1 =	stileid.u32  }
0x3: {  	s0 =	rddreg [dreg:$0x2];
	s3 =	simm.s32 $0x0;
	s23 =	smul.u32 $0x2780, s1  }
0x4: {  	s5 =	srdreg.scid;
	s18 =	simm.s32 $0x4100;
	s7 =	smul.u32 $0x4F000, s1  }
0x5: {  	s19 =	simm.s32 $0x1;
	[smem:$0x7FF] =	sst s3;
	s12 =	smul.u32 $0x1400, s1  }
0x6: {  	s9 =	sand.u32 $0x1, s5;
	s11 =	sadd.s32 $0x54C400, s4;
	s28 =	smul.u32 $0x14000, s1  }
0x7: {  	s13 =	sadd.s32 $0x2C7400, s4;
	s22 =	sshll.u32 s1, $0x6;
	s5 =	smul.u32 $0x27800, s9  }
0x8: {  	_ =	strace $0x80000050;
	s20 =	ssub.s32 $0x2, s9;
	s8 =	smul.u32 $0x14000, s9  }
0x9: {  	s17 =	smul.u32 $0x140000, s9;
	s6 =	sadd.s32 s23, s4;
	s21 =	sshrl.u32 s20, $0x1  }
0xa: {  	s7 =	sshrl.u32 s7, $0x2;
	s10 =	sadd.s32 s5, s4;
	s14 =	ssub.s32 s20, s21  }
0xb: {  	s15 =	sadd.s32 s7, s2;
	s4 =	sadd.s32 $0x38600, s6;
	s5 =	sor.u32 $0x1C05, s22  }
0xc: {  	s12 =	sadd.s32 s12, s8;
	s20 =	simm.s32 $0x3;
	s21 =	simm.s32 $0x2  }
0xd: {  	s22 =	simm.s32 $0x4;
	s24 =	sshrl.u32 s12, $0x3;
	s25 =	sshll.u32 s12, $0x4  }
0xe: {  	s16 =	sor.u32 $0x80, s12;
	s29 =	sor.u32 $0x180, s12;
	s30 =	sor.u32 $0x100, s12  }
0xf: {  	s6 =	sadd.s32 s13, s24;
	s7 =	sadd.s32 s11, s25;
	s26 =	sshrl.u32 s16, $0x3  }
0x10: {  	s16 =	sshll.u32 s16, $0x4;
	s24 =	sadd.s32 $0xAEE00, s10;
	s10 =	smax.u32 s14, $0x1  }
0x11: {  	s14 =	sshrl.u32 s29, $0x3;
	s31 =	sshrl.u32 s30, $0x3;
	s8 =	sadd.s32 s13, s26  }
0x12: {  	s9 =	sadd.s32 s11, s16;
	s11 =	sadd.s32 s17, s11;
	s17 =	simm.s32 $0x80  }
0x13: {  	s23 =	sadd.s32 s23, s24;
	s24 =	simm.s32 $0x0;
	s16 =	sadd.s32 s28, s11  }
0x14: {  	s11 =	sadd.s32 s14, s13;
	s13 =	sadd.s32 s31, s13;
	s14 =	sshrl.u32 s15, $0x3  }
0x15: {  	s15 =	simm.s32 $0x5;
	s12 =	sadd.s32 $0x1800, s16;
	s16 =	simm.s32 $0x100  }
.LBB2_1:
0x16: {  	[spmem:s14], [sflag:s5] =	dma.local [hbm:s4], $0x2780  }
0x17: {  	_ =	swait.ge [sflag:s15], $0x2780  }
0x18: {  	[sflag:s15] =	ssyncset.done $0x0  }
0x19: {  	[sflag:s15] =	ssyncadd.s32 $0xFFFFD880  }
0x1a: {  	[tilespmem:s3], [sflag:$0x1] =	stream.linear.gather [hbm4b:s6+s3], $0x80, $0x38;
	[tilespmem:$0x1BD00] =	vst v63  }
0x1b: {  	_ = 	snop  }
0x1c: {  	[tilespmem:s16], [sflag:$0x3] =	stream.linear.gather [hbm4b:s7+s3], $0x4000, $0x38;
	[tilespmem:$0x1BD00] =	vst v63  }
0x1d: {  	_ = 	snop  }
0x1e: {  	[tilespmem:s17], [sflag:$0x2] =	stream.linear.gather [hbm4b:s8+s3], $0x80, $0x38;
	[tilespmem:$0x1BD00] =	vst v63  }
0x1f: {  	_ = 	snop  }
0x20: {  	[tilespmem:s18], [sflag:$0x4] =	stream.linear.gather [hbm4b:s9+s3], $0x4000, $0x38;
	[tilespmem:$0x1BD00] =	vst v63  }
0x21: {  	[bflag:$0x0] =	sbarrier.arrive $0xFFFF  }
0x22: {  	_ =	swait.ge [sflag:s19], $0x80  }
0x23: {  	[sflag:s19] =	ssyncset.done $0x0  }
0x24: {  	[sflag:s19] =	ssyncadd.s32 $0xFFFFFF80  }
0x25: {  	_ =	swait.ge [sflag:s20], $0x4000  }
0x26: {  	[sflag:s20] =	ssyncset.done $0x0  }
0x27: {  	[sflag:s20] =	ssyncadd.s32 $0xFFFFC000  }
0x28: {  	[spmem:s2] =	stream.indirect.scatter.add.f32 [tilespmem:s16], [sflag:$0x5], $0x80, s3, s17, $0xb8;
	[tilespmem:$0x1BD00] =	vst v63  }
0x29: {  	_ =	swait.ge [sflag:s15], $0x4000  }
0x2a: {  	[sflag:s15] =	ssyncset.done $0x0  }
0x2b: {  	s25 =	sadd.s32 $0x0, s13;
	[sflag:s15] =	ssyncadd.s32 $0xFFFFC000  }
0x2c: {  	[tilespmem:s3], [sflag:$0x1] =	stream.linear.gather [hbm4b:s25+s3], $0x80, $0x38;
	[tilespmem:$0x1BD00] =	vst v63  }
0x2d: {  	s30 =	sadd.s32 $0xFFFFF800, s12  }
0x2e: {  	[tilespmem:s16], [sflag:$0x3] =	stream.linear.gather [hbm4b:s30+s3], $0x4000, $0x38;
	[tilespmem:$0x1BD00] =	vst v63  }
0x2f: {  	_ =	swait.ge [sflag:s21], $0x80  }
0x30: {  	[sflag:s21] =	ssyncset.done $0x0  }
0x31: {  	[sflag:s21] =	ssyncadd.s32 $0xFFFFFF80  }
0x32: {  	_ =	swait.ge [sflag:s22], $0x4000  }
0x33: {  	[sflag:s22] =	ssyncset.done $0x0  }
0x34: {  	[sflag:s22] =	ssyncadd.s32 $0xFFFFC000  }
0x35: {  	[spmem:s2] =	stream.indirect.scatter.add.f32 [tilespmem:s18], [sflag:$0x5], $0x80, s17, s17, $0xb8;
	[tilespmem:$0x1BD00] =	vst v63  }
0x36: {  	_ =	swait.ge [sflag:s15], $0x4000  }
0x37: {  	s31 =	sadd.s32 $0x0, s11;
	s26 =	sadd.s32 $0x1000, s12;
	[sflag:s15] =	ssyncset.done $0x0  }
0x38: {  	s28 =	smov.u32 s12;
	s25 =	simm.s32 $0x20;
	[sflag:s15] =	ssyncadd.s32 $0xFFFFC000  }
0x39: {  	[tilespmem:s17], [sflag:$0x2] =	stream.linear.gather [hbm4b:s31+s3], $0x80, $0x38;
	[tilespmem:$0x1BD00] =	vst v63  }
.LBB2_2:
0x3a: {  	[tilespmem:s18], [sflag:$0x4] =	stream.linear.gather [hbm4b:s28+s3], $0x4000, $0x38;
	[tilespmem:$0x1BD00] =	vst v63  }
0x3b: {  	s29 =	smov.u32 s25;
	s28 =	smov.u32 s26  }
0x3c: {  	p0 =	sne.s32 s25, $0x240;
	s25 =	sadd.s32 $0x20, s25;
	_ =	swait.ge [sflag:s19], $0x80  }
0x3d: {  	[sflag:s19] =	ssyncset.done $0x0  }
0x3e: {  	[sflag:s19] =	ssyncadd.s32 $0xFFFFFF80  }
0x3f: {  	_ =	swait.ge [sflag:s20], $0x4000  }
0x40: {  	[sflag:s20] =	ssyncset.done $0x0  }
0x41: {  	[sflag:s20] =	ssyncadd.s32 $0xFFFFC000  }
0x42: {  	[spmem:s2] =	stream.indirect.scatter.add.f32 [tilespmem:s16], [sflag:$0x5], $0x80, s3, s17, $0xb8;
	[tilespmem:$0x1BD00] =	vst v63  }
0x43: {  	_ =	swait.ge [sflag:s15], $0x4000  }
0x44: {  	[sflag:s15] =	ssyncset.done $0x0  }
0x45: {  	s30 =	sadd.s32 s29, s13;
	[sflag:s15] =	ssyncadd.s32 $0xFFFFC000  }
0x46: {  	[tilespmem:s3], [sflag:$0x1] =	stream.linear.gather [hbm4b:s30+s3], $0x80, $0x38;
	[tilespmem:$0x1BD00] =	vst v63  }
0x47: {  	s30 =	sadd.s32 $0xFFFFF800, s26  }
0x48: {  	[tilespmem:s16], [sflag:$0x3] =	stream.linear.gather [hbm4b:s30+s3], $0x4000, $0x38;
	[tilespmem:$0x1BD00] =	vst v63  }
0x49: {  	_ =	swait.ge [sflag:s21], $0x80  }
0x4a: {  	[sflag:s21] =	ssyncset.done $0x0  }
0x4b: {  	[sflag:s21] =	ssyncadd.s32 $0xFFFFFF80  }
0x4c: {  	_ =	swait.ge [sflag:s22], $0x4000  }
0x4d: {  	[sflag:s22] =	ssyncset.done $0x0  }
0x4e: {  	[sflag:s22] =	ssyncadd.s32 $0xFFFFC000  }
0x4f: {  	[spmem:s2] =	stream.indirect.scatter.add.f32 [tilespmem:s18], [sflag:$0x5], $0x80, s17, s17, $0xb8;
	[tilespmem:$0x1BD00] =	vst v63  }
.Ltmp0:
0x50: {  	_ =	swait.ge [sflag:s15], $0x4000;
	(pc) =	sbr.rel @p0 .LBB2_2-.Ltmp0, $4  }
0x51: {  	[sflag:s15] =	ssyncset.done $0x0  }
0x52: {  	s29 =	sadd.s32 s29, s11;
	[sflag:s15] =	ssyncadd.s32 $0xFFFFC000  }
0x53: {  	[tilespmem:s17], [sflag:$0x2] =	stream.linear.gather [hbm4b:s29+s3], $0x80, $0x38;
	[tilespmem:$0x1BD00] =	vst v63  }
0x54: {  	s26 =	sadd.s32 $0x1000, s26  }
0x55: {  	[tilespmem:s18], [sflag:$0x4] =	stream.linear.gather [hbm4b:s28+s3], $0x4000, $0x38;
	[tilespmem:$0x1BD00] =	vst v63  }
0x56: {  	_ =	swait.ge [sflag:s19], $0x80  }
0x57: {  	[sflag:s19] =	ssyncset.done $0x0  }
0x58: {  	[sflag:s19] =	ssyncadd.s32 $0xFFFFFF80  }
0x59: {  	_ =	swait.ge [sflag:s20], $0x4000  }
0x5a: {  	[sflag:s20] =	ssyncset.done $0x0  }
0x5b: {  	[sflag:s20] =	ssyncadd.s32 $0xFFFFC000  }
0x5c: {  	[spmem:s2] =	stream.indirect.scatter.add.f32 [tilespmem:s16], [sflag:$0x5], $0x80, s3, s17, $0xb8;
	[tilespmem:$0x1BD00] =	vst v63  }
0x5d: {  	_ =	swait.ge [sflag:s15], $0x4000  }
0x5e: {  	[sflag:s15] =	ssyncset.done $0x0  }
0x5f: {  	[sflag:s15] =	ssyncadd.s32 $0xFFFFC000  }
0x60: {  	[tilespmem:s3], [sflag:$0x1] =	stream.linear.gather [hbm4b:s6+s3], $0x80, $0x38;
	[tilespmem:$0x1BD00] =	vst v63  }
0x61: {  	_ = 	snop  }
0x62: {  	[tilespmem:s16], [sflag:$0x3] =	stream.linear.gather [hbm4b:s7+s3], $0x4000, $0x38;
	[tilespmem:$0x1BD00] =	vst v63  }
0x63: {  	_ =	swait.ge [sflag:s21], $0x80  }
0x64: {  	[sflag:s21] =	ssyncset.done $0x0  }
0x65: {  	[sflag:s21] =	ssyncadd.s32 $0xFFFFFF80  }
0x66: {  	_ =	swait.ge [sflag:s22], $0x4000  }
0x67: {  	[sflag:s22] =	ssyncset.done $0x0  }
0x68: {  	[sflag:s22] =	ssyncadd.s32 $0xFFFFC000  }
0x69: {  	[spmem:s2] =	stream.indirect.scatter.add.f32 [tilespmem:s18], [sflag:$0x5], $0x80, s17, s17, $0xb8;
	[tilespmem:$0x1BD00] =	vst v63  }
0x6a: {  	_ =	swait.ge [sflag:s15], $0x4000  }
0x6b: {  	[sflag:s15] =	ssyncset.done $0x0  }
0x6c: {  	[sflag:s15] =	ssyncadd.s32 $0xFFFFC000  }
0x6d: {  	[tilespmem:s17], [sflag:$0x2] =	stream.linear.gather [hbm4b:s8+s3], $0x80, $0x38;
	[tilespmem:$0x1BD00] =	vst v63  }
0x6e: {  	_ = 	snop  }
0x6f: {  	[tilespmem:s18], [sflag:$0x4] =	stream.linear.gather [hbm4b:s9+s3], $0x4000, $0x38;
	[tilespmem:$0x1BD00] =	vst v63  }
0x70: {  	_ =	swait.ge [sflag:s19], $0x80  }
0x71: {  	[sflag:s19] =	ssyncset.done $0x0  }
0x72: {  	[sflag:s19] =	ssyncadd.s32 $0xFFFFFF80  }
0x73: {  	_ =	swait.ge [sflag:s20], $0x4000  }
0x74: {  	[sflag:s20] =	ssyncset.done $0x0  }
0x75: {  	[sflag:s20] =	ssyncadd.s32 $0xFFFFC000  }
0x76: {  	_ =	swait.ge [sflag:s21], $0x80  }
0x77: {  	[sflag:s21] =	ssyncset.done $0x0  }
0x78: {  	[sflag:s21] =	ssyncadd.s32 $0xFFFFFF80  }
0x79: {  	_ =	swait.ge [sflag:s22], $0x4000  }
0x7a: {  	s24 =	sadd.s32 $0x1, s24;
	[sflag:s22] =	ssyncset.done $0x0  }
0x7b: {  	p0 =	sne.s32 s24, s10;
	[sflag:s22] =	ssyncadd.s32 $0xFFFFC000  }
.Ltmp1:
0x7c: {  	[bflag:$0x0] =	sbarrier.arrive $0xFFFF;
	(pc) =	sbr.rel @p0 .LBB2_1-.Ltmp1, $4  }
0x7d: {  	[hbm:s23], [sflag:s5] =	dma.local [spmem:s14], $0x2780  }
0x7e: {  	_ =	swait.ge [sflag:s15], $0x2780  }
0x7f: {  	[sflag:s15] =	ssyncset.done $0x0  }
0x80: {  	[sflag:s15] =	ssyncadd.s32 $0xFFFFD880  }
0x81: {  	_ =	sfence.sel $0x180000  }
0x82: {  	[bflag:$0x0] =	sbarrier.arrive $0xFFFF  }
0x83: {  	p0 =	sne.s32 s1, $0x0;
	_ =	strace $0x90000050  }
0x84: {  	s0 =	sadd.s32 @!p0 $0x100000, s0;
	[bflag:$0x2] =	sbarrier.arrive $0xFFFF  }
0x85: {  	[sflag:s0] =	ssyncadd.tile.s32 @!p0 $0x1;
	_ =	shalt  }
.Lfunc_end2:
_tile_overlayer_lowered:
.L_overlay_start_2:
0x86: {  	(tag) =	ssettag $0x2  }
0x87: {  	s0 =	rddreg [dreg:$0x0];
	s2 =	stileid.u32  }
0x88: {  	s1 =	rddreg [dreg:$0x1];
	p0 =	sne.s32 s2, $0x0  }
0x89: {  	s3 =	rddreg [dreg:$0x2];
	[bflag:$0x3] =	sbarrier.arrive $0xFFFF;
	s2 =	simm.s32 @!p0 $0x1C05  }
0x8a: {  	[timem:s3], [sflag:s2] =	dma.local @!p0 [hbm:s0], s1  }
0x8b: {  	s0 =	simm.s32 @!p0 $0x5  }
0x8c: {  	_ =	swait.ge @!p0 [sflag:s0], s1  }
0x8d: {  	s1 =	ssub.s32 @!p0 $0x0, s1;
	[sflag:s0] =	ssyncset.done @!p0 $0x0  }
0x8e: {  	[sflag:s0] =	ssyncadd.s32 @!p0 s1  }
0x8f: {  	[bflag:$0x3] =	sbarrier.arrive $0xFFFF  }
0x90: {  	_ =	shalt  }

// kernel: kernel.25.cloned.1.call-start
scs
__scs_entry_jumppad:
0x0: {  	(pc) =	sbr.rel $0x88, $3  }
0x1: {  	(tag) =	ssettag $0x0;
	lr =	simm.s32 $0x1  }
0x2: {  	[smem:$0x3F8E] =	sst lr;
	_ =	strace $0xD0000000  }
0x3: {  	_ = 	snop  }
0x4: {  	_ = 	snop  }
0x5: {  	_ = 	snop  }
0x6: {  	_ = 	snop  }
0x7: {  	_ = 	snop  }
__scs_overlays_trampoline_lowered:
0x8: {  	[smem:$0x3F9D] =	sst s0  }
0x9: {  	[smem:$0x3F9E] =	sst s1  }
0xa: {  	[smem:$0x3F9F] =	sst s2  }
0xb: {  	[smem:$0x3FA0] =	sst s3  }
0xc: {  	[smem:$0x3FA1] =	sst s4  }
0xd: {  	[smem:$0x3FA2] =	sst s5  }
0xe: {  	[smem:$0x3FA3] =	sst s6  }
0xf: {  	[smem:$0x3FA4] =	sst s7  }
0x10: {  	[smem:$0x3FA5] =	sst s8  }
0x11: {  	[smem:$0x3FA6] =	sst s9;
	s0 =	simm.s32 @!p0 $0x0  }
0x12: {  	s1 =	sld [smem:$0x3F8C];
	s0 =	simm.s32 @p0 $0x1  }
0x13: {  	[smem:$0x3FA7] =	sst s0;
	s0 =	simm.s32 @!p1 $0x0  }
0x14: {  	s2 =	sld [smem:$0x3F8B];
	s0 =	simm.s32 @p1 $0x1  }
0x15: {  	[smem:$0x3FA8] =	sst s0;
	s0 =	simm.s32 @!p2 $0x0  }
0x16: {  	s3 =	sld [smem:$0x3FDB];
	s0 =	simm.s32 @p2 $0x1  }
0x17: {  	s4 =	simm.s32 $0x1BF5;
	[smem:$0x3FAA] =	sst s0  }
0x18: {  	s0 =	sld [smem:$0x3F8D];
	_ =	swait.ge [sflag:s4], $0x0  }
0x19: {  	s7 =	sld [smem:$0x3F8E]  }
0x1a: {  	s8 =	sadd.s32 $0xFFFFE003, lr  }
0x1b: {  	s9 =	sadd.s32 $0xFFFFFEF7, lr;
	s5 =	simm.s32 $0xFFFFFFFF;
	p2 =	slt.u32 s8, $0xFFFFF086  }
0x1c: {  	p1 =	slt.u32 s9, $0xF7A;
	s5 =	simm.s32 @!p2 $0x0  }
0x1d: {  	s5 =	simm.s32 @p1 $0x1;
	p0 =	seq.s32 s7, s2  }
0x1e: {  	s7 =	smul.u32 @!p0 $0xF7A, s2;
	p2 =	seq.s32 @!p0 s5, $0x0  }
0x1f: {  	s9 =	smul.u32 $0xF7A, s1;
	s8 =	simm.s32 @!p0 $0x1BF5;
	p2 =	por !p2, p0  }
0x20: {  	[sflag:s8] =	ssyncset.s32 @!p0 $0xFFFFF086;
	s6 =	sadd.s32 @!p0 s3, s7;
	s7 =	simm.s32 @!p0 $0x108  }
0x21: {  	s3 =	sadd.s32 s3, s9;
	s6 =	sadd.s32 @!p0 $0x88, s6;
	s7 =	simm.s32 @p2 $0x1082  }
0x22: {  	[simem:s7], [sflag:s8] =	dma.local @!p0 [hbm:s6], $0xF7A  }
0x23: {  	s9 =	sor.u32 $0xD0000000, s2;
	s6 =	simm.s32 $0x108;
	_ =	swait.ge @!p0 [sflag:s8], $0x0  }
0x24: {  	s3 =	sadd.s32 $0x88, s3;
	s6 =	simm.s32 @!p1 $0x1082;
	[sflag:s4] =	ssyncset.s32 $0xFFFFF086  }
0x25: {  	[simem:s6], [sflag:s4] =	dma.local [hbm:s3], $0xF7A  }
0x26: {  	[smem:$0x3F8E] =	sst s1;
	(tag) =	ssettag s2;
	_ =	strace s9  }
0x27: {  	s1 =	sld [smem:$0x3F9E]  }
0x28: {  	s2 =	sld [smem:$0x3F9F]  }
0x29: {  	s4 =	sld [smem:$0x3FA1]  }
0x2a: {  	p0 =	seq.s32 s5, $0x0;
	s5 =	sld [smem:$0x3FA2]  }
0x2b: {  	s6 =	sld [smem:$0x3FA3]  }
0x2c: {  	s7 =	sld [smem:$0x3FA4]  }
0x2d: {  	s3 =	simm.s32 $0x108;
	s8 =	sld [smem:$0x3FA5]  }
0x2e: {  	s3 =	simm.s32 @!p0 $0x1082;
	s9 =	sld [smem:$0x3FA6]  }
0x2f: {  	lr =	sadd.s32 s0, s3;
	s0 =	sld [smem:$0x3F9D]  }
0x30: {  	s3 =	sld [smem:$0x3FA0]  }
0x31: {  	[smem:$0x3FA9] =	sst s10  }
0x32: {  	s10 =	sld [smem:$0x3FA7];
	_ =	sdelay $0x3  }
0x33: {  	p0 =	seq.s32 s10, $0x1;
	s10 =	sld [smem:$0x3FA9];
	_ =	sdelay $0x3  }
0x34: {  	[smem:$0x3FA9] =	sst s10  }
0x35: {  	s10 =	sld [smem:$0x3FA8];
	_ =	sdelay $0x3  }
0x36: {  	p1 =	seq.s32 s10, $0x1;
	s10 =	sld [smem:$0x3FA9];
	_ =	sdelay $0x3  }
0x37: {  	[smem:$0x3FA9] =	sst s10  }
0x38: {  	s10 =	sld [smem:$0x3FAA]  }
0x39: {  	_ = 	snop;
	(pc) =	sbr.ind lr, $3  }
0x3a: {  	_ = 	snop  }
0x3b: {  	_ = 	snop  }
0x3c: {  	p2 =	seq.s32 s10, $0x1;
	s10 =	sld [smem:$0x3FA9]  }
0x3d: {  	_ =	shalt  }
0x3e: {  	_ =	shalt  }
0x3f: {  	_ =	shalt  }
0x40: {  	_ =	shalt  }
0x41: {  	_ =	shalt  }
0x42: {  	_ =	shalt  }
0x43: {  	_ =	shalt  }
0x44: {  	_ =	shalt  }
0x45: {  	_ =	shalt  }
0x46: {  	_ =	shalt  }
0x47: {  	_ =	shalt  }
0x48: {  	_ =	shalt  }
0x49: {  	_ =	shalt  }
0x4a: {  	_ =	shalt  }
0x4b: {  	_ =	shalt  }
0x4c: {  	_ =	shalt  }
0x4d: {  	_ =	shalt  }
0x4e: {  	_ =	shalt  }
0x4f: {  	_ =	shalt  }
0x50: {  	_ =	shalt  }
0x51: {  	_ =	shalt  }
0x52: {  	_ =	shalt  }
0x53: {  	_ =	shalt  }
0x54: {  	_ =	shalt  }
0x55: {  	_ =	shalt  }
0x56: {  	_ =	shalt  }
0x57: {  	_ =	shalt  }
0x58: {  	_ =	shalt  }
0x59: {  	_ =	shalt  }
0x5a: {  	_ =	shalt  }
0x5b: {  	_ =	shalt  }
0x5c: {  	_ =	shalt  }
0x5d: {  	_ =	shalt  }
0x5e: {  	_ =	shalt  }
0x5f: {  	_ =	shalt  }
0x60: {  	_ =	shalt  }
0x61: {  	_ =	shalt  }
0x62: {  	_ =	shalt  }
0x63: {  	_ =	shalt  }
0x64: {  	_ =	shalt  }
0x65: {  	_ =	shalt  }
0x66: {  	_ =	shalt  }
0x67: {  	_ =	shalt  }
0x68: {  	_ =	shalt  }
0x69: {  	_ =	shalt  }
0x6a: {  	_ =	shalt  }
0x6b: {  	_ =	shalt  }
0x6c: {  	_ =	shalt  }
0x6d: {  	_ =	shalt  }
0x6e: {  	_ =	shalt  }
0x6f: {  	_ =	shalt  }
0x70: {  	_ =	shalt  }
0x71: {  	_ =	shalt  }
0x72: {  	_ =	shalt  }
0x73: {  	_ =	shalt  }
0x74: {  	_ =	shalt  }
0x75: {  	_ =	shalt  }
0x76: {  	_ =	shalt  }
0x77: {  	_ =	shalt  }
0x78: {  	_ =	shalt  }
0x79: {  	_ =	shalt  }
0x7a: {  	_ =	shalt  }
0x7b: {  	_ =	shalt  }
0x7c: {  	_ =	shalt  }
0x7d: {  	_ =	shalt  }
0x7e: {  	_ =	shalt  }
0x7f: {  	_ =	shalt  }
0x80: {  	_ =	shalt  }
0x81: {  	_ =	shalt  }
0x82: {  	_ =	shalt  }
0x83: {  	_ =	shalt  }
0x84: {  	_ =	shalt  }
0x85: {  	_ =	shalt  }
0x86: {  	_ =	shalt  }
0x87: {  	_ =	shalt  }
.Lfunc_end0:
.L_simem_size_0:
called_computation.4_lowered:
.L_overlay_start_0:
0x88: {  	s2 =	sld [smem:$0x3FD9]  }
0x89: {  	s3 =	sld [smem:$0x3FFE];
	_ =	sdelay $0x1  }
0x8a: {  	s1 =	srdreg.scid  }
0x8b: {  	s0 =	sand.u32 $0x1, s1  }
0x8c: {  	s16 =	sshll.u32 s0, $0xA;
	s2 =	sadd.s32 s3, s2  }
0x8d: {  	s2 =	sadd.s32 s2, s16  }
0x8e: {  	[smem:$0x3FB5] =	sst s2  }
0x8f: {  	_ = 	snop  }
0x90: {  	(tm) =	ssettm $0x1  }
0x91: {  	s17 =	sld [smem:$0x3FFB];
	_ =	sdelay $0x3  }
0x92: {  	_ =	strace s17  }
0x93: {  	s2 =	sld [smem:$0x3FFC];
	_ =	sdelay $0x3  }
0x94: {  	_ =	strace s2  }
0x95: {  	s2 =	sld [smem:$0x3FFD];
	_ =	sdelay $0x3  }
0x96: {  	_ =	strace s2  }
0x97: {  	_ =	strace $0x8FFFFFFF  }
0x98: {  	s18 =	sld [smem:$0x3FDB];
	_ =	sdelay $0x1  }
0x99: {  	s19 =	simm.s32 $_scs_section_size  }
0x9a: {  	s4 =	simm.s32 $_size__tile_overlayer_lowered;
	s5 =	simm.s32 $_tile_overlayer_lowered  }
0x9b: {  	s22 =	simm.s32 $0x1BFF;
	s21 =	sshll.u32 s5, $0x1;
	s2 =	sadd.s32 s19, s18  }
0x9c: {  	s6 =	simm.s32 $0x0;
	s20 =	sshll.u32 s4, $0x1;
	s4 =	sadd.s32 s21, s2  }
0x9d: {  	[timem:s6], [sflag:s22] =	dma.local [hbm:s4], s20  }
0x9e: {  	_ =	swait.ge [sflag:s22], s20  }
0x9f: {  	s3 =	ssub.s32 $0x0, s20;
	[sflag:s22] =	ssyncset.done $0x0  }
0xa0: {  	[sflag:s22] =	ssyncadd.s32 s3;
	_ =	sdelay $0x1  }
0xa1: {  	s23 =	simm.s32 $0x1B8B  }
0xa2: {  	_ =	swait.ge [sflag:s23], $0x1  }
0xa3: {  	[sflag:s23] =	ssyncset.done $0x0  }
0xa4: {  	s25 =	simm.s32 $0x1B8E;
	s24 =	sld [smem:$0x3FFE];
	[sflag:s23] =	ssyncadd.s32 $0xFFFFFFFF  }
0xa5: {  	s26 =	simm.s32 $execute0_lowered;
	[smem:$0x3FD2] =	sst s25  }
0xa6: {  	s4 =	sshll.u32 s26, $0x1;
	_ =	strace $0x80000052;
	[dreg:$0x1] =	wrdreg $0xFFFFFFFF  }
0xa7: {  	s28 =	simm.s32 $_size_execute0_lowered;
	s2 =	sadd.s32 s2, s4;
	[dreg:$0x0] =	wrdreg $0x0  }
0xa8: {  	s4 =	sshll.u32 s28, $0x1;
	[dreg:$0x2] =	wrdreg s2  }
0xa9: {  	[dreg:$0x3] =	wrdreg s4  }
0xaa: {  	[dreg:$0x4] =	wrdreg $0xC0  }
0xab: {  	_ =	task [dreg:s6], $0x5FFFF  }
0xac: {  	[dreg:$0x1] =	wrdreg $0xFFFFFFFF  }
0xad: {  	[dreg:$0x0] =	wrdreg $0x60  }
0xae: {  	[dreg:$0x2] =	wrdreg s24  }
0xaf: {  	[dreg:$0x3] =	wrdreg $0x81000  }
0xb0: {  	[dreg:$0x4] =	wrdreg $0x9  }
0xb1: {  	_ =	task.clear_ibuf [dreg:s6], $0x5FFFF;
	_ =	strace $0x90000052  }
0xb2: {  	s29 =	simm.s32 $0x9;
	_ =	strace $0x80000054  }
0xb3: {  	_ =	swait.ge [sflag:s29], $0x1  }
0xb4: {  	[sflag:s29] =	ssyncadd.s32 $0xFFFFFFFF  }
0xb5: {  	_ =	strace $0x90000054  }
0xb6: {  	_ =	sfence  }
0xb7: {  	s30 =	sld [smem:$0x0];
	_ =	sdelay $0x2  }
0xb8: {  	s31 =	sshll.u32 s1, $0xD;
	s1 =	sshrl.u32 s1, $0x2  }
0xb9: {  	s3 =	sand.u32 $0x4000, s31;
	s1 =	sadd.s32 s1, s30  }
0xba: {  	s0 =	sor.u32 s3, s0;
	s1 =	sshll.u32 s1, $0x11  }
0xbb: {  	s0 =	sor.u32 s1, s0  }
0xbc: {  	s0 =	sadd.s32 $0x8F2B, s0  }
0xbd: {  	[sflag:s0] =	ssyncadd.remote.s32 $0x1  }
0xbe: {  	_ =	sfence.sel $0xFFFF  }
0xbf: {  	[dreg:$0x0] =	wrdreg $0xFFFFFFFF;
	(pc) =	sbr.abs _section_cstart, $3  }
0xc0: {  	[dreg:$0x1] =	wrdreg $0xFFFFFFFF  }
0xc1: {  	_ =	task.clear_ibuf [dreg:s6], $0x2FFFF;
	_ =	strace $0x9FFFFFFF  }
0xc2: {  	(tm) =	ssettm $0x7FFFFFFF  }
0xc3: {  	_ =	shalt  }
tec
execute0_lowered:
.L_overlay_start_1:
0x0: {  	(tag) =	ssettag $0x1  }
0x1: {  	s0 =	rddreg [dreg:$0x0]  }
0x2: {  	s2 =	rddreg [dreg:$0x1];
	s3 =	simm.s32 $0x0;
	s7 =	stileid.u32  }
0x3: {  	s6 =	srdreg.scid;
	s28 =	simm.s32 $0x80;
	s29 =	simm.s32 $0x4100  }
0x4: {  	s30 =	simm.s32 $0x5;
	s31 =	simm.s32 $0x1;
	s1 =	smul.u32 $0x2800, s7  }
0x5: {  	[smem:$0x7FF] =	sst s3;
	s4 =	sadd.s32 $0x10600, s0;
	s9 =	smul.u32 $0x50000, s7  }
0x6: {  	s5 =	sadd.s32 $0x1A600, s0;
	s8 =	sand.u32 $0x1, s6;
	s11 =	smul.u32 $0x5000, s7  }
0x7: {  	s23 =	sadd.s32 $0x74600, s0;
	s18 =	sadd.s32 $0x574600, s0;
	s17 =	smul.u32 $0x280000, s7  }
0x8: {  	s7 =	smul.u32 $0xA00, s7;
	_ =	strace $0x80000053;
	[dreg:$0x3] =	wrdreg s23  }
0x9: {  	s24 =	ssub.s32 $0x2, s8;
	p0 =	seq.s32 s8, $0x1;
	[dreg:$0x4] =	wrdreg s18  }
0xa: {  	s1 =	sadd.s32 s1, s0;
	s10 =	sshrl.u32 s24, $0x1;
	s12 =	sshrl.u32 s9, $0x2  }
0xb: {  	s26 =	sshrl.u32 s11, $0x3;
	s11 =	sor.u32 $0x80, s11;
	s16 =	sadd.s32 s18, s9  }
0xc: {  	s21 =	sadd.s32 $0x4F800, s9;
	s0 =	ssub.s32 s24, s10;
	s8 =	sadd.s32 s12, s2  }
0xd: {  	s25 =	sadd.s32 $0x24600, s1;
	s10 =	sadd.s32 s4, s26;
	s13 =	sshrl.u32 s11, $0x3  }
0xe: {  	s14 =	sshll.u32 s11, $0x4;
	s11 =	sadd.s32 s23, s9;
	s1 =	sadd.s32 $0x4C600, s1  }
0xf: {  	s24 =	sshrl.u32 s17, $0x3;
	s22 =	sor.u32 $0x10, s26;
	s9 =	simm.s32 $0x2  }
0x10: {  	s12 =	simm.s32 $0x3;
	[dreg:$0x5] =	wrdreg s25;
	s15 =	sadd.s32 s4, s13  }
0x11: {  	s6 =	sadd.s32 s23, s14;
	[dreg:$0x8] =	wrdreg s1;
	s23 =	sadd.s32 s18, s14  }
0x12: {  	s19 =	smax.u32 s0, $0x1;
	s20 =	sadd.s32 $0x4F000, s24;
	s25 =	sadd.s32 s7, s4  }
.Ltmp0:
0x13: {  	s0 =	simm.s32 $0x6;
	[dreg:$0x6] =	wrdreg s15;
	(pc) =	sbr.rel .LBB2_1-.Ltmp0, $4  }
0x14: {  	s14 =	simm.s32 $0x0;
	[dreg:$0x7] =	wrdreg s6;
	s15 =	sadd.s32 s5, s26  }
0x15: {  	s6 =	sadd.s32 s5, s13;
	[dreg:$0xa] =	wrdreg s23;
	s1 =	sadd.s32 $0x30, s25  }
0x16: {  	s26 =	sadd.s32 s7, s5;
	s25 =	simm.s32 $0x7;
	s13 =	simm.s32 $0x4  }
0x17: {  	[dreg:$0x9] =	wrdreg s6;
	s24 =	sadd.s32 $0x30, s26;
	s26 =	simm.s32 $0x100  }
.LBB2_7:
0x18: {  	[tilespmem:s28], [sflag:$0x2] =	stream.linear.gather [hbm4b:s23+s3], $0x80, $0x38;
	[tilespmem:$0x1C100] =	vst v63  }
0x19: {  	s17 =	rddreg [dreg:$0x4];
	s23 =	smov.u32 s15;
	s18 =	smov.u32 s5  }
.LBB2_8:
0x1a: {  	_ =	swait.ge [sflag:s30], $0x4000  }
0x1b: {  	[sflag:s30] =	ssyncset.done $0x0  }
0x1c: {  	[sflag:s30] =	ssyncadd.s32 $0xFFFFC000  }
0x1d: {  	_ =	swait.ge [sflag:s31], $0x80  }
0x1e: {  	[sflag:s31] =	ssyncset.done $0x0  }
0x1f: {  	[sflag:s31] =	ssyncadd.s32 $0xFFFFFF80  }
0x20: {  	[tilespmem:s26], [sflag:$0x3] =	stream.indirect.gather [spmem:s2], $0x80, s3, s28, $0xb8;
	[tilespmem:$0x1C100] =	vst v63  }
0x21: {  	_ =	swait.ge [sflag:s0], $0x4000  }
0x22: {  	[sflag:s0] =	ssyncset.done $0x0  }
0x23: {  	[sflag:s0] =	ssyncadd.s32 $0xFFFFC000  }
0x24: {  	_ =	swait.ge [sflag:s9], $0x80  }
0x25: {  	[sflag:s9] =	ssyncset.done $0x0  }
0x26: {  	[sflag:s9] =	ssyncadd.s32 $0xFFFFFF80  }
0x27: {  	[tilespmem:s29], [sflag:$0x4] =	stream.indirect.gather [spmem:s2], $0x80, s28, s28, $0xb8;
	[tilespmem:$0x1C100] =	vst v63  }
0x28: {  	_ =	swait.ge [sflag:s12], $0x4000  }
0x29: {  	[sflag:s12] =	ssyncset.done $0x0  }
0x2a: {  	s6 =	sadd.s32 s17, s20;
	[sflag:s12] =	ssyncadd.s32 $0xFFFFC000  }
0x2b: {  	[hbm4b:s6+s3] =	stream.linear.scatter [tilespmem:s26], [sflag:$0x5], $0x4000, $0x38;
	[tilespmem:$0x1C100] =	vst v63  }
0x2c: {  	_ = 	snop  }
0x2d: {  	[tilespmem:s3], [sflag:$0x1] =	stream.linear.gather [hbm4b:s23+s3], $0x80, $0x38;
	[tilespmem:$0x1C100] =	vst v63  }
0x2e: {  	_ =	swait.ge [sflag:s13], $0x4000  }
0x2f: {  	[sflag:s13] =	ssyncset.done $0x0  }
0x30: {  	s17 =	sadd.s32 s17, s21;
	[sflag:s13] =	ssyncadd.s32 $0xFFFFC000  }
0x31: {  	[hbm4b:s17+s3] =	stream.linear.scatter [tilespmem:s29], [sflag:$0x6], $0x4000, $0x38;
	[tilespmem:$0x1C100] =	vst v63  }
0x32: {  	s23 =	sadd.s32 s18, s22  }
0x33: {  	[tilespmem:s28], [sflag:$0x2] =	stream.linear.gather [hbm4b:s23+s3], $0x80, $0x38;
	[tilespmem:$0x1C100] =	vst v63  }
0x34: {  	_ =	swait.ge [sflag:s30], $0x4000  }
0x35: {  	[sflag:s30] =	ssyncset.done $0x0  }
0x36: {  	[sflag:s30] =	ssyncadd.s32 $0xFFFFC000  }
0x37: {  	_ =	swait.ge [sflag:s31], $0x80  }
0x38: {  	[sflag:s31] =	ssyncset.done $0x0  }
0x39: {  	s14 =	sadd.s32 $0x1, s14;
	[sflag:s31] =	ssyncadd.s32 $0xFFFFFF80  }
0x3a: {  	p1 =	sne.s32 s14, s19;
	_ =	swait.ge [sflag:s0], $0x4000  }
.Ltmp1:
0x3b: {  	[sflag:s0] =	ssyncset.done $0x0;
	(pc) =	sbr.rel @!p1 .LBB2_9-.Ltmp1, $4  }
0x3c: {  	[sflag:s0] =	ssyncadd.s32 $0xFFFFC000  }
0x3d: {  	_ =	swait.ge [sflag:s9], $0x80  }
0x3e: {  	[sflag:s9] =	ssyncset.done $0x0  }
0x3f: {  	[sflag:s9] =	ssyncadd.s32 $0xFFFFFF80  }
.LBB2_1:
.Ltmp2:
0x40: {  	(pc) =	sbr.rel @!p0 .LBB2_2-.Ltmp2, $4  }
0x41: {  	_ = 	snop  }
0x42: {  	s6 =	stileid.u32  }
0x43: {  	s18 =	sshll.u32 s6, $0x6  }
0x44: {  	s17 =	sshrl.u32 s8, $0x3;
	s18 =	sor.u32 $0x1C07, s18  }
0x45: {  	s6 =	rddreg [dreg:$0x8]  }
0x46: {  	[spmem:s17], [sflag:s18] =	dma.local [hbm:s6], $0x2800  }
0x47: {  	_ =	swait.ge [sflag:s25], $0x2800  }
0x48: {  	[sflag:s25] =	ssyncset.done $0x0  }
0x49: {  	s23 =	simm.s32 $0x0;
	[sflag:s25] =	ssyncadd.s32 $0xFFFFD800  }
0x4a: {  	[tilespmem:s23], [sflag:$0x1] =	stream.linear.gather [hbm4b:s15+s23], $0x80, $0x38;
	[tilespmem:$0x1C100] =	vst v63  }
0x4b: {  	_ = 	snop  }
0x4c: {  	[hbm4b:s16+s23] =	stream.linear.scatter [tilespmem:s26], [sflag:$0x5], $0x4000, $0x38;
	[tilespmem:$0x1C100] =	vst v63  }
0x4d: {  	s7 =	rddreg [dreg:$0x9]  }
0x4e: {  	[tilespmem:s28], [sflag:$0x2] =	stream.linear.gather [hbm4b:s7+s23], $0x80, $0x38;
	[tilespmem:$0x1C100] =	vst v63  }
0x4f: {  	s17 =	rddreg [dreg:$0xa]  }
0x50: {  	[hbm4b:s17+s23] =	stream.linear.scatter [tilespmem:s29], [sflag:$0x6], $0x4000, $0x38;
	[tilespmem:$0x1C100] =	vst v63  }
0x51: {  	[bflag:$0x0] =	sbarrier.arrive $0xFFFF  }
0x52: {  	_ =	swait.ge [sflag:s30], $0x4000  }
0x53: {  	[sflag:s30] =	ssyncset.done $0x0  }
0x54: {  	[sflag:s30] =	ssyncadd.s32 $0xFFFFC000  }
0x55: {  	_ =	swait.ge [sflag:s31], $0x80  }
0x56: {  	[sflag:s31] =	ssyncset.done $0x0  }
0x57: {  	[sflag:s31] =	ssyncadd.s32 $0xFFFFFF80  }
0x58: {  	[tilespmem:s26], [sflag:$0x3] =	stream.indirect.gather [spmem:s2], $0x80, s3, s28, $0xb8;
	[tilespmem:$0x1C100] =	vst v63  }
0x59: {  	_ =	swait.ge [sflag:s0], $0x4000  }
0x5a: {  	[sflag:s0] =	ssyncset.done $0x0  }
0x5b: {  	[sflag:s0] =	ssyncadd.s32 $0xFFFFC000  }
0x5c: {  	_ =	swait.ge [sflag:s9], $0x80  }
0x5d: {  	[sflag:s9] =	ssyncset.done $0x0  }
0x5e: {  	[sflag:s9] =	ssyncadd.s32 $0xFFFFFF80  }
0x5f: {  	[tilespmem:s29], [sflag:$0x4] =	stream.indirect.gather [spmem:s2], $0x80, s28, s28, $0xb8;
	[tilespmem:$0x1C100] =	vst v63  }
0x60: {  	_ =	swait.ge [sflag:s12], $0x4000  }
0x61: {  	[sflag:s12] =	ssyncset.done $0x0  }
0x62: {  	s18 =	sadd.s32 $0x0, s16;
	[sflag:s12] =	ssyncadd.s32 $0xFFFFC000  }
0x63: {  	[hbm4b:s18+s3] =	stream.linear.scatter [tilespmem:s26], [sflag:$0x5], $0x4000, $0x38;
	[tilespmem:$0x1C100] =	vst v63  }
0x64: {  	s23 =	sadd.s32 $0xFFFFFFF0, s24  }
0x65: {  	[tilespmem:s3], [sflag:$0x1] =	stream.linear.gather [hbm4b:s23+s3], $0x80, $0x38;
	[tilespmem:$0x1C100] =	vst v63  }
0x66: {  	_ =	swait.ge [sflag:s13], $0x4000  }
0x67: {  	s6 =	sadd.s32 $0x800, s18;
	s17 =	simm.s32 $0x1000;
	[sflag:s13] =	ssyncset.done $0x0  }
0x68: {  	s18 =	sadd.s32 $0x20, s24;
	s23 =	smov.u32 s24;
	[sflag:s13] =	ssyncadd.s32 $0xFFFFC000  }
0x69: {  	[hbm4b:s6+s3] =	stream.linear.scatter [tilespmem:s29], [sflag:$0x6], $0x4000, $0x38;
	[tilespmem:$0x1C100] =	vst v63  }
.LBB2_6:
0x6a: {  	[tilespmem:s28], [sflag:$0x2] =	stream.linear.gather [hbm4b:s23+s3], $0x80, $0x38;
	[tilespmem:$0x1C100] =	vst v63  }
0x6b: {  	s6 =	smov.u32 s17;
	s23 =	smov.u32 s18  }
0x6c: {  	p1 =	sne.s32 s17, $0x4E000;
	s17 =	sadd.s32 $0x1000, s17;
	_ =	swait.ge [sflag:s30], $0x4000  }
0x6d: {  	[sflag:s30] =	ssyncset.done $0x0  }
0x6e: {  	[sflag:s30] =	ssyncadd.s32 $0xFFFFC000  }
0x6f: {  	_ =	swait.ge [sflag:s31], $0x80  }
0x70: {  	[sflag:s31] =	ssyncset.done $0x0  }
0x71: {  	[sflag:s31] =	ssyncadd.s32 $0xFFFFFF80  }
0x72: {  	[tilespmem:s26], [sflag:$0x3] =	stream.indirect.gather [spmem:s2], $0x80, s3, s28, $0xb8;
	[tilespmem:$0x1C100] =	vst v63  }
0x73: {  	_ =	swait.ge [sflag:s0], $0x4000  }
0x74: {  	[sflag:s0] =	ssyncset.done $0x0  }
0x75: {  	[sflag:s0] =	ssyncadd.s32 $0xFFFFC000  }
0x76: {  	_ =	swait.ge [sflag:s9], $0x80  }
0x77: {  	[sflag:s9] =	ssyncset.done $0x0  }
0x78: {  	[sflag:s9] =	ssyncadd.s32 $0xFFFFFF80  }
0x79: {  	[tilespmem:s29], [sflag:$0x4] =	stream.indirect.gather [spmem:s2], $0x80, s28, s28, $0xb8;
	[tilespmem:$0x1C100] =	vst v63  }
0x7a: {  	_ =	swait.ge [sflag:s12], $0x4000  }
0x7b: {  	[sflag:s12] =	ssyncset.done $0x0  }
0x7c: {  	s6 =	sadd.s32 s6, s16;
	[sflag:s12] =	ssyncadd.s32 $0xFFFFC000  }
0x7d: {  	[hbm4b:s6+s3] =	stream.linear.scatter [tilespmem:s26], [sflag:$0x5], $0x4000, $0x38;
	[tilespmem:$0x1C100] =	vst v63  }
0x7e: {  	s7 =	sadd.s32 $0xFFFFFFF0, s18  }
0x7f: {  	[tilespmem:s3], [sflag:$0x1] =	stream.linear.gather [hbm4b:s7+s3], $0x80, $0x38;
	[tilespmem:$0x1C100] =	vst v63  }
.Ltmp3:
0x80: {  	_ =	swait.ge [sflag:s13], $0x4000;
	(pc) =	sbr.rel @p1 .LBB2_6-.Ltmp3, $4  }
0x81: {  	[sflag:s13] =	ssyncset.done $0x0  }
0x82: {  	s6 =	sadd.s32 $0x800, s6;
	[sflag:s13] =	ssyncadd.s32 $0xFFFFC000  }
0x83: {  	[hbm4b:s6+s3] =	stream.linear.scatter [tilespmem:s29], [sflag:$0x6], $0x4000, $0x38;
	[tilespmem:$0x1C100] =	vst v63  }
0x84: {  	s18 =	sadd.s32 $0x20, s18  }
.Ltmp4:
0x85: {  	_ = 	snop;
	(pc) =	sbr.rel .LBB2_7-.Ltmp4, $1  }
0x86: {  	_ =	sdelay $0x3  }
.LBB2_2:
0x87: {  	s6 =	rddreg [dreg:$0x5]  }
0x88: {  	[spmem:s17], [sflag:s18] =	dma.local [hbm:s6], $0x2800  }
0x89: {  	_ =	swait.ge [sflag:s25], $0x2800  }
0x8a: {  	[sflag:s25] =	ssyncset.done $0x0  }
0x8b: {  	s7 =	simm.s32 $0x0;
	[sflag:s25] =	ssyncadd.s32 $0xFFFFD800  }
0x8c: {  	[tilespmem:s7], [sflag:$0x1] =	stream.linear.gather [hbm4b:s10+s7], $0x80, $0x38;
	[tilespmem:$0x1C100] =	vst v63  }
0x8d: {  	_ = 	snop  }
0x8e: {  	[hbm4b:s11+s7] =	stream.linear.scatter [tilespmem:s26], [sflag:$0x5], $0x4000, $0x38;
	[tilespmem:$0x1C100] =	vst v63  }
0x8f: {  	s18 =	rddreg [dreg:$0x6]  }
0x90: {  	[tilespmem:s28], [sflag:$0x2] =	stream.linear.gather [hbm4b:s18+s7], $0x80, $0x38;
	[tilespmem:$0x1C100] =	vst v63  }
0x91: {  	s23 =	rddreg [dreg:$0x7]  }
0x92: {  	[hbm4b:s23+s7] =	stream.linear.scatter [tilespmem:s29], [sflag:$0x6], $0x4000, $0x38;
	[tilespmem:$0x1C100] =	vst v63  }
0x93: {  	[bflag:$0x0] =	sbarrier.arrive $0xFFFF  }
0x94: {  	_ =	swait.ge [sflag:s30], $0x4000  }
0x95: {  	[sflag:s30] =	ssyncset.done $0x0  }
0x96: {  	[sflag:s30] =	ssyncadd.s32 $0xFFFFC000  }
0x97: {  	_ =	swait.ge [sflag:s31], $0x80  }
0x98: {  	[sflag:s31] =	ssyncset.done $0x0  }
0x99: {  	[sflag:s31] =	ssyncadd.s32 $0xFFFFFF80  }
0x9a: {  	[tilespmem:s26], [sflag:$0x3] =	stream.indirect.gather [spmem:s2], $0x80, s3, s28, $0xb8;
	[tilespmem:$0x1C100] =	vst v63  }
0x9b: {  	_ =	swait.ge [sflag:s0], $0x4000  }
0x9c: {  	[sflag:s0] =	ssyncset.done $0x0  }
0x9d: {  	[sflag:s0] =	ssyncadd.s32 $0xFFFFC000  }
0x9e: {  	_ =	swait.ge [sflag:s9], $0x80  }
0x9f: {  	[sflag:s9] =	ssyncset.done $0x0  }
0xa0: {  	[sflag:s9] =	ssyncadd.s32 $0xFFFFFF80  }
0xa1: {  	[tilespmem:s29], [sflag:$0x4] =	stream.indirect.gather [spmem:s2], $0x80, s28, s28, $0xb8;
	[tilespmem:$0x1C100] =	vst v63  }
0xa2: {  	_ =	swait.ge [sflag:s12], $0x4000  }
0xa3: {  	[sflag:s12] =	ssyncset.done $0x0  }
0xa4: {  	s7 =	sadd.s32 $0x0, s11;
	[sflag:s12] =	ssyncadd.s32 $0xFFFFC000  }
0xa5: {  	[hbm4b:s7+s3] =	stream.linear.scatter [tilespmem:s26], [sflag:$0x5], $0x4000, $0x38;
	[tilespmem:$0x1C100] =	vst v63  }
0xa6: {  	s23 =	sadd.s32 $0xFFFFFFF0, s1  }
0xa7: {  	[tilespmem:s3], [sflag:$0x1] =	stream.linear.gather [hbm4b:s23+s3], $0x80, $0x38;
	[tilespmem:$0x1C100] =	vst v63  }
0xa8: {  	_ =	swait.ge [sflag:s13], $0x4000  }
0xa9: {  	[sflag:s13] =	ssyncset.done $0x0  }
0xaa: {  	s17 =	sadd.s32 $0x800, s7;
	[sflag:s13] =	ssyncadd.s32 $0xFFFFC000  }
0xab: {  	[hbm4b:s17+s3] =	stream.linear.scatter [tilespmem:s29], [sflag:$0x6], $0x4000, $0x38;
	[tilespmem:$0x1C100] =	vst v63  }
0xac: {  	s18 =	sadd.s32 $0x20, s1;
	s23 =	smov.u32 s1;
	s17 =	simm.s32 $0x1000  }
.LBB2_3:
0xad: {  	[tilespmem:s28], [sflag:$0x2] =	stream.linear.gather [hbm4b:s23+s3], $0x80, $0x38;
	[tilespmem:$0x1C100] =	vst v63  }
0xae: {  	s6 =	smov.u32 s17;
	s23 =	smov.u32 s18  }
0xaf: {  	p1 =	seq.s32 s17, $0x4E000;
	s17 =	sadd.s32 $0x1000, s17;
	_ =	swait.ge [sflag:s30], $0x4000  }
0xb0: {  	[sflag:s30] =	ssyncset.done $0x0  }
0xb1: {  	[sflag:s30] =	ssyncadd.s32 $0xFFFFC000  }
0xb2: {  	_ =	swait.ge [sflag:s31], $0x80  }
0xb3: {  	[sflag:s31] =	ssyncset.done $0x0  }
0xb4: {  	[sflag:s31] =	ssyncadd.s32 $0xFFFFFF80  }
0xb5: {  	[tilespmem:s26], [sflag:$0x3] =	stream.indirect.gather [spmem:s2], $0x80, s3, s28, $0xb8;
	[tilespmem:$0x1C100] =	vst v63  }
0xb6: {  	_ =	swait.ge [sflag:s0], $0x4000  }
0xb7: {  	[sflag:s0] =	ssyncset.done $0x0  }
0xb8: {  	[sflag:s0] =	ssyncadd.s32 $0xFFFFC000  }
0xb9: {  	_ =	swait.ge [sflag:s9], $0x80  }
0xba: {  	[sflag:s9] =	ssyncset.done $0x0  }
0xbb: {  	[sflag:s9] =	ssyncadd.s32 $0xFFFFFF80  }
0xbc: {  	[tilespmem:s29], [sflag:$0x4] =	stream.indirect.gather [spmem:s2], $0x80, s28, s28, $0xb8;
	[tilespmem:$0x1C100] =	vst v63  }
0xbd: {  	_ =	swait.ge [sflag:s12], $0x4000  }
0xbe: {  	[sflag:s12] =	ssyncset.done $0x0  }
0xbf: {  	s6 =	sadd.s32 s6, s11;
	[sflag:s12] =	ssyncadd.s32 $0xFFFFC000  }
0xc0: {  	[hbm4b:s6+s3] =	stream.linear.scatter [tilespmem:s26], [sflag:$0x5], $0x4000, $0x38;
	[tilespmem:$0x1C100] =	vst v63  }
0xc1: {  	s7 =	sadd.s32 $0xFFFFFFF0, s18  }
0xc2: {  	[tilespmem:s3], [sflag:$0x1] =	stream.linear.gather [hbm4b:s7+s3], $0x80, $0x38;
	[tilespmem:$0x1C100] =	vst v63  }
.Ltmp5:
0xc3: {  	_ =	swait.ge [sflag:s13], $0x4000;
	(pc) =	sbr.rel @!p1 .LBB2_3-.Ltmp5, $4  }
0xc4: {  	[sflag:s13] =	ssyncset.done $0x0  }
0xc5: {  	s6 =	sadd.s32 $0x800, s6;
	[sflag:s13] =	ssyncadd.s32 $0xFFFFC000  }
0xc6: {  	[hbm4b:s6+s3] =	stream.linear.scatter [tilespmem:s29], [sflag:$0x6], $0x4000, $0x38;
	[tilespmem:$0x1C100] =	vst v63  }
0xc7: {  	s18 =	sadd.s32 $0x20, s18  }
.Ltmp6:
0xc8: {  	(pc) =	sbr.rel .LBB2_8-.Ltmp6, $3  }
0xc9: {  	_ =	sdelay $0x1  }
0xca: {  	[tilespmem:s28], [sflag:$0x2] =	stream.linear.gather [hbm4b:s23+s3], $0x80, $0x38;
	[tilespmem:$0x1C100] =	vst v63  }
0xcb: {  	s17 =	rddreg [dreg:$0x3];
	s23 =	smov.u32 s10;
	s18 =	smov.u32 s4  }
.LBB2_9:
0xcc: {  	_ =	sfence.sel $0x180000  }
0xcd: {  	[bflag:$0x0] =	sbarrier.arrive $0xFFFF  }
0xce: {  	_ =	strace $0x90000053  }
0xcf: {  	s0 =	stileid.u32;
	[bflag:$0x2] =	sbarrier.arrive $0xFFFF  }
0xd0: {  	p0 =	sne.s32 s0, $0x0;
	s0 =	rddreg [dreg:$0x2]  }
0xd1: {  	s0 =	sadd.s32 @!p0 $0x100000, s0  }
0xd2: {  	[sflag:s0] =	ssyncadd.tile.s32 @!p0 $0x1;
	_ =	shalt  }
.Lfunc_end2:
_tile_overlayer_lowered:
.L_overlay_start_2:
0xd3: {  	(tag) =	ssettag $0x2  }
0xd4: {  	s0 =	rddreg [dreg:$0x0];
	s2 =	stileid.u32  }
0xd5: {  	s1 =	rddreg [dreg:$0x1];
	p0 =	sne.s32 s2, $0x0  }
0xd6: {  	s3 =	rddreg [dreg:$0x2];
	[bflag:$0x3] =	sbarrier.arrive $0xFFFF;
	s2 =	simm.s32 @!p0 $0x1C07  }
0xd7: {  	[timem:s3], [sflag:s2] =	dma.local @!p0 [hbm:s0], s1  }
0xd8: {  	s0 =	simm.s32 @!p0 $0x7  }
0xd9: {  	_ =	swait.ge @!p0 [sflag:s0], s1  }
0xda: {  	s1 =	ssub.s32 @!p0 $0x0, s1;
	[sflag:s0] =	ssyncset.done @!p0 $0x0  }
0xdb: {  	[sflag:s0] =	ssyncadd.s32 @!p0 s1  }
0xdc: {  	[bflag:$0x3] =	sbarrier.arrive $0xFFFF  }
0xdd: {  	_ =	shalt  }

</sc_bundles>
